<compile_context>
chip_gen: v7x
topology: tpu7x:2x2x1
jax: 0.10.2.dev20260603
libtpu: 0.0.44.dev20260713+nightly
codegen_flags: <defaults>
</compile_context>

<pallas_src>
import functools

import jax
import jax.numpy as jnp
import numpy as np
from jax import lax
from jax.experimental import pallas as pl
from jax.experimental.pallas import tpu as pltpu
from jax.experimental.pallas import tpu_sc as plsc

_D = 64
_SEQ = 200
_B = 1024
_CHUNK = 128
_NCH = _B // _CHUNK
_NC, _NS = 2, 16
_NW = _NC * _NS
_JPW = -(-_SEQ // _NW)
_STRIDE = _B + 8


def _pos_embed_padded():
    pos = jnp.arange(_SEQ, dtype=jnp.float32)[:, None]
    i = jnp.arange(0, _D, 2, dtype=jnp.float32)
    i = jnp.exp(-(i / _D) * np.log(10000.0))
    ang = pos * i[None, :]
    pe = jnp.zeros((_SEQ, _D), dtype=jnp.float32)
    pe = pe.at[:, 0::2].set(jnp.sin(ang))
    pe = pe.at[:, 1::2].set(jnp.cos(ang))
    pad = jnp.zeros((_D, 256), dtype=jnp.float32)
    return pad.at[:, :_SEQ].set(pe.T).reshape(-1)


def _sc_embed(xt, pe_t, W):
    mesh = plsc.VectorSubcoreMesh(core_axis_name="c", subcore_axis_name="s")

    @functools.partial(
        pl.kernel,
        out_type=jax.ShapeDtypeStruct((_SEQ, _D * _B), jnp.float32),
        mesh=mesh,
        compiler_params=pltpu.CompilerParams(
            use_tc_tiling_on_sc=False, needs_layout_passes=False),
        scratch_types=[
            pltpu.VMEM((_NCH, _CHUNK), jnp.int32),
            pltpu.VMEM((_D * 256,), jnp.float32),
            pltpu.VMEM((2, _CHUNK, _D), jnp.float32),
            pltpu.VMEM((_D * _STRIDE,), jnp.float32),
            pltpu.SemaphoreType.DMA,
            pltpu.SemaphoreType.DMA,
            pltpu.SemaphoreType.DMA,
        ],
    )
    def k(x_hbm, pe_hbm, w_hbm, out_hbm, idx_v, pe_v, gbuf, stage, g0, g1, ws):
        wid = lax.axis_index("s") * _NC + lax.axis_index("c")
        pltpu.sync_copy(pe_hbm, pe_v)

        gsem = (g0, g1)
        lane = lax.iota(jnp.int32, 16)
        lanes_out = [(lane + 16 * kk) * _STRIDE for kk in range(_D // 16)]
        lanes_pe = [(lane + 16 * kk) * 256 for kk in range(_D // 16)]

        def start_gather(c, s):
            pltpu.async_copy(w_hbm.at[idx_v.at[c]], gbuf.at[s], gsem[s])

        def wait_gather(s):
            pltpu.make_async_copy(
                w_hbm.at[pl.ds(0, _CHUNK)], gbuf.at[s], gsem[s]).wait()

        def wait_write():
            pltpu.make_async_copy(
                stage.at[pl.ds(0, _D * _B)], out_hbm.at[0], ws).wait()

        def do_j(t, j):
            pltpu.sync_copy(x_hbm.at[j], idx_v)
            jvec = jnp.full((16,), j, jnp.int32)
            pes = [
                plsc.load_gather(pe_v, [lanes_pe[kk] + jvec])
                for kk in range(_D // 16)
            ]
            start_gather(0, 0)

            @pl.when(t >= 1)
            def _w():
                wait_write()

            def chunk_body(c, s):
                @pl.when(c + 1 < _NCH)
                def _g():
                    start_gather(c + 1, 1 - s)

                wait_gather(s)

                @plsc.parallel_loop(0, _CHUNK, unroll=8)
                def _tok(r):
                    bvec = jnp.full((16,), c * _CHUNK + r, jnp.int32)
                    for kk in range(_D // 16):
                        v = gbuf[s, r, pl.ds(16 * kk, 16)] * 8.0 + pes[kk]
                        plsc.store_scatter(stage, [lanes_out[kk] + bvec], v)

            for cc in range(0, _NCH, 2):
                chunk_body(cc, 0)
                chunk_body(cc + 1, 1)

            for d in range(_D):
                pltpu.async_copy(
                    stage.at[pl.ds(d * _STRIDE, _B)],
                    out_hbm.at[j, pl.ds(d * _B, _B)], ws)

        def jloop(t, carry):
            j = wid + _NW * t

            @pl.when(j < _SEQ)
            def _():
                do_j(t, j)

            return carry

        lax.fori_loop(0, _JPW, jloop, 0)
        wait_write()

    return k(xt, pe_t, W)


def kernel(x, W):
    xt = jnp.transpose(x).astype(jnp.int32).reshape(_SEQ, _NCH, _CHUNK)
    pe_t = _pos_embed_padded()
    out = _sc_embed(xt, pe_t, W)
    return jnp.transpose(out.reshape(_SEQ, _D, _B), (2, 0, 1))

# --- scband reference (transcript-rebuilt; emitter-appended) ---
"""Pipeline reference for scband-sinusodial-positional-embedding-3384434230191 (READ-ONLY COPY).

The authoritative reference and input builder live on the scoring server;
editing this copy changes nothing except your own understanding.
"""

import jax, jax.numpy as jnp
import numpy as np

V = 1000000
D = 64
I = 2048
PAD_INDEX = 0

def _pos_embed(I, D):
    pos = jnp.arange(I, dtype=jnp.float32)[:, None]
    i = jnp.arange(0, D, 2, dtype=jnp.float32)
    i = jnp.exp(-(i / D) * np.log(10000.0))
    ang = pos * i[None, :]
    pe = jnp.zeros((I, D), dtype=jnp.float32)
    pe = pe.at[:, 0::2].set(jnp.sin(ang))
    pe = pe.at[:, 1::2].set(jnp.cos(ang))
    return pe

def setup_inputs(seed: int = 0) -> dict:
    key = jax.random.key(seed)
    k1, k2 = jax.random.split(key)
    x = jax.random.randint(k1, (1024, 200), 0, V, dtype=jnp.int64)
    W = jax.random.normal(k2, (V, D), dtype=jnp.float32)
    W = W.at[PAD_INDEX].set(0.0)  # padding_idx row zeroed like nn.Embedding
    return {"x": x, "W": W}

def reference(x, W):
    # word embedding lookup (gather)
    emb = jnp.take(W, x, axis=0)
    emb = emb * np.sqrt(float(D)).astype(np.float32)
    # sinusoidal positional embedding (J is None path: J = seq_len)
    J = x.shape[1]
    pe = _pos_embed(I, D)
    pos = pe[:J]  # [J, D]
    pos = jnp.broadcast_to(pos[None, :, :], (x.shape[0], J, D))
    out = emb + pos
    # dropout p=0.0 -> identity
    return out

if __name__ == "__main__":
    import jax
    _d = setup_inputs()
    print(jax.jit(kernel)(*tuple(_d.values())))

</pallas_src>

<mosaic_0001>
#map = affine_map<(d0, d1) -> (0, 0, 0)>
#map1 = affine_map<(d0, d1) -> (0)>
#map2 = affine_map<(d0, d1) -> (0, 0)>
module attributes {stable_mosaic.version = 14 : i64} {
  func.func @k(%arg0: i32, %arg1: i32, %arg2: memref<200x8x128xi32, #tpu.memory_space<hbm>>, %arg3: memref<16384xf32, #tpu.memory_space<hbm>>, %arg4: memref<1000000x64xf32, #tpu.memory_space<hbm>>, %arg5: memref<200x65536xf32, #tpu.memory_space<hbm>>, %arg6: memref<8x128xi32, #tpu.memory_space<vmem>>, %arg7: memref<16384xf32, #tpu.memory_space<vmem>>, %arg8: memref<2x128x64xf32, #tpu.memory_space<vmem>>, %arg9: memref<66048xf32, #tpu.memory_space<vmem>>, %arg10: memref<!tpu.dma_semaphore, #tpu.memory_space<semaphore_mem>>, %arg11: memref<!tpu.dma_semaphore, #tpu.memory_space<semaphore_mem>>, %arg12: memref<!tpu.dma_semaphore, #tpu.memory_space<semaphore_mem>>) attributes {dimension_semantics = [#tpu.dimension_semantics<core_parallel>, #tpu.dimension_semantics<subcore_parallel>], iteration_bounds = array<i64: 2, 16>, scalar_prefetch = 0 : i64, scratch_operands = 7 : i64, tpu.core_type = #tpu.core_type<sc_vector_subcore>, window_params = [{transform_indices = #map}, {transform_indices = #map1}, {transform_indices = #map2}, {transform_indices = #map2}]} {
    %mul3A = arith.constant 2 : i32
    %mul3A_0 = arith.muli %arg1, %mul3A : i32
    %add3A = arith.addi %mul3A_0, %arg0 : i32
    "tpu.region"() ({
      %run_scoped3A = tpu.sem_alloc : memref<!tpu.dma_semaphore, #tpu.memory_space<semaphore_mem>>
      tpu.enqueue_dma source(%arg3 : memref<16384xf32, #tpu.memory_space<hbm>>) target(%arg7 : memref<16384xf32, #tpu.memory_space<vmem>>) target_semaphore(%run_scoped3A : memref<!tpu.dma_semaphore, #tpu.memory_space<semaphore_mem>>)
      tpu.wait_dma2 semaphore(%run_scoped3A : memref<!tpu.dma_semaphore, #tpu.memory_space<semaphore_mem>>) src(%arg3 : memref<16384xf32, #tpu.memory_space<hbm>>) dst(%arg7 : memref<16384xf32, #tpu.memory_space<vmem>>)
      tpu.yield
    }) : () -> ()
    %iota3A = tpu.iota {dimensions = array<i32: 0>} : vector<16xi32>
    %add3A_1 = arith.constant 0 : i32
    %add3A_2 = vector.broadcast %add3A_1 : i32 to vector<16xi32>
    %add3A_3 = arith.addi %iota3A, %add3A_2 : vector<16xi32>
    %mul3A_4 = arith.constant 1032 : i32
    %mul3A_5 = vector.broadcast %mul3A_4 : i32 to vector<16xi32>
    %mul3A_6 = arith.muli %add3A_3, %mul3A_5 : vector<16xi32>
    %add3A_7 = arith.constant 16 : i32
    %add3A_8 = vector.broadcast %add3A_7 : i32 to vector<16xi32>
    %add3A_9 = arith.addi %iota3A, %add3A_8 : vector<16xi32>
    %mul3A_10 = arith.constant 1032 : i32
    %mul3A_11 = vector.broadcast %mul3A_10 : i32 to vector<16xi32>
    %mul3A_12 = arith.muli %add3A_9, %mul3A_11 : vector<16xi32>
    %add3A_13 = arith.constant 32 : i32
    %add3A_14 = vector.broadcast %add3A_13 : i32 to vector<16xi32>
    %add3A_15 = arith.addi %iota3A, %add3A_14 : vector<16xi32>
    %mul3A_16 = arith.constant 1032 : i32
    %mul3A_17 = vector.broadcast %mul3A_16 : i32 to vector<16xi32>
    %mul3A_18 = arith.muli %add3A_15, %mul3A_17 : vector<16xi32>
    %add3A_19 = arith.constant 48 : i32
    %add3A_20 = vector.broadcast %add3A_19 : i32 to vector<16xi32>
    %add3A_21 = arith.addi %iota3A, %add3A_20 : vector<16xi32>
    %mul3A_22 = arith.constant 1032 : i32
    %mul3A_23 = vector.broadcast %mul3A_22 : i32 to vector<16xi32>
    %mul3A_24 = arith.muli %add3A_21, %mul3A_23 : vector<16xi32>
    %add3A_25 = arith.constant 0 : i32
    %add3A_26 = vector.broadcast %add3A_25 : i32 to vector<16xi32>
    %add3A_27 = arith.addi %iota3A, %add3A_26 : vector<16xi32>
    %mul3A_28 = arith.constant 256 : i32
    %mul3A_29 = vector.broadcast %mul3A_28 : i32 to vector<16xi32>
    %mul3A_30 = arith.muli %add3A_27, %mul3A_29 : vector<16xi32>
    %add3A_31 = arith.constant 16 : i32
    %add3A_32 = vector.broadcast %add3A_31 : i32 to vector<16xi32>
    %add3A_33 = arith.addi %iota3A, %add3A_32 : vector<16xi32>
    %mul3A_34 = arith.constant 256 : i32
    %mul3A_35 = vector.broadcast %mul3A_34 : i32 to vector<16xi32>
    %mul3A_36 = arith.muli %add3A_33, %mul3A_35 : vector<16xi32>
    %add3A_37 = arith.constant 32 : i32
    %add3A_38 = vector.broadcast %add3A_37 : i32 to vector<16xi32>
    %add3A_39 = arith.addi %iota3A, %add3A_38 : vector<16xi32>
    %mul3A_40 = arith.constant 256 : i32
    %mul3A_41 = vector.broadcast %mul3A_40 : i32 to vector<16xi32>
    %mul3A_42 = arith.muli %add3A_39, %mul3A_41 : vector<16xi32>
    %add3A_43 = arith.constant 48 : i32
    %add3A_44 = vector.broadcast %add3A_43 : i32 to vector<16xi32>
    %add3A_45 = arith.addi %iota3A, %add3A_44 : vector<16xi32>
    %mul3A_46 = arith.constant 256 : i32
    %mul3A_47 = vector.broadcast %mul3A_46 : i32 to vector<16xi32>
    %mul3A_48 = arith.muli %add3A_45, %mul3A_47 : vector<16xi32>
    %scan3A = arith.constant 0 : i32
    %scan3A_49 = arith.constant 0 : i32
    %scan3A_50 = arith.constant 7 : i32
    %scan3A_51 = arith.addi %scan3A_49, %scan3A_50 : i32
    %scan3A_52 = arith.constant 1 : i32
    scf.for %scan3A_64 = %scan3A_49 to %scan3A_51 step %scan3A_52  : i32 {
      %mul3A_65 = arith.constant 32 : i32
      %mul3A_66 = arith.muli %mul3A_65, %scan3A_64 : i32
      %add3A_67 = arith.addi %add3A, %mul3A_66 : i32
      %lt3A = arith.constant 200 : i32
      %lt3A_68 = arith.cmpi slt, %add3A_67, %lt3A : i32
      %convert_element_type3A = arith.extui %lt3A_68 : i1 to i32
      %cond3A = arith.constant 0 : i32
      %cond3A_69 = arith.cmpi ne, %convert_element_type3A, %cond3A : i32
      scf.if %cond3A_69 {
        "tpu.region"() ({
          %run_scoped3A = tpu.sem_alloc : memref<!tpu.dma_semaphore, #tpu.memory_space<semaphore_mem>>
          %dma_start3A_959 = arith.constant 0 : i32
          %dma_start3A_960 = arith.constant 0 : i32
          %dma_start3A_961 = tpu.memref_slice %arg2[%add3A_67, %dma_start3A_959, %dma_start3A_960] : memref<200x8x128xi32, #tpu.memory_space<hbm>> -> memref<1x8x128xi32, #tpu.memory_space<hbm>>
          %dma_start3A_962 = tpu.memref_squeeze %dma_start3A_961 : memref<1x8x128xi32, #tpu.memory_space<hbm>> -> memref<8x128xi32, #tpu.memory_space<hbm>>
          %dma_start3A_963 = arith.constant 0 : i32
          %dma_start3A_964 = arith.constant 0 : i32
          %dma_start3A_965 = tpu.memref_slice %arg2[%add3A_67, %dma_start3A_963, %dma_start3A_964] : memref<200x8x128xi32, #tpu.memory_space<hbm>> -> memref<1x8x128xi32, #tpu.memory_space<hbm>>
          %dma_start3A_966 = tpu.memref_squeeze %dma_start3A_965 : memref<1x8x128xi32, #tpu.memory_space<hbm>> -> memref<8x128xi32, #tpu.memory_space<hbm>>
          tpu.enqueue_dma source(%dma_start3A_966 : memref<8x128xi32, #tpu.memory_space<hbm>>) target(%arg6 : memref<8x128xi32, #tpu.memory_space<vmem>>) target_semaphore(%run_scoped3A : memref<!tpu.dma_semaphore, #tpu.memory_space<semaphore_mem>>)
          %dma_wait3A_967 = arith.constant 0 : i32
          %dma_wait3A_968 = arith.constant 0 : i32
          %dma_wait3A_969 = tpu.memref_slice %arg2[%add3A_67, %dma_wait3A_967, %dma_wait3A_968] : memref<200x8x128xi32, #tpu.memory_space<hbm>> -> memref<1x8x128xi32, #tpu.memory_space<hbm>>
          %dma_wait3A_970 = tpu.memref_squeeze %dma_wait3A_969 : memref<1x8x128xi32, #tpu.memory_space<hbm>> -> memref<8x128xi32, #tpu.memory_space<hbm>>
          %dma_wait3A_971 = arith.constant 0 : i32
          %dma_wait3A_972 = arith.constant 0 : i32
          %dma_wait3A_973 = tpu.memref_slice %arg2[%add3A_67, %dma_wait3A_971, %dma_wait3A_972] : memref<200x8x128xi32, #tpu.memory_space<hbm>> -> memref<1x8x128xi32, #tpu.memory_space<hbm>>
          %dma_wait3A_974 = tpu.memref_squeeze %dma_wait3A_973 : memref<1x8x128xi32, #tpu.memory_space<hbm>> -> memref<8x128xi32, #tpu.memory_space<hbm>>
          tpu.wait_dma2 semaphore(%run_scoped3A : memref<!tpu.dma_semaphore, #tpu.memory_space<semaphore_mem>>) src(%dma_wait3A_974 : memref<8x128xi32, #tpu.memory_space<hbm>>) dst(%arg6 : memref<8x128xi32, #tpu.memory_space<vmem>>)
          tpu.yield
        }) : () -> ()
        %broadcast_in_dim3A = vector.broadcast %add3A_67 : i32 to vector<16xi32>
        %add3A_70 = arith.addi %mul3A_30, %broadcast_in_dim3A : vector<16xi32>
        %gather3A = tpu.vector_load_idx %arg7[%add3A_70] : memref<16384xf32, #tpu.memory_space<vmem>>[vector<16xi32>], vector<16xf32>,
        %add3A_71 = arith.addi %mul3A_36, %broadcast_in_dim3A : vector<16xi32>
        %gather3A_72 = tpu.vector_load_idx %arg7[%add3A_71] : memref<16384xf32, #tpu.memory_space<vmem>>[vector<16xi32>], vector<16xf32>,
        %add3A_73 = arith.addi %mul3A_42, %broadcast_in_dim3A : vector<16xi32>
        %gather3A_74 = tpu.vector_load_idx %arg7[%add3A_73] : memref<16384xf32, #tpu.memory_space<vmem>>[vector<16xi32>], vector<16xf32>,
        %add3A_75 = arith.addi %mul3A_48, %broadcast_in_dim3A : vector<16xi32>
        %gather3A_76 = tpu.vector_load_idx %arg7[%add3A_75] : memref<16384xf32, #tpu.memory_space<vmem>>[vector<16xi32>], vector<16xf32>,
        %dma_start3A = arith.constant 0 : i32
        %dma_start3A_77 = arith.constant 0 : i32
        %dma_start3A_78 = arith.constant 0 : i32
        %dma_start3A_79 = arith.constant 0 : i32
        %dma_start3A_80 = tpu.memref_slice %arg8[%dma_start3A_77, %dma_start3A_78, %dma_start3A_79] : memref<2x128x64xf32, #tpu.memory_space<vmem>> -> memref<1x128x64xf32, #tpu.memory_space<vmem>>
        %dma_start3A_81 = tpu.memref_squeeze %dma_start3A_80 : memref<1x128x64xf32, #tpu.memory_space<vmem>> -> memref<128x64xf32, #tpu.memory_space<vmem>>
        %dma_start3A_82 = arith.constant 0 : i32
        %dma_start3A_83 = tpu.memref_slice %arg6[%dma_start3A, %dma_start3A_82] : memref<8x128xi32, #tpu.memory_space<vmem>> -> memref<1x128xi32, #tpu.memory_space<vmem>>
        %dma_start3A_84 = tpu.memref_squeeze %dma_start3A_83 : memref<1x128xi32, #tpu.memory_space<vmem>> -> memref<128xi32, #tpu.memory_space<vmem>>
        %dma_start3A_85 = arith.constant 0 : i32
        %dma_start3A_86 = arith.constant 0 : i32
        %dma_start3A_87 = tpu.memref_slice %arg4[%dma_start3A_85, %dma_start3A_86] : memref<1000000x64xf32, #tpu.memory_space<hbm>> -> memref<1000000x64xf32, #tpu.memory_space<hbm>>
        tpu.enqueue_indirect_dma source(%dma_start3A_87 : memref<1000000x64xf32, #tpu.memory_space<hbm>>) target(%dma_start3A_81 : memref<128x64xf32, #tpu.memory_space<vmem>>) offsets(%dma_start3A_84 : memref<128xi32, #tpu.memory_space<vmem>>) semaphore(%arg10 : memref<!tpu.dma_semaphore, #tpu.memory_space<semaphore_mem>>)
        %ge3A = arith.constant 1 : i32
        %ge3A_88 = arith.cmpi sge, %scan3A_64, %ge3A : i32
        %convert_element_type3A_89 = arith.extui %ge3A_88 : i1 to i32
        %cond3A_90 = arith.constant 0 : i32
        %cond3A_91 = arith.cmpi ne, %convert_element_type3A_89, %cond3A_90 : i32
        scf.if %cond3A_91 {
          %dma_wait3A_959 = arith.constant 0 : i32
          %dma_wait3A_960 = arith.constant 0 : i32
          %dma_wait3A_961 = tpu.memref_slice %arg9[%dma_wait3A_960] : memref<66048xf32, #tpu.memory_space<vmem>> -> memref<65536xf32, #tpu.memory_space<vmem>>
          %dma_wait3A_962 = arith.constant 0 : i32
          %dma_wait3A_963 = tpu.memref_slice %arg5[%dma_wait3A_959, %dma_wait3A_962] : memref<200x65536xf32, #tpu.memory_space<hbm>> -> memref<1x65536xf32, #tpu.memory_space<hbm>>
          %dma_wait3A_964 = tpu.memref_squeeze %dma_wait3A_963 : memref<1x65536xf32, #tpu.memory_space<hbm>> -> memref<65536xf32, #tpu.memory_space<hbm>>
          %dma_wait3A_965 = arith.constant 0 : i32
          %dma_wait3A_966 = tpu.memref_slice %arg5[%dma_wait3A_959, %dma_wait3A_965] : memref<200x65536xf32, #tpu.memory_space<hbm>> -> memref<1x65536xf32, #tpu.memory_space<hbm>>
          %dma_wait3A_967 = tpu.memref_squeeze %dma_wait3A_966 : memref<1x65536xf32, #tpu.memory_space<hbm>> -> memref<65536xf32, #tpu.memory_space<hbm>>
          %dma_wait3A_968 = arith.constant 0 : i32
          %dma_wait3A_969 = tpu.memref_slice %arg9[%dma_wait3A_968] : memref<66048xf32, #tpu.memory_space<vmem>> -> memref<65536xf32, #tpu.memory_space<vmem>>
          tpu.wait_dma2 semaphore(%arg12 : memref<!tpu.dma_semaphore, #tpu.memory_space<semaphore_mem>>) src(%dma_wait3A_969 : memref<65536xf32, #tpu.memory_space<vmem>>) dst(%dma_wait3A_967 : memref<65536xf32, #tpu.memory_space<hbm>>)
        } else {
        }
        %dma_start3A_92 = arith.constant 1 : i32
        %dma_start3A_93 = arith.constant 1 : i32
        %dma_start3A_94 = arith.constant 0 : i32
        %dma_start3A_95 = arith.constant 0 : i32
        %dma_start3A_96 = tpu.memref_slice %arg8[%dma_start3A_93, %dma_start3A_94, %dma_start3A_95] : memref<2x128x64xf32, #tpu.memory_space<vmem>> -> memref<1x128x64xf32, #tpu.memory_space<vmem>>
        %dma_start3A_97 = tpu.memref_squeeze %dma_start3A_96 : memref<1x128x64xf32, #tpu.memory_space<vmem>> -> memref<128x64xf32, #tpu.memory_space<vmem>>
        %dma_start3A_98 = arith.constant 0 : i32
        %dma_start3A_99 = tpu.memref_slice %arg6[%dma_start3A_92, %dma_start3A_98] : memref<8x128xi32, #tpu.memory_space<vmem>> -> memref<1x128xi32, #tpu.memory_space<vmem>>
        %dma_start3A_100 = tpu.memref_squeeze %dma_start3A_99 : memref<1x128xi32, #tpu.memory_space<vmem>> -> memref<128xi32, #tpu.memory_space<vmem>>
        %dma_start3A_101 = arith.constant 0 : i32
        %dma_start3A_102 = arith.constant 0 : i32
        %dma_start3A_103 = tpu.memref_slice %arg4[%dma_start3A_101, %dma_start3A_102] : memref<1000000x64xf32, #tpu.memory_space<hbm>> -> memref<1000000x64xf32, #tpu.memory_space<hbm>>
        tpu.enqueue_indirect_dma source(%dma_start3A_103 : memref<1000000x64xf32, #tpu.memory_space<hbm>>) target(%dma_start3A_97 : memref<128x64xf32, #tpu.memory_space<vmem>>) offsets(%dma_start3A_100 : memref<128xi32, #tpu.memory_space<vmem>>) semaphore(%arg11 : memref<!tpu.dma_semaphore, #tpu.memory_space<semaphore_mem>>)
        %dma_wait3A_104 = arith.constant 0 : i32
        %dma_wait3A_105 = arith.constant 0 : i32
        %dma_wait3A_106 = arith.constant 0 : i32
        %dma_wait3A_107 = tpu.memref_slice %arg8[%dma_wait3A_104, %dma_wait3A_105, %dma_wait3A_106] : memref<2x128x64xf32, #tpu.memory_space<vmem>> -> memref<1x128x64xf32, #tpu.memory_space<vmem>>
        %dma_wait3A_108 = tpu.memref_squeeze %dma_wait3A_107 : memref<1x128x64xf32, #tpu.memory_space<vmem>> -> memref<128x64xf32, #tpu.memory_space<vmem>>
        %dma_wait3A_109 = arith.constant 0 : i32
        %dma_wait3A_110 = arith.constant 0 : i32
        %dma_wait3A_111 = tpu.memref_slice %arg4[%dma_wait3A_109, %dma_wait3A_110] : memref<1000000x64xf32, #tpu.memory_space<hbm>> -> memref<128x64xf32, #tpu.memory_space<hbm>>
        %dma_wait3A_112 = arith.constant 0 : i32
        %dma_wait3A_113 = arith.constant 0 : i32
        %dma_wait3A_114 = tpu.memref_slice %arg8[%dma_wait3A_104, %dma_wait3A_112, %dma_wait3A_113] : memref<2x128x64xf32, #tpu.memory_space<vmem>> -> memref<1x128x64xf32, #tpu.memory_space<vmem>>
        %dma_wait3A_115 = tpu.memref_squeeze %dma_wait3A_114 : memref<1x128x64xf32, #tpu.memory_space<vmem>> -> memref<128x64xf32, #tpu.memory_space<vmem>>
        %dma_wait3A_116 = arith.constant 0 : i32
        %dma_wait3A_117 = arith.constant 0 : i32
        %dma_wait3A_118 = tpu.memref_slice %arg4[%dma_wait3A_116, %dma_wait3A_117] : memref<1000000x64xf32, #tpu.memory_space<hbm>> -> memref<128x64xf32, #tpu.memory_space<hbm>>
        tpu.wait_dma2 semaphore(%arg10 : memref<!tpu.dma_semaphore, #tpu.memory_space<semaphore_mem>>) src(%dma_wait3A_118 : memref<128x64xf32, #tpu.memory_space<hbm>>) dst(%dma_wait3A_115 : memref<128x64xf32, #tpu.memory_space<vmem>>)
        %parallel_loop3A = arith.constant 0 : i32
        %parallel_loop3A_119 = arith.constant 128 : i32
        %parallel_loop3A_120 = arith.constant 1 : i32
        scf.for %parallel_loop3A_959 = %parallel_loop3A to %parallel_loop3A_119 step %parallel_loop3A_120  : i32 {
          %parallel_loop3A_960 = arith.constant 0 : i32
          %parallel_loop3A_961 = arith.addi %parallel_loop3A_960, %parallel_loop3A_959 : i32
          %parallel_loop3A_962 = vector.broadcast %parallel_loop3A_961 : i32 to vector<16xi32>
          %parallel_loop3A_963 = arith.constant 0 : i32
          %parallel_loop3A_964 = arith.index_cast %parallel_loop3A_963 : i32 to index
          %parallel_loop3A_965 = arith.index_cast %parallel_loop3A_959 : i32 to index
          %parallel_loop3A_966 = arith.constant 0 : index
          %parallel_loop3A_967 = tpu.vector_load %arg8[%parallel_loop3A_964, %parallel_loop3A_965, %parallel_loop3A_966] {strides = array<i32>} : memref<2x128x64xf32, #tpu.memory_space<vmem>>, vector<16xf32>,
          %parallel_loop3A_968 = arith.constant 8.000000e+00 : f32
          %parallel_loop3A_969 = vector.broadcast %parallel_loop3A_968 : f32 to vector<16xf32>
          %parallel_loop3A_970 = arith.mulf %parallel_loop3A_967, %parallel_loop3A_969 : vector<16xf32>
          %parallel_loop3A_971 = arith.addf %parallel_loop3A_970, %gather3A : vector<16xf32>
          %parallel_loop3A_972 = arith.addi %mul3A_6, %parallel_loop3A_962 : vector<16xi32>
          tpu.vector_store_idx %arg9[%parallel_loop3A_972], %parallel_loop3A_971 : memref<66048xf32, #tpu.memory_space<vmem>>[vector<16xi32>], vector<16xf32>,
          %parallel_loop3A_973 = arith.constant 0 : i32
          %parallel_loop3A_974 = arith.index_cast %parallel_loop3A_973 : i32 to index
          %parallel_loop3A_975 = arith.index_cast %parallel_loop3A_959 : i32 to index
          %parallel_loop3A_976 = arith.constant 16 : index
          %parallel_loop3A_977 = tpu.vector_load %arg8[%parallel_loop3A_974, %parallel_loop3A_975, %parallel_loop3A_976] {strides = array<i32>} : memref<2x128x64xf32, #tpu.memory_space<vmem>>, vector<16xf32>,
          %parallel_loop3A_978 = arith.constant 8.000000e+00 : f32
          %parallel_loop3A_979 = vector.broadcast %parallel_loop3A_978 : f32 to vector<16xf32>
          %parallel_loop3A_980 = arith.mulf %parallel_loop3A_977, %parallel_loop3A_979 : vector<16xf32>
          %parallel_loop3A_981 = arith.addf %parallel_loop3A_980, %gather3A_72 : vector<16xf32>
          %parallel_loop3A_982 = arith.addi %mul3A_12, %parallel_loop3A_962 : vector<16xi32>
          tpu.vector_store_idx %arg9[%parallel_loop3A_982], %parallel_loop3A_981 : memref<66048xf32, #tpu.memory_space<vmem>>[vector<16xi32>], vector<16xf32>,
          %parallel_loop3A_983 = arith.constant 0 : i32
          %parallel_loop3A_984 = arith.index_cast %parallel_loop3A_983 : i32 to index
          %parallel_loop3A_985 = arith.index_cast %parallel_loop3A_959 : i32 to index
          %parallel_loop3A_986 = arith.constant 32 : index
          %parallel_loop3A_987 = tpu.vector_load %arg8[%parallel_loop3A_984, %parallel_loop3A_985, %parallel_loop3A_986] {strides = array<i32>} : memref<2x128x64xf32, #tpu.memory_space<vmem>>, vector<16xf32>,
          %parallel_loop3A_988 = arith.constant 8.000000e+00 : f32
          %parallel_loop3A_989 = vector.broadcast %parallel_loop3A_988 : f32 to vector<16xf32>
          %parallel_loop3A_990 = arith.mulf %parallel_loop3A_987, %parallel_loop3A_989 : vector<16xf32>
          %parallel_loop3A_991 = arith.addf %parallel_loop3A_990, %gather3A_74 : vector<16xf32>
          %parallel_loop3A_992 = arith.addi %mul3A_18, %parallel_loop3A_962 : vector<16xi32>
          tpu.vector_store_idx %arg9[%parallel_loop3A_992], %parallel_loop3A_991 : memref<66048xf32, #tpu.memory_space<vmem>>[vector<16xi32>], vector<16xf32>,
          %parallel_loop3A_993 = arith.constant 0 : i32
          %parallel_loop3A_994 = arith.index_cast %parallel_loop3A_993 : i32 to index
          %parallel_loop3A_995 = arith.index_cast %parallel_loop3A_959 : i32 to index
          %parallel_loop3A_996 = arith.constant 48 : index
          %parallel_loop3A_997 = tpu.vector_load %arg8[%parallel_loop3A_994, %parallel_loop3A_995, %parallel_loop3A_996] {strides = array<i32>} : memref<2x128x64xf32, #tpu.memory_space<vmem>>, vector<16xf32>,
          %parallel_loop3A_998 = arith.constant 8.000000e+00 : f32
          %parallel_loop3A_999 = vector.broadcast %parallel_loop3A_998 : f32 to vector<16xf32>
          %parallel_loop3A_1000 = arith.mulf %parallel_loop3A_997, %parallel_loop3A_999 : vector<16xf32>
          %parallel_loop3A_1001 = arith.addf %parallel_loop3A_1000, %gather3A_76 : vector<16xf32>
          %parallel_loop3A_1002 = arith.addi %mul3A_24, %parallel_loop3A_962 : vector<16xi32>
          tpu.vector_store_idx %arg9[%parallel_loop3A_1002], %parallel_loop3A_1001 : memref<66048xf32, #tpu.memory_space<vmem>>[vector<16xi32>], vector<16xf32>,
        } {sc.loop_unroll_factor = 8 : i64, sc.parallel_access}
        %dma_start3A_121 = arith.constant 2 : i32
        %dma_start3A_122 = arith.constant 0 : i32
        %dma_start3A_123 = arith.constant 0 : i32
        %dma_start3A_124 = arith.constant 0 : i32
        %dma_start3A_125 = tpu.memref_slice %arg8[%dma_start3A_122, %dma_start3A_123, %dma_start3A_124] : memref<2x128x64xf32, #tpu.memory_space<vmem>> -> memref<1x128x64xf32, #tpu.memory_space<vmem>>
        %dma_start3A_126 = tpu.memref_squeeze %dma_start3A_125 : memref<1x128x64xf32, #tpu.memory_space<vmem>> -> memref<128x64xf32, #tpu.memory_space<vmem>>
        %dma_start3A_127 = arith.constant 0 : i32
        %dma_start3A_128 = tpu.memref_slice %arg6[%dma_start3A_121, %dma_start3A_127] : memref<8x128xi32, #tpu.memory_space<vmem>> -> memref<1x128xi32, #tpu.memory_space<vmem>>
        %dma_start3A_129 = tpu.memref_squeeze %dma_start3A_128 : memref<1x128xi32, #tpu.memory_space<vmem>> -> memref<128xi32, #tpu.memory_space<vmem>>
        %dma_start3A_130 = arith.constant 0 : i32
        %dma_start3A_131 = arith.constant 0 : i32
        %dma_start3A_132 = tpu.memref_slice %arg4[%dma_start3A_130, %dma_start3A_131] : memref<1000000x64xf32, #tpu.memory_space<hbm>> -> memref<1000000x64xf32, #tpu.memory_space<hbm>>
        tpu.enqueue_indirect_dma source(%dma_start3A_132 : memref<1000000x64xf32, #tpu.memory_space<hbm>>) target(%dma_start3A_126 : memref<128x64xf32, #tpu.memory_space<vmem>>) offsets(%dma_start3A_129 : memref<128xi32, #tpu.memory_space<vmem>>) semaphore(%arg10 : memref<!tpu.dma_semaphore, #tpu.memory_space<semaphore_mem>>)
        %dma_wait3A_133 = arith.constant 1 : i32
        %dma_wait3A_134 = arith.constant 0 : i32
        %dma_wait3A_135 = arith.constant 0 : i32
        %dma_wait3A_136 = tpu.memref_slice %arg8[%dma_wait3A_133, %dma_wait3A_134, %dma_wait3A_135] : memref<2x128x64xf32, #tpu.memory_space<vmem>> -> memref<1x128x64xf32, #tpu.memory_space<vmem>>
        %dma_wait3A_137 = tpu.memref_squeeze %dma_wait3A_136 : memref<1x128x64xf32, #tpu.memory_space<vmem>> -> memref<128x64xf32, #tpu.memory_space<vmem>>
        %dma_wait3A_138 = arith.constant 0 : i32
        %dma_wait3A_139 = arith.constant 0 : i32
        %dma_wait3A_140 = tpu.memref_slice %arg4[%dma_wait3A_138, %dma_wait3A_139] : memref<1000000x64xf32, #tpu.memory_space<hbm>> -> memref<128x64xf32, #tpu.memory_space<hbm>>
        %dma_wait3A_141 = arith.constant 0 : i32
        %dma_wait3A_142 = arith.constant 0 : i32
        %dma_wait3A_143 = tpu.memref_slice %arg8[%dma_wait3A_133, %dma_wait3A_141, %dma_wait3A_142] : memref<2x128x64xf32, #tpu.memory_space<vmem>> -> memref<1x128x64xf32, #tpu.memory_space<vmem>>
        %dma_wait3A_144 = tpu.memref_squeeze %dma_wait3A_143 : memref<1x128x64xf32, #tpu.memory_space<vmem>> -> memref<128x64xf32, #tpu.memory_space<vmem>>
        %dma_wait3A_145 = arith.constant 0 : i32
        %dma_wait3A_146 = arith.constant 0 : i32
        %dma_wait3A_147 = tpu.memref_slice %arg4[%dma_wait3A_145, %dma_wait3A_146] : memref<1000000x64xf32, #tpu.memory_space<hbm>> -> memref<128x64xf32, #tpu.memory_space<hbm>>
        tpu.wait_dma2 semaphore(%arg11 : memref<!tpu.dma_semaphore, #tpu.memory_space<semaphore_mem>>) src(%dma_wait3A_147 : memref<128x64xf32, #tpu.memory_space<hbm>>) dst(%dma_wait3A_144 : memref<128x64xf32, #tpu.memory_space<vmem>>)
        %parallel_loop3A_148 = arith.constant 0 : i32
        %parallel_loop3A_149 = arith.constant 128 : i32
        %parallel_loop3A_150 = arith.constant 1 : i32
        scf.for %parallel_loop3A_959 = %parallel_loop3A_148 to %parallel_loop3A_149 step %parallel_loop3A_150  : i32 {
          %parallel_loop3A_960 = arith.constant 128 : i32
          %parallel_loop3A_961 = arith.addi %parallel_loop3A_960, %parallel_loop3A_959 : i32
          %parallel_loop3A_962 = vector.broadcast %parallel_loop3A_961 : i32 to vector<16xi32>
          %parallel_loop3A_963 = arith.constant 1 : i32
          %parallel_loop3A_964 = arith.index_cast %parallel_loop3A_963 : i32 to index
          %parallel_loop3A_965 = arith.index_cast %parallel_loop3A_959 : i32 to index
          %parallel_loop3A_966 = arith.constant 0 : index
          %parallel_loop3A_967 = tpu.vector_load %arg8[%parallel_loop3A_964, %parallel_loop3A_965, %parallel_loop3A_966] {strides = array<i32>} : memref<2x128x64xf32, #tpu.memory_space<vmem>>, vector<16xf32>,
          %parallel_loop3A_968 = arith.constant 8.000000e+00 : f32
          %parallel_loop3A_969 = vector.broadcast %parallel_loop3A_968 : f32 to vector<16xf32>
          %parallel_loop3A_970 = arith.mulf %parallel_loop3A_967, %parallel_loop3A_969 : vector<16xf32>
          %parallel_loop3A_971 = arith.addf %parallel_loop3A_970, %gather3A : vector<16xf32>
          %parallel_loop3A_972 = arith.addi %mul3A_6, %parallel_loop3A_962 : vector<16xi32>
          tpu.vector_store_idx %arg9[%parallel_loop3A_972], %parallel_loop3A_971 : memref<66048xf32, #tpu.memory_space<vmem>>[vector<16xi32>], vector<16xf32>,
          %parallel_loop3A_973 = arith.constant 1 : i32
          %parallel_loop3A_974 = arith.index_cast %parallel_loop3A_973 : i32 to index
          %parallel_loop3A_975 = arith.index_cast %parallel_loop3A_959 : i32 to index
          %parallel_loop3A_976 = arith.constant 16 : index
          %parallel_loop3A_977 = tpu.vector_load %arg8[%parallel_loop3A_974, %parallel_loop3A_975, %parallel_loop3A_976] {strides = array<i32>} : memref<2x128x64xf32, #tpu.memory_space<vmem>>, vector<16xf32>,
          %parallel_loop3A_978 = arith.constant 8.000000e+00 : f32
          %parallel_loop3A_979 = vector.broadcast %parallel_loop3A_978 : f32 to vector<16xf32>
          %parallel_loop3A_980 = arith.mulf %parallel_loop3A_977, %parallel_loop3A_979 : vector<16xf32>
          %parallel_loop3A_981 = arith.addf %parallel_loop3A_980, %gather3A_72 : vector<16xf32>
          %parallel_loop3A_982 = arith.addi %mul3A_12, %parallel_loop3A_962 : vector<16xi32>
          tpu.vector_store_idx %arg9[%parallel_loop3A_982], %parallel_loop3A_981 : memref<66048xf32, #tpu.memory_space<vmem>>[vector<16xi32>], vector<16xf32>,
          %parallel_loop3A_983 = arith.constant 1 : i32
          %parallel_loop3A_984 = arith.index_cast %parallel_loop3A_983 : i32 to index
          %parallel_loop3A_985 = arith.index_cast %parallel_loop3A_959 : i32 to index
          %parallel_loop3A_986 = arith.constant 32 : index
          %parallel_loop3A_987 = tpu.vector_load %arg8[%parallel_loop3A_984, %parallel_loop3A_985, %parallel_loop3A_986] {strides = array<i32>} : memref<2x128x64xf32, #tpu.memory_space<vmem>>, vector<16xf32>,
          %parallel_loop3A_988 = arith.constant 8.000000e+00 : f32
          %parallel_loop3A_989 = vector.broadcast %parallel_loop3A_988 : f32 to vector<16xf32>
          %parallel_loop3A_990 = arith.mulf %parallel_loop3A_987, %parallel_loop3A_989 : vector<16xf32>
          %parallel_loop3A_991 = arith.addf %parallel_loop3A_990, %gather3A_74 : vector<16xf32>
          %parallel_loop3A_992 = arith.addi %mul3A_18, %parallel_loop3A_962 : vector<16xi32>
          tpu.vector_store_idx %arg9[%parallel_loop3A_992], %parallel_loop3A_991 : memref<66048xf32, #tpu.memory_space<vmem>>[vector<16xi32>], vector<16xf32>,
          %parallel_loop3A_993 = arith.constant 1 : i32
          %parallel_loop3A_994 = arith.index_cast %parallel_loop3A_993 : i32 to index
          %parallel_loop3A_995 = arith.index_cast %parallel_loop3A_959 : i32 to index
          %parallel_loop3A_996 = arith.constant 48 : index
          %parallel_loop3A_997 = tpu.vector_load %arg8[%parallel_loop3A_994, %parallel_loop3A_995, %parallel_loop3A_996] {strides = array<i32>} : memref<2x128x64xf32, #tpu.memory_space<vmem>>, vector<16xf32>,
          %parallel_loop3A_998 = arith.constant 8.000000e+00 : f32
          %parallel_loop3A_999 = vector.broadcast %parallel_loop3A_998 : f32 to vector<16xf32>
          %parallel_loop3A_1000 = arith.mulf %parallel_loop3A_997, %parallel_loop3A_999 : vector<16xf32>
          %parallel_loop3A_1001 = arith.addf %parallel_loop3A_1000, %gather3A_76 : vector<16xf32>
          %parallel_loop3A_1002 = arith.addi %mul3A_24, %parallel_loop3A_962 : vector<16xi32>
          tpu.vector_store_idx %arg9[%parallel_loop3A_1002], %parallel_loop3A_1001 : memref<66048xf32, #tpu.memory_space<vmem>>[vector<16xi32>], vector<16xf32>,
        } {sc.loop_unroll_factor = 8 : i64, sc.parallel_access}
        %dma_start3A_151 = arith.constant 3 : i32
        %dma_start3A_152 = arith.constant 1 : i32
        %dma_start3A_153 = arith.constant 0 : i32
        %dma_start3A_154 = arith.constant 0 : i32
        %dma_start3A_155 = tpu.memref_slice %arg8[%dma_start3A_152, %dma_start3A_153, %dma_start3A_154] : memref<2x128x64xf32, #tpu.memory_space<vmem>> -> memref<1x128x64xf32, #tpu.memory_space<vmem>>
        %dma_start3A_156 = tpu.memref_squeeze %dma_start3A_155 : memref<1x128x64xf32, #tpu.memory_space<vmem>> -> memref<128x64xf32, #tpu.memory_space<vmem>>
        %dma_start3A_157 = arith.constant 0 : i32
        %dma_start3A_158 = tpu.memref_slice %arg6[%dma_start3A_151, %dma_start3A_157] : memref<8x128xi32, #tpu.memory_space<vmem>> -> memref<1x128xi32, #tpu.memory_space<vmem>>
        %dma_start3A_159 = tpu.memref_squeeze %dma_start3A_158 : memref<1x128xi32, #tpu.memory_space<vmem>> -> memref<128xi32, #tpu.memory_space<vmem>>
        %dma_start3A_160 = arith.constant 0 : i32
        %dma_start3A_161 = arith.constant 0 : i32
        %dma_start3A_162 = tpu.memref_slice %arg4[%dma_start3A_160, %dma_start3A_161] : memref<1000000x64xf32, #tpu.memory_space<hbm>> -> memref<1000000x64xf32, #tpu.memory_space<hbm>>
        tpu.enqueue_indirect_dma source(%dma_start3A_162 : memref<1000000x64xf32, #tpu.memory_space<hbm>>) target(%dma_start3A_156 : memref<128x64xf32, #tpu.memory_space<vmem>>) offsets(%dma_start3A_159 : memref<128xi32, #tpu.memory_space<vmem>>) semaphore(%arg11 : memref<!tpu.dma_semaphore, #tpu.memory_space<semaphore_mem>>)
        %dma_wait3A_163 = arith.constant 0 : i32
        %dma_wait3A_164 = arith.constant 0 : i32
        %dma_wait3A_165 = arith.constant 0 : i32
        %dma_wait3A_166 = tpu.memref_slice %arg8[%dma_wait3A_163, %dma_wait3A_164, %dma_wait3A_165] : memref<2x128x64xf32, #tpu.memory_space<vmem>> -> memref<1x128x64xf32, #tpu.memory_space<vmem>>
        %dma_wait3A_167 = tpu.memref_squeeze %dma_wait3A_166 : memref<1x128x64xf32, #tpu.memory_space<vmem>> -> memref<128x64xf32, #tpu.memory_space<vmem>>
        %dma_wait3A_168 = arith.constant 0 : i32
        %dma_wait3A_169 = arith.constant 0 : i32
        %dma_wait3A_170 = tpu.memref_slice %arg4[%dma_wait3A_168, %dma_wait3A_169] : memref<1000000x64xf32, #tpu.memory_space<hbm>> -> memref<128x64xf32, #tpu.memory_space<hbm>>
        %dma_wait3A_171 = arith.constant 0 : i32
        %dma_wait3A_172 = arith.constant 0 : i32
        %dma_wait3A_173 = tpu.memref_slice %arg8[%dma_wait3A_163, %dma_wait3A_171, %dma_wait3A_172] : memref<2x128x64xf32, #tpu.memory_space<vmem>> -> memref<1x128x64xf32, #tpu.memory_space<vmem>>
        %dma_wait3A_174 = tpu.memref_squeeze %dma_wait3A_173 : memref<1x128x64xf32, #tpu.memory_space<vmem>> -> memref<128x64xf32, #tpu.memory_space<vmem>>
        %dma_wait3A_175 = arith.constant 0 : i32
        %dma_wait3A_176 = arith.constant 0 : i32
        %dma_wait3A_177 = tpu.memref_slice %arg4[%dma_wait3A_175, %dma_wait3A_176] : memref<1000000x64xf32, #tpu.memory_space<hbm>> -> memref<128x64xf32, #tpu.memory_space<hbm>>
        tpu.wait_dma2 semaphore(%arg10 : memref<!tpu.dma_semaphore, #tpu.memory_space<semaphore_mem>>) src(%dma_wait3A_177 : memref<128x64xf32, #tpu.memory_space<hbm>>) dst(%dma_wait3A_174 : memref<128x64xf32, #tpu.memory_space<vmem>>)
        %parallel_loop3A_178 = arith.constant 0 : i32
        %parallel_loop3A_179 = arith.constant 128 : i32
        %parallel_loop3A_180 = arith.constant 1 : i32
        scf.for %parallel_loop3A_959 = %parallel_loop3A_178 to %parallel_loop3A_179 step %parallel_loop3A_180  : i32 {
          %parallel_loop3A_960 = arith.constant 256 : i32
          %parallel_loop3A_961 = arith.addi %parallel_loop3A_960, %parallel_loop3A_959 : i32
          %parallel_loop3A_962 = vector.broadcast %parallel_loop3A_961 : i32 to vector<16xi32>
          %parallel_loop3A_963 = arith.constant 0 : i32
          %parallel_loop3A_964 = arith.index_cast %parallel_loop3A_963 : i32 to index
          %parallel_loop3A_965 = arith.index_cast %parallel_loop3A_959 : i32 to index
          %parallel_loop3A_966 = arith.constant 0 : index
          %parallel_loop3A_967 = tpu.vector_load %arg8[%parallel_loop3A_964, %parallel_loop3A_965, %parallel_loop3A_966] {strides = array<i32>} : memref<2x128x64xf32, #tpu.memory_space<vmem>>, vector<16xf32>,
          %parallel_loop3A_968 = arith.constant 8.000000e+00 : f32
          %parallel_loop3A_969 = vector.broadcast %parallel_loop3A_968 : f32 to vector<16xf32>
          %parallel_loop3A_970 = arith.mulf %parallel_loop3A_967, %parallel_loop3A_969 : vector<16xf32>
          %parallel_loop3A_971 = arith.addf %parallel_loop3A_970, %gather3A : vector<16xf32>
          %parallel_loop3A_972 = arith.addi %mul3A_6, %parallel_loop3A_962 : vector<16xi32>
          tpu.vector_store_idx %arg9[%parallel_loop3A_972], %parallel_loop3A_971 : memref<66048xf32, #tpu.memory_space<vmem>>[vector<16xi32>], vector<16xf32>,
          %parallel_loop3A_973 = arith.constant 0 : i32
          %parallel_loop3A_974 = arith.index_cast %parallel_loop3A_973 : i32 to index
          %parallel_loop3A_975 = arith.index_cast %parallel_loop3A_959 : i32 to index
          %parallel_loop3A_976 = arith.constant 16 : index
          %parallel_loop3A_977 = tpu.vector_load %arg8[%parallel_loop3A_974, %parallel_loop3A_975, %parallel_loop3A_976] {strides = array<i32>} : memref<2x128x64xf32, #tpu.memory_space<vmem>>, vector<16xf32>,
          %parallel_loop3A_978 = arith.constant 8.000000e+00 : f32
          %parallel_loop3A_979 = vector.broadcast %parallel_loop3A_978 : f32 to vector<16xf32>
          %parallel_loop3A_980 = arith.mulf %parallel_loop3A_977, %parallel_loop3A_979 : vector<16xf32>
          %parallel_loop3A_981 = arith.addf %parallel_loop3A_980, %gather3A_72 : vector<16xf32>
          %parallel_loop3A_982 = arith.addi %mul3A_12, %parallel_loop3A_962 : vector<16xi32>
          tpu.vector_store_idx %arg9[%parallel_loop3A_982], %parallel_loop3A_981 : memref<66048xf32, #tpu.memory_space<vmem>>[vector<16xi32>], vector<16xf32>,
          %parallel_loop3A_983 = arith.constant 0 : i32
          %parallel_loop3A_984 = arith.index_cast %parallel_loop3A_983 : i32 to index
          %parallel_loop3A_985 = arith.index_cast %parallel_loop3A_959 : i32 to index
          %parallel_loop3A_986 = arith.constant 32 : index
          %parallel_loop3A_987 = tpu.vector_load %arg8[%parallel_loop3A_984, %parallel_loop3A_985, %parallel_loop3A_986] {strides = array<i32>} : memref<2x128x64xf32, #tpu.memory_space<vmem>>, vector<16xf32>,
          %parallel_loop3A_988 = arith.constant 8.000000e+00 : f32
          %parallel_loop3A_989 = vector.broadcast %parallel_loop3A_988 : f32 to vector<16xf32>
          %parallel_loop3A_990 = arith.mulf %parallel_loop3A_987, %parallel_loop3A_989 : vector<16xf32>
          %parallel_loop3A_991 = arith.addf %parallel_loop3A_990, %gather3A_74 : vector<16xf32>
          %parallel_loop3A_992 = arith.addi %mul3A_18, %parallel_loop3A_962 : vector<16xi32>
          tpu.vector_store_idx %arg9[%parallel_loop3A_992], %parallel_loop3A_991 : memref<66048xf32, #tpu.memory_space<vmem>>[vector<16xi32>], vector<16xf32>,
          %parallel_loop3A_993 = arith.constant 0 : i32
          %parallel_loop3A_994 = arith.index_cast %parallel_loop3A_993 : i32 to index
          %parallel_loop3A_995 = arith.index_cast %parallel_loop3A_959 : i32 to index
          %parallel_loop3A_996 = arith.constant 48 : index
          %parallel_loop3A_997 = tpu.vector_load %arg8[%parallel_loop3A_994, %parallel_loop3A_995, %parallel_loop3A_996] {strides = array<i32>} : memref<2x128x64xf32, #tpu.memory_space<vmem>>, vector<16xf32>,
          %parallel_loop3A_998 = arith.constant 8.000000e+00 : f32
          %parallel_loop3A_999 = vector.broadcast %parallel_loop3A_998 : f32 to vector<16xf32>
          %parallel_loop3A_1000 = arith.mulf %parallel_loop3A_997, %parallel_loop3A_999 : vector<16xf32>
          %parallel_loop3A_1001 = arith.addf %parallel_loop3A_1000, %gather3A_76 : vector<16xf32>
          %parallel_loop3A_1002 = arith.addi %mul3A_24, %parallel_loop3A_962 : vector<16xi32>
          tpu.vector_store_idx %arg9[%parallel_loop3A_1002], %parallel_loop3A_1001 : memref<66048xf32, #tpu.memory_space<vmem>>[vector<16xi32>], vector<16xf32>,
        } {sc.loop_unroll_factor = 8 : i64, sc.parallel_access}
        %dma_start3A_181 = arith.constant 4 : i32
        %dma_start3A_182 = arith.constant 0 : i32
        %dma_start3A_183 = arith.constant 0 : i32
        %dma_start3A_184 = arith.constant 0 : i32
        %dma_start3A_185 = tpu.memref_slice %arg8[%dma_start3A_182, %dma_start3A_183, %dma_start3A_184] : memref<2x128x64xf32, #tpu.memory_space<vmem>> -> memref<1x128x64xf32, #tpu.memory_space<vmem>>
        %dma_start3A_186 = tpu.memref_squeeze %dma_start3A_185 : memref<1x128x64xf32, #tpu.memory_space<vmem>> -> memref<128x64xf32, #tpu.memory_space<vmem>>
        %dma_start3A_187 = arith.constant 0 : i32
        %dma_start3A_188 = tpu.memref_slice %arg6[%dma_start3A_181, %dma_start3A_187] : memref<8x128xi32, #tpu.memory_space<vmem>> -> memref<1x128xi32, #tpu.memory_space<vmem>>
        %dma_start3A_189 = tpu.memref_squeeze %dma_start3A_188 : memref<1x128xi32, #tpu.memory_space<vmem>> -> memref<128xi32, #tpu.memory_space<vmem>>
        %dma_start3A_190 = arith.constant 0 : i32
        %dma_start3A_191 = arith.constant 0 : i32
        %dma_start3A_192 = tpu.memref_slice %arg4[%dma_start3A_190, %dma_start3A_191] : memref<1000000x64xf32, #tpu.memory_space<hbm>> -> memref<1000000x64xf32, #tpu.memory_space<hbm>>
        tpu.enqueue_indirect_dma source(%dma_start3A_192 : memref<1000000x64xf32, #tpu.memory_space<hbm>>) target(%dma_start3A_186 : memref<128x64xf32, #tpu.memory_space<vmem>>) offsets(%dma_start3A_189 : memref<128xi32, #tpu.memory_space<vmem>>) semaphore(%arg10 : memref<!tpu.dma_semaphore, #tpu.memory_space<semaphore_mem>>)
        %dma_wait3A_193 = arith.constant 1 : i32
        %dma_wait3A_194 = arith.constant 0 : i32
        %dma_wait3A_195 = arith.constant 0 : i32
        %dma_wait3A_196 = tpu.memref_slice %arg8[%dma_wait3A_193, %dma_wait3A_194, %dma_wait3A_195] : memref<2x128x64xf32, #tpu.memory_space<vmem>> -> memref<1x128x64xf32, #tpu.memory_space<vmem>>
        %dma_wait3A_197 = tpu.memref_squeeze %dma_wait3A_196 : memref<1x128x64xf32, #tpu.memory_space<vmem>> -> memref<128x64xf32, #tpu.memory_space<vmem>>
        %dma_wait3A_198 = arith.constant 0 : i32
        %dma_wait3A_199 = arith.constant 0 : i32
        %dma_wait3A_200 = tpu.memref_slice %arg4[%dma_wait3A_198, %dma_wait3A_199] : memref<1000000x64xf32, #tpu.memory_space<hbm>> -> memref<128x64xf32, #tpu.memory_space<hbm>>
        %dma_wait3A_201 = arith.constant 0 : i32
        %dma_wait3A_202 = arith.constant 0 : i32
        %dma_wait3A_203 = tpu.memref_slice %arg8[%dma_wait3A_193, %dma_wait3A_201, %dma_wait3A_202] : memref<2x128x64xf32, #tpu.memory_space<vmem>> -> memref<1x128x64xf32, #tpu.memory_space<vmem>>
        %dma_wait3A_204 = tpu.memref_squeeze %dma_wait3A_203 : memref<1x128x64xf32, #tpu.memory_space<vmem>> -> memref<128x64xf32, #tpu.memory_space<vmem>>
        %dma_wait3A_205 = arith.constant 0 : i32
        %dma_wait3A_206 = arith.constant 0 : i32
        %dma_wait3A_207 = tpu.memref_slice %arg4[%dma_wait3A_205, %dma_wait3A_206] : memref<1000000x64xf32, #tpu.memory_space<hbm>> -> memref<128x64xf32, #tpu.memory_space<hbm>>
        tpu.wait_dma2 semaphore(%arg11 : memref<!tpu.dma_semaphore, #tpu.memory_space<semaphore_mem>>) src(%dma_wait3A_207 : memref<128x64xf32, #tpu.memory_space<hbm>>) dst(%dma_wait3A_204 : memref<128x64xf32, #tpu.memory_space<vmem>>)
        %parallel_loop3A_208 = arith.constant 0 : i32
        %parallel_loop3A_209 = arith.constant 128 : i32
        %parallel_loop3A_210 = arith.constant 1 : i32
        scf.for %parallel_loop3A_959 = %parallel_loop3A_208 to %parallel_loop3A_209 step %parallel_loop3A_210  : i32 {
          %parallel_loop3A_960 = arith.constant 384 : i32
          %parallel_loop3A_961 = arith.addi %parallel_loop3A_960, %parallel_loop3A_959 : i32
          %parallel_loop3A_962 = vector.broadcast %parallel_loop3A_961 : i32 to vector<16xi32>
          %parallel_loop3A_963 = arith.constant 1 : i32
          %parallel_loop3A_964 = arith.index_cast %parallel_loop3A_963 : i32 to index
          %parallel_loop3A_965 = arith.index_cast %parallel_loop3A_959 : i32 to index
          %parallel_loop3A_966 = arith.constant 0 : index
          %parallel_loop3A_967 = tpu.vector_load %arg8[%parallel_loop3A_964, %parallel_loop3A_965, %parallel_loop3A_966] {strides = array<i32>} : memref<2x128x64xf32, #tpu.memory_space<vmem>>, vector<16xf32>,
          %parallel_loop3A_968 = arith.constant 8.000000e+00 : f32
          %parallel_loop3A_969 = vector.broadcast %parallel_loop3A_968 : f32 to vector<16xf32>
          %parallel_loop3A_970 = arith.mulf %parallel_loop3A_967, %parallel_loop3A_969 : vector<16xf32>
          %parallel_loop3A_971 = arith.addf %parallel_loop3A_970, %gather3A : vector<16xf32>
          %parallel_loop3A_972 = arith.addi %mul3A_6, %parallel_loop3A_962 : vector<16xi32>
          tpu.vector_store_idx %arg9[%parallel_loop3A_972], %parallel_loop3A_971 : memref<66048xf32, #tpu.memory_space<vmem>>[vector<16xi32>], vector<16xf32>,
          %parallel_loop3A_973 = arith.constant 1 : i32
          %parallel_loop3A_974 = arith.index_cast %parallel_loop3A_973 : i32 to index
          %parallel_loop3A_975 = arith.index_cast %parallel_loop3A_959 : i32 to index
          %parallel_loop3A_976 = arith.constant 16 : index
          %parallel_loop3A_977 = tpu.vector_load %arg8[%parallel_loop3A_974, %parallel_loop3A_975, %parallel_loop3A_976] {strides = array<i32>} : memref<2x128x64xf32, #tpu.memory_space<vmem>>, vector<16xf32>,
          %parallel_loop3A_978 = arith.constant 8.000000e+00 : f32
          %parallel_loop3A_979 = vector.broadcast %parallel_loop3A_978 : f32 to vector<16xf32>
          %parallel_loop3A_980 = arith.mulf %parallel_loop3A_977, %parallel_loop3A_979 : vector<16xf32>
          %parallel_loop3A_981 = arith.addf %parallel_loop3A_980, %gather3A_72 : vector<16xf32>
          %parallel_loop3A_982 = arith.addi %mul3A_12, %parallel_loop3A_962 : vector<16xi32>
          tpu.vector_store_idx %arg9[%parallel_loop3A_982], %parallel_loop3A_981 : memref<66048xf32, #tpu.memory_space<vmem>>[vector<16xi32>], vector<16xf32>,
          %parallel_loop3A_983 = arith.constant 1 : i32
          %parallel_loop3A_984 = arith.index_cast %parallel_loop3A_983 : i32 to index
          %parallel_loop3A_985 = arith.index_cast %parallel_loop3A_959 : i32 to index
          %parallel_loop3A_986 = arith.constant 32 : index
          %parallel_loop3A_987 = tpu.vector_load %arg8[%parallel_loop3A_984, %parallel_loop3A_985, %parallel_loop3A_986] {strides = array<i32>} : memref<2x128x64xf32, #tpu.memory_space<vmem>>, vector<16xf32>,
          %parallel_loop3A_988 = arith.constant 8.000000e+00 : f32
          %parallel_loop3A_989 = vector.broadcast %parallel_loop3A_988 : f32 to vector<16xf32>
          %parallel_loop3A_990 = arith.mulf %parallel_loop3A_987, %parallel_loop3A_989 : vector<16xf32>
          %parallel_loop3A_991 = arith.addf %parallel_loop3A_990, %gather3A_74 : vector<16xf32>
          %parallel_loop3A_992 = arith.addi %mul3A_18, %parallel_loop3A_962 : vector<16xi32>
          tpu.vector_store_idx %arg9[%parallel_loop3A_992], %parallel_loop3A_991 : memref<66048xf32, #tpu.memory_space<vmem>>[vector<16xi32>], vector<16xf32>,
          %parallel_loop3A_993 = arith.constant 1 : i32
          %parallel_loop3A_994 = arith.index_cast %parallel_loop3A_993 : i32 to index
          %parallel_loop3A_995 = arith.index_cast %parallel_loop3A_959 : i32 to index
          %parallel_loop3A_996 = arith.constant 48 : index
          %parallel_loop3A_997 = tpu.vector_load %arg8[%parallel_loop3A_994, %parallel_loop3A_995, %parallel_loop3A_996] {strides = array<i32>} : memref<2x128x64xf32, #tpu.memory_space<vmem>>, vector<16xf32>,
          %parallel_loop3A_998 = arith.constant 8.000000e+00 : f32
          %parallel_loop3A_999 = vector.broadcast %parallel_loop3A_998 : f32 to vector<16xf32>
          %parallel_loop3A_1000 = arith.mulf %parallel_loop3A_997, %parallel_loop3A_999 : vector<16xf32>
          %parallel_loop3A_1001 = arith.addf %parallel_loop3A_1000, %gather3A_76 : vector<16xf32>
          %parallel_loop3A_1002 = arith.addi %mul3A_24, %parallel_loop3A_962 : vector<16xi32>
          tpu.vector_store_idx %arg9[%parallel_loop3A_1002], %parallel_loop3A_1001 : memref<66048xf32, #tpu.memory_space<vmem>>[vector<16xi32>], vector<16xf32>,
        } {sc.loop_unroll_factor = 8 : i64, sc.parallel_access}
        %dma_start3A_211 = arith.constant 5 : i32
        %dma_start3A_212 = arith.constant 1 : i32
        %dma_start3A_213 = arith.constant 0 : i32
        %dma_start3A_214 = arith.constant 0 : i32
        %dma_start3A_215 = tpu.memref_slice %arg8[%dma_start3A_212, %dma_start3A_213, %dma_start3A_214] : memref<2x128x64xf32, #tpu.memory_space<vmem>> -> memref<1x128x64xf32, #tpu.memory_space<vmem>>
        %dma_start3A_216 = tpu.memref_squeeze %dma_start3A_215 : memref<1x128x64xf32, #tpu.memory_space<vmem>> -> memref<128x64xf32, #tpu.memory_space<vmem>>
        %dma_start3A_217 = arith.constant 0 : i32
        %dma_start3A_218 = tpu.memref_slice %arg6[%dma_start3A_211, %dma_start3A_217] : memref<8x128xi32, #tpu.memory_space<vmem>> -> memref<1x128xi32, #tpu.memory_space<vmem>>
        %dma_start3A_219 = tpu.memref_squeeze %dma_start3A_218 : memref<1x128xi32, #tpu.memory_space<vmem>> -> memref<128xi32, #tpu.memory_space<vmem>>
        %dma_start3A_220 = arith.constant 0 : i32
        %dma_start3A_221 = arith.constant 0 : i32
        %dma_start3A_222 = tpu.memref_slice %arg4[%dma_start3A_220, %dma_start3A_221] : memref<1000000x64xf32, #tpu.memory_space<hbm>> -> memref<1000000x64xf32, #tpu.memory_space<hbm>>
        tpu.enqueue_indirect_dma source(%dma_start3A_222 : memref<1000000x64xf32, #tpu.memory_space<hbm>>) target(%dma_start3A_216 : memref<128x64xf32, #tpu.memory_space<vmem>>) offsets(%dma_start3A_219 : memref<128xi32, #tpu.memory_space<vmem>>) semaphore(%arg11 : memref<!tpu.dma_semaphore, #tpu.memory_space<semaphore_mem>>)
        %dma_wait3A_223 = arith.constant 0 : i32
        %dma_wait3A_224 = arith.constant 0 : i32
        %dma_wait3A_225 = arith.constant 0 : i32
        %dma_wait3A_226 = tpu.memref_slice %arg8[%dma_wait3A_223, %dma_wait3A_224, %dma_wait3A_225] : memref<2x128x64xf32, #tpu.memory_space<vmem>> -> memref<1x128x64xf32, #tpu.memory_space<vmem>>
        %dma_wait3A_227 = tpu.memref_squeeze %dma_wait3A_226 : memref<1x128x64xf32, #tpu.memory_space<vmem>> -> memref<128x64xf32, #tpu.memory_space<vmem>>
        %dma_wait3A_228 = arith.constant 0 : i32
        %dma_wait3A_229 = arith.constant 0 : i32
        %dma_wait3A_230 = tpu.memref_slice %arg4[%dma_wait3A_228, %dma_wait3A_229] : memref<1000000x64xf32, #tpu.memory_space<hbm>> -> memref<128x64xf32, #tpu.memory_space<hbm>>
        %dma_wait3A_231 = arith.constant 0 : i32
        %dma_wait3A_232 = arith.constant 0 : i32
        %dma_wait3A_233 = tpu.memref_slice %arg8[%dma_wait3A_223, %dma_wait3A_231, %dma_wait3A_232] : memref<2x128x64xf32, #tpu.memory_space<vmem>> -> memref<1x128x64xf32, #tpu.memory_space<vmem>>
        %dma_wait3A_234 = tpu.memref_squeeze %dma_wait3A_233 : memref<1x128x64xf32, #tpu.memory_space<vmem>> -> memref<128x64xf32, #tpu.memory_space<vmem>>
        %dma_wait3A_235 = arith.constant 0 : i32
        %dma_wait3A_236 = arith.constant 0 : i32
        %dma_wait3A_237 = tpu.memref_slice %arg4[%dma_wait3A_235, %dma_wait3A_236] : memref<1000000x64xf32, #tpu.memory_space<hbm>> -> memref<128x64xf32, #tpu.memory_space<hbm>>
        tpu.wait_dma2 semaphore(%arg10 : memref<!tpu.dma_semaphore, #tpu.memory_space<semaphore_mem>>) src(%dma_wait3A_237 : memref<128x64xf32, #tpu.memory_space<hbm>>) dst(%dma_wait3A_234 : memref<128x64xf32, #tpu.memory_space<vmem>>)
        %parallel_loop3A_238 = arith.constant 0 : i32
        %parallel_loop3A_239 = arith.constant 128 : i32
        %parallel_loop3A_240 = arith.constant 1 : i32
        scf.for %parallel_loop3A_959 = %parallel_loop3A_238 to %parallel_loop3A_239 step %parallel_loop3A_240  : i32 {
          %parallel_loop3A_960 = arith.constant 512 : i32
          %parallel_loop3A_961 = arith.addi %parallel_loop3A_960, %parallel_loop3A_959 : i32
          %parallel_loop3A_962 = vector.broadcast %parallel_loop3A_961 : i32 to vector<16xi32>
          %parallel_loop3A_963 = arith.constant 0 : i32
          %parallel_loop3A_964 = arith.index_cast %parallel_loop3A_963 : i32 to index
          %parallel_loop3A_965 = arith.index_cast %parallel_loop3A_959 : i32 to index
          %parallel_loop3A_966 = arith.constant 0 : index
          %parallel_loop3A_967 = tpu.vector_load %arg8[%parallel_loop3A_964, %parallel_loop3A_965, %parallel_loop3A_966] {strides = array<i32>} : memref<2x128x64xf32, #tpu.memory_space<vmem>>, vector<16xf32>,
          %parallel_loop3A_968 = arith.constant 8.000000e+00 : f32
          %parallel_loop3A_969 = vector.broadcast %parallel_loop3A_968 : f32 to vector<16xf32>
          %parallel_loop3A_970 = arith.mulf %parallel_loop3A_967, %parallel_loop3A_969 : vector<16xf32>
          %parallel_loop3A_971 = arith.addf %parallel_loop3A_970, %gather3A : vector<16xf32>
          %parallel_loop3A_972 = arith.addi %mul3A_6, %parallel_loop3A_962 : vector<16xi32>
          tpu.vector_store_idx %arg9[%parallel_loop3A_972], %parallel_loop3A_971 : memref<66048xf32, #tpu.memory_space<vmem>>[vector<16xi32>], vector<16xf32>,
          %parallel_loop3A_973 = arith.constant 0 : i32
          %parallel_loop3A_974 = arith.index_cast %parallel_loop3A_973 : i32 to index
          %parallel_loop3A_975 = arith.index_cast %parallel_loop3A_959 : i32 to index
          %parallel_loop3A_976 = arith.constant 16 : index
          %parallel_loop3A_977 = tpu.vector_load %arg8[%parallel_loop3A_974, %parallel_loop3A_975, %parallel_loop3A_976] {strides = array<i32>} : memref<2x128x64xf32, #tpu.memory_space<vmem>>, vector<16xf32>,
          %parallel_loop3A_978 = arith.constant 8.000000e+00 : f32
          %parallel_loop3A_979 = vector.broadcast %parallel_loop3A_978 : f32 to vector<16xf32>
          %parallel_loop3A_980 = arith.mulf %parallel_loop3A_977, %parallel_loop3A_979 : vector<16xf32>
          %parallel_loop3A_981 = arith.addf %parallel_loop3A_980, %gather3A_72 : vector<16xf32>
          %parallel_loop3A_982 = arith.addi %mul3A_12, %parallel_loop3A_962 : vector<16xi32>
          tpu.vector_store_idx %arg9[%parallel_loop3A_982], %parallel_loop3A_981 : memref<66048xf32, #tpu.memory_space<vmem>>[vector<16xi32>], vector<16xf32>,
          %parallel_loop3A_983 = arith.constant 0 : i32
          %parallel_loop3A_984 = arith.index_cast %parallel_loop3A_983 : i32 to index
          %parallel_loop3A_985 = arith.index_cast %parallel_loop3A_959 : i32 to index
          %parallel_loop3A_986 = arith.constant 32 : index
          %parallel_loop3A_987 = tpu.vector_load %arg8[%parallel_loop3A_984, %parallel_loop3A_985, %parallel_loop3A_986] {strides = array<i32>} : memref<2x128x64xf32, #tpu.memory_space<vmem>>, vector<16xf32>,
          %parallel_loop3A_988 = arith.constant 8.000000e+00 : f32
          %parallel_loop3A_989 = vector.broadcast %parallel_loop3A_988 : f32 to vector<16xf32>
          %parallel_loop3A_990 = arith.mulf %parallel_loop3A_987, %parallel_loop3A_989 : vector<16xf32>
          %parallel_loop3A_991 = arith.addf %parallel_loop3A_990, %gather3A_74 : vector<16xf32>
          %parallel_loop3A_992 = arith.addi %mul3A_18, %parallel_loop3A_962 : vector<16xi32>
          tpu.vector_store_idx %arg9[%parallel_loop3A_992], %parallel_loop3A_991 : memref<66048xf32, #tpu.memory_space<vmem>>[vector<16xi32>], vector<16xf32>,
          %parallel_loop3A_993 = arith.constant 0 : i32
          %parallel_loop3A_994 = arith.index_cast %parallel_loop3A_993 : i32 to index
          %parallel_loop3A_995 = arith.index_cast %parallel_loop3A_959 : i32 to index
          %parallel_loop3A_996 = arith.constant 48 : index
          %parallel_loop3A_997 = tpu.vector_load %arg8[%parallel_loop3A_994, %parallel_loop3A_995, %parallel_loop3A_996] {strides = array<i32>} : memref<2x128x64xf32, #tpu.memory_space<vmem>>, vector<16xf32>,
          %parallel_loop3A_998 = arith.constant 8.000000e+00 : f32
          %parallel_loop3A_999 = vector.broadcast %parallel_loop3A_998 : f32 to vector<16xf32>
          %parallel_loop3A_1000 = arith.mulf %parallel_loop3A_997, %parallel_loop3A_999 : vector<16xf32>
          %parallel_loop3A_1001 = arith.addf %parallel_loop3A_1000, %gather3A_76 : vector<16xf32>
          %parallel_loop3A_1002 = arith.addi %mul3A_24, %parallel_loop3A_962 : vector<16xi32>
          tpu.vector_store_idx %arg9[%parallel_loop3A_1002], %parallel_loop3A_1001 : memref<66048xf32, #tpu.memory_space<vmem>>[vector<16xi32>], vector<16xf32>,
        } {sc.loop_unroll_factor = 8 : i64, sc.parallel_access}
        %dma_start3A_241 = arith.constant 6 : i32
        %dma_start3A_242 = arith.constant 0 : i32
        %dma_start3A_243 = arith.constant 0 : i32
        %dma_start3A_244 = arith.constant 0 : i32
        %dma_start3A_245 = tpu.memref_slice %arg8[%dma_start3A_242, %dma_start3A_243, %dma_start3A_244] : memref<2x128x64xf32, #tpu.memory_space<vmem>> -> memref<1x128x64xf32, #tpu.memory_space<vmem>>
        %dma_start3A_246 = tpu.memref_squeeze %dma_start3A_245 : memref<1x128x64xf32, #tpu.memory_space<vmem>> -> memref<128x64xf32, #tpu.memory_space<vmem>>
        %dma_start3A_247 = arith.constant 0 : i32
        %dma_start3A_248 = tpu.memref_slice %arg6[%dma_start3A_241, %dma_start3A_247] : memref<8x128xi32, #tpu.memory_space<vmem>> -> memref<1x128xi32, #tpu.memory_space<vmem>>
        %dma_start3A_249 = tpu.memref_squeeze %dma_start3A_248 : memref<1x128xi32, #tpu.memory_space<vmem>> -> memref<128xi32, #tpu.memory_space<vmem>>
        %dma_start3A_250 = arith.constant 0 : i32
        %dma_start3A_251 = arith.constant 0 : i32
        %dma_start3A_252 = tpu.memref_slice %arg4[%dma_start3A_250, %dma_start3A_251] : memref<1000000x64xf32, #tpu.memory_space<hbm>> -> memref<1000000x64xf32, #tpu.memory_space<hbm>>
        tpu.enqueue_indirect_dma source(%dma_start3A_252 : memref<1000000x64xf32, #tpu.memory_space<hbm>>) target(%dma_start3A_246 : memref<128x64xf32, #tpu.memory_space<vmem>>) offsets(%dma_start3A_249 : memref<128xi32, #tpu.memory_space<vmem>>) semaphore(%arg10 : memref<!tpu.dma_semaphore, #tpu.memory_space<semaphore_mem>>)
        %dma_wait3A_253 = arith.constant 1 : i32
        %dma_wait3A_254 = arith.constant 0 : i32
        %dma_wait3A_255 = arith.constant 0 : i32
        %dma_wait3A_256 = tpu.memref_slice %arg8[%dma_wait3A_253, %dma_wait3A_254, %dma_wait3A_255] : memref<2x128x64xf32, #tpu.memory_space<vmem>> -> memref<1x128x64xf32, #tpu.memory_space<vmem>>
        %dma_wait3A_257 = tpu.memref_squeeze %dma_wait3A_256 : memref<1x128x64xf32, #tpu.memory_space<vmem>> -> memref<128x64xf32, #tpu.memory_space<vmem>>
        %dma_wait3A_258 = arith.constant 0 : i32
        %dma_wait3A_259 = arith.constant 0 : i32
        %dma_wait3A_260 = tpu.memref_slice %arg4[%dma_wait3A_258, %dma_wait3A_259] : memref<1000000x64xf32, #tpu.memory_space<hbm>> -> memref<128x64xf32, #tpu.memory_space<hbm>>
        %dma_wait3A_261 = arith.constant 0 : i32
        %dma_wait3A_262 = arith.constant 0 : i32
        %dma_wait3A_263 = tpu.memref_slice %arg8[%dma_wait3A_253, %dma_wait3A_261, %dma_wait3A_262] : memref<2x128x64xf32, #tpu.memory_space<vmem>> -> memref<1x128x64xf32, #tpu.memory_space<vmem>>
        %dma_wait3A_264 = tpu.memref_squeeze %dma_wait3A_263 : memref<1x128x64xf32, #tpu.memory_space<vmem>> -> memref<128x64xf32, #tpu.memory_space<vmem>>
        %dma_wait3A_265 = arith.constant 0 : i32
        %dma_wait3A_266 = arith.constant 0 : i32
        %dma_wait3A_267 = tpu.memref_slice %arg4[%dma_wait3A_265, %dma_wait3A_266] : memref<1000000x64xf32, #tpu.memory_space<hbm>> -> memref<128x64xf32, #tpu.memory_space<hbm>>
        tpu.wait_dma2 semaphore(%arg11 : memref<!tpu.dma_semaphore, #tpu.memory_space<semaphore_mem>>) src(%dma_wait3A_267 : memref<128x64xf32, #tpu.memory_space<hbm>>) dst(%dma_wait3A_264 : memref<128x64xf32, #tpu.memory_space<vmem>>)
        %parallel_loop3A_268 = arith.constant 0 : i32
        %parallel_loop3A_269 = arith.constant 128 : i32
        %parallel_loop3A_270 = arith.constant 1 : i32
        scf.for %parallel_loop3A_959 = %parallel_loop3A_268 to %parallel_loop3A_269 step %parallel_loop3A_270  : i32 {
          %parallel_loop3A_960 = arith.constant 640 : i32
          %parallel_loop3A_961 = arith.addi %parallel_loop3A_960, %parallel_loop3A_959 : i32
          %parallel_loop3A_962 = vector.broadcast %parallel_loop3A_961 : i32 to vector<16xi32>
          %parallel_loop3A_963 = arith.constant 1 : i32
          %parallel_loop3A_964 = arith.index_cast %parallel_loop3A_963 : i32 to index
          %parallel_loop3A_965 = arith.index_cast %parallel_loop3A_959 : i32 to index
          %parallel_loop3A_966 = arith.constant 0 : index
          %parallel_loop3A_967 = tpu.vector_load %arg8[%parallel_loop3A_964, %parallel_loop3A_965, %parallel_loop3A_966] {strides = array<i32>} : memref<2x128x64xf32, #tpu.memory_space<vmem>>, vector<16xf32>,
          %parallel_loop3A_968 = arith.constant 8.000000e+00 : f32
          %parallel_loop3A_969 = vector.broadcast %parallel_loop3A_968 : f32 to vector<16xf32>
          %parallel_loop3A_970 = arith.mulf %parallel_loop3A_967, %parallel_loop3A_969 : vector<16xf32>
          %parallel_loop3A_971 = arith.addf %parallel_loop3A_970, %gather3A : vector<16xf32>
          %parallel_loop3A_972 = arith.addi %mul3A_6, %parallel_loop3A_962 : vector<16xi32>
          tpu.vector_store_idx %arg9[%parallel_loop3A_972], %parallel_loop3A_971 : memref<66048xf32, #tpu.memory_space<vmem>>[vector<16xi32>], vector<16xf32>,
          %parallel_loop3A_973 = arith.constant 1 : i32
          %parallel_loop3A_974 = arith.index_cast %parallel_loop3A_973 : i32 to index
          %parallel_loop3A_975 = arith.index_cast %parallel_loop3A_959 : i32 to index
          %parallel_loop3A_976 = arith.constant 16 : index
          %parallel_loop3A_977 = tpu.vector_load %arg8[%parallel_loop3A_974, %parallel_loop3A_975, %parallel_loop3A_976] {strides = array<i32>} : memref<2x128x64xf32, #tpu.memory_space<vmem>>, vector<16xf32>,
          %parallel_loop3A_978 = arith.constant 8.000000e+00 : f32
          %parallel_loop3A_979 = vector.broadcast %parallel_loop3A_978 : f32 to vector<16xf32>
          %parallel_loop3A_980 = arith.mulf %parallel_loop3A_977, %parallel_loop3A_979 : vector<16xf32>
          %parallel_loop3A_981 = arith.addf %parallel_loop3A_980, %gather3A_72 : vector<16xf32>
          %parallel_loop3A_982 = arith.addi %mul3A_12, %parallel_loop3A_962 : vector<16xi32>
          tpu.vector_store_idx %arg9[%parallel_loop3A_982], %parallel_loop3A_981 : memref<66048xf32, #tpu.memory_space<vmem>>[vector<16xi32>], vector<16xf32>,
          %parallel_loop3A_983 = arith.constant 1 : i32
          %parallel_loop3A_984 = arith.index_cast %parallel_loop3A_983 : i32 to index
          %parallel_loop3A_985 = arith.index_cast %parallel_loop3A_959 : i32 to index
          %parallel_loop3A_986 = arith.constant 32 : index
          %parallel_loop3A_987 = tpu.vector_load %arg8[%parallel_loop3A_984, %parallel_loop3A_985, %parallel_loop3A_986] {strides = array<i32>} : memref<2x128x64xf32, #tpu.memory_space<vmem>>, vector<16xf32>,
          %parallel_loop3A_988 = arith.constant 8.000000e+00 : f32
          %parallel_loop3A_989 = vector.broadcast %parallel_loop3A_988 : f32 to vector<16xf32>
          %parallel_loop3A_990 = arith.mulf %parallel_loop3A_987, %parallel_loop3A_989 : vector<16xf32>
          %parallel_loop3A_991 = arith.addf %parallel_loop3A_990, %gather3A_74 : vector<16xf32>
          %parallel_loop3A_992 = arith.addi %mul3A_18, %parallel_loop3A_962 : vector<16xi32>
          tpu.vector_store_idx %arg9[%parallel_loop3A_992], %parallel_loop3A_991 : memref<66048xf32, #tpu.memory_space<vmem>>[vector<16xi32>], vector<16xf32>,
          %parallel_loop3A_993 = arith.constant 1 : i32
          %parallel_loop3A_994 = arith.index_cast %parallel_loop3A_993 : i32 to index
          %parallel_loop3A_995 = arith.index_cast %parallel_loop3A_959 : i32 to index
          %parallel_loop3A_996 = arith.constant 48 : index
          %parallel_loop3A_997 = tpu.vector_load %arg8[%parallel_loop3A_994, %parallel_loop3A_995, %parallel_loop3A_996] {strides = array<i32>} : memref<2x128x64xf32, #tpu.memory_space<vmem>>, vector<16xf32>,
          %parallel_loop3A_998 = arith.constant 8.000000e+00 : f32
          %parallel_loop3A_999 = vector.broadcast %parallel_loop3A_998 : f32 to vector<16xf32>
          %parallel_loop3A_1000 = arith.mulf %parallel_loop3A_997, %parallel_loop3A_999 : vector<16xf32>
          %parallel_loop3A_1001 = arith.addf %parallel_loop3A_1000, %gather3A_76 : vector<16xf32>
          %parallel_loop3A_1002 = arith.addi %mul3A_24, %parallel_loop3A_962 : vector<16xi32>
          tpu.vector_store_idx %arg9[%parallel_loop3A_1002], %parallel_loop3A_1001 : memref<66048xf32, #tpu.memory_space<vmem>>[vector<16xi32>], vector<16xf32>,
        } {sc.loop_unroll_factor = 8 : i64, sc.parallel_access}
        %dma_start3A_271 = arith.constant 7 : i32
        %dma_start3A_272 = arith.constant 1 : i32
        %dma_start3A_273 = arith.constant 0 : i32
        %dma_start3A_274 = arith.constant 0 : i32
        %dma_start3A_275 = tpu.memref_slice %arg8[%dma_start3A_272, %dma_start3A_273, %dma_start3A_274] : memref<2x128x64xf32, #tpu.memory_space<vmem>> -> memref<1x128x64xf32, #tpu.memory_space<vmem>>
        %dma_start3A_276 = tpu.memref_squeeze %dma_start3A_275 : memref<1x128x64xf32, #tpu.memory_space<vmem>> -> memref<128x64xf32, #tpu.memory_space<vmem>>
        %dma_start3A_277 = arith.constant 0 : i32
        %dma_start3A_278 = tpu.memref_slice %arg6[%dma_start3A_271, %dma_start3A_277] : memref<8x128xi32, #tpu.memory_space<vmem>> -> memref<1x128xi32, #tpu.memory_space<vmem>>
        %dma_start3A_279 = tpu.memref_squeeze %dma_start3A_278 : memref<1x128xi32, #tpu.memory_space<vmem>> -> memref<128xi32, #tpu.memory_space<vmem>>
        %dma_start3A_280 = arith.constant 0 : i32
        %dma_start3A_281 = arith.constant 0 : i32
        %dma_start3A_282 = tpu.memref_slice %arg4[%dma_start3A_280, %dma_start3A_281] : memref<1000000x64xf32, #tpu.memory_space<hbm>> -> memref<1000000x64xf32, #tpu.memory_space<hbm>>
        tpu.enqueue_indirect_dma source(%dma_start3A_282 : memref<1000000x64xf32, #tpu.memory_space<hbm>>) target(%dma_start3A_276 : memref<128x64xf32, #tpu.memory_space<vmem>>) offsets(%dma_start3A_279 : memref<128xi32, #tpu.memory_space<vmem>>) semaphore(%arg11 : memref<!tpu.dma_semaphore, #tpu.memory_space<semaphore_mem>>)
        %dma_wait3A_283 = arith.constant 0 : i32
        %dma_wait3A_284 = arith.constant 0 : i32
        %dma_wait3A_285 = arith.constant 0 : i32
        %dma_wait3A_286 = tpu.memref_slice %arg8[%dma_wait3A_283, %dma_wait3A_284, %dma_wait3A_285] : memref<2x128x64xf32, #tpu.memory_space<vmem>> -> memref<1x128x64xf32, #tpu.memory_space<vmem>>
        %dma_wait3A_287 = tpu.memref_squeeze %dma_wait3A_286 : memref<1x128x64xf32, #tpu.memory_space<vmem>> -> memref<128x64xf32, #tpu.memory_space<vmem>>
        %dma_wait3A_288 = arith.constant 0 : i32
        %dma_wait3A_289 = arith.constant 0 : i32
        %dma_wait3A_290 = tpu.memref_slice %arg4[%dma_wait3A_288, %dma_wait3A_289] : memref<1000000x64xf32, #tpu.memory_space<hbm>> -> memref<128x64xf32, #tpu.memory_space<hbm>>
        %dma_wait3A_291 = arith.constant 0 : i32
        %dma_wait3A_292 = arith.constant 0 : i32
        %dma_wait3A_293 = tpu.memref_slice %arg8[%dma_wait3A_283, %dma_wait3A_291, %dma_wait3A_292] : memref<2x128x64xf32, #tpu.memory_space<vmem>> -> memref<1x128x64xf32, #tpu.memory_space<vmem>>
        %dma_wait3A_294 = tpu.memref_squeeze %dma_wait3A_293 : memref<1x128x64xf32, #tpu.memory_space<vmem>> -> memref<128x64xf32, #tpu.memory_space<vmem>>
        %dma_wait3A_295 = arith.constant 0 : i32
        %dma_wait3A_296 = arith.constant 0 : i32
        %dma_wait3A_297 = tpu.memref_slice %arg4[%dma_wait3A_295, %dma_wait3A_296] : memref<1000000x64xf32, #tpu.memory_space<hbm>> -> memref<128x64xf32, #tpu.memory_space<hbm>>
        tpu.wait_dma2 semaphore(%arg10 : memref<!tpu.dma_semaphore, #tpu.memory_space<semaphore_mem>>) src(%dma_wait3A_297 : memref<128x64xf32, #tpu.memory_space<hbm>>) dst(%dma_wait3A_294 : memref<128x64xf32, #tpu.memory_space<vmem>>)
        %parallel_loop3A_298 = arith.constant 0 : i32
        %parallel_loop3A_299 = arith.constant 128 : i32
        %parallel_loop3A_300 = arith.constant 1 : i32
        scf.for %parallel_loop3A_959 = %parallel_loop3A_298 to %parallel_loop3A_299 step %parallel_loop3A_300  : i32 {
          %parallel_loop3A_960 = arith.constant 768 : i32
          %parallel_loop3A_961 = arith.addi %parallel_loop3A_960, %parallel_loop3A_959 : i32
          %parallel_loop3A_962 = vector.broadcast %parallel_loop3A_961 : i32 to vector<16xi32>
          %parallel_loop3A_963 = arith.constant 0 : i32
          %parallel_loop3A_964 = arith.index_cast %parallel_loop3A_963 : i32 to index
          %parallel_loop3A_965 = arith.index_cast %parallel_loop3A_959 : i32 to index
          %parallel_loop3A_966 = arith.constant 0 : index
          %parallel_loop3A_967 = tpu.vector_load %arg8[%parallel_loop3A_964, %parallel_loop3A_965, %parallel_loop3A_966] {strides = array<i32>} : memref<2x128x64xf32, #tpu.memory_space<vmem>>, vector<16xf32>,
          %parallel_loop3A_968 = arith.constant 8.000000e+00 : f32
          %parallel_loop3A_969 = vector.broadcast %parallel_loop3A_968 : f32 to vector<16xf32>
          %parallel_loop3A_970 = arith.mulf %parallel_loop3A_967, %parallel_loop3A_969 : vector<16xf32>
          %parallel_loop3A_971 = arith.addf %parallel_loop3A_970, %gather3A : vector<16xf32>
          %parallel_loop3A_972 = arith.addi %mul3A_6, %parallel_loop3A_962 : vector<16xi32>
          tpu.vector_store_idx %arg9[%parallel_loop3A_972], %parallel_loop3A_971 : memref<66048xf32, #tpu.memory_space<vmem>>[vector<16xi32>], vector<16xf32>,
          %parallel_loop3A_973 = arith.constant 0 : i32
          %parallel_loop3A_974 = arith.index_cast %parallel_loop3A_973 : i32 to index
          %parallel_loop3A_975 = arith.index_cast %parallel_loop3A_959 : i32 to index
          %parallel_loop3A_976 = arith.constant 16 : index
          %parallel_loop3A_977 = tpu.vector_load %arg8[%parallel_loop3A_974, %parallel_loop3A_975, %parallel_loop3A_976] {strides = array<i32>} : memref<2x128x64xf32, #tpu.memory_space<vmem>>, vector<16xf32>,
          %parallel_loop3A_978 = arith.constant 8.000000e+00 : f32
          %parallel_loop3A_979 = vector.broadcast %parallel_loop3A_978 : f32 to vector<16xf32>
          %parallel_loop3A_980 = arith.mulf %parallel_loop3A_977, %parallel_loop3A_979 : vector<16xf32>
          %parallel_loop3A_981 = arith.addf %parallel_loop3A_980, %gather3A_72 : vector<16xf32>
          %parallel_loop3A_982 = arith.addi %mul3A_12, %parallel_loop3A_962 : vector<16xi32>
          tpu.vector_store_idx %arg9[%parallel_loop3A_982], %parallel_loop3A_981 : memref<66048xf32, #tpu.memory_space<vmem>>[vector<16xi32>], vector<16xf32>,
          %parallel_loop3A_983 = arith.constant 0 : i32
          %parallel_loop3A_984 = arith.index_cast %parallel_loop3A_983 : i32 to index
          %parallel_loop3A_985 = arith.index_cast %parallel_loop3A_959 : i32 to index
          %parallel_loop3A_986 = arith.constant 32 : index
          %parallel_loop3A_987 = tpu.vector_load %arg8[%parallel_loop3A_984, %parallel_loop3A_985, %parallel_loop3A_986] {strides = array<i32>} : memref<2x128x64xf32, #tpu.memory_space<vmem>>, vector<16xf32>,
          %parallel_loop3A_988 = arith.constant 8.000000e+00 : f32
          %parallel_loop3A_989 = vector.broadcast %parallel_loop3A_988 : f32 to vector<16xf32>
          %parallel_loop3A_990 = arith.mulf %parallel_loop3A_987, %parallel_loop3A_989 : vector<16xf32>
          %parallel_loop3A_991 = arith.addf %parallel_loop3A_990, %gather3A_74 : vector<16xf32>
          %parallel_loop3A_992 = arith.addi %mul3A_18, %parallel_loop3A_962 : vector<16xi32>
          tpu.vector_store_idx %arg9[%parallel_loop3A_992], %parallel_loop3A_991 : memref<66048xf32, #tpu.memory_space<vmem>>[vector<16xi32>], vector<16xf32>,
          %parallel_loop3A_993 = arith.constant 0 : i32
          %parallel_loop3A_994 = arith.index_cast %parallel_loop3A_993 : i32 to index
          %parallel_loop3A_995 = arith.index_cast %parallel_loop3A_959 : i32 to index
          %parallel_loop3A_996 = arith.constant 48 : index
          %parallel_loop3A_997 = tpu.vector_load %arg8[%parallel_loop3A_994, %parallel_loop3A_995, %parallel_loop3A_996] {strides = array<i32>} : memref<2x128x64xf32, #tpu.memory_space<vmem>>, vector<16xf32>,
          %parallel_loop3A_998 = arith.constant 8.000000e+00 : f32
          %parallel_loop3A_999 = vector.broadcast %parallel_loop3A_998 : f32 to vector<16xf32>
          %parallel_loop3A_1000 = arith.mulf %parallel_loop3A_997, %parallel_loop3A_999 : vector<16xf32>
          %parallel_loop3A_1001 = arith.addf %parallel_loop3A_1000, %gather3A_76 : vector<16xf32>
          %parallel_loop3A_1002 = arith.addi %mul3A_24, %parallel_loop3A_962 : vector<16xi32>
          tpu.vector_store_idx %arg9[%parallel_loop3A_1002], %parallel_loop3A_1001 : memref<66048xf32, #tpu.memory_space<vmem>>[vector<16xi32>], vector<16xf32>,
        } {sc.loop_unroll_factor = 8 : i64, sc.parallel_access}
        %dma_wait3A_301 = arith.constant 1 : i32
        %dma_wait3A_302 = arith.constant 0 : i32
        %dma_wait3A_303 = arith.constant 0 : i32
        %dma_wait3A_304 = tpu.memref_slice %arg8[%dma_wait3A_301, %dma_wait3A_302, %dma_wait3A_303] : memref<2x128x64xf32, #tpu.memory_space<vmem>> -> memref<1x128x64xf32, #tpu.memory_space<vmem>>
        %dma_wait3A_305 = tpu.memref_squeeze %dma_wait3A_304 : memref<1x128x64xf32, #tpu.memory_space<vmem>> -> memref<128x64xf32, #tpu.memory_space<vmem>>
        %dma_wait3A_306 = arith.constant 0 : i32
        %dma_wait3A_307 = arith.constant 0 : i32
        %dma_wait3A_308 = tpu.memref_slice %arg4[%dma_wait3A_306, %dma_wait3A_307] : memref<1000000x64xf32, #tpu.memory_space<hbm>> -> memref<128x64xf32, #tpu.memory_space<hbm>>
        %dma_wait3A_309 = arith.constant 0 : i32
        %dma_wait3A_310 = arith.constant 0 : i32
        %dma_wait3A_311 = tpu.memref_slice %arg8[%dma_wait3A_301, %dma_wait3A_309, %dma_wait3A_310] : memref<2x128x64xf32, #tpu.memory_space<vmem>> -> memref<1x128x64xf32, #tpu.memory_space<vmem>>
        %dma_wait3A_312 = tpu.memref_squeeze %dma_wait3A_311 : memref<1x128x64xf32, #tpu.memory_space<vmem>> -> memref<128x64xf32, #tpu.memory_space<vmem>>
        %dma_wait3A_313 = arith.constant 0 : i32
        %dma_wait3A_314 = arith.constant 0 : i32
        %dma_wait3A_315 = tpu.memref_slice %arg4[%dma_wait3A_313, %dma_wait3A_314] : memref<1000000x64xf32, #tpu.memory_space<hbm>> -> memref<128x64xf32, #tpu.memory_space<hbm>>
        tpu.wait_dma2 semaphore(%arg11 : memref<!tpu.dma_semaphore, #tpu.memory_space<semaphore_mem>>) src(%dma_wait3A_315 : memref<128x64xf32, #tpu.memory_space<hbm>>) dst(%dma_wait3A_312 : memref<128x64xf32, #tpu.memory_space<vmem>>)
        %parallel_loop3A_316 = arith.constant 0 : i32
        %parallel_loop3A_317 = arith.constant 128 : i32
        %parallel_loop3A_318 = arith.constant 1 : i32
        scf.for %parallel_loop3A_959 = %parallel_loop3A_316 to %parallel_loop3A_317 step %parallel_loop3A_318  : i32 {
          %parallel_loop3A_960 = arith.constant 896 : i32
          %parallel_loop3A_961 = arith.addi %parallel_loop3A_960, %parallel_loop3A_959 : i32
          %parallel_loop3A_962 = vector.broadcast %parallel_loop3A_961 : i32 to vector<16xi32>
          %parallel_loop3A_963 = arith.constant 1 : i32
          %parallel_loop3A_964 = arith.index_cast %parallel_loop3A_963 : i32 to index
          %parallel_loop3A_965 = arith.index_cast %parallel_loop3A_959 : i32 to index
          %parallel_loop3A_966 = arith.constant 0 : index
          %parallel_loop3A_967 = tpu.vector_load %arg8[%parallel_loop3A_964, %parallel_loop3A_965, %parallel_loop3A_966] {strides = array<i32>} : memref<2x128x64xf32, #tpu.memory_space<vmem>>, vector<16xf32>,
          %parallel_loop3A_968 = arith.constant 8.000000e+00 : f32
          %parallel_loop3A_969 = vector.broadcast %parallel_loop3A_968 : f32 to vector<16xf32>
          %parallel_loop3A_970 = arith.mulf %parallel_loop3A_967, %parallel_loop3A_969 : vector<16xf32>
          %parallel_loop3A_971 = arith.addf %parallel_loop3A_970, %gather3A : vector<16xf32>
          %parallel_loop3A_972 = arith.addi %mul3A_6, %parallel_loop3A_962 : vector<16xi32>
          tpu.vector_store_idx %arg9[%parallel_loop3A_972], %parallel_loop3A_971 : memref<66048xf32, #tpu.memory_space<vmem>>[vector<16xi32>], vector<16xf32>,
          %parallel_loop3A_973 = arith.constant 1 : i32
          %parallel_loop3A_974 = arith.index_cast %parallel_loop3A_973 : i32 to index
          %parallel_loop3A_975 = arith.index_cast %parallel_loop3A_959 : i32 to index
          %parallel_loop3A_976 = arith.constant 16 : index
          %parallel_loop3A_977 = tpu.vector_load %arg8[%parallel_loop3A_974, %parallel_loop3A_975, %parallel_loop3A_976] {strides = array<i32>} : memref<2x128x64xf32, #tpu.memory_space<vmem>>, vector<16xf32>,
          %parallel_loop3A_978 = arith.constant 8.000000e+00 : f32
          %parallel_loop3A_979 = vector.broadcast %parallel_loop3A_978 : f32 to vector<16xf32>
          %parallel_loop3A_980 = arith.mulf %parallel_loop3A_977, %parallel_loop3A_979 : vector<16xf32>
          %parallel_loop3A_981 = arith.addf %parallel_loop3A_980, %gather3A_72 : vector<16xf32>
          %parallel_loop3A_982 = arith.addi %mul3A_12, %parallel_loop3A_962 : vector<16xi32>
          tpu.vector_store_idx %arg9[%parallel_loop3A_982], %parallel_loop3A_981 : memref<66048xf32, #tpu.memory_space<vmem>>[vector<16xi32>], vector<16xf32>,
          %parallel_loop3A_983 = arith.constant 1 : i32
          %parallel_loop3A_984 = arith.index_cast %parallel_loop3A_983 : i32 to index
          %parallel_loop3A_985 = arith.index_cast %parallel_loop3A_959 : i32 to index
          %parallel_loop3A_986 = arith.constant 32 : index
          %parallel_loop3A_987 = tpu.vector_load %arg8[%parallel_loop3A_984, %parallel_loop3A_985, %parallel_loop3A_986] {strides = array<i32>} : memref<2x128x64xf32, #tpu.memory_space<vmem>>, vector<16xf32>,
          %parallel_loop3A_988 = arith.constant 8.000000e+00 : f32
          %parallel_loop3A_989 = vector.broadcast %parallel_loop3A_988 : f32 to vector<16xf32>
          %parallel_loop3A_990 = arith.mulf %parallel_loop3A_987, %parallel_loop3A_989 : vector<16xf32>
          %parallel_loop3A_991 = arith.addf %parallel_loop3A_990, %gather3A_74 : vector<16xf32>
          %parallel_loop3A_992 = arith.addi %mul3A_18, %parallel_loop3A_962 : vector<16xi32>
          tpu.vector_store_idx %arg9[%parallel_loop3A_992], %parallel_loop3A_991 : memref<66048xf32, #tpu.memory_space<vmem>>[vector<16xi32>], vector<16xf32>,
          %parallel_loop3A_993 = arith.constant 1 : i32
          %parallel_loop3A_994 = arith.index_cast %parallel_loop3A_993 : i32 to index
          %parallel_loop3A_995 = arith.index_cast %parallel_loop3A_959 : i32 to index
          %parallel_loop3A_996 = arith.constant 48 : index
          %parallel_loop3A_997 = tpu.vector_load %arg8[%parallel_loop3A_994, %parallel_loop3A_995, %parallel_loop3A_996] {strides = array<i32>} : memref<2x128x64xf32, #tpu.memory_space<vmem>>, vector<16xf32>,
          %parallel_loop3A_998 = arith.constant 8.000000e+00 : f32
          %parallel_loop3A_999 = vector.broadcast %parallel_loop3A_998 : f32 to vector<16xf32>
          %parallel_loop3A_1000 = arith.mulf %parallel_loop3A_997, %parallel_loop3A_999 : vector<16xf32>
          %parallel_loop3A_1001 = arith.addf %parallel_loop3A_1000, %gather3A_76 : vector<16xf32>
          %parallel_loop3A_1002 = arith.addi %mul3A_24, %parallel_loop3A_962 : vector<16xi32>
          tpu.vector_store_idx %arg9[%parallel_loop3A_1002], %parallel_loop3A_1001 : memref<66048xf32, #tpu.memory_space<vmem>>[vector<16xi32>], vector<16xf32>,
        } {sc.loop_unroll_factor = 8 : i64, sc.parallel_access}
        %dma_start3A_319 = arith.constant 0 : i32
        %dma_start3A_320 = tpu.memref_slice %arg9[%dma_start3A_319] : memref<66048xf32, #tpu.memory_space<vmem>> -> memref<1024xf32, #tpu.memory_space<vmem>>
        %dma_start3A_321 = arith.constant 0 : i32
        %dma_start3A_322 = tpu.memref_slice %arg5[%add3A_67, %dma_start3A_321] : memref<200x65536xf32, #tpu.memory_space<hbm>> -> memref<1x1024xf32, #tpu.memory_space<hbm>>
        %dma_start3A_323 = tpu.memref_squeeze %dma_start3A_322 : memref<1x1024xf32, #tpu.memory_space<hbm>> -> memref<1024xf32, #tpu.memory_space<hbm>>
        %dma_start3A_324 = arith.constant 0 : i32
        %dma_start3A_325 = tpu.memref_slice %arg5[%add3A_67, %dma_start3A_324] : memref<200x65536xf32, #tpu.memory_space<hbm>> -> memref<1x1024xf32, #tpu.memory_space<hbm>>
        %dma_start3A_326 = tpu.memref_squeeze %dma_start3A_325 : memref<1x1024xf32, #tpu.memory_space<hbm>> -> memref<1024xf32, #tpu.memory_space<hbm>>
        %dma_start3A_327 = arith.constant 0 : i32
        %dma_start3A_328 = tpu.memref_slice %arg9[%dma_start3A_327] : memref<66048xf32, #tpu.memory_space<vmem>> -> memref<1024xf32, #tpu.memory_space<vmem>>
        tpu.enqueue_dma source(%dma_start3A_328 : memref<1024xf32, #tpu.memory_space<vmem>>) target(%dma_start3A_326 : memref<1024xf32, #tpu.memory_space<hbm>>) target_semaphore(%arg12 : memref<!tpu.dma_semaphore, #tpu.memory_space<semaphore_mem>>)
        %dma_start3A_329 = arith.constant 1032 : i32
        %dma_start3A_330 = tpu.memref_slice %arg9[%dma_start3A_329] : memref<66048xf32, #tpu.memory_space<vmem>> -> memref<1024xf32, #tpu.memory_space<vmem>>
        %dma_start3A_331 = arith.constant 1024 : i32
        %dma_start3A_332 = tpu.memref_slice %arg5[%add3A_67, %dma_start3A_331] : memref<200x65536xf32, #tpu.memory_space<hbm>> -> memref<1x1024xf32, #tpu.memory_space<hbm>>
        %dma_start3A_333 = tpu.memref_squeeze %dma_start3A_332 : memref<1x1024xf32, #tpu.memory_space<hbm>> -> memref<1024xf32, #tpu.memory_space<hbm>>
        %dma_start3A_334 = arith.constant 1024 : i32
        %dma_start3A_335 = tpu.memref_slice %arg5[%add3A_67, %dma_start3A_334] : memref<200x65536xf32, #tpu.memory_space<hbm>> -> memref<1x1024xf32, #tpu.memory_space<hbm>>
        %dma_start3A_336 = tpu.memref_squeeze %dma_start3A_335 : memref<1x1024xf32, #tpu.memory_space<hbm>> -> memref<1024xf32, #tpu.memory_space<hbm>>
        %dma_start3A_337 = arith.constant 1032 : i32
        %dma_start3A_338 = tpu.memref_slice %arg9[%dma_start3A_337] : memref<66048xf32, #tpu.memory_space<vmem>> -> memref<1024xf32, #tpu.memory_space<vmem>>
        tpu.enqueue_dma source(%dma_start3A_338 : memref<1024xf32, #tpu.memory_space<vmem>>) target(%dma_start3A_336 : memref<1024xf32, #tpu.memory_space<hbm>>) target_semaphore(%arg12 : memref<!tpu.dma_semaphore, #tpu.memory_space<semaphore_mem>>)
        %dma_start3A_339 = arith.constant 2064 : i32
        %dma_start3A_340 = tpu.memref_slice %arg9[%dma_start3A_339] : memref<66048xf32, #tpu.memory_space<vmem>> -> memref<1024xf32, #tpu.memory_space<vmem>>
        %dma_start3A_341 = arith.constant 2048 : i32
        %dma_start3A_342 = tpu.memref_slice %arg5[%add3A_67, %dma_start3A_341] : memref<200x65536xf32, #tpu.memory_space<hbm>> -> memref<1x1024xf32, #tpu.memory_space<hbm>>
        %dma_start3A_343 = tpu.memref_squeeze %dma_start3A_342 : memref<1x1024xf32, #tpu.memory_space<hbm>> -> memref<1024xf32, #tpu.memory_space<hbm>>
        %dma_start3A_344 = arith.constant 2048 : i32
        %dma_start3A_345 = tpu.memref_slice %arg5[%add3A_67, %dma_start3A_344] : memref<200x65536xf32, #tpu.memory_space<hbm>> -> memref<1x1024xf32, #tpu.memory_space<hbm>>
        %dma_start3A_346 = tpu.memref_squeeze %dma_start3A_345 : memref<1x1024xf32, #tpu.memory_space<hbm>> -> memref<1024xf32, #tpu.memory_space<hbm>>
        %dma_start3A_347 = arith.constant 2064 : i32
        %dma_start3A_348 = tpu.memref_slice %arg9[%dma_start3A_347] : memref<66048xf32, #tpu.memory_space<vmem>> -> memref<1024xf32, #tpu.memory_space<vmem>>
        tpu.enqueue_dma source(%dma_start3A_348 : memref<1024xf32, #tpu.memory_space<vmem>>) target(%dma_start3A_346 : memref<1024xf32, #tpu.memory_space<hbm>>) target_semaphore(%arg12 : memref<!tpu.dma_semaphore, #tpu.memory_space<semaphore_mem>>)
        %dma_start3A_349 = arith.constant 3096 : i32
        %dma_start3A_350 = tpu.memref_slice %arg9[%dma_start3A_349] : memref<66048xf32, #tpu.memory_space<vmem>> -> memref<1024xf32, #tpu.memory_space<vmem>>
        %dma_start3A_351 = arith.constant 3072 : i32
        %dma_start3A_352 = tpu.memref_slice %arg5[%add3A_67, %dma_start3A_351] : memref<200x65536xf32, #tpu.memory_space<hbm>> -> memref<1x1024xf32, #tpu.memory_space<hbm>>
        %dma_start3A_353 = tpu.memref_squeeze %dma_start3A_352 : memref<1x1024xf32, #tpu.memory_space<hbm>> -> memref<1024xf32, #tpu.memory_space<hbm>>
        %dma_start3A_354 = arith.constant 3072 : i32
        %dma_start3A_355 = tpu.memref_slice %arg5[%add3A_67, %dma_start3A_354] : memref<200x65536xf32, #tpu.memory_space<hbm>> -> memref<1x1024xf32, #tpu.memory_space<hbm>>
        %dma_start3A_356 = tpu.memref_squeeze %dma_start3A_355 : memref<1x1024xf32, #tpu.memory_space<hbm>> -> memref<1024xf32, #tpu.memory_space<hbm>>
        %dma_start3A_357 = arith.constant 3096 : i32
        %dma_start3A_358 = tpu.memref_slice %arg9[%dma_start3A_357] : memref<66048xf32, #tpu.memory_space<vmem>> -> memref<1024xf32, #tpu.memory_space<vmem>>
        tpu.enqueue_dma source(%dma_start3A_358 : memref<1024xf32, #tpu.memory_space<vmem>>) target(%dma_start3A_356 : memref<1024xf32, #tpu.memory_space<hbm>>) target_semaphore(%arg12 : memref<!tpu.dma_semaphore, #tpu.memory_space<semaphore_mem>>)
        %dma_start3A_359 = arith.constant 4128 : i32
        %dma_start3A_360 = tpu.memref_slice %arg9[%dma_start3A_359] : memref<66048xf32, #tpu.memory_space<vmem>> -> memref<1024xf32, #tpu.memory_space<vmem>>
        %dma_start3A_361 = arith.constant 4096 : i32
        %dma_start3A_362 = tpu.memref_slice %arg5[%add3A_67, %dma_start3A_361] : memref<200x65536xf32, #tpu.memory_space<hbm>> -> memref<1x1024xf32, #tpu.memory_space<hbm>>
        %dma_start3A_363 = tpu.memref_squeeze %dma_start3A_362 : memref<1x1024xf32, #tpu.memory_space<hbm>> -> memref<1024xf32, #tpu.memory_space<hbm>>
        %dma_start3A_364 = arith.constant 4096 : i32
        %dma_start3A_365 = tpu.memref_slice %arg5[%add3A_67, %dma_start3A_364] : memref<200x65536xf32, #tpu.memory_space<hbm>> -> memref<1x1024xf32, #tpu.memory_space<hbm>>
        %dma_start3A_366 = tpu.memref_squeeze %dma_start3A_365 : memref<1x1024xf32, #tpu.memory_space<hbm>> -> memref<1024xf32, #tpu.memory_space<hbm>>
        %dma_start3A_367 = arith.constant 4128 : i32
        %dma_start3A_368 = tpu.memref_slice %arg9[%dma_start3A_367] : memref<66048xf32, #tpu.memory_space<vmem>> -> memref<1024xf32, #tpu.memory_space<vmem>>
        tpu.enqueue_dma source(%dma_start3A_368 : memref<1024xf32, #tpu.memory_space<vmem>>) target(%dma_start3A_366 : memref<1024xf32, #tpu.memory_space<hbm>>) target_semaphore(%arg12 : memref<!tpu.dma_semaphore, #tpu.memory_space<semaphore_mem>>)
        %dma_start3A_369 = arith.constant 5160 : i32
        %dma_start3A_370 = tpu.memref_slice %arg9[%dma_start3A_369] : memref<66048xf32, #tpu.memory_space<vmem>> -> memref<1024xf32, #tpu.memory_space<vmem>>
        %dma_start3A_371 = arith.constant 5120 : i32
        %dma_start3A_372 = tpu.memref_slice %arg5[%add3A_67, %dma_start3A_371] : memref<200x65536xf32, #tpu.memory_space<hbm>> -> memref<1x1024xf32, #tpu.memory_space<hbm>>
        %dma_start3A_373 = tpu.memref_squeeze %dma_start3A_372 : memref<1x1024xf32, #tpu.memory_space<hbm>> -> memref<1024xf32, #tpu.memory_space<hbm>>
        %dma_start3A_374 = arith.constant 5120 : i32
        %dma_start3A_375 = tpu.memref_slice %arg5[%add3A_67, %dma_start3A_374] : memref<200x65536xf32, #tpu.memory_space<hbm>> -> memref<1x1024xf32, #tpu.memory_space<hbm>>
        %dma_start3A_376 = tpu.memref_squeeze %dma_start3A_375 : memref<1x1024xf32, #tpu.memory_space<hbm>> -> memref<1024xf32, #tpu.memory_space<hbm>>
        %dma_start3A_377 = arith.constant 5160 : i32
        %dma_start3A_378 = tpu.memref_slice %arg9[%dma_start3A_377] : memref<66048xf32, #tpu.memory_space<vmem>> -> memref<1024xf32, #tpu.memory_space<vmem>>
        tpu.enqueue_dma source(%dma_start3A_378 : memref<1024xf32, #tpu.memory_space<vmem>>) target(%dma_start3A_376 : memref<1024xf32, #tpu.memory_space<hbm>>) target_semaphore(%arg12 : memref<!tpu.dma_semaphore, #tpu.memory_space<semaphore_mem>>)
        %dma_start3A_379 = arith.constant 6192 : i32
        %dma_start3A_380 = tpu.memref_slice %arg9[%dma_start3A_379] : memref<66048xf32, #tpu.memory_space<vmem>> -> memref<1024xf32, #tpu.memory_space<vmem>>
        %dma_start3A_381 = arith.constant 6144 : i32
        %dma_start3A_382 = tpu.memref_slice %arg5[%add3A_67, %dma_start3A_381] : memref<200x65536xf32, #tpu.memory_space<hbm>> -> memref<1x1024xf32, #tpu.memory_space<hbm>>
        %dma_start3A_383 = tpu.memref_squeeze %dma_start3A_382 : memref<1x1024xf32, #tpu.memory_space<hbm>> -> memref<1024xf32, #tpu.memory_space<hbm>>
        %dma_start3A_384 = arith.constant 6144 : i32
        %dma_start3A_385 = tpu.memref_slice %arg5[%add3A_67, %dma_start3A_384] : memref<200x65536xf32, #tpu.memory_space<hbm>> -> memref<1x1024xf32, #tpu.memory_space<hbm>>
        %dma_start3A_386 = tpu.memref_squeeze %dma_start3A_385 : memref<1x1024xf32, #tpu.memory_space<hbm>> -> memref<1024xf32, #tpu.memory_space<hbm>>
        %dma_start3A_387 = arith.constant 6192 : i32
        %dma_start3A_388 = tpu.memref_slice %arg9[%dma_start3A_387] : memref<66048xf32, #tpu.memory_space<vmem>> -> memref<1024xf32, #tpu.memory_space<vmem>>
        tpu.enqueue_dma source(%dma_start3A_388 : memref<1024xf32, #tpu.memory_space<vmem>>) target(%dma_start3A_386 : memref<1024xf32, #tpu.memory_space<hbm>>) target_semaphore(%arg12 : memref<!tpu.dma_semaphore, #tpu.memory_space<semaphore_mem>>)
        %dma_start3A_389 = arith.constant 7224 : i32
        %dma_start3A_390 = tpu.memref_slice %arg9[%dma_start3A_389] : memref<66048xf32, #tpu.memory_space<vmem>> -> memref<1024xf32, #tpu.memory_space<vmem>>
        %dma_start3A_391 = arith.constant 7168 : i32
        %dma_start3A_392 = tpu.memref_slice %arg5[%add3A_67, %dma_start3A_391] : memref<200x65536xf32, #tpu.memory_space<hbm>> -> memref<1x1024xf32, #tpu.memory_space<hbm>>
        %dma_start3A_393 = tpu.memref_squeeze %dma_start3A_392 : memref<1x1024xf32, #tpu.memory_space<hbm>> -> memref<1024xf32, #tpu.memory_space<hbm>>
        %dma_start3A_394 = arith.constant 7168 : i32
        %dma_start3A_395 = tpu.memref_slice %arg5[%add3A_67, %dma_start3A_394] : memref<200x65536xf32, #tpu.memory_space<hbm>> -> memref<1x1024xf32, #tpu.memory_space<hbm>>
        %dma_start3A_396 = tpu.memref_squeeze %dma_start3A_395 : memref<1x1024xf32, #tpu.memory_space<hbm>> -> memref<1024xf32, #tpu.memory_space<hbm>>
        %dma_start3A_397 = arith.constant 7224 : i32
        %dma_start3A_398 = tpu.memref_slice %arg9[%dma_start3A_397] : memref<66048xf32, #tpu.memory_space<vmem>> -> memref<1024xf32, #tpu.memory_space<vmem>>
        tpu.enqueue_dma source(%dma_start3A_398 : memref<1024xf32, #tpu.memory_space<vmem>>) target(%dma_start3A_396 : memref<1024xf32, #tpu.memory_space<hbm>>) target_semaphore(%arg12 : memref<!tpu.dma_semaphore, #tpu.memory_space<semaphore_mem>>)
        %dma_start3A_399 = arith.constant 8256 : i32
        %dma_start3A_400 = tpu.memref_slice %arg9[%dma_start3A_399] : memref<66048xf32, #tpu.memory_space<vmem>> -> memref<1024xf32, #tpu.memory_space<vmem>>
        %dma_start3A_401 = arith.constant 8192 : i32
        %dma_start3A_402 = tpu.memref_slice %arg5[%add3A_67, %dma_start3A_401] : memref<200x65536xf32, #tpu.memory_space<hbm>> -> memref<1x1024xf32, #tpu.memory_space<hbm>>
        %dma_start3A_403 = tpu.memref_squeeze %dma_start3A_402 : memref<1x1024xf32, #tpu.memory_space<hbm>> -> memref<1024xf32, #tpu.memory_space<hbm>>
        %dma_start3A_404 = arith.constant 8192 : i32
        %dma_start3A_405 = tpu.memref_slice %arg5[%add3A_67, %dma_start3A_404] : memref<200x65536xf32, #tpu.memory_space<hbm>> -> memref<1x1024xf32, #tpu.memory_space<hbm>>
        %dma_start3A_406 = tpu.memref_squeeze %dma_start3A_405 : memref<1x1024xf32, #tpu.memory_space<hbm>> -> memref<1024xf32, #tpu.memory_space<hbm>>
        %dma_start3A_407 = arith.constant 8256 : i32
        %dma_start3A_408 = tpu.memref_slice %arg9[%dma_start3A_407] : memref<66048xf32, #tpu.memory_space<vmem>> -> memref<1024xf32, #tpu.memory_space<vmem>>
        tpu.enqueue_dma source(%dma_start3A_408 : memref<1024xf32, #tpu.memory_space<vmem>>) target(%dma_start3A_406 : memref<1024xf32, #tpu.memory_space<hbm>>) target_semaphore(%arg12 : memref<!tpu.dma_semaphore, #tpu.memory_space<semaphore_mem>>)
        %dma_start3A_409 = arith.constant 9288 : i32
        %dma_start3A_410 = tpu.memref_slice %arg9[%dma_start3A_409] : memref<66048xf32, #tpu.memory_space<vmem>> -> memref<1024xf32, #tpu.memory_space<vmem>>
        %dma_start3A_411 = arith.constant 9216 : i32
        %dma_start3A_412 = tpu.memref_slice %arg5[%add3A_67, %dma_start3A_411] : memref<200x65536xf32, #tpu.memory_space<hbm>> -> memref<1x1024xf32, #tpu.memory_space<hbm>>
        %dma_start3A_413 = tpu.memref_squeeze %dma_start3A_412 : memref<1x1024xf32, #tpu.memory_space<hbm>> -> memref<1024xf32, #tpu.memory_space<hbm>>
        %dma_start3A_414 = arith.constant 9216 : i32
        %dma_start3A_415 = tpu.memref_slice %arg5[%add3A_67, %dma_start3A_414] : memref<200x65536xf32, #tpu.memory_space<hbm>> -> memref<1x1024xf32, #tpu.memory_space<hbm>>
        %dma_start3A_416 = tpu.memref_squeeze %dma_start3A_415 : memref<1x1024xf32, #tpu.memory_space<hbm>> -> memref<1024xf32, #tpu.memory_space<hbm>>
        %dma_start3A_417 = arith.constant 9288 : i32
        %dma_start3A_418 = tpu.memref_slice %arg9[%dma_start3A_417] : memref<66048xf32, #tpu.memory_space<vmem>> -> memref<1024xf32, #tpu.memory_space<vmem>>
        tpu.enqueue_dma source(%dma_start3A_418 : memref<1024xf32, #tpu.memory_space<vmem>>) target(%dma_start3A_416 : memref<1024xf32, #tpu.memory_space<hbm>>) target_semaphore(%arg12 : memref<!tpu.dma_semaphore, #tpu.memory_space<semaphore_mem>>)
        %dma_start3A_419 = arith.constant 10320 : i32
        %dma_start3A_420 = tpu.memref_slice %arg9[%dma_start3A_419] : memref<66048xf32, #tpu.memory_space<vmem>> -> memref<1024xf32, #tpu.memory_space<vmem>>
        %dma_start3A_421 = arith.constant 10240 : i32
        %dma_start3A_422 = tpu.memref_slice %arg5[%add3A_67, %dma_start3A_421] : memref<200x65536xf32, #tpu.memory_space<hbm>> -> memref<1x1024xf32, #tpu.memory_space<hbm>>
        %dma_start3A_423 = tpu.memref_squeeze %dma_start3A_422 : memref<1x1024xf32, #tpu.memory_space<hbm>> -> memref<1024xf32, #tpu.memory_space<hbm>>
        %dma_start3A_424 = arith.constant 10240 : i32
        %dma_start3A_425 = tpu.memref_slice %arg5[%add3A_67, %dma_start3A_424] : memref<200x65536xf32, #tpu.memory_space<hbm>> -> memref<1x1024xf32, #tpu.memory_space<hbm>>
        %dma_start3A_426 = tpu.memref_squeeze %dma_start3A_425 : memref<1x1024xf32, #tpu.memory_space<hbm>> -> memref<1024xf32, #tpu.memory_space<hbm>>
        %dma_start3A_427 = arith.constant 10320 : i32
        %dma_start3A_428 = tpu.memref_slice %arg9[%dma_start3A_427] : memref<66048xf32, #tpu.memory_space<vmem>> -> memref<1024xf32, #tpu.memory_space<vmem>>
        tpu.enqueue_dma source(%dma_start3A_428 : memref<1024xf32, #tpu.memory_space<vmem>>) target(%dma_start3A_426 : memref<1024xf32, #tpu.memory_space<hbm>>) target_semaphore(%arg12 : memref<!tpu.dma_semaphore, #tpu.memory_space<semaphore_mem>>)
        %dma_start3A_429 = arith.constant 11352 : i32
        %dma_start3A_430 = tpu.memref_slice %arg9[%dma_start3A_429] : memref<66048xf32, #tpu.memory_space<vmem>> -> memref<1024xf32, #tpu.memory_space<vmem>>
        %dma_start3A_431 = arith.constant 11264 : i32
        %dma_start3A_432 = tpu.memref_slice %arg5[%add3A_67, %dma_start3A_431] : memref<200x65536xf32, #tpu.memory_space<hbm>> -> memref<1x1024xf32, #tpu.memory_space<hbm>>
        %dma_start3A_433 = tpu.memref_squeeze %dma_start3A_432 : memref<1x1024xf32, #tpu.memory_space<hbm>> -> memref<1024xf32, #tpu.memory_space<hbm>>
        %dma_start3A_434 = arith.constant 11264 : i32
        %dma_start3A_435 = tpu.memref_slice %arg5[%add3A_67, %dma_start3A_434] : memref<200x65536xf32, #tpu.memory_space<hbm>> -> memref<1x1024xf32, #tpu.memory_space<hbm>>
        %dma_start3A_436 = tpu.memref_squeeze %dma_start3A_435 : memref<1x1024xf32, #tpu.memory_space<hbm>> -> memref<1024xf32, #tpu.memory_space<hbm>>
        %dma_start3A_437 = arith.constant 11352 : i32
        %dma_start3A_438 = tpu.memref_slice %arg9[%dma_start3A_437] : memref<66048xf32, #tpu.memory_space<vmem>> -> memref<1024xf32, #tpu.memory_space<vmem>>
        tpu.enqueue_dma source(%dma_start3A_438 : memref<1024xf32, #tpu.memory_space<vmem>>) target(%dma_start3A_436 : memref<1024xf32, #tpu.memory_space<hbm>>) target_semaphore(%arg12 : memref<!tpu.dma_semaphore, #tpu.memory_space<semaphore_mem>>)
        %dma_start3A_439 = arith.constant 12384 : i32
        %dma_start3A_440 = tpu.memref_slice %arg9[%dma_start3A_439] : memref<66048xf32, #tpu.memory_space<vmem>> -> memref<1024xf32, #tpu.memory_space<vmem>>
        %dma_start3A_441 = arith.constant 12288 : i32
        %dma_start3A_442 = tpu.memref_slice %arg5[%add3A_67, %dma_start3A_441] : memref<200x65536xf32, #tpu.memory_space<hbm>> -> memref<1x1024xf32, #tpu.memory_space<hbm>>
        %dma_start3A_443 = tpu.memref_squeeze %dma_start3A_442 : memref<1x1024xf32, #tpu.memory_space<hbm>> -> memref<1024xf32, #tpu.memory_space<hbm>>
        %dma_start3A_444 = arith.constant 12288 : i32
        %dma_start3A_445 = tpu.memref_slice %arg5[%add3A_67, %dma_start3A_444] : memref<200x65536xf32, #tpu.memory_space<hbm>> -> memref<1x1024xf32, #tpu.memory_space<hbm>>
        %dma_start3A_446 = tpu.memref_squeeze %dma_start3A_445 : memref<1x1024xf32, #tpu.memory_space<hbm>> -> memref<1024xf32, #tpu.memory_space<hbm>>
        %dma_start3A_447 = arith.constant 12384 : i32
        %dma_start3A_448 = tpu.memref_slice %arg9[%dma_start3A_447] : memref<66048xf32, #tpu.memory_space<vmem>> -> memref<1024xf32, #tpu.memory_space<vmem>>
        tpu.enqueue_dma source(%dma_start3A_448 : memref<1024xf32, #tpu.memory_space<vmem>>) target(%dma_start3A_446 : memref<1024xf32, #tpu.memory_space<hbm>>) target_semaphore(%arg12 : memref<!tpu.dma_semaphore, #tpu.memory_space<semaphore_mem>>)
        %dma_start3A_449 = arith.constant 13416 : i32
        %dma_start3A_450 = tpu.memref_slice %arg9[%dma_start3A_449] : memref<66048xf32, #tpu.memory_space<vmem>> -> memref<1024xf32, #tpu.memory_space<vmem>>
        %dma_start3A_451 = arith.constant 13312 : i32
        %dma_start3A_452 = tpu.memref_slice %arg5[%add3A_67, %dma_start3A_451] : memref<200x65536xf32, #tpu.memory_space<hbm>> -> memref<1x1024xf32, #tpu.memory_space<hbm>>
        %dma_start3A_453 = tpu.memref_squeeze %dma_start3A_452 : memref<1x1024xf32, #tpu.memory_space<hbm>> -> memref<1024xf32, #tpu.memory_space<hbm>>
        %dma_start3A_454 = arith.constant 13312 : i32
        %dma_start3A_455 = tpu.memref_slice %arg5[%add3A_67, %dma_start3A_454] : memref<200x65536xf32, #tpu.memory_space<hbm>> -> memref<1x1024xf32, #tpu.memory_space<hbm>>
        %dma_start3A_456 = tpu.memref_squeeze %dma_start3A_455 : memref<1x1024xf32, #tpu.memory_space<hbm>> -> memref<1024xf32, #tpu.memory_space<hbm>>
        %dma_start3A_457 = arith.constant 13416 : i32
        %dma_start3A_458 = tpu.memref_slice %arg9[%dma_start3A_457] : memref<66048xf32, #tpu.memory_space<vmem>> -> memref<1024xf32, #tpu.memory_space<vmem>>
        tpu.enqueue_dma source(%dma_start3A_458 : memref<1024xf32, #tpu.memory_space<vmem>>) target(%dma_start3A_456 : memref<1024xf32, #tpu.memory_space<hbm>>) target_semaphore(%arg12 : memref<!tpu.dma_semaphore, #tpu.memory_space<semaphore_mem>>)
        %dma_start3A_459 = arith.constant 14448 : i32
        %dma_start3A_460 = tpu.memref_slice %arg9[%dma_start3A_459] : memref<66048xf32, #tpu.memory_space<vmem>> -> memref<1024xf32, #tpu.memory_space<vmem>>
        %dma_start3A_461 = arith.constant 14336 : i32
        %dma_start3A_462 = tpu.memref_slice %arg5[%add3A_67, %dma_start3A_461] : memref<200x65536xf32, #tpu.memory_space<hbm>> -> memref<1x1024xf32, #tpu.memory_space<hbm>>
        %dma_start3A_463 = tpu.memref_squeeze %dma_start3A_462 : memref<1x1024xf32, #tpu.memory_space<hbm>> -> memref<1024xf32, #tpu.memory_space<hbm>>
        %dma_start3A_464 = arith.constant 14336 : i32
        %dma_start3A_465 = tpu.memref_slice %arg5[%add3A_67, %dma_start3A_464] : memref<200x65536xf32, #tpu.memory_space<hbm>> -> memref<1x1024xf32, #tpu.memory_space<hbm>>
        %dma_start3A_466 = tpu.memref_squeeze %dma_start3A_465 : memref<1x1024xf32, #tpu.memory_space<hbm>> -> memref<1024xf32, #tpu.memory_space<hbm>>
        %dma_start3A_467 = arith.constant 14448 : i32
        %dma_start3A_468 = tpu.memref_slice %arg9[%dma_start3A_467] : memref<66048xf32, #tpu.memory_space<vmem>> -> memref<1024xf32, #tpu.memory_space<vmem>>
        tpu.enqueue_dma source(%dma_start3A_468 : memref<1024xf32, #tpu.memory_space<vmem>>) target(%dma_start3A_466 : memref<1024xf32, #tpu.memory_space<hbm>>) target_semaphore(%arg12 : memref<!tpu.dma_semaphore, #tpu.memory_space<semaphore_mem>>)
        %dma_start3A_469 = arith.constant 15480 : i32
        %dma_start3A_470 = tpu.memref_slice %arg9[%dma_start3A_469] : memref<66048xf32, #tpu.memory_space<vmem>> -> memref<1024xf32, #tpu.memory_space<vmem>>
        %dma_start3A_471 = arith.constant 15360 : i32
        %dma_start3A_472 = tpu.memref_slice %arg5[%add3A_67, %dma_start3A_471] : memref<200x65536xf32, #tpu.memory_space<hbm>> -> memref<1x1024xf32, #tpu.memory_space<hbm>>
        %dma_start3A_473 = tpu.memref_squeeze %dma_start3A_472 : memref<1x1024xf32, #tpu.memory_space<hbm>> -> memref<1024xf32, #tpu.memory_space<hbm>>
        %dma_start3A_474 = arith.constant 15360 : i32
        %dma_start3A_475 = tpu.memref_slice %arg5[%add3A_67, %dma_start3A_474] : memref<200x65536xf32, #tpu.memory_space<hbm>> -> memref<1x1024xf32, #tpu.memory_space<hbm>>
        %dma_start3A_476 = tpu.memref_squeeze %dma_start3A_475 : memref<1x1024xf32, #tpu.memory_space<hbm>> -> memref<1024xf32, #tpu.memory_space<hbm>>
        %dma_start3A_477 = arith.constant 15480 : i32
        %dma_start3A_478 = tpu.memref_slice %arg9[%dma_start3A_477] : memref<66048xf32, #tpu.memory_space<vmem>> -> memref<1024xf32, #tpu.memory_space<vmem>>
        tpu.enqueue_dma source(%dma_start3A_478 : memref<1024xf32, #tpu.memory_space<vmem>>) target(%dma_start3A_476 : memref<1024xf32, #tpu.memory_space<hbm>>) target_semaphore(%arg12 : memref<!tpu.dma_semaphore, #tpu.memory_space<semaphore_mem>>)
        %dma_start3A_479 = arith.constant 16512 : i32
        %dma_start3A_480 = tpu.memref_slice %arg9[%dma_start3A_479] : memref<66048xf32, #tpu.memory_space<vmem>> -> memref<1024xf32, #tpu.memory_space<vmem>>
        %dma_start3A_481 = arith.constant 16384 : i32
        %dma_start3A_482 = tpu.memref_slice %arg5[%add3A_67, %dma_start3A_481] : memref<200x65536xf32, #tpu.memory_space<hbm>> -> memref<1x1024xf32, #tpu.memory_space<hbm>>
        %dma_start3A_483 = tpu.memref_squeeze %dma_start3A_482 : memref<1x1024xf32, #tpu.memory_space<hbm>> -> memref<1024xf32, #tpu.memory_space<hbm>>
        %dma_start3A_484 = arith.constant 16384 : i32
        %dma_start3A_485 = tpu.memref_slice %arg5[%add3A_67, %dma_start3A_484] : memref<200x65536xf32, #tpu.memory_space<hbm>> -> memref<1x1024xf32, #tpu.memory_space<hbm>>
        %dma_start3A_486 = tpu.memref_squeeze %dma_start3A_485 : memref<1x1024xf32, #tpu.memory_space<hbm>> -> memref<1024xf32, #tpu.memory_space<hbm>>
        %dma_start3A_487 = arith.constant 16512 : i32
        %dma_start3A_488 = tpu.memref_slice %arg9[%dma_start3A_487] : memref<66048xf32, #tpu.memory_space<vmem>> -> memref<1024xf32, #tpu.memory_space<vmem>>
        tpu.enqueue_dma source(%dma_start3A_488 : memref<1024xf32, #tpu.memory_space<vmem>>) target(%dma_start3A_486 : memref<1024xf32, #tpu.memory_space<hbm>>) target_semaphore(%arg12 : memref<!tpu.dma_semaphore, #tpu.memory_space<semaphore_mem>>)
        %dma_start3A_489 = arith.constant 17544 : i32
        %dma_start3A_490 = tpu.memref_slice %arg9[%dma_start3A_489] : memref<66048xf32, #tpu.memory_space<vmem>> -> memref<1024xf32, #tpu.memory_space<vmem>>
        %dma_start3A_491 = arith.constant 17408 : i32
        %dma_start3A_492 = tpu.memref_slice %arg5[%add3A_67, %dma_start3A_491] : memref<200x65536xf32, #tpu.memory_space<hbm>> -> memref<1x1024xf32, #tpu.memory_space<hbm>>
        %dma_start3A_493 = tpu.memref_squeeze %dma_start3A_492 : memref<1x1024xf32, #tpu.memory_space<hbm>> -> memref<1024xf32, #tpu.memory_space<hbm>>
        %dma_start3A_494 = arith.constant 17408 : i32
        %dma_start3A_495 = tpu.memref_slice %arg5[%add3A_67, %dma_start3A_494] : memref<200x65536xf32, #tpu.memory_space<hbm>> -> memref<1x1024xf32, #tpu.memory_space<hbm>>
        %dma_start3A_496 = tpu.memref_squeeze %dma_start3A_495 : memref<1x1024xf32, #tpu.memory_space<hbm>> -> memref<1024xf32, #tpu.memory_space<hbm>>
        %dma_start3A_497 = arith.constant 17544 : i32
        %dma_start3A_498 = tpu.memref_slice %arg9[%dma_start3A_497] : memref<66048xf32, #tpu.memory_space<vmem>> -> memref<1024xf32, #tpu.memory_space<vmem>>
        tpu.enqueue_dma source(%dma_start3A_498 : memref<1024xf32, #tpu.memory_space<vmem>>) target(%dma_start3A_496 : memref<1024xf32, #tpu.memory_space<hbm>>) target_semaphore(%arg12 : memref<!tpu.dma_semaphore, #tpu.memory_space<semaphore_mem>>)
        %dma_start3A_499 = arith.constant 18576 : i32
        %dma_start3A_500 = tpu.memref_slice %arg9[%dma_start3A_499] : memref<66048xf32, #tpu.memory_space<vmem>> -> memref<1024xf32, #tpu.memory_space<vmem>>
        %dma_start3A_501 = arith.constant 18432 : i32
        %dma_start3A_502 = tpu.memref_slice %arg5[%add3A_67, %dma_start3A_501] : memref<200x65536xf32, #tpu.memory_space<hbm>> -> memref<1x1024xf32, #tpu.memory_space<hbm>>
        %dma_start3A_503 = tpu.memref_squeeze %dma_start3A_502 : memref<1x1024xf32, #tpu.memory_space<hbm>> -> memref<1024xf32, #tpu.memory_space<hbm>>
        %dma_start3A_504 = arith.constant 18432 : i32
        %dma_start3A_505 = tpu.memref_slice %arg5[%add3A_67, %dma_start3A_504] : memref<200x65536xf32, #tpu.memory_space<hbm>> -> memref<1x1024xf32, #tpu.memory_space<hbm>>
        %dma_start3A_506 = tpu.memref_squeeze %dma_start3A_505 : memref<1x1024xf32, #tpu.memory_space<hbm>> -> memref<1024xf32, #tpu.memory_space<hbm>>
        %dma_start3A_507 = arith.constant 18576 : i32
        %dma_start3A_508 = tpu.memref_slice %arg9[%dma_start3A_507] : memref<66048xf32, #tpu.memory_space<vmem>> -> memref<1024xf32, #tpu.memory_space<vmem>>
        tpu.enqueue_dma source(%dma_start3A_508 : memref<1024xf32, #tpu.memory_space<vmem>>) target(%dma_start3A_506 : memref<1024xf32, #tpu.memory_space<hbm>>) target_semaphore(%arg12 : memref<!tpu.dma_semaphore, #tpu.memory_space<semaphore_mem>>)
        %dma_start3A_509 = arith.constant 19608 : i32
        %dma_start3A_510 = tpu.memref_slice %arg9[%dma_start3A_509] : memref<66048xf32, #tpu.memory_space<vmem>> -> memref<1024xf32, #tpu.memory_space<vmem>>
        %dma_start3A_511 = arith.constant 19456 : i32
        %dma_start3A_512 = tpu.memref_slice %arg5[%add3A_67, %dma_start3A_511] : memref<200x65536xf32, #tpu.memory_space<hbm>> -> memref<1x1024xf32, #tpu.memory_space<hbm>>
        %dma_start3A_513 = tpu.memref_squeeze %dma_start3A_512 : memref<1x1024xf32, #tpu.memory_space<hbm>> -> memref<1024xf32, #tpu.memory_space<hbm>>
        %dma_start3A_514 = arith.constant 19456 : i32
        %dma_start3A_515 = tpu.memref_slice %arg5[%add3A_67, %dma_start3A_514] : memref<200x65536xf32, #tpu.memory_space<hbm>> -> memref<1x1024xf32, #tpu.memory_space<hbm>>
        %dma_start3A_516 = tpu.memref_squeeze %dma_start3A_515 : memref<1x1024xf32, #tpu.memory_space<hbm>> -> memref<1024xf32, #tpu.memory_space<hbm>>
        %dma_start3A_517 = arith.constant 19608 : i32
        %dma_start3A_518 = tpu.memref_slice %arg9[%dma_start3A_517] : memref<66048xf32, #tpu.memory_space<vmem>> -> memref<1024xf32, #tpu.memory_space<vmem>>
        tpu.enqueue_dma source(%dma_start3A_518 : memref<1024xf32, #tpu.memory_space<vmem>>) target(%dma_start3A_516 : memref<1024xf32, #tpu.memory_space<hbm>>) target_semaphore(%arg12 : memref<!tpu.dma_semaphore, #tpu.memory_space<semaphore_mem>>)
        %dma_start3A_519 = arith.constant 20640 : i32
        %dma_start3A_520 = tpu.memref_slice %arg9[%dma_start3A_519] : memref<66048xf32, #tpu.memory_space<vmem>> -> memref<1024xf32, #tpu.memory_space<vmem>>
        %dma_start3A_521 = arith.constant 20480 : i32
        %dma_start3A_522 = tpu.memref_slice %arg5[%add3A_67, %dma_start3A_521] : memref<200x65536xf32, #tpu.memory_space<hbm>> -> memref<1x1024xf32, #tpu.memory_space<hbm>>
        %dma_start3A_523 = tpu.memref_squeeze %dma_start3A_522 : memref<1x1024xf32, #tpu.memory_space<hbm>> -> memref<1024xf32, #tpu.memory_space<hbm>>
        %dma_start3A_524 = arith.constant 20480 : i32
        %dma_start3A_525 = tpu.memref_slice %arg5[%add3A_67, %dma_start3A_524] : memref<200x65536xf32, #tpu.memory_space<hbm>> -> memref<1x1024xf32, #tpu.memory_space<hbm>>
        %dma_start3A_526 = tpu.memref_squeeze %dma_start3A_525 : memref<1x1024xf32, #tpu.memory_space<hbm>> -> memref<1024xf32, #tpu.memory_space<hbm>>
        %dma_start3A_527 = arith.constant 20640 : i32
        %dma_start3A_528 = tpu.memref_slice %arg9[%dma_start3A_527] : memref<66048xf32, #tpu.memory_space<vmem>> -> memref<1024xf32, #tpu.memory_space<vmem>>
        tpu.enqueue_dma source(%dma_start3A_528 : memref<1024xf32, #tpu.memory_space<vmem>>) target(%dma_start3A_526 : memref<1024xf32, #tpu.memory_space<hbm>>) target_semaphore(%arg12 : memref<!tpu.dma_semaphore, #tpu.memory_space<semaphore_mem>>)
        %dma_start3A_529 = arith.constant 21672 : i32
        %dma_start3A_530 = tpu.memref_slice %arg9[%dma_start3A_529] : memref<66048xf32, #tpu.memory_space<vmem>> -> memref<1024xf32, #tpu.memory_space<vmem>>
        %dma_start3A_531 = arith.constant 21504 : i32
        %dma_start3A_532 = tpu.memref_slice %arg5[%add3A_67, %dma_start3A_531] : memref<200x65536xf32, #tpu.memory_space<hbm>> -> memref<1x1024xf32, #tpu.memory_space<hbm>>
        %dma_start3A_533 = tpu.memref_squeeze %dma_start3A_532 : memref<1x1024xf32, #tpu.memory_space<hbm>> -> memref<1024xf32, #tpu.memory_space<hbm>>
        %dma_start3A_534 = arith.constant 21504 : i32
        %dma_start3A_535 = tpu.memref_slice %arg5[%add3A_67, %dma_start3A_534] : memref<200x65536xf32, #tpu.memory_space<hbm>> -> memref<1x1024xf32, #tpu.memory_space<hbm>>
        %dma_start3A_536 = tpu.memref_squeeze %dma_start3A_535 : memref<1x1024xf32, #tpu.memory_space<hbm>> -> memref<1024xf32, #tpu.memory_space<hbm>>
        %dma_start3A_537 = arith.constant 21672 : i32
        %dma_start3A_538 = tpu.memref_slice %arg9[%dma_start3A_537] : memref<66048xf32, #tpu.memory_space<vmem>> -> memref<1024xf32, #tpu.memory_space<vmem>>
        tpu.enqueue_dma source(%dma_start3A_538 : memref<1024xf32, #tpu.memory_space<vmem>>) target(%dma_start3A_536 : memref<1024xf32, #tpu.memory_space<hbm>>) target_semaphore(%arg12 : memref<!tpu.dma_semaphore, #tpu.memory_space<semaphore_mem>>)
        %dma_start3A_539 = arith.constant 22704 : i32
        %dma_start3A_540 = tpu.memref_slice %arg9[%dma_start3A_539] : memref<66048xf32, #tpu.memory_space<vmem>> -> memref<1024xf32, #tpu.memory_space<vmem>>
        %dma_start3A_541 = arith.constant 22528 : i32
        %dma_start3A_542 = tpu.memref_slice %arg5[%add3A_67, %dma_start3A_541] : memref<200x65536xf32, #tpu.memory_space<hbm>> -> memref<1x1024xf32, #tpu.memory_space<hbm>>
        %dma_start3A_543 = tpu.memref_squeeze %dma_start3A_542 : memref<1x1024xf32, #tpu.memory_space<hbm>> -> memref<1024xf32, #tpu.memory_space<hbm>>
        %dma_start3A_544 = arith.constant 22528 : i32
        %dma_start3A_545 = tpu.memref_slice %arg5[%add3A_67, %dma_start3A_544] : memref<200x65536xf32, #tpu.memory_space<hbm>> -> memref<1x1024xf32, #tpu.memory_space<hbm>>
        %dma_start3A_546 = tpu.memref_squeeze %dma_start3A_545 : memref<1x1024xf32, #tpu.memory_space<hbm>> -> memref<1024xf32, #tpu.memory_space<hbm>>
        %dma_start3A_547 = arith.constant 22704 : i32
        %dma_start3A_548 = tpu.memref_slice %arg9[%dma_start3A_547] : memref<66048xf32, #tpu.memory_space<vmem>> -> memref<1024xf32, #tpu.memory_space<vmem>>
        tpu.enqueue_dma source(%dma_start3A_548 : memref<1024xf32, #tpu.memory_space<vmem>>) target(%dma_start3A_546 : memref<1024xf32, #tpu.memory_space<hbm>>) target_semaphore(%arg12 : memref<!tpu.dma_semaphore, #tpu.memory_space<semaphore_mem>>)
        %dma_start3A_549 = arith.constant 23736 : i32
        %dma_start3A_550 = tpu.memref_slice %arg9[%dma_start3A_549] : memref<66048xf32, #tpu.memory_space<vmem>> -> memref<1024xf32, #tpu.memory_space<vmem>>
        %dma_start3A_551 = arith.constant 23552 : i32
        %dma_start3A_552 = tpu.memref_slice %arg5[%add3A_67, %dma_start3A_551] : memref<200x65536xf32, #tpu.memory_space<hbm>> -> memref<1x1024xf32, #tpu.memory_space<hbm>>
        %dma_start3A_553 = tpu.memref_squeeze %dma_start3A_552 : memref<1x1024xf32, #tpu.memory_space<hbm>> -> memref<1024xf32, #tpu.memory_space<hbm>>
        %dma_start3A_554 = arith.constant 23552 : i32
        %dma_start3A_555 = tpu.memref_slice %arg5[%add3A_67, %dma_start3A_554] : memref<200x65536xf32, #tpu.memory_space<hbm>> -> memref<1x1024xf32, #tpu.memory_space<hbm>>
        %dma_start3A_556 = tpu.memref_squeeze %dma_start3A_555 : memref<1x1024xf32, #tpu.memory_space<hbm>> -> memref<1024xf32, #tpu.memory_space<hbm>>
        %dma_start3A_557 = arith.constant 23736 : i32
        %dma_start3A_558 = tpu.memref_slice %arg9[%dma_start3A_557] : memref<66048xf32, #tpu.memory_space<vmem>> -> memref<1024xf32, #tpu.memory_space<vmem>>
        tpu.enqueue_dma source(%dma_start3A_558 : memref<1024xf32, #tpu.memory_space<vmem>>) target(%dma_start3A_556 : memref<1024xf32, #tpu.memory_space<hbm>>) target_semaphore(%arg12 : memref<!tpu.dma_semaphore, #tpu.memory_space<semaphore_mem>>)
        %dma_start3A_559 = arith.constant 24768 : i32
        %dma_start3A_560 = tpu.memref_slice %arg9[%dma_start3A_559] : memref<66048xf32, #tpu.memory_space<vmem>> -> memref<1024xf32, #tpu.memory_space<vmem>>
        %dma_start3A_561 = arith.constant 24576 : i32
        %dma_start3A_562 = tpu.memref_slice %arg5[%add3A_67, %dma_start3A_561] : memref<200x65536xf32, #tpu.memory_space<hbm>> -> memref<1x1024xf32, #tpu.memory_space<hbm>>
        %dma_start3A_563 = tpu.memref_squeeze %dma_start3A_562 : memref<1x1024xf32, #tpu.memory_space<hbm>> -> memref<1024xf32, #tpu.memory_space<hbm>>
        %dma_start3A_564 = arith.constant 24576 : i32
        %dma_start3A_565 = tpu.memref_slice %arg5[%add3A_67, %dma_start3A_564] : memref<200x65536xf32, #tpu.memory_space<hbm>> -> memref<1x1024xf32, #tpu.memory_space<hbm>>
        %dma_start3A_566 = tpu.memref_squeeze %dma_start3A_565 : memref<1x1024xf32, #tpu.memory_space<hbm>> -> memref<1024xf32, #tpu.memory_space<hbm>>
        %dma_start3A_567 = arith.constant 24768 : i32
        %dma_start3A_568 = tpu.memref_slice %arg9[%dma_start3A_567] : memref<66048xf32, #tpu.memory_space<vmem>> -> memref<1024xf32, #tpu.memory_space<vmem>>
        tpu.enqueue_dma source(%dma_start3A_568 : memref<1024xf32, #tpu.memory_space<vmem>>) target(%dma_start3A_566 : memref<1024xf32, #tpu.memory_space<hbm>>) target_semaphore(%arg12 : memref<!tpu.dma_semaphore, #tpu.memory_space<semaphore_mem>>)
        %dma_start3A_569 = arith.constant 25800 : i32
        %dma_start3A_570 = tpu.memref_slice %arg9[%dma_start3A_569] : memref<66048xf32, #tpu.memory_space<vmem>> -> memref<1024xf32, #tpu.memory_space<vmem>>
        %dma_start3A_571 = arith.constant 25600 : i32
        %dma_start3A_572 = tpu.memref_slice %arg5[%add3A_67, %dma_start3A_571] : memref<200x65536xf32, #tpu.memory_space<hbm>> -> memref<1x1024xf32, #tpu.memory_space<hbm>>
        %dma_start3A_573 = tpu.memref_squeeze %dma_start3A_572 : memref<1x1024xf32, #tpu.memory_space<hbm>> -> memref<1024xf32, #tpu.memory_space<hbm>>
        %dma_start3A_574 = arith.constant 25600 : i32
        %dma_start3A_575 = tpu.memref_slice %arg5[%add3A_67, %dma_start3A_574] : memref<200x65536xf32, #tpu.memory_space<hbm>> -> memref<1x1024xf32, #tpu.memory_space<hbm>>
        %dma_start3A_576 = tpu.memref_squeeze %dma_start3A_575 : memref<1x1024xf32, #tpu.memory_space<hbm>> -> memref<1024xf32, #tpu.memory_space<hbm>>
        %dma_start3A_577 = arith.constant 25800 : i32
        %dma_start3A_578 = tpu.memref_slice %arg9[%dma_start3A_577] : memref<66048xf32, #tpu.memory_space<vmem>> -> memref<1024xf32, #tpu.memory_space<vmem>>
        tpu.enqueue_dma source(%dma_start3A_578 : memref<1024xf32, #tpu.memory_space<vmem>>) target(%dma_start3A_576 : memref<1024xf32, #tpu.memory_space<hbm>>) target_semaphore(%arg12 : memref<!tpu.dma_semaphore, #tpu.memory_space<semaphore_mem>>)
        %dma_start3A_579 = arith.constant 26832 : i32
        %dma_start3A_580 = tpu.memref_slice %arg9[%dma_start3A_579] : memref<66048xf32, #tpu.memory_space<vmem>> -> memref<1024xf32, #tpu.memory_space<vmem>>
        %dma_start3A_581 = arith.constant 26624 : i32
        %dma_start3A_582 = tpu.memref_slice %arg5[%add3A_67, %dma_start3A_581] : memref<200x65536xf32, #tpu.memory_space<hbm>> -> memref<1x1024xf32, #tpu.memory_space<hbm>>
        %dma_start3A_583 = tpu.memref_squeeze %dma_start3A_582 : memref<1x1024xf32, #tpu.memory_space<hbm>> -> memref<1024xf32, #tpu.memory_space<hbm>>
        %dma_start3A_584 = arith.constant 26624 : i32
        %dma_start3A_585 = tpu.memref_slice %arg5[%add3A_67, %dma_start3A_584] : memref<200x65536xf32, #tpu.memory_space<hbm>> -> memref<1x1024xf32, #tpu.memory_space<hbm>>
        %dma_start3A_586 = tpu.memref_squeeze %dma_start3A_585 : memref<1x1024xf32, #tpu.memory_space<hbm>> -> memref<1024xf32, #tpu.memory_space<hbm>>
        %dma_start3A_587 = arith.constant 26832 : i32
        %dma_start3A_588 = tpu.memref_slice %arg9[%dma_start3A_587] : memref<66048xf32, #tpu.memory_space<vmem>> -> memref<1024xf32, #tpu.memory_space<vmem>>
        tpu.enqueue_dma source(%dma_start3A_588 : memref<1024xf32, #tpu.memory_space<vmem>>) target(%dma_start3A_586 : memref<1024xf32, #tpu.memory_space<hbm>>) target_semaphore(%arg12 : memref<!tpu.dma_semaphore, #tpu.memory_space<semaphore_mem>>)
        %dma_start3A_589 = arith.constant 27864 : i32
        %dma_start3A_590 = tpu.memref_slice %arg9[%dma_start3A_589] : memref<66048xf32, #tpu.memory_space<vmem>> -> memref<1024xf32, #tpu.memory_space<vmem>>
        %dma_start3A_591 = arith.constant 27648 : i32
        %dma_start3A_592 = tpu.memref_slice %arg5[%add3A_67, %dma_start3A_591] : memref<200x65536xf32, #tpu.memory_space<hbm>> -> memref<1x1024xf32, #tpu.memory_space<hbm>>
        %dma_start3A_593 = tpu.memref_squeeze %dma_start3A_592 : memref<1x1024xf32, #tpu.memory_space<hbm>> -> memref<1024xf32, #tpu.memory_space<hbm>>
        %dma_start3A_594 = arith.constant 27648 : i32
        %dma_start3A_595 = tpu.memref_slice %arg5[%add3A_67, %dma_start3A_594] : memref<200x65536xf32, #tpu.memory_space<hbm>> -> memref<1x1024xf32, #tpu.memory_space<hbm>>
        %dma_start3A_596 = tpu.memref_squeeze %dma_start3A_595 : memref<1x1024xf32, #tpu.memory_space<hbm>> -> memref<1024xf32, #tpu.memory_space<hbm>>
        %dma_start3A_597 = arith.constant 27864 : i32
        %dma_start3A_598 = tpu.memref_slice %arg9[%dma_start3A_597] : memref<66048xf32, #tpu.memory_space<vmem>> -> memref<1024xf32, #tpu.memory_space<vmem>>
        tpu.enqueue_dma source(%dma_start3A_598 : memref<1024xf32, #tpu.memory_space<vmem>>) target(%dma_start3A_596 : memref<1024xf32, #tpu.memory_space<hbm>>) target_semaphore(%arg12 : memref<!tpu.dma_semaphore, #tpu.memory_space<semaphore_mem>>)
        %dma_start3A_599 = arith.constant 28896 : i32
        %dma_start3A_600 = tpu.memref_slice %arg9[%dma_start3A_599] : memref<66048xf32, #tpu.memory_space<vmem>> -> memref<1024xf32, #tpu.memory_space<vmem>>
        %dma_start3A_601 = arith.constant 28672 : i32
        %dma_start3A_602 = tpu.memref_slice %arg5[%add3A_67, %dma_start3A_601] : memref<200x65536xf32, #tpu.memory_space<hbm>> -> memref<1x1024xf32, #tpu.memory_space<hbm>>
        %dma_start3A_603 = tpu.memref_squeeze %dma_start3A_602 : memref<1x1024xf32, #tpu.memory_space<hbm>> -> memref<1024xf32, #tpu.memory_space<hbm>>
        %dma_start3A_604 = arith.constant 28672 : i32
        %dma_start3A_605 = tpu.memref_slice %arg5[%add3A_67, %dma_start3A_604] : memref<200x65536xf32, #tpu.memory_space<hbm>> -> memref<1x1024xf32, #tpu.memory_space<hbm>>
        %dma_start3A_606 = tpu.memref_squeeze %dma_start3A_605 : memref<1x1024xf32, #tpu.memory_space<hbm>> -> memref<1024xf32, #tpu.memory_space<hbm>>
        %dma_start3A_607 = arith.constant 28896 : i32
        %dma_start3A_608 = tpu.memref_slice %arg9[%dma_start3A_607] : memref<66048xf32, #tpu.memory_space<vmem>> -> memref<1024xf32, #tpu.memory_space<vmem>>
        tpu.enqueue_dma source(%dma_start3A_608 : memref<1024xf32, #tpu.memory_space<vmem>>) target(%dma_start3A_606 : memref<1024xf32, #tpu.memory_space<hbm>>) target_semaphore(%arg12 : memref<!tpu.dma_semaphore, #tpu.memory_space<semaphore_mem>>)
        %dma_start3A_609 = arith.constant 29928 : i32
        %dma_start3A_610 = tpu.memref_slice %arg9[%dma_start3A_609] : memref<66048xf32, #tpu.memory_space<vmem>> -> memref<1024xf32, #tpu.memory_space<vmem>>
        %dma_start3A_611 = arith.constant 29696 : i32
        %dma_start3A_612 = tpu.memref_slice %arg5[%add3A_67, %dma_start3A_611] : memref<200x65536xf32, #tpu.memory_space<hbm>> -> memref<1x1024xf32, #tpu.memory_space<hbm>>
        %dma_start3A_613 = tpu.memref_squeeze %dma_start3A_612 : memref<1x1024xf32, #tpu.memory_space<hbm>> -> memref<1024xf32, #tpu.memory_space<hbm>>
        %dma_start3A_614 = arith.constant 29696 : i32
        %dma_start3A_615 = tpu.memref_slice %arg5[%add3A_67, %dma_start3A_614] : memref<200x65536xf32, #tpu.memory_space<hbm>> -> memref<1x1024xf32, #tpu.memory_space<hbm>>
        %dma_start3A_616 = tpu.memref_squeeze %dma_start3A_615 : memref<1x1024xf32, #tpu.memory_space<hbm>> -> memref<1024xf32, #tpu.memory_space<hbm>>
        %dma_start3A_617 = arith.constant 29928 : i32
        %dma_start3A_618 = tpu.memref_slice %arg9[%dma_start3A_617] : memref<66048xf32, #tpu.memory_space<vmem>> -> memref<1024xf32, #tpu.memory_space<vmem>>
        tpu.enqueue_dma source(%dma_start3A_618 : memref<1024xf32, #tpu.memory_space<vmem>>) target(%dma_start3A_616 : memref<1024xf32, #tpu.memory_space<hbm>>) target_semaphore(%arg12 : memref<!tpu.dma_semaphore, #tpu.memory_space<semaphore_mem>>)
        %dma_start3A_619 = arith.constant 30960 : i32
        %dma_start3A_620 = tpu.memref_slice %arg9[%dma_start3A_619] : memref<66048xf32, #tpu.memory_space<vmem>> -> memref<1024xf32, #tpu.memory_space<vmem>>
        %dma_start3A_621 = arith.constant 30720 : i32
        %dma_start3A_622 = tpu.memref_slice %arg5[%add3A_67, %dma_start3A_621] : memref<200x65536xf32, #tpu.memory_space<hbm>> -> memref<1x1024xf32, #tpu.memory_space<hbm>>
        %dma_start3A_623 = tpu.memref_squeeze %dma_start3A_622 : memref<1x1024xf32, #tpu.memory_space<hbm>> -> memref<1024xf32, #tpu.memory_space<hbm>>
        %dma_start3A_624 = arith.constant 30720 : i32
        %dma_start3A_625 = tpu.memref_slice %arg5[%add3A_67, %dma_start3A_624] : memref<200x65536xf32, #tpu.memory_space<hbm>> -> memref<1x1024xf32, #tpu.memory_space<hbm>>
        %dma_start3A_626 = tpu.memref_squeeze %dma_start3A_625 : memref<1x1024xf32, #tpu.memory_space<hbm>> -> memref<1024xf32, #tpu.memory_space<hbm>>
        %dma_start3A_627 = arith.constant 30960 : i32
        %dma_start3A_628 = tpu.memref_slice %arg9[%dma_start3A_627] : memref<66048xf32, #tpu.memory_space<vmem>> -> memref<1024xf32, #tpu.memory_space<vmem>>
        tpu.enqueue_dma source(%dma_start3A_628 : memref<1024xf32, #tpu.memory_space<vmem>>) target(%dma_start3A_626 : memref<1024xf32, #tpu.memory_space<hbm>>) target_semaphore(%arg12 : memref<!tpu.dma_semaphore, #tpu.memory_space<semaphore_mem>>)
        %dma_start3A_629 = arith.constant 31992 : i32
        %dma_start3A_630 = tpu.memref_slice %arg9[%dma_start3A_629] : memref<66048xf32, #tpu.memory_space<vmem>> -> memref<1024xf32, #tpu.memory_space<vmem>>
        %dma_start3A_631 = arith.constant 31744 : i32
        %dma_start3A_632 = tpu.memref_slice %arg5[%add3A_67, %dma_start3A_631] : memref<200x65536xf32, #tpu.memory_space<hbm>> -> memref<1x1024xf32, #tpu.memory_space<hbm>>
        %dma_start3A_633 = tpu.memref_squeeze %dma_start3A_632 : memref<1x1024xf32, #tpu.memory_space<hbm>> -> memref<1024xf32, #tpu.memory_space<hbm>>
        %dma_start3A_634 = arith.constant 31744 : i32
        %dma_start3A_635 = tpu.memref_slice %arg5[%add3A_67, %dma_start3A_634] : memref<200x65536xf32, #tpu.memory_space<hbm>> -> memref<1x1024xf32, #tpu.memory_space<hbm>>
        %dma_start3A_636 = tpu.memref_squeeze %dma_start3A_635 : memref<1x1024xf32, #tpu.memory_space<hbm>> -> memref<1024xf32, #tpu.memory_space<hbm>>
        %dma_start3A_637 = arith.constant 31992 : i32
        %dma_start3A_638 = tpu.memref_slice %arg9[%dma_start3A_637] : memref<66048xf32, #tpu.memory_space<vmem>> -> memref<1024xf32, #tpu.memory_space<vmem>>
        tpu.enqueue_dma source(%dma_start3A_638 : memref<1024xf32, #tpu.memory_space<vmem>>) target(%dma_start3A_636 : memref<1024xf32, #tpu.memory_space<hbm>>) target_semaphore(%arg12 : memref<!tpu.dma_semaphore, #tpu.memory_space<semaphore_mem>>)
        %dma_start3A_639 = arith.constant 33024 : i32
        %dma_start3A_640 = tpu.memref_slice %arg9[%dma_start3A_639] : memref<66048xf32, #tpu.memory_space<vmem>> -> memref<1024xf32, #tpu.memory_space<vmem>>
        %dma_start3A_641 = arith.constant 32768 : i32
        %dma_start3A_642 = tpu.memref_slice %arg5[%add3A_67, %dma_start3A_641] : memref<200x65536xf32, #tpu.memory_space<hbm>> -> memref<1x1024xf32, #tpu.memory_space<hbm>>
        %dma_start3A_643 = tpu.memref_squeeze %dma_start3A_642 : memref<1x1024xf32, #tpu.memory_space<hbm>> -> memref<1024xf32, #tpu.memory_space<hbm>>
        %dma_start3A_644 = arith.constant 32768 : i32
        %dma_start3A_645 = tpu.memref_slice %arg5[%add3A_67, %dma_start3A_644] : memref<200x65536xf32, #tpu.memory_space<hbm>> -> memref<1x1024xf32, #tpu.memory_space<hbm>>
        %dma_start3A_646 = tpu.memref_squeeze %dma_start3A_645 : memref<1x1024xf32, #tpu.memory_space<hbm>> -> memref<1024xf32, #tpu.memory_space<hbm>>
        %dma_start3A_647 = arith.constant 33024 : i32
        %dma_start3A_648 = tpu.memref_slice %arg9[%dma_start3A_647] : memref<66048xf32, #tpu.memory_space<vmem>> -> memref<1024xf32, #tpu.memory_space<vmem>>
        tpu.enqueue_dma source(%dma_start3A_648 : memref<1024xf32, #tpu.memory_space<vmem>>) target(%dma_start3A_646 : memref<1024xf32, #tpu.memory_space<hbm>>) target_semaphore(%arg12 : memref<!tpu.dma_semaphore, #tpu.memory_space<semaphore_mem>>)
        %dma_start3A_649 = arith.constant 34056 : i32
        %dma_start3A_650 = tpu.memref_slice %arg9[%dma_start3A_649] : memref<66048xf32, #tpu.memory_space<vmem>> -> memref<1024xf32, #tpu.memory_space<vmem>>
        %dma_start3A_651 = arith.constant 33792 : i32
        %dma_start3A_652 = tpu.memref_slice %arg5[%add3A_67, %dma_start3A_651] : memref<200x65536xf32, #tpu.memory_space<hbm>> -> memref<1x1024xf32, #tpu.memory_space<hbm>>
        %dma_start3A_653 = tpu.memref_squeeze %dma_start3A_652 : memref<1x1024xf32, #tpu.memory_space<hbm>> -> memref<1024xf32, #tpu.memory_space<hbm>>
        %dma_start3A_654 = arith.constant 33792 : i32
        %dma_start3A_655 = tpu.memref_slice %arg5[%add3A_67, %dma_start3A_654] : memref<200x65536xf32, #tpu.memory_space<hbm>> -> memref<1x1024xf32, #tpu.memory_space<hbm>>
        %dma_start3A_656 = tpu.memref_squeeze %dma_start3A_655 : memref<1x1024xf32, #tpu.memory_space<hbm>> -> memref<1024xf32, #tpu.memory_space<hbm>>
        %dma_start3A_657 = arith.constant 34056 : i32
        %dma_start3A_658 = tpu.memref_slice %arg9[%dma_start3A_657] : memref<66048xf32, #tpu.memory_space<vmem>> -> memref<1024xf32, #tpu.memory_space<vmem>>
        tpu.enqueue_dma source(%dma_start3A_658 : memref<1024xf32, #tpu.memory_space<vmem>>) target(%dma_start3A_656 : memref<1024xf32, #tpu.memory_space<hbm>>) target_semaphore(%arg12 : memref<!tpu.dma_semaphore, #tpu.memory_space<semaphore_mem>>)
        %dma_start3A_659 = arith.constant 35088 : i32
        %dma_start3A_660 = tpu.memref_slice %arg9[%dma_start3A_659] : memref<66048xf32, #tpu.memory_space<vmem>> -> memref<1024xf32, #tpu.memory_space<vmem>>
        %dma_start3A_661 = arith.constant 34816 : i32
        %dma_start3A_662 = tpu.memref_slice %arg5[%add3A_67, %dma_start3A_661] : memref<200x65536xf32, #tpu.memory_space<hbm>> -> memref<1x1024xf32, #tpu.memory_space<hbm>>
        %dma_start3A_663 = tpu.memref_squeeze %dma_start3A_662 : memref<1x1024xf32, #tpu.memory_space<hbm>> -> memref<1024xf32, #tpu.memory_space<hbm>>
        %dma_start3A_664 = arith.constant 34816 : i32
        %dma_start3A_665 = tpu.memref_slice %arg5[%add3A_67, %dma_start3A_664] : memref<200x65536xf32, #tpu.memory_space<hbm>> -> memref<1x1024xf32, #tpu.memory_space<hbm>>
        %dma_start3A_666 = tpu.memref_squeeze %dma_start3A_665 : memref<1x1024xf32, #tpu.memory_space<hbm>> -> memref<1024xf32, #tpu.memory_space<hbm>>
        %dma_start3A_667 = arith.constant 35088 : i32
        %dma_start3A_668 = tpu.memref_slice %arg9[%dma_start3A_667] : memref<66048xf32, #tpu.memory_space<vmem>> -> memref<1024xf32, #tpu.memory_space<vmem>>
        tpu.enqueue_dma source(%dma_start3A_668 : memref<1024xf32, #tpu.memory_space<vmem>>) target(%dma_start3A_666 : memref<1024xf32, #tpu.memory_space<hbm>>) target_semaphore(%arg12 : memref<!tpu.dma_semaphore, #tpu.memory_space<semaphore_mem>>)
        %dma_start3A_669 = arith.constant 36120 : i32
        %dma_start3A_670 = tpu.memref_slice %arg9[%dma_start3A_669] : memref<66048xf32, #tpu.memory_space<vmem>> -> memref<1024xf32, #tpu.memory_space<vmem>>
        %dma_start3A_671 = arith.constant 35840 : i32
        %dma_start3A_672 = tpu.memref_slice %arg5[%add3A_67, %dma_start3A_671] : memref<200x65536xf32, #tpu.memory_space<hbm>> -> memref<1x1024xf32, #tpu.memory_space<hbm>>
        %dma_start3A_673 = tpu.memref_squeeze %dma_start3A_672 : memref<1x1024xf32, #tpu.memory_space<hbm>> -> memref<1024xf32, #tpu.memory_space<hbm>>
        %dma_start3A_674 = arith.constant 35840 : i32
        %dma_start3A_675 = tpu.memref_slice %arg5[%add3A_67, %dma_start3A_674] : memref<200x65536xf32, #tpu.memory_space<hbm>> -> memref<1x1024xf32, #tpu.memory_space<hbm>>
        %dma_start3A_676 = tpu.memref_squeeze %dma_start3A_675 : memref<1x1024xf32, #tpu.memory_space<hbm>> -> memref<1024xf32, #tpu.memory_space<hbm>>
        %dma_start3A_677 = arith.constant 36120 : i32
        %dma_start3A_678 = tpu.memref_slice %arg9[%dma_start3A_677] : memref<66048xf32, #tpu.memory_space<vmem>> -> memref<1024xf32, #tpu.memory_space<vmem>>
        tpu.enqueue_dma source(%dma_start3A_678 : memref<1024xf32, #tpu.memory_space<vmem>>) target(%dma_start3A_676 : memref<1024xf32, #tpu.memory_space<hbm>>) target_semaphore(%arg12 : memref<!tpu.dma_semaphore, #tpu.memory_space<semaphore_mem>>)
        %dma_start3A_679 = arith.constant 37152 : i32
        %dma_start3A_680 = tpu.memref_slice %arg9[%dma_start3A_679] : memref<66048xf32, #tpu.memory_space<vmem>> -> memref<1024xf32, #tpu.memory_space<vmem>>
        %dma_start3A_681 = arith.constant 36864 : i32
        %dma_start3A_682 = tpu.memref_slice %arg5[%add3A_67, %dma_start3A_681] : memref<200x65536xf32, #tpu.memory_space<hbm>> -> memref<1x1024xf32, #tpu.memory_space<hbm>>
        %dma_start3A_683 = tpu.memref_squeeze %dma_start3A_682 : memref<1x1024xf32, #tpu.memory_space<hbm>> -> memref<1024xf32, #tpu.memory_space<hbm>>
        %dma_start3A_684 = arith.constant 36864 : i32
        %dma_start3A_685 = tpu.memref_slice %arg5[%add3A_67, %dma_start3A_684] : memref<200x65536xf32, #tpu.memory_space<hbm>> -> memref<1x1024xf32, #tpu.memory_space<hbm>>
        %dma_start3A_686 = tpu.memref_squeeze %dma_start3A_685 : memref<1x1024xf32, #tpu.memory_space<hbm>> -> memref<1024xf32, #tpu.memory_space<hbm>>
        %dma_start3A_687 = arith.constant 37152 : i32
        %dma_start3A_688 = tpu.memref_slice %arg9[%dma_start3A_687] : memref<66048xf32, #tpu.memory_space<vmem>> -> memref<1024xf32, #tpu.memory_space<vmem>>
        tpu.enqueue_dma source(%dma_start3A_688 : memref<1024xf32, #tpu.memory_space<vmem>>) target(%dma_start3A_686 : memref<1024xf32, #tpu.memory_space<hbm>>) target_semaphore(%arg12 : memref<!tpu.dma_semaphore, #tpu.memory_space<semaphore_mem>>)
        %dma_start3A_689 = arith.constant 38184 : i32
        %dma_start3A_690 = tpu.memref_slice %arg9[%dma_start3A_689] : memref<66048xf32, #tpu.memory_space<vmem>> -> memref<1024xf32, #tpu.memory_space<vmem>>
        %dma_start3A_691 = arith.constant 37888 : i32
        %dma_start3A_692 = tpu.memref_slice %arg5[%add3A_67, %dma_start3A_691] : memref<200x65536xf32, #tpu.memory_space<hbm>> -> memref<1x1024xf32, #tpu.memory_space<hbm>>
        %dma_start3A_693 = tpu.memref_squeeze %dma_start3A_692 : memref<1x1024xf32, #tpu.memory_space<hbm>> -> memref<1024xf32, #tpu.memory_space<hbm>>
        %dma_start3A_694 = arith.constant 37888 : i32
        %dma_start3A_695 = tpu.memref_slice %arg5[%add3A_67, %dma_start3A_694] : memref<200x65536xf32, #tpu.memory_space<hbm>> -> memref<1x1024xf32, #tpu.memory_space<hbm>>
        %dma_start3A_696 = tpu.memref_squeeze %dma_start3A_695 : memref<1x1024xf32, #tpu.memory_space<hbm>> -> memref<1024xf32, #tpu.memory_space<hbm>>
        %dma_start3A_697 = arith.constant 38184 : i32
        %dma_start3A_698 = tpu.memref_slice %arg9[%dma_start3A_697] : memref<66048xf32, #tpu.memory_space<vmem>> -> memref<1024xf32, #tpu.memory_space<vmem>>
        tpu.enqueue_dma source(%dma_start3A_698 : memref<1024xf32, #tpu.memory_space<vmem>>) target(%dma_start3A_696 : memref<1024xf32, #tpu.memory_space<hbm>>) target_semaphore(%arg12 : memref<!tpu.dma_semaphore, #tpu.memory_space<semaphore_mem>>)
        %dma_start3A_699 = arith.constant 39216 : i32
        %dma_start3A_700 = tpu.memref_slice %arg9[%dma_start3A_699] : memref<66048xf32, #tpu.memory_space<vmem>> -> memref<1024xf32, #tpu.memory_space<vmem>>
        %dma_start3A_701 = arith.constant 38912 : i32
        %dma_start3A_702 = tpu.memref_slice %arg5[%add3A_67, %dma_start3A_701] : memref<200x65536xf32, #tpu.memory_space<hbm>> -> memref<1x1024xf32, #tpu.memory_space<hbm>>
        %dma_start3A_703 = tpu.memref_squeeze %dma_start3A_702 : memref<1x1024xf32, #tpu.memory_space<hbm>> -> memref<1024xf32, #tpu.memory_space<hbm>>
        %dma_start3A_704 = arith.constant 38912 : i32
        %dma_start3A_705 = tpu.memref_slice %arg5[%add3A_67, %dma_start3A_704] : memref<200x65536xf32, #tpu.memory_space<hbm>> -> memref<1x1024xf32, #tpu.memory_space<hbm>>
        %dma_start3A_706 = tpu.memref_squeeze %dma_start3A_705 : memref<1x1024xf32, #tpu.memory_space<hbm>> -> memref<1024xf32, #tpu.memory_space<hbm>>
        %dma_start3A_707 = arith.constant 39216 : i32
        %dma_start3A_708 = tpu.memref_slice %arg9[%dma_start3A_707] : memref<66048xf32, #tpu.memory_space<vmem>> -> memref<1024xf32, #tpu.memory_space<vmem>>
        tpu.enqueue_dma source(%dma_start3A_708 : memref<1024xf32, #tpu.memory_space<vmem>>) target(%dma_start3A_706 : memref<1024xf32, #tpu.memory_space<hbm>>) target_semaphore(%arg12 : memref<!tpu.dma_semaphore, #tpu.memory_space<semaphore_mem>>)
        %dma_start3A_709 = arith.constant 40248 : i32
        %dma_start3A_710 = tpu.memref_slice %arg9[%dma_start3A_709] : memref<66048xf32, #tpu.memory_space<vmem>> -> memref<1024xf32, #tpu.memory_space<vmem>>
        %dma_start3A_711 = arith.constant 39936 : i32
        %dma_start3A_712 = tpu.memref_slice %arg5[%add3A_67, %dma_start3A_711] : memref<200x65536xf32, #tpu.memory_space<hbm>> -> memref<1x1024xf32, #tpu.memory_space<hbm>>
        %dma_start3A_713 = tpu.memref_squeeze %dma_start3A_712 : memref<1x1024xf32, #tpu.memory_space<hbm>> -> memref<1024xf32, #tpu.memory_space<hbm>>
        %dma_start3A_714 = arith.constant 39936 : i32
        %dma_start3A_715 = tpu.memref_slice %arg5[%add3A_67, %dma_start3A_714] : memref<200x65536xf32, #tpu.memory_space<hbm>> -> memref<1x1024xf32, #tpu.memory_space<hbm>>
        %dma_start3A_716 = tpu.memref_squeeze %dma_start3A_715 : memref<1x1024xf32, #tpu.memory_space<hbm>> -> memref<1024xf32, #tpu.memory_space<hbm>>
        %dma_start3A_717 = arith.constant 40248 : i32
        %dma_start3A_718 = tpu.memref_slice %arg9[%dma_start3A_717] : memref<66048xf32, #tpu.memory_space<vmem>> -> memref<1024xf32, #tpu.memory_space<vmem>>
        tpu.enqueue_dma source(%dma_start3A_718 : memref<1024xf32, #tpu.memory_space<vmem>>) target(%dma_start3A_716 : memref<1024xf32, #tpu.memory_space<hbm>>) target_semaphore(%arg12 : memref<!tpu.dma_semaphore, #tpu.memory_space<semaphore_mem>>)
        %dma_start3A_719 = arith.constant 41280 : i32
        %dma_start3A_720 = tpu.memref_slice %arg9[%dma_start3A_719] : memref<66048xf32, #tpu.memory_space<vmem>> -> memref<1024xf32, #tpu.memory_space<vmem>>
        %dma_start3A_721 = arith.constant 40960 : i32
        %dma_start3A_722 = tpu.memref_slice %arg5[%add3A_67, %dma_start3A_721] : memref<200x65536xf32, #tpu.memory_space<hbm>> -> memref<1x1024xf32, #tpu.memory_space<hbm>>
        %dma_start3A_723 = tpu.memref_squeeze %dma_start3A_722 : memref<1x1024xf32, #tpu.memory_space<hbm>> -> memref<1024xf32, #tpu.memory_space<hbm>>
        %dma_start3A_724 = arith.constant 40960 : i32
        %dma_start3A_725 = tpu.memref_slice %arg5[%add3A_67, %dma_start3A_724] : memref<200x65536xf32, #tpu.memory_space<hbm>> -> memref<1x1024xf32, #tpu.memory_space<hbm>>
        %dma_start3A_726 = tpu.memref_squeeze %dma_start3A_725 : memref<1x1024xf32, #tpu.memory_space<hbm>> -> memref<1024xf32, #tpu.memory_space<hbm>>
        %dma_start3A_727 = arith.constant 41280 : i32
        %dma_start3A_728 = tpu.memref_slice %arg9[%dma_start3A_727] : memref<66048xf32, #tpu.memory_space<vmem>> -> memref<1024xf32, #tpu.memory_space<vmem>>
        tpu.enqueue_dma source(%dma_start3A_728 : memref<1024xf32, #tpu.memory_space<vmem>>) target(%dma_start3A_726 : memref<1024xf32, #tpu.memory_space<hbm>>) target_semaphore(%arg12 : memref<!tpu.dma_semaphore, #tpu.memory_space<semaphore_mem>>)
        %dma_start3A_729 = arith.constant 42312 : i32
        %dma_start3A_730 = tpu.memref_slice %arg9[%dma_start3A_729] : memref<66048xf32, #tpu.memory_space<vmem>> -> memref<1024xf32, #tpu.memory_space<vmem>>
        %dma_start3A_731 = arith.constant 41984 : i32
        %dma_start3A_732 = tpu.memref_slice %arg5[%add3A_67, %dma_start3A_731] : memref<200x65536xf32, #tpu.memory_space<hbm>> -> memref<1x1024xf32, #tpu.memory_space<hbm>>
        %dma_start3A_733 = tpu.memref_squeeze %dma_start3A_732 : memref<1x1024xf32, #tpu.memory_space<hbm>> -> memref<1024xf32, #tpu.memory_space<hbm>>
        %dma_start3A_734 = arith.constant 41984 : i32
        %dma_start3A_735 = tpu.memref_slice %arg5[%add3A_67, %dma_start3A_734] : memref<200x65536xf32, #tpu.memory_space<hbm>> -> memref<1x1024xf32, #tpu.memory_space<hbm>>
        %dma_start3A_736 = tpu.memref_squeeze %dma_start3A_735 : memref<1x1024xf32, #tpu.memory_space<hbm>> -> memref<1024xf32, #tpu.memory_space<hbm>>
        %dma_start3A_737 = arith.constant 42312 : i32
        %dma_start3A_738 = tpu.memref_slice %arg9[%dma_start3A_737] : memref<66048xf32, #tpu.memory_space<vmem>> -> memref<1024xf32, #tpu.memory_space<vmem>>
        tpu.enqueue_dma source(%dma_start3A_738 : memref<1024xf32, #tpu.memory_space<vmem>>) target(%dma_start3A_736 : memref<1024xf32, #tpu.memory_space<hbm>>) target_semaphore(%arg12 : memref<!tpu.dma_semaphore, #tpu.memory_space<semaphore_mem>>)
        %dma_start3A_739 = arith.constant 43344 : i32
        %dma_start3A_740 = tpu.memref_slice %arg9[%dma_start3A_739] : memref<66048xf32, #tpu.memory_space<vmem>> -> memref<1024xf32, #tpu.memory_space<vmem>>
        %dma_start3A_741 = arith.constant 43008 : i32
        %dma_start3A_742 = tpu.memref_slice %arg5[%add3A_67, %dma_start3A_741] : memref<200x65536xf32, #tpu.memory_space<hbm>> -> memref<1x1024xf32, #tpu.memory_space<hbm>>
        %dma_start3A_743 = tpu.memref_squeeze %dma_start3A_742 : memref<1x1024xf32, #tpu.memory_space<hbm>> -> memref<1024xf32, #tpu.memory_space<hbm>>
        %dma_start3A_744 = arith.constant 43008 : i32
        %dma_start3A_745 = tpu.memref_slice %arg5[%add3A_67, %dma_start3A_744] : memref<200x65536xf32, #tpu.memory_space<hbm>> -> memref<1x1024xf32, #tpu.memory_space<hbm>>
        %dma_start3A_746 = tpu.memref_squeeze %dma_start3A_745 : memref<1x1024xf32, #tpu.memory_space<hbm>> -> memref<1024xf32, #tpu.memory_space<hbm>>
        %dma_start3A_747 = arith.constant 43344 : i32
        %dma_start3A_748 = tpu.memref_slice %arg9[%dma_start3A_747] : memref<66048xf32, #tpu.memory_space<vmem>> -> memref<1024xf32, #tpu.memory_space<vmem>>
        tpu.enqueue_dma source(%dma_start3A_748 : memref<1024xf32, #tpu.memory_space<vmem>>) target(%dma_start3A_746 : memref<1024xf32, #tpu.memory_space<hbm>>) target_semaphore(%arg12 : memref<!tpu.dma_semaphore, #tpu.memory_space<semaphore_mem>>)
        %dma_start3A_749 = arith.constant 44376 : i32
        %dma_start3A_750 = tpu.memref_slice %arg9[%dma_start3A_749] : memref<66048xf32, #tpu.memory_space<vmem>> -> memref<1024xf32, #tpu.memory_space<vmem>>
        %dma_start3A_751 = arith.constant 44032 : i32
        %dma_start3A_752 = tpu.memref_slice %arg5[%add3A_67, %dma_start3A_751] : memref<200x65536xf32, #tpu.memory_space<hbm>> -> memref<1x1024xf32, #tpu.memory_space<hbm>>
        %dma_start3A_753 = tpu.memref_squeeze %dma_start3A_752 : memref<1x1024xf32, #tpu.memory_space<hbm>> -> memref<1024xf32, #tpu.memory_space<hbm>>
        %dma_start3A_754 = arith.constant 44032 : i32
        %dma_start3A_755 = tpu.memref_slice %arg5[%add3A_67, %dma_start3A_754] : memref<200x65536xf32, #tpu.memory_space<hbm>> -> memref<1x1024xf32, #tpu.memory_space<hbm>>
        %dma_start3A_756 = tpu.memref_squeeze %dma_start3A_755 : memref<1x1024xf32, #tpu.memory_space<hbm>> -> memref<1024xf32, #tpu.memory_space<hbm>>
        %dma_start3A_757 = arith.constant 44376 : i32
        %dma_start3A_758 = tpu.memref_slice %arg9[%dma_start3A_757] : memref<66048xf32, #tpu.memory_space<vmem>> -> memref<1024xf32, #tpu.memory_space<vmem>>
        tpu.enqueue_dma source(%dma_start3A_758 : memref<1024xf32, #tpu.memory_space<vmem>>) target(%dma_start3A_756 : memref<1024xf32, #tpu.memory_space<hbm>>) target_semaphore(%arg12 : memref<!tpu.dma_semaphore, #tpu.memory_space<semaphore_mem>>)
        %dma_start3A_759 = arith.constant 45408 : i32
        %dma_start3A_760 = tpu.memref_slice %arg9[%dma_start3A_759] : memref<66048xf32, #tpu.memory_space<vmem>> -> memref<1024xf32, #tpu.memory_space<vmem>>
        %dma_start3A_761 = arith.constant 45056 : i32
        %dma_start3A_762 = tpu.memref_slice %arg5[%add3A_67, %dma_start3A_761] : memref<200x65536xf32, #tpu.memory_space<hbm>> -> memref<1x1024xf32, #tpu.memory_space<hbm>>
        %dma_start3A_763 = tpu.memref_squeeze %dma_start3A_762 : memref<1x1024xf32, #tpu.memory_space<hbm>> -> memref<1024xf32, #tpu.memory_space<hbm>>
        %dma_start3A_764 = arith.constant 45056 : i32
        %dma_start3A_765 = tpu.memref_slice %arg5[%add3A_67, %dma_start3A_764] : memref<200x65536xf32, #tpu.memory_space<hbm>> -> memref<1x1024xf32, #tpu.memory_space<hbm>>
        %dma_start3A_766 = tpu.memref_squeeze %dma_start3A_765 : memref<1x1024xf32, #tpu.memory_space<hbm>> -> memref<1024xf32, #tpu.memory_space<hbm>>
        %dma_start3A_767 = arith.constant 45408 : i32
        %dma_start3A_768 = tpu.memref_slice %arg9[%dma_start3A_767] : memref<66048xf32, #tpu.memory_space<vmem>> -> memref<1024xf32, #tpu.memory_space<vmem>>
        tpu.enqueue_dma source(%dma_start3A_768 : memref<1024xf32, #tpu.memory_space<vmem>>) target(%dma_start3A_766 : memref<1024xf32, #tpu.memory_space<hbm>>) target_semaphore(%arg12 : memref<!tpu.dma_semaphore, #tpu.memory_space<semaphore_mem>>)
        %dma_start3A_769 = arith.constant 46440 : i32
        %dma_start3A_770 = tpu.memref_slice %arg9[%dma_start3A_769] : memref<66048xf32, #tpu.memory_space<vmem>> -> memref<1024xf32, #tpu.memory_space<vmem>>
        %dma_start3A_771 = arith.constant 46080 : i32
        %dma_start3A_772 = tpu.memref_slice %arg5[%add3A_67, %dma_start3A_771] : memref<200x65536xf32, #tpu.memory_space<hbm>> -> memref<1x1024xf32, #tpu.memory_space<hbm>>
        %dma_start3A_773 = tpu.memref_squeeze %dma_start3A_772 : memref<1x1024xf32, #tpu.memory_space<hbm>> -> memref<1024xf32, #tpu.memory_space<hbm>>
        %dma_start3A_774 = arith.constant 46080 : i32
        %dma_start3A_775 = tpu.memref_slice %arg5[%add3A_67, %dma_start3A_774] : memref<200x65536xf32, #tpu.memory_space<hbm>> -> memref<1x1024xf32, #tpu.memory_space<hbm>>
        %dma_start3A_776 = tpu.memref_squeeze %dma_start3A_775 : memref<1x1024xf32, #tpu.memory_space<hbm>> -> memref<1024xf32, #tpu.memory_space<hbm>>
        %dma_start3A_777 = arith.constant 46440 : i32
        %dma_start3A_778 = tpu.memref_slice %arg9[%dma_start3A_777] : memref<66048xf32, #tpu.memory_space<vmem>> -> memref<1024xf32, #tpu.memory_space<vmem>>
        tpu.enqueue_dma source(%dma_start3A_778 : memref<1024xf32, #tpu.memory_space<vmem>>) target(%dma_start3A_776 : memref<1024xf32, #tpu.memory_space<hbm>>) target_semaphore(%arg12 : memref<!tpu.dma_semaphore, #tpu.memory_space<semaphore_mem>>)
        %dma_start3A_779 = arith.constant 47472 : i32
        %dma_start3A_780 = tpu.memref_slice %arg9[%dma_start3A_779] : memref<66048xf32, #tpu.memory_space<vmem>> -> memref<1024xf32, #tpu.memory_space<vmem>>
        %dma_start3A_781 = arith.constant 47104 : i32
        %dma_start3A_782 = tpu.memref_slice %arg5[%add3A_67, %dma_start3A_781] : memref<200x65536xf32, #tpu.memory_space<hbm>> -> memref<1x1024xf32, #tpu.memory_space<hbm>>
        %dma_start3A_783 = tpu.memref_squeeze %dma_start3A_782 : memref<1x1024xf32, #tpu.memory_space<hbm>> -> memref<1024xf32, #tpu.memory_space<hbm>>
        %dma_start3A_784 = arith.constant 47104 : i32
        %dma_start3A_785 = tpu.memref_slice %arg5[%add3A_67, %dma_start3A_784] : memref<200x65536xf32, #tpu.memory_space<hbm>> -> memref<1x1024xf32, #tpu.memory_space<hbm>>
        %dma_start3A_786 = tpu.memref_squeeze %dma_start3A_785 : memref<1x1024xf32, #tpu.memory_space<hbm>> -> memref<1024xf32, #tpu.memory_space<hbm>>
        %dma_start3A_787 = arith.constant 47472 : i32
        %dma_start3A_788 = tpu.memref_slice %arg9[%dma_start3A_787] : memref<66048xf32, #tpu.memory_space<vmem>> -> memref<1024xf32, #tpu.memory_space<vmem>>
        tpu.enqueue_dma source(%dma_start3A_788 : memref<1024xf32, #tpu.memory_space<vmem>>) target(%dma_start3A_786 : memref<1024xf32, #tpu.memory_space<hbm>>) target_semaphore(%arg12 : memref<!tpu.dma_semaphore, #tpu.memory_space<semaphore_mem>>)
        %dma_start3A_789 = arith.constant 48504 : i32
        %dma_start3A_790 = tpu.memref_slice %arg9[%dma_start3A_789] : memref<66048xf32, #tpu.memory_space<vmem>> -> memref<1024xf32, #tpu.memory_space<vmem>>
        %dma_start3A_791 = arith.constant 48128 : i32
        %dma_start3A_792 = tpu.memref_slice %arg5[%add3A_67, %dma_start3A_791] : memref<200x65536xf32, #tpu.memory_space<hbm>> -> memref<1x1024xf32, #tpu.memory_space<hbm>>
        %dma_start3A_793 = tpu.memref_squeeze %dma_start3A_792 : memref<1x1024xf32, #tpu.memory_space<hbm>> -> memref<1024xf32, #tpu.memory_space<hbm>>
        %dma_start3A_794 = arith.constant 48128 : i32
        %dma_start3A_795 = tpu.memref_slice %arg5[%add3A_67, %dma_start3A_794] : memref<200x65536xf32, #tpu.memory_space<hbm>> -> memref<1x1024xf32, #tpu.memory_space<hbm>>
        %dma_start3A_796 = tpu.memref_squeeze %dma_start3A_795 : memref<1x1024xf32, #tpu.memory_space<hbm>> -> memref<1024xf32, #tpu.memory_space<hbm>>
        %dma_start3A_797 = arith.constant 48504 : i32
        %dma_start3A_798 = tpu.memref_slice %arg9[%dma_start3A_797] : memref<66048xf32, #tpu.memory_space<vmem>> -> memref<1024xf32, #tpu.memory_space<vmem>>
        tpu.enqueue_dma source(%dma_start3A_798 : memref<1024xf32, #tpu.memory_space<vmem>>) target(%dma_start3A_796 : memref<1024xf32, #tpu.memory_space<hbm>>) target_semaphore(%arg12 : memref<!tpu.dma_semaphore, #tpu.memory_space<semaphore_mem>>)
        %dma_start3A_799 = arith.constant 49536 : i32
        %dma_start3A_800 = tpu.memref_slice %arg9[%dma_start3A_799] : memref<66048xf32, #tpu.memory_space<vmem>> -> memref<1024xf32, #tpu.memory_space<vmem>>
        %dma_start3A_801 = arith.constant 49152 : i32
        %dma_start3A_802 = tpu.memref_slice %arg5[%add3A_67, %dma_start3A_801] : memref<200x65536xf32, #tpu.memory_space<hbm>> -> memref<1x1024xf32, #tpu.memory_space<hbm>>
        %dma_start3A_803 = tpu.memref_squeeze %dma_start3A_802 : memref<1x1024xf32, #tpu.memory_space<hbm>> -> memref<1024xf32, #tpu.memory_space<hbm>>
        %dma_start3A_804 = arith.constant 49152 : i32
        %dma_start3A_805 = tpu.memref_slice %arg5[%add3A_67, %dma_start3A_804] : memref<200x65536xf32, #tpu.memory_space<hbm>> -> memref<1x1024xf32, #tpu.memory_space<hbm>>
        %dma_start3A_806 = tpu.memref_squeeze %dma_start3A_805 : memref<1x1024xf32, #tpu.memory_space<hbm>> -> memref<1024xf32, #tpu.memory_space<hbm>>
        %dma_start3A_807 = arith.constant 49536 : i32
        %dma_start3A_808 = tpu.memref_slice %arg9[%dma_start3A_807] : memref<66048xf32, #tpu.memory_space<vmem>> -> memref<1024xf32, #tpu.memory_space<vmem>>
        tpu.enqueue_dma source(%dma_start3A_808 : memref<1024xf32, #tpu.memory_space<vmem>>) target(%dma_start3A_806 : memref<1024xf32, #tpu.memory_space<hbm>>) target_semaphore(%arg12 : memref<!tpu.dma_semaphore, #tpu.memory_space<semaphore_mem>>)
        %dma_start3A_809 = arith.constant 50568 : i32
        %dma_start3A_810 = tpu.memref_slice %arg9[%dma_start3A_809] : memref<66048xf32, #tpu.memory_space<vmem>> -> memref<1024xf32, #tpu.memory_space<vmem>>
        %dma_start3A_811 = arith.constant 50176 : i32
        %dma_start3A_812 = tpu.memref_slice %arg5[%add3A_67, %dma_start3A_811] : memref<200x65536xf32, #tpu.memory_space<hbm>> -> memref<1x1024xf32, #tpu.memory_space<hbm>>
        %dma_start3A_813 = tpu.memref_squeeze %dma_start3A_812 : memref<1x1024xf32, #tpu.memory_space<hbm>> -> memref<1024xf32, #tpu.memory_space<hbm>>
        %dma_start3A_814 = arith.constant 50176 : i32
        %dma_start3A_815 = tpu.memref_slice %arg5[%add3A_67, %dma_start3A_814] : memref<200x65536xf32, #tpu.memory_space<hbm>> -> memref<1x1024xf32, #tpu.memory_space<hbm>>
        %dma_start3A_816 = tpu.memref_squeeze %dma_start3A_815 : memref<1x1024xf32, #tpu.memory_space<hbm>> -> memref<1024xf32, #tpu.memory_space<hbm>>
        %dma_start3A_817 = arith.constant 50568 : i32
        %dma_start3A_818 = tpu.memref_slice %arg9[%dma_start3A_817] : memref<66048xf32, #tpu.memory_space<vmem>> -> memref<1024xf32, #tpu.memory_space<vmem>>
        tpu.enqueue_dma source(%dma_start3A_818 : memref<1024xf32, #tpu.memory_space<vmem>>) target(%dma_start3A_816 : memref<1024xf32, #tpu.memory_space<hbm>>) target_semaphore(%arg12 : memref<!tpu.dma_semaphore, #tpu.memory_space<semaphore_mem>>)
        %dma_start3A_819 = arith.constant 51600 : i32
        %dma_start3A_820 = tpu.memref_slice %arg9[%dma_start3A_819] : memref<66048xf32, #tpu.memory_space<vmem>> -> memref<1024xf32, #tpu.memory_space<vmem>>
        %dma_start3A_821 = arith.constant 51200 : i32
        %dma_start3A_822 = tpu.memref_slice %arg5[%add3A_67, %dma_start3A_821] : memref<200x65536xf32, #tpu.memory_space<hbm>> -> memref<1x1024xf32, #tpu.memory_space<hbm>>
        %dma_start3A_823 = tpu.memref_squeeze %dma_start3A_822 : memref<1x1024xf32, #tpu.memory_space<hbm>> -> memref<1024xf32, #tpu.memory_space<hbm>>
        %dma_start3A_824 = arith.constant 51200 : i32
        %dma_start3A_825 = tpu.memref_slice %arg5[%add3A_67, %dma_start3A_824] : memref<200x65536xf32, #tpu.memory_space<hbm>> -> memref<1x1024xf32, #tpu.memory_space<hbm>>
        %dma_start3A_826 = tpu.memref_squeeze %dma_start3A_825 : memref<1x1024xf32, #tpu.memory_space<hbm>> -> memref<1024xf32, #tpu.memory_space<hbm>>
        %dma_start3A_827 = arith.constant 51600 : i32
        %dma_start3A_828 = tpu.memref_slice %arg9[%dma_start3A_827] : memref<66048xf32, #tpu.memory_space<vmem>> -> memref<1024xf32, #tpu.memory_space<vmem>>
        tpu.enqueue_dma source(%dma_start3A_828 : memref<1024xf32, #tpu.memory_space<vmem>>) target(%dma_start3A_826 : memref<1024xf32, #tpu.memory_space<hbm>>) target_semaphore(%arg12 : memref<!tpu.dma_semaphore, #tpu.memory_space<semaphore_mem>>)
        %dma_start3A_829 = arith.constant 52632 : i32
        %dma_start3A_830 = tpu.memref_slice %arg9[%dma_start3A_829] : memref<66048xf32, #tpu.memory_space<vmem>> -> memref<1024xf32, #tpu.memory_space<vmem>>
        %dma_start3A_831 = arith.constant 52224 : i32
        %dma_start3A_832 = tpu.memref_slice %arg5[%add3A_67, %dma_start3A_831] : memref<200x65536xf32, #tpu.memory_space<hbm>> -> memref<1x1024xf32, #tpu.memory_space<hbm>>
        %dma_start3A_833 = tpu.memref_squeeze %dma_start3A_832 : memref<1x1024xf32, #tpu.memory_space<hbm>> -> memref<1024xf32, #tpu.memory_space<hbm>>
        %dma_start3A_834 = arith.constant 52224 : i32
        %dma_start3A_835 = tpu.memref_slice %arg5[%add3A_67, %dma_start3A_834] : memref<200x65536xf32, #tpu.memory_space<hbm>> -> memref<1x1024xf32, #tpu.memory_space<hbm>>
        %dma_start3A_836 = tpu.memref_squeeze %dma_start3A_835 : memref<1x1024xf32, #tpu.memory_space<hbm>> -> memref<1024xf32, #tpu.memory_space<hbm>>
        %dma_start3A_837 = arith.constant 52632 : i32
        %dma_start3A_838 = tpu.memref_slice %arg9[%dma_start3A_837] : memref<66048xf32, #tpu.memory_space<vmem>> -> memref<1024xf32, #tpu.memory_space<vmem>>
        tpu.enqueue_dma source(%dma_start3A_838 : memref<1024xf32, #tpu.memory_space<vmem>>) target(%dma_start3A_836 : memref<1024xf32, #tpu.memory_space<hbm>>) target_semaphore(%arg12 : memref<!tpu.dma_semaphore, #tpu.memory_space<semaphore_mem>>)
        %dma_start3A_839 = arith.constant 53664 : i32
        %dma_start3A_840 = tpu.memref_slice %arg9[%dma_start3A_839] : memref<66048xf32, #tpu.memory_space<vmem>> -> memref<1024xf32, #tpu.memory_space<vmem>>
        %dma_start3A_841 = arith.constant 53248 : i32
        %dma_start3A_842 = tpu.memref_slice %arg5[%add3A_67, %dma_start3A_841] : memref<200x65536xf32, #tpu.memory_space<hbm>> -> memref<1x1024xf32, #tpu.memory_space<hbm>>
        %dma_start3A_843 = tpu.memref_squeeze %dma_start3A_842 : memref<1x1024xf32, #tpu.memory_space<hbm>> -> memref<1024xf32, #tpu.memory_space<hbm>>
        %dma_start3A_844 = arith.constant 53248 : i32
        %dma_start3A_845 = tpu.memref_slice %arg5[%add3A_67, %dma_start3A_844] : memref<200x65536xf32, #tpu.memory_space<hbm>> -> memref<1x1024xf32, #tpu.memory_space<hbm>>
        %dma_start3A_846 = tpu.memref_squeeze %dma_start3A_845 : memref<1x1024xf32, #tpu.memory_space<hbm>> -> memref<1024xf32, #tpu.memory_space<hbm>>
        %dma_start3A_847 = arith.constant 53664 : i32
        %dma_start3A_848 = tpu.memref_slice %arg9[%dma_start3A_847] : memref<66048xf32, #tpu.memory_space<vmem>> -> memref<1024xf32, #tpu.memory_space<vmem>>
        tpu.enqueue_dma source(%dma_start3A_848 : memref<1024xf32, #tpu.memory_space<vmem>>) target(%dma_start3A_846 : memref<1024xf32, #tpu.memory_space<hbm>>) target_semaphore(%arg12 : memref<!tpu.dma_semaphore, #tpu.memory_space<semaphore_mem>>)
        %dma_start3A_849 = arith.constant 54696 : i32
        %dma_start3A_850 = tpu.memref_slice %arg9[%dma_start3A_849] : memref<66048xf32, #tpu.memory_space<vmem>> -> memref<1024xf32, #tpu.memory_space<vmem>>
        %dma_start3A_851 = arith.constant 54272 : i32
        %dma_start3A_852 = tpu.memref_slice %arg5[%add3A_67, %dma_start3A_851] : memref<200x65536xf32, #tpu.memory_space<hbm>> -> memref<1x1024xf32, #tpu.memory_space<hbm>>
        %dma_start3A_853 = tpu.memref_squeeze %dma_start3A_852 : memref<1x1024xf32, #tpu.memory_space<hbm>> -> memref<1024xf32, #tpu.memory_space<hbm>>
        %dma_start3A_854 = arith.constant 54272 : i32
        %dma_start3A_855 = tpu.memref_slice %arg5[%add3A_67, %dma_start3A_854] : memref<200x65536xf32, #tpu.memory_space<hbm>> -> memref<1x1024xf32, #tpu.memory_space<hbm>>
        %dma_start3A_856 = tpu.memref_squeeze %dma_start3A_855 : memref<1x1024xf32, #tpu.memory_space<hbm>> -> memref<1024xf32, #tpu.memory_space<hbm>>
        %dma_start3A_857 = arith.constant 54696 : i32
        %dma_start3A_858 = tpu.memref_slice %arg9[%dma_start3A_857] : memref<66048xf32, #tpu.memory_space<vmem>> -> memref<1024xf32, #tpu.memory_space<vmem>>
        tpu.enqueue_dma source(%dma_start3A_858 : memref<1024xf32, #tpu.memory_space<vmem>>) target(%dma_start3A_856 : memref<1024xf32, #tpu.memory_space<hbm>>) target_semaphore(%arg12 : memref<!tpu.dma_semaphore, #tpu.memory_space<semaphore_mem>>)
        %dma_start3A_859 = arith.constant 55728 : i32
        %dma_start3A_860 = tpu.memref_slice %arg9[%dma_start3A_859] : memref<66048xf32, #tpu.memory_space<vmem>> -> memref<1024xf32, #tpu.memory_space<vmem>>
        %dma_start3A_861 = arith.constant 55296 : i32
        %dma_start3A_862 = tpu.memref_slice %arg5[%add3A_67, %dma_start3A_861] : memref<200x65536xf32, #tpu.memory_space<hbm>> -> memref<1x1024xf32, #tpu.memory_space<hbm>>
        %dma_start3A_863 = tpu.memref_squeeze %dma_start3A_862 : memref<1x1024xf32, #tpu.memory_space<hbm>> -> memref<1024xf32, #tpu.memory_space<hbm>>
        %dma_start3A_864 = arith.constant 55296 : i32
        %dma_start3A_865 = tpu.memref_slice %arg5[%add3A_67, %dma_start3A_864] : memref<200x65536xf32, #tpu.memory_space<hbm>> -> memref<1x1024xf32, #tpu.memory_space<hbm>>
        %dma_start3A_866 = tpu.memref_squeeze %dma_start3A_865 : memref<1x1024xf32, #tpu.memory_space<hbm>> -> memref<1024xf32, #tpu.memory_space<hbm>>
        %dma_start3A_867 = arith.constant 55728 : i32
        %dma_start3A_868 = tpu.memref_slice %arg9[%dma_start3A_867] : memref<66048xf32, #tpu.memory_space<vmem>> -> memref<1024xf32, #tpu.memory_space<vmem>>
        tpu.enqueue_dma source(%dma_start3A_868 : memref<1024xf32, #tpu.memory_space<vmem>>) target(%dma_start3A_866 : memref<1024xf32, #tpu.memory_space<hbm>>) target_semaphore(%arg12 : memref<!tpu.dma_semaphore, #tpu.memory_space<semaphore_mem>>)
        %dma_start3A_869 = arith.constant 56760 : i32
        %dma_start3A_870 = tpu.memref_slice %arg9[%dma_start3A_869] : memref<66048xf32, #tpu.memory_space<vmem>> -> memref<1024xf32, #tpu.memory_space<vmem>>
        %dma_start3A_871 = arith.constant 56320 : i32
        %dma_start3A_872 = tpu.memref_slice %arg5[%add3A_67, %dma_start3A_871] : memref<200x65536xf32, #tpu.memory_space<hbm>> -> memref<1x1024xf32, #tpu.memory_space<hbm>>
        %dma_start3A_873 = tpu.memref_squeeze %dma_start3A_872 : memref<1x1024xf32, #tpu.memory_space<hbm>> -> memref<1024xf32, #tpu.memory_space<hbm>>
        %dma_start3A_874 = arith.constant 56320 : i32
        %dma_start3A_875 = tpu.memref_slice %arg5[%add3A_67, %dma_start3A_874] : memref<200x65536xf32, #tpu.memory_space<hbm>> -> memref<1x1024xf32, #tpu.memory_space<hbm>>
        %dma_start3A_876 = tpu.memref_squeeze %dma_start3A_875 : memref<1x1024xf32, #tpu.memory_space<hbm>> -> memref<1024xf32, #tpu.memory_space<hbm>>
        %dma_start3A_877 = arith.constant 56760 : i32
        %dma_start3A_878 = tpu.memref_slice %arg9[%dma_start3A_877] : memref<66048xf32, #tpu.memory_space<vmem>> -> memref<1024xf32, #tpu.memory_space<vmem>>
        tpu.enqueue_dma source(%dma_start3A_878 : memref<1024xf32, #tpu.memory_space<vmem>>) target(%dma_start3A_876 : memref<1024xf32, #tpu.memory_space<hbm>>) target_semaphore(%arg12 : memref<!tpu.dma_semaphore, #tpu.memory_space<semaphore_mem>>)
        %dma_start3A_879 = arith.constant 57792 : i32
        %dma_start3A_880 = tpu.memref_slice %arg9[%dma_start3A_879] : memref<66048xf32, #tpu.memory_space<vmem>> -> memref<1024xf32, #tpu.memory_space<vmem>>
        %dma_start3A_881 = arith.constant 57344 : i32
        %dma_start3A_882 = tpu.memref_slice %arg5[%add3A_67, %dma_start3A_881] : memref<200x65536xf32, #tpu.memory_space<hbm>> -> memref<1x1024xf32, #tpu.memory_space<hbm>>
        %dma_start3A_883 = tpu.memref_squeeze %dma_start3A_882 : memref<1x1024xf32, #tpu.memory_space<hbm>> -> memref<1024xf32, #tpu.memory_space<hbm>>
        %dma_start3A_884 = arith.constant 57344 : i32
        %dma_start3A_885 = tpu.memref_slice %arg5[%add3A_67, %dma_start3A_884] : memref<200x65536xf32, #tpu.memory_space<hbm>> -> memref<1x1024xf32, #tpu.memory_space<hbm>>
        %dma_start3A_886 = tpu.memref_squeeze %dma_start3A_885 : memref<1x1024xf32, #tpu.memory_space<hbm>> -> memref<1024xf32, #tpu.memory_space<hbm>>
        %dma_start3A_887 = arith.constant 57792 : i32
        %dma_start3A_888 = tpu.memref_slice %arg9[%dma_start3A_887] : memref<66048xf32, #tpu.memory_space<vmem>> -> memref<1024xf32, #tpu.memory_space<vmem>>
        tpu.enqueue_dma source(%dma_start3A_888 : memref<1024xf32, #tpu.memory_space<vmem>>) target(%dma_start3A_886 : memref<1024xf32, #tpu.memory_space<hbm>>) target_semaphore(%arg12 : memref<!tpu.dma_semaphore, #tpu.memory_space<semaphore_mem>>)
        %dma_start3A_889 = arith.constant 58824 : i32
        %dma_start3A_890 = tpu.memref_slice %arg9[%dma_start3A_889] : memref<66048xf32, #tpu.memory_space<vmem>> -> memref<1024xf32, #tpu.memory_space<vmem>>
        %dma_start3A_891 = arith.constant 58368 : i32
        %dma_start3A_892 = tpu.memref_slice %arg5[%add3A_67, %dma_start3A_891] : memref<200x65536xf32, #tpu.memory_space<hbm>> -> memref<1x1024xf32, #tpu.memory_space<hbm>>
        %dma_start3A_893 = tpu.memref_squeeze %dma_start3A_892 : memref<1x1024xf32, #tpu.memory_space<hbm>> -> memref<1024xf32, #tpu.memory_space<hbm>>
        %dma_start3A_894 = arith.constant 58368 : i32
        %dma_start3A_895 = tpu.memref_slice %arg5[%add3A_67, %dma_start3A_894] : memref<200x65536xf32, #tpu.memory_space<hbm>> -> memref<1x1024xf32, #tpu.memory_space<hbm>>
        %dma_start3A_896 = tpu.memref_squeeze %dma_start3A_895 : memref<1x1024xf32, #tpu.memory_space<hbm>> -> memref<1024xf32, #tpu.memory_space<hbm>>
        %dma_start3A_897 = arith.constant 58824 : i32
        %dma_start3A_898 = tpu.memref_slice %arg9[%dma_start3A_897] : memref<66048xf32, #tpu.memory_space<vmem>> -> memref<1024xf32, #tpu.memory_space<vmem>>
        tpu.enqueue_dma source(%dma_start3A_898 : memref<1024xf32, #tpu.memory_space<vmem>>) target(%dma_start3A_896 : memref<1024xf32, #tpu.memory_space<hbm>>) target_semaphore(%arg12 : memref<!tpu.dma_semaphore, #tpu.memory_space<semaphore_mem>>)
        %dma_start3A_899 = arith.constant 59856 : i32
        %dma_start3A_900 = tpu.memref_slice %arg9[%dma_start3A_899] : memref<66048xf32, #tpu.memory_space<vmem>> -> memref<1024xf32, #tpu.memory_space<vmem>>
        %dma_start3A_901 = arith.constant 59392 : i32
        %dma_start3A_902 = tpu.memref_slice %arg5[%add3A_67, %dma_start3A_901] : memref<200x65536xf32, #tpu.memory_space<hbm>> -> memref<1x1024xf32, #tpu.memory_space<hbm>>
        %dma_start3A_903 = tpu.memref_squeeze %dma_start3A_902 : memref<1x1024xf32, #tpu.memory_space<hbm>> -> memref<1024xf32, #tpu.memory_space<hbm>>
        %dma_start3A_904 = arith.constant 59392 : i32
        %dma_start3A_905 = tpu.memref_slice %arg5[%add3A_67, %dma_start3A_904] : memref<200x65536xf32, #tpu.memory_space<hbm>> -> memref<1x1024xf32, #tpu.memory_space<hbm>>
        %dma_start3A_906 = tpu.memref_squeeze %dma_start3A_905 : memref<1x1024xf32, #tpu.memory_space<hbm>> -> memref<1024xf32, #tpu.memory_space<hbm>>
        %dma_start3A_907 = arith.constant 59856 : i32
        %dma_start3A_908 = tpu.memref_slice %arg9[%dma_start3A_907] : memref<66048xf32, #tpu.memory_space<vmem>> -> memref<1024xf32, #tpu.memory_space<vmem>>
        tpu.enqueue_dma source(%dma_start3A_908 : memref<1024xf32, #tpu.memory_space<vmem>>) target(%dma_start3A_906 : memref<1024xf32, #tpu.memory_space<hbm>>) target_semaphore(%arg12 : memref<!tpu.dma_semaphore, #tpu.memory_space<semaphore_mem>>)
        %dma_start3A_909 = arith.constant 60888 : i32
        %dma_start3A_910 = tpu.memref_slice %arg9[%dma_start3A_909] : memref<66048xf32, #tpu.memory_space<vmem>> -> memref<1024xf32, #tpu.memory_space<vmem>>
        %dma_start3A_911 = arith.constant 60416 : i32
        %dma_start3A_912 = tpu.memref_slice %arg5[%add3A_67, %dma_start3A_911] : memref<200x65536xf32, #tpu.memory_space<hbm>> -> memref<1x1024xf32, #tpu.memory_space<hbm>>
        %dma_start3A_913 = tpu.memref_squeeze %dma_start3A_912 : memref<1x1024xf32, #tpu.memory_space<hbm>> -> memref<1024xf32, #tpu.memory_space<hbm>>
        %dma_start3A_914 = arith.constant 60416 : i32
        %dma_start3A_915 = tpu.memref_slice %arg5[%add3A_67, %dma_start3A_914] : memref<200x65536xf32, #tpu.memory_space<hbm>> -> memref<1x1024xf32, #tpu.memory_space<hbm>>
        %dma_start3A_916 = tpu.memref_squeeze %dma_start3A_915 : memref<1x1024xf32, #tpu.memory_space<hbm>> -> memref<1024xf32, #tpu.memory_space<hbm>>
        %dma_start3A_917 = arith.constant 60888 : i32
        %dma_start3A_918 = tpu.memref_slice %arg9[%dma_start3A_917] : memref<66048xf32, #tpu.memory_space<vmem>> -> memref<1024xf32, #tpu.memory_space<vmem>>
        tpu.enqueue_dma source(%dma_start3A_918 : memref<1024xf32, #tpu.memory_space<vmem>>) target(%dma_start3A_916 : memref<1024xf32, #tpu.memory_space<hbm>>) target_semaphore(%arg12 : memref<!tpu.dma_semaphore, #tpu.memory_space<semaphore_mem>>)
        %dma_start3A_919 = arith.constant 61920 : i32
        %dma_start3A_920 = tpu.memref_slice %arg9[%dma_start3A_919] : memref<66048xf32, #tpu.memory_space<vmem>> -> memref<1024xf32, #tpu.memory_space<vmem>>
        %dma_start3A_921 = arith.constant 61440 : i32
        %dma_start3A_922 = tpu.memref_slice %arg5[%add3A_67, %dma_start3A_921] : memref<200x65536xf32, #tpu.memory_space<hbm>> -> memref<1x1024xf32, #tpu.memory_space<hbm>>
        %dma_start3A_923 = tpu.memref_squeeze %dma_start3A_922 : memref<1x1024xf32, #tpu.memory_space<hbm>> -> memref<1024xf32, #tpu.memory_space<hbm>>
        %dma_start3A_924 = arith.constant 61440 : i32
        %dma_start3A_925 = tpu.memref_slice %arg5[%add3A_67, %dma_start3A_924] : memref<200x65536xf32, #tpu.memory_space<hbm>> -> memref<1x1024xf32, #tpu.memory_space<hbm>>
        %dma_start3A_926 = tpu.memref_squeeze %dma_start3A_925 : memref<1x1024xf32, #tpu.memory_space<hbm>> -> memref<1024xf32, #tpu.memory_space<hbm>>
        %dma_start3A_927 = arith.constant 61920 : i32
        %dma_start3A_928 = tpu.memref_slice %arg9[%dma_start3A_927] : memref<66048xf32, #tpu.memory_space<vmem>> -> memref<1024xf32, #tpu.memory_space<vmem>>
        tpu.enqueue_dma source(%dma_start3A_928 : memref<1024xf32, #tpu.memory_space<vmem>>) target(%dma_start3A_926 : memref<1024xf32, #tpu.memory_space<hbm>>) target_semaphore(%arg12 : memref<!tpu.dma_semaphore, #tpu.memory_space<semaphore_mem>>)
        %dma_start3A_929 = arith.constant 62952 : i32
        %dma_start3A_930 = tpu.memref_slice %arg9[%dma_start3A_929] : memref<66048xf32, #tpu.memory_space<vmem>> -> memref<1024xf32, #tpu.memory_space<vmem>>
        %dma_start3A_931 = arith.constant 62464 : i32
        %dma_start3A_932 = tpu.memref_slice %arg5[%add3A_67, %dma_start3A_931] : memref<200x65536xf32, #tpu.memory_space<hbm>> -> memref<1x1024xf32, #tpu.memory_space<hbm>>
        %dma_start3A_933 = tpu.memref_squeeze %dma_start3A_932 : memref<1x1024xf32, #tpu.memory_space<hbm>> -> memref<1024xf32, #tpu.memory_space<hbm>>
        %dma_start3A_934 = arith.constant 62464 : i32
        %dma_start3A_935 = tpu.memref_slice %arg5[%add3A_67, %dma_start3A_934] : memref<200x65536xf32, #tpu.memory_space<hbm>> -> memref<1x1024xf32, #tpu.memory_space<hbm>>
        %dma_start3A_936 = tpu.memref_squeeze %dma_start3A_935 : memref<1x1024xf32, #tpu.memory_space<hbm>> -> memref<1024xf32, #tpu.memory_space<hbm>>
        %dma_start3A_937 = arith.constant 62952 : i32
        %dma_start3A_938 = tpu.memref_slice %arg9[%dma_start3A_937] : memref<66048xf32, #tpu.memory_space<vmem>> -> memref<1024xf32, #tpu.memory_space<vmem>>
        tpu.enqueue_dma source(%dma_start3A_938 : memref<1024xf32, #tpu.memory_space<vmem>>) target(%dma_start3A_936 : memref<1024xf32, #tpu.memory_space<hbm>>) target_semaphore(%arg12 : memref<!tpu.dma_semaphore, #tpu.memory_space<semaphore_mem>>)
        %dma_start3A_939 = arith.constant 63984 : i32
        %dma_start3A_940 = tpu.memref_slice %arg9[%dma_start3A_939] : memref<66048xf32, #tpu.memory_space<vmem>> -> memref<1024xf32, #tpu.memory_space<vmem>>
        %dma_start3A_941 = arith.constant 63488 : i32
        %dma_start3A_942 = tpu.memref_slice %arg5[%add3A_67, %dma_start3A_941] : memref<200x65536xf32, #tpu.memory_space<hbm>> -> memref<1x1024xf32, #tpu.memory_space<hbm>>
        %dma_start3A_943 = tpu.memref_squeeze %dma_start3A_942 : memref<1x1024xf32, #tpu.memory_space<hbm>> -> memref<1024xf32, #tpu.memory_space<hbm>>
        %dma_start3A_944 = arith.constant 63488 : i32
        %dma_start3A_945 = tpu.memref_slice %arg5[%add3A_67, %dma_start3A_944] : memref<200x65536xf32, #tpu.memory_space<hbm>> -> memref<1x1024xf32, #tpu.memory_space<hbm>>
        %dma_start3A_946 = tpu.memref_squeeze %dma_start3A_945 : memref<1x1024xf32, #tpu.memory_space<hbm>> -> memref<1024xf32, #tpu.memory_space<hbm>>
        %dma_start3A_947 = arith.constant 63984 : i32
        %dma_start3A_948 = tpu.memref_slice %arg9[%dma_start3A_947] : memref<66048xf32, #tpu.memory_space<vmem>> -> memref<1024xf32, #tpu.memory_space<vmem>>
        tpu.enqueue_dma source(%dma_start3A_948 : memref<1024xf32, #tpu.memory_space<vmem>>) target(%dma_start3A_946 : memref<1024xf32, #tpu.memory_space<hbm>>) target_semaphore(%arg12 : memref<!tpu.dma_semaphore, #tpu.memory_space<semaphore_mem>>)
        %dma_start3A_949 = arith.constant 65016 : i32
        %dma_start3A_950 = tpu.memref_slice %arg9[%dma_start3A_949] : memref<66048xf32, #tpu.memory_space<vmem>> -> memref<1024xf32, #tpu.memory_space<vmem>>
        %dma_start3A_951 = arith.constant 64512 : i32
        %dma_start3A_952 = tpu.memref_slice %arg5[%add3A_67, %dma_start3A_951] : memref<200x65536xf32, #tpu.memory_space<hbm>> -> memref<1x1024xf32, #tpu.memory_space<hbm>>
        %dma_start3A_953 = tpu.memref_squeeze %dma_start3A_952 : memref<1x1024xf32, #tpu.memory_space<hbm>> -> memref<1024xf32, #tpu.memory_space<hbm>>
        %dma_start3A_954 = arith.constant 64512 : i32
        %dma_start3A_955 = tpu.memref_slice %arg5[%add3A_67, %dma_start3A_954] : memref<200x65536xf32, #tpu.memory_space<hbm>> -> memref<1x1024xf32, #tpu.memory_space<hbm>>
        %dma_start3A_956 = tpu.memref_squeeze %dma_start3A_955 : memref<1x1024xf32, #tpu.memory_space<hbm>> -> memref<1024xf32, #tpu.memory_space<hbm>>
        %dma_start3A_957 = arith.constant 65016 : i32
        %dma_start3A_958 = tpu.memref_slice %arg9[%dma_start3A_957] : memref<66048xf32, #tpu.memory_space<vmem>> -> memref<1024xf32, #tpu.memory_space<vmem>>
        tpu.enqueue_dma source(%dma_start3A_958 : memref<1024xf32, #tpu.memory_space<vmem>>) target(%dma_start3A_956 : memref<1024xf32, #tpu.memory_space<hbm>>) target_semaphore(%arg12 : memref<!tpu.dma_semaphore, #tpu.memory_space<semaphore_mem>>)
      } else {
      }
    }
    %scan3A_53 = arith.constant 7 : i32
    %dma_wait3A = arith.constant 0 : i32
    %dma_wait3A_54 = arith.constant 0 : i32
    %dma_wait3A_55 = tpu.memref_slice %arg9[%dma_wait3A_54] : memref<66048xf32, #tpu.memory_space<vmem>> -> memref<65536xf32, #tpu.memory_space<vmem>>
    %dma_wait3A_56 = arith.constant 0 : i32
    %dma_wait3A_57 = tpu.memref_slice %arg5[%dma_wait3A, %dma_wait3A_56] : memref<200x65536xf32, #tpu.memory_space<hbm>> -> memref<1x65536xf32, #tpu.memory_space<hbm>>
    %dma_wait3A_58 = tpu.memref_squeeze %dma_wait3A_57 : memref<1x65536xf32, #tpu.memory_space<hbm>> -> memref<65536xf32, #tpu.memory_space<hbm>>
    %dma_wait3A_59 = arith.constant 0 : i32
    %dma_wait3A_60 = tpu.memref_slice %arg5[%dma_wait3A, %dma_wait3A_59] : memref<200x65536xf32, #tpu.memory_space<hbm>> -> memref<1x65536xf32, #tpu.memory_space<hbm>>
    %dma_wait3A_61 = tpu.memref_squeeze %dma_wait3A_60 : memref<1x65536xf32, #tpu.memory_space<hbm>> -> memref<65536xf32, #tpu.memory_space<hbm>>
    %dma_wait3A_62 = arith.constant 0 : i32
    %dma_wait3A_63 = tpu.memref_slice %arg9[%dma_wait3A_62] : memref<66048xf32, #tpu.memory_space<vmem>> -> memref<65536xf32, #tpu.memory_space<vmem>>
    tpu.wait_dma2 semaphore(%arg12 : memref<!tpu.dma_semaphore, #tpu.memory_space<semaphore_mem>>) src(%dma_wait3A_63 : memref<65536xf32, #tpu.memory_space<vmem>>) dst(%dma_wait3A_61 : memref<65536xf32, #tpu.memory_space<hbm>>)
    return
  }
}

</mosaic_0001>

<sc_bundles>
// kernel: kernel.3.cloned.1.call-start
scs
__scs_entry_jumppad:
0x0: {  	(pc) =	sbr.rel $0x88, $3  }
0x1: {  	(tag) =	ssettag $0x0;
	lr =	simm.s32 $0x1  }
0x2: {  	[smem:$0x3F9F] =	sst lr;
	_ =	strace $0xD0000000  }
0x3: {  	_ = 	snop  }
0x4: {  	_ = 	snop  }
0x5: {  	_ = 	snop  }
0x6: {  	_ = 	snop  }
0x7: {  	_ = 	snop  }
__scs_overlays_trampoline_lowered:
0x8: {  	[smem:$0x3FAE] =	sst s0  }
0x9: {  	[smem:$0x3FAF] =	sst s1  }
0xa: {  	[smem:$0x3FB0] =	sst s2  }
0xb: {  	[smem:$0x3FB1] =	sst s3  }
0xc: {  	[smem:$0x3FB2] =	sst s4  }
0xd: {  	[smem:$0x3FB3] =	sst s5  }
0xe: {  	[smem:$0x3FB4] =	sst s6  }
0xf: {  	[smem:$0x3FB5] =	sst s7  }
0x10: {  	[smem:$0x3FB6] =	sst s8  }
0x11: {  	[smem:$0x3FB7] =	sst s9;
	s0 =	simm.s32 @!p0 $0x0  }
0x12: {  	s1 =	sld [smem:$0x3F9D];
	s0 =	simm.s32 @p0 $0x1  }
0x13: {  	[smem:$0x3FB8] =	sst s0;
	s0 =	simm.s32 @!p1 $0x0  }
0x14: {  	s2 =	sld [smem:$0x3F9C];
	s0 =	simm.s32 @p1 $0x1  }
0x15: {  	[smem:$0x3FB9] =	sst s0;
	s0 =	simm.s32 @!p2 $0x0  }
0x16: {  	s3 =	sld [smem:$0x3FDB];
	s0 =	simm.s32 @p2 $0x1  }
0x17: {  	s4 =	simm.s32 $0x1BF5;
	[smem:$0x3FBB] =	sst s0  }
0x18: {  	s0 =	sld [smem:$0x3F9E];
	_ =	swait.ge [sflag:s4], $0x0  }
0x19: {  	s7 =	sld [smem:$0x3F9F]  }
0x1a: {  	s8 =	sadd.s32 $0xFFFFE003, lr  }
0x1b: {  	s9 =	sadd.s32 $0xFFFFFEF7, lr;
	s5 =	simm.s32 $0xFFFFFFFF;
	p2 =	slt.u32 s8, $0xFFFFF086  }
0x1c: {  	p1 =	slt.u32 s9, $0xF7A;
	s5 =	simm.s32 @!p2 $0x0  }
0x1d: {  	s5 =	simm.s32 @p1 $0x1;
	p0 =	seq.s32 s7, s2  }
0x1e: {  	s7 =	smul.u32 @!p0 $0xF7A, s2;
	p2 =	seq.s32 @!p0 s5, $0x0  }
0x1f: {  	s9 =	smul.u32 $0xF7A, s1;
	s8 =	simm.s32 @!p0 $0x1BF5;
	p2 =	por !p2, p0  }
0x20: {  	[sflag:s8] =	ssyncset.s32 @!p0 $0xFFFFF086;
	s6 =	sadd.s32 @!p0 s3, s7;
	s7 =	simm.s32 @!p0 $0x108  }
0x21: {  	s3 =	sadd.s32 s3, s9;
	s6 =	sadd.s32 @!p0 $0x88, s6;
	s7 =	simm.s32 @p2 $0x1082  }
0x22: {  	[simem:s7], [sflag:s8] =	dma.local @!p0 [hbm:s6], $0xF7A  }
0x23: {  	s9 =	sor.u32 $0xD0000000, s2;
	s6 =	simm.s32 $0x108;
	_ =	swait.ge @!p0 [sflag:s8], $0x0  }
0x24: {  	s3 =	sadd.s32 $0x88, s3;
	s6 =	simm.s32 @!p1 $0x1082;
	[sflag:s4] =	ssyncset.s32 $0xFFFFF086  }
0x25: {  	[simem:s6], [sflag:s4] =	dma.local [hbm:s3], $0xF7A  }
0x26: {  	[smem:$0x3F9F] =	sst s1;
	(tag) =	ssettag s2;
	_ =	strace s9  }
0x27: {  	s1 =	sld [smem:$0x3FAF]  }
0x28: {  	s2 =	sld [smem:$0x3FB0]  }
0x29: {  	s4 =	sld [smem:$0x3FB2]  }
0x2a: {  	p0 =	seq.s32 s5, $0x0;
	s5 =	sld [smem:$0x3FB3]  }
0x2b: {  	s6 =	sld [smem:$0x3FB4]  }
0x2c: {  	s7 =	sld [smem:$0x3FB5]  }
0x2d: {  	s3 =	simm.s32 $0x108;
	s8 =	sld [smem:$0x3FB6]  }
0x2e: {  	s3 =	simm.s32 @!p0 $0x1082;
	s9 =	sld [smem:$0x3FB7]  }
0x2f: {  	lr =	sadd.s32 s0, s3;
	s0 =	sld [smem:$0x3FAE]  }
0x30: {  	s3 =	sld [smem:$0x3FB1]  }
0x31: {  	[smem:$0x3FBA] =	sst s10  }
0x32: {  	s10 =	sld [smem:$0x3FB8];
	_ =	sdelay $0x3  }
0x33: {  	p0 =	seq.s32 s10, $0x1;
	s10 =	sld [smem:$0x3FBA];
	_ =	sdelay $0x3  }
0x34: {  	[smem:$0x3FBA] =	sst s10  }
0x35: {  	s10 =	sld [smem:$0x3FB9];
	_ =	sdelay $0x3  }
0x36: {  	p1 =	seq.s32 s10, $0x1;
	s10 =	sld [smem:$0x3FBA];
	_ =	sdelay $0x3  }
0x37: {  	[smem:$0x3FBA] =	sst s10  }
0x38: {  	s10 =	sld [smem:$0x3FBB]  }
0x39: {  	_ = 	snop;
	(pc) =	sbr.ind lr, $3  }
0x3a: {  	_ = 	snop  }
0x3b: {  	_ = 	snop  }
0x3c: {  	p2 =	seq.s32 s10, $0x1;
	s10 =	sld [smem:$0x3FBA]  }
0x3d: {  	_ =	shalt  }
0x3e: {  	_ =	shalt  }
0x3f: {  	_ =	shalt  }
0x40: {  	_ =	shalt  }
0x41: {  	_ =	shalt  }
0x42: {  	_ =	shalt  }
0x43: {  	_ =	shalt  }
0x44: {  	_ =	shalt  }
0x45: {  	_ =	shalt  }
0x46: {  	_ =	shalt  }
0x47: {  	_ =	shalt  }
0x48: {  	_ =	shalt  }
0x49: {  	_ =	shalt  }
0x4a: {  	_ =	shalt  }
0x4b: {  	_ =	shalt  }
0x4c: {  	_ =	shalt  }
0x4d: {  	_ =	shalt  }
0x4e: {  	_ =	shalt  }
0x4f: {  	_ =	shalt  }
0x50: {  	_ =	shalt  }
0x51: {  	_ =	shalt  }
0x52: {  	_ =	shalt  }
0x53: {  	_ =	shalt  }
0x54: {  	_ =	shalt  }
0x55: {  	_ =	shalt  }
0x56: {  	_ =	shalt  }
0x57: {  	_ =	shalt  }
0x58: {  	_ =	shalt  }
0x59: {  	_ =	shalt  }
0x5a: {  	_ =	shalt  }
0x5b: {  	_ =	shalt  }
0x5c: {  	_ =	shalt  }
0x5d: {  	_ =	shalt  }
0x5e: {  	_ =	shalt  }
0x5f: {  	_ =	shalt  }
0x60: {  	_ =	shalt  }
0x61: {  	_ =	shalt  }
0x62: {  	_ =	shalt  }
0x63: {  	_ =	shalt  }
0x64: {  	_ =	shalt  }
0x65: {  	_ =	shalt  }
0x66: {  	_ =	shalt  }
0x67: {  	_ =	shalt  }
0x68: {  	_ =	shalt  }
0x69: {  	_ =	shalt  }
0x6a: {  	_ =	shalt  }
0x6b: {  	_ =	shalt  }
0x6c: {  	_ =	shalt  }
0x6d: {  	_ =	shalt  }
0x6e: {  	_ =	shalt  }
0x6f: {  	_ =	shalt  }
0x70: {  	_ =	shalt  }
0x71: {  	_ =	shalt  }
0x72: {  	_ =	shalt  }
0x73: {  	_ =	shalt  }
0x74: {  	_ =	shalt  }
0x75: {  	_ =	shalt  }
0x76: {  	_ =	shalt  }
0x77: {  	_ =	shalt  }
0x78: {  	_ =	shalt  }
0x79: {  	_ =	shalt  }
0x7a: {  	_ =	shalt  }
0x7b: {  	_ =	shalt  }
0x7c: {  	_ =	shalt  }
0x7d: {  	_ =	shalt  }
0x7e: {  	_ =	shalt  }
0x7f: {  	_ =	shalt  }
0x80: {  	_ =	shalt  }
0x81: {  	_ =	shalt  }
0x82: {  	_ =	shalt  }
0x83: {  	_ =	shalt  }
0x84: {  	_ =	shalt  }
0x85: {  	_ =	shalt  }
0x86: {  	_ =	shalt  }
0x87: {  	_ =	shalt  }
.Lfunc_end0:
.L_simem_size_0:
called_computation_lowered:
.L_overlay_start_0:
0x88: {  	s2 =	sld [smem:$0x3FD9]  }
0x89: {  	s3 =	sld [smem:$0x3FFE];
	_ =	sdelay $0x1  }
0x8a: {  	s1 =	srdreg.scid  }
0x8b: {  	s0 =	sand.u32 $0x1, s1  }
0x8c: {  	s17 =	sshll.u32 s0, $0xA;
	s2 =	sadd.s32 s3, s2  }
0x8d: {  	s2 =	sadd.s32 s2, s17  }
0x8e: {  	[smem:$0x3FC6] =	sst s2  }
0x8f: {  	_ = 	snop  }
0x90: {  	s2 =	sld [smem:$0x3FD0];
	(tm) =	ssettm $0x1  }
0x91: {  	s18 =	sld [smem:$0x3FFB];
	_ =	sdelay $0x3  }
0x92: {  	_ =	strace s18  }
0x93: {  	s3 =	sld [smem:$0x3FFC];
	_ =	sdelay $0x3  }
0x94: {  	_ =	strace s3  }
0x95: {  	s3 =	sld [smem:$0x3FFD];
	_ =	sdelay $0x3  }
0x96: {  	_ =	strace s3  }
0x97: {  	_ =	strace $0x8FFFFFFF  }
0x98: {  	s19 =	sld [smem:$0x3FDB];
	_ =	sdelay $0x1  }
0x99: {  	s4 =	simm.s32 $_scs_section_size  }
0x9a: {  	s5 =	simm.s32 $_size__tile_overlayer_lowered;
	s6 =	simm.s32 $_tile_overlayer_lowered  }
0x9b: {  	s22 =	simm.s32 $0x1BFF;
	s21 =	sshll.u32 s6, $0x1;
	s3 =	sadd.s32 s4, s19  }
0x9c: {  	s7 =	simm.s32 $0x0;
	s20 =	sshll.u32 s5, $0x1;
	s5 =	sadd.s32 s21, s3  }
0x9d: {  	[timem:s7], [sflag:s22] =	dma.local [hbm:s5], s20  }
0x9e: {  	_ =	swait.ge [sflag:s22], s20  }
0x9f: {  	s4 =	ssub.s32 $0x0, s20;
	[sflag:s22] =	ssyncset.done $0x0  }
0xa0: {  	[sflag:s22] =	ssyncadd.s32 s4;
	_ =	sdelay $0x1  }
0xa1: {  	s23 =	simm.s32 $0x1B8B  }
0xa2: {  	_ =	swait.ge [sflag:s23], $0x1  }
0xa3: {  	[sflag:s23] =	ssyncset.done $0x0  }
0xa4: {  	s25 =	simm.s32 $0x1B8E;
	s24 =	sld [smem:$0x3FFE];
	[sflag:s23] =	ssyncadd.s32 $0xFFFFFFFF  }
0xa5: {  	s26 =	simm.s32 $execute0_lowered;
	[smem:$0x3FD2] =	sst s25  }
0xa6: {  	s5 =	sshll.u32 s26, $0x1;
	_ =	strace $0x80000046;
	[dreg:$0x1] =	wrdreg $0xFFFFFFFF  }
0xa7: {  	s28 =	simm.s32 $_size_execute0_lowered;
	s3 =	sadd.s32 s3, s5;
	[dreg:$0x0] =	wrdreg $0x0  }
0xa8: {  	s5 =	sshll.u32 s28, $0x1;
	[dreg:$0x2] =	wrdreg s3  }
0xa9: {  	[dreg:$0x3] =	wrdreg s5  }
0xaa: {  	[dreg:$0x4] =	wrdreg $0xC0  }
0xab: {  	_ =	task [dreg:s7], $0x5FFFF  }
0xac: {  	[dreg:$0x1] =	wrdreg $0xFFFFFFFF  }
0xad: {  	[dreg:$0x0] =	wrdreg $0x60  }
0xae: {  	[dreg:$0x2] =	wrdreg s2  }
0xaf: {  	[dreg:$0x3] =	wrdreg s24  }
0xb0: {  	[dreg:$0x4] =	wrdreg $0x9  }
0xb1: {  	_ =	task.clear_ibuf [dreg:s7], $0x5FFFF;
	_ =	strace $0x90000046  }
0xb2: {  	s29 =	simm.s32 $0x9;
	_ =	strace $0x80000048  }
0xb3: {  	_ =	swait.ge [sflag:s29], $0x1  }
0xb4: {  	[sflag:s29] =	ssyncadd.s32 $0xFFFFFFFF  }
0xb5: {  	_ =	strace $0x90000048  }
0xb6: {  	_ =	sfence  }
0xb7: {  	s30 =	sld [smem:$0x0];
	_ =	sdelay $0x2  }
0xb8: {  	s31 =	sshll.u32 s1, $0xD;
	s1 =	sshrl.u32 s1, $0x2  }
0xb9: {  	s3 =	sand.u32 $0x4000, s31;
	s1 =	sadd.s32 s1, s30  }
0xba: {  	s0 =	sor.u32 s3, s0;
	s1 =	sshll.u32 s1, $0x11  }
0xbb: {  	s0 =	sor.u32 s1, s0  }
0xbc: {  	s0 =	sadd.s32 $0x8F2B, s0  }
0xbd: {  	[sflag:s0] =	ssyncadd.remote.s32 $0x1  }
0xbe: {  	_ =	sfence.sel $0xFFFF  }
0xbf: {  	[dreg:$0x0] =	wrdreg $0xFFFFFFFF;
	(pc) =	sbr.abs _section_cstart, $3  }
0xc0: {  	[dreg:$0x1] =	wrdreg $0xFFFFFFFF  }
0xc1: {  	_ =	task.clear_ibuf [dreg:s7], $0x2FFFF;
	_ =	strace $0x9FFFFFFF  }
0xc2: {  	(tm) =	ssettm $0x7FFFFFFF  }
0xc3: {  	_ =	shalt  }
tec
execute0_lowered:
.L_overlay_start_1:
0x0: {  	(tag) =	ssettag $0x1  }
0x1: {  	s2 =	rddreg [dreg:$0x1];
	s0 =	srdreg.scid;
	s3 =	simm.s32 $0x0  }
0x2: {  	s0 =	sand.u32 $0x1, s0;
	[smem:$0x7FF] =	sst s3  }
0x3: {  	s4 =	sadd.s32 $0x800, s2;
	[dreg:$0x3] =	wrdreg s0  }
0x4: {  	s19 =	sadd.s32 $0x880, s2;
	_ =	strace $0x80000047;
	[dreg:$0x4] =	wrdreg s4  }
0x5: {  	s20 =	sadd.s32 $0x900, s2;
	[dreg:$0x5] =	wrdreg s19  }
0x6: {  	s21 =	sadd.s32 $0x980, s2;
	[dreg:$0x6] =	wrdreg s20  }
0x7: {  	s22 =	sadd.s32 $0xA00, s2;
	[dreg:$0x7] =	wrdreg s21  }
0x8: {  	s23 =	sadd.s32 $0xA80, s2;
	[dreg:$0x8] =	wrdreg s22  }
0x9: {  	s24 =	sadd.s32 $0xB00, s2;
	[dreg:$0x9] =	wrdreg s23  }
0xa: {  	s25 =	sadd.s32 $0xB80, s2;
	[dreg:$0xa] =	wrdreg s24  }
0xb: {  	s26 =	sadd.s32 $0xC00, s2;
	[dreg:$0xb] =	wrdreg s25  }
0xc: {  	s28 =	sadd.s32 $0xC80, s2;
	[dreg:$0xc] =	wrdreg s26  }
0xd: {  	s29 =	sadd.s32 $0xD00, s2;
	[dreg:$0xd] =	wrdreg s28  }
0xe: {  	s30 =	sadd.s32 $0xD80, s2;
	[dreg:$0xe] =	wrdreg s29  }
0xf: {  	s31 =	sadd.s32 $0xE00, s2;
	[dreg:$0xf] =	wrdreg s30  }
0x10: {  	s5 =	sadd.s32 $0xF00, s2;
	[dreg:$0x10] =	wrdreg s31  }
0x11: {  	s7 =	sadd.s32 $0xF80, s2;
	[dreg:$0x12] =	wrdreg s5  }
0x12: {  	s9 =	sadd.s32 $0x1000, s2;
	[dreg:$0x13] =	wrdreg s7  }
0x13: {  	s10 =	sadd.s32 $0x1080, s2;
	[dreg:$0x14] =	wrdreg s9  }
0x14: {  	s11 =	sadd.s32 $0x1100, s2;
	[dreg:$0x16] =	wrdreg s10  }
0x15: {  	s12 =	sadd.s32 $0x1180, s2;
	[dreg:$0x17] =	wrdreg s11  }
0x16: {  	s13 =	sadd.s32 $0x1200, s2;
	[dreg:$0x18] =	wrdreg s12  }
0x17: {  	s14 =	sadd.s32 $0x1280, s2;
	[dreg:$0x19] =	wrdreg s13  }
0x18: {  	s15 =	sadd.s32 $0x1300, s2;
	[dreg:$0x1a] =	wrdreg s14  }
0x19: {  	s16 =	sadd.s32 $0x1380, s2;
	[dreg:$0x1b] =	wrdreg s15  }
0x1a: {  	s18 =	stileid.u32;
	s17 =	sadd.s32 $0x1400, s2;
	[dreg:$0x1c] =	wrdreg s16  }
0x1b: {  	s8 =	sshll.u32 s18, $0x1;
	s18 =	sadd.s32 $0x1480, s2;
	[dreg:$0x1d] =	wrdreg s17  }
0x1c: {  	s4 =	sadd.s32 $0xE80, s2;
	[dreg:$0x1e] =	wrdreg s18  }
0x1d: {  	s19 =	sadd.s32 $0x1500, s2;
	[dreg:$0x11] =	wrdreg s4  }
0x1e: {  	s20 =	sadd.s32 $0x1580, s2;
	[dreg:$0x1f] =	wrdreg s19  }
0x1f: {  	s21 =	sadd.s32 $0x1600, s2;
	[smem:$0x7D9] =	sst s20  }
0x20: {  	s22 =	sadd.s32 $0x1680, s2;
	[smem:$0x7DA] =	sst s21  }
0x21: {  	s23 =	sadd.s32 $0x1700, s2;
	[smem:$0x7DB] =	sst s22  }
0x22: {  	s24 =	sadd.s32 $0x1780, s2;
	[smem:$0x7DC] =	sst s23  }
0x23: {  	s25 =	sadd.s32 $0x1800, s2;
	[smem:$0x7DD] =	sst s24  }
0x24: {  	s26 =	sadd.s32 $0x1880, s2;
	[smem:$0x7DE] =	sst s25  }
0x25: {  	s28 =	sadd.s32 $0x1900, s2;
	[smem:$0x7DF] =	sst s26  }
0x26: {  	s29 =	sadd.s32 $0x1980, s2;
	[smem:$0x7E0] =	sst s28  }
0x27: {  	s30 =	sadd.s32 $0x1A00, s2;
	[smem:$0x7E1] =	sst s29  }
0x28: {  	s31 =	sadd.s32 $0x1A80, s2;
	[smem:$0x7E2] =	sst s30  }
0x29: {  	s5 =	sadd.s32 $0x1C00, s2;
	[smem:$0x7E3] =	sst s31  }
0x2a: {  	s7 =	sadd.s32 $0x1C80, s2;
	[smem:$0x7E6] =	sst s5  }
0x2b: {  	s9 =	sadd.s32 $0x1D00, s2;
	[smem:$0x7E7] =	sst s7  }
0x2c: {  	s10 =	sadd.s32 $0x1D80, s2;
	[smem:$0x7E8] =	sst s9  }
0x2d: {  	s11 =	sadd.s32 $0x1E00, s2;
	[smem:$0x7E9] =	sst s10  }
0x2e: {  	s12 =	sadd.s32 $0x1E80, s2;
	[smem:$0x7EA] =	sst s11  }
0x2f: {  	s13 =	sadd.s32 $0x1F00, s2;
	[smem:$0x7EB] =	sst s12  }
0x30: {  	s14 =	sadd.s32 $0x1F80, s2;
	[smem:$0x7EC] =	sst s13  }
0x31: {  	s15 =	sadd.s32 $0x2000, s2;
	[smem:$0x7ED] =	sst s14  }
0x32: {  	s16 =	sadd.s32 $0x2080, s2;
	[smem:$0x7EE] =	sst s15  }
0x33: {  	s0 =	ssub.s32 $0x2, s0;
	s17 =	sadd.s32 $0x2100, s2;
	[smem:$0x7EF] =	sst s16  }
0x34: {  	s1 =	sshrl.u32 s0, $0x1;
	s18 =	sadd.s32 $0x2180, s2;
	[smem:$0x7F0] =	sst s17  }
0x35: {  	s0 =	ssub.s32 s0, s1;
	s1 =	sadd.s32 $0x1B00, s2;
	[smem:$0x7F1] =	sst s18  }
0x36: {  	s4 =	sadd.s32 $0x1B80, s2;
	[smem:$0x7E4] =	sst s1  }
0x37: {  	s19 =	sadd.s32 $0x2200, s2;
	[smem:$0x7E5] =	sst s4  }
0x38: {  	s20 =	sadd.s32 $0x2280, s2;
	[smem:$0x7F2] =	sst s19  }
0x39: {  	s21 =	sadd.s32 $0x2300, s2;
	[smem:$0x7F3] =	sst s20  }
0x3a: {  	s22 =	sadd.s32 $0x2380, s2;
	[smem:$0x7F4] =	sst s21  }
0x3b: {  	s23 =	sadd.s32 $0x2400, s2;
	[smem:$0x7F5] =	sst s22  }
0x3c: {  	s24 =	sadd.s32 $0x2480, s2;
	[smem:$0x7F6] =	sst s23  }
0x3d: {  	s25 =	sadd.s32 $0x2500, s2;
	[smem:$0x7F7] =	sst s24  }
0x3e: {  	s6 =	sadd.s32 $0xF42C00, s2;
	s26 =	sadd.s32 $0x2580, s2;
	[smem:$0x7F8] =	sst s25  }
0x3f: {  	s28 =	sadd.s32 $0x2600, s2;
	s29 =	sadd.s32 $0x2680, s2;
	[smem:$0x7F9] =	sst s26  }
0x40: {  	s30 =	sadd.s32 $0x2700, s2;
	s31 =	sadd.s32 $0x2780, s2;
	[smem:$0x7FA] =	sst s28  }
.Ltmp0:
0x41: {  	v1 =	vlaneseq.u32;
	s16 =	simm.s32 $0x400;
	[smem:$0x7FB] =	sst s29;
	(pc) =	sbr.rel .LBB2_1-.Ltmp0, $4  }
0x42: {  	v0 =	vmul.u32 $0x100, v1;
	s17 =	simm.s32 $0x4;
	s18 =	simm.s32 $0x80;
	[smem:$0x7FC] =	sst s30  }
0x43: {  	v1 =	vmul.u32 $0x408, v1;
	s2 =	simm.s32 $0x0;
	s0 =	smax.u32 s0, $0x1;
	[smem:$0x7FD] =	sst s31  }
0x44: {  	v2 =	vor.u32 $0x1000, v0;
	v3 =	vor.u32 $0x2000, v0;
	v4 =	vor.u32 $0x3000, v0;
	s19 =	simm.s32 $0x4400;
	s20 =	simm.s32 $0x6400;
	s21 =	simm.s32 $0x1  }
0x45: {  	v5 =	vadd.s32 $0x4080, v1;
	v6 =	vadd.s32 $0x8100, v1;
	v7 =	vadd.s32 $0xC180, v1;
	s22 =	simm.s32 $0x8400;
	s23 =	simm.s32 $0x2;
	[dreg:$0x15] =	wrdreg s0  }
.LBB2_21:
0x46: {  	s1 =	simm.s32 $0x3  }
0x47: {  	_ =	swait.ge [sflag:s1], $0x10000  }
0x48: {  	s2 =	sld [smem:$0x7D8];
	_ =	sdelay $0x2  }
0x49: {  	s0 =	rddreg [dreg:$0x15];
	s2 =	sadd.s32 $0x1, s2  }
0x4a: {  	p0 =	sne.s32 s2, s0  }
.Ltmp1:
0x4b: {  	_ = 	snop;
	(pc) =	sbr.rel @!p0 .LBB2_22-.Ltmp1, $3  }
0x4c: {  	_ =	sdelay $0x1  }
0x4d: {  	[sflag:s1] =	ssyncset.done $0x0  }
0x4e: {  	[sflag:s1] =	ssyncadd.s32 $0xFFFF0000  }
.LBB2_1:
0x4f: {  	[smem:$0x7D8] =	sst s2  }
.Ltmp2:
0x50: {  	s0 =	rddreg [dreg:$0x1];
	(pc) =	sbr.rel .LBB2_2-.Ltmp2, $4  }
0x51: {  	[tilespmem:s16], [sflag:$0x4] =	stream.linear.gather [hbm4b:s0+s3], $0x4000, $0x38;
	[tilespmem:$0x18600] =	vst v63  }
0x52: {  	_ =	swait.ge [sflag:s17], $0x4000  }
0x53: {  	[sflag:s17] =	ssyncset.done $0x0  }
0x54: {  	s24 =	simm.s32 $0x0;
	[sflag:s17] =	ssyncadd.s32 $0xFFFFC000  }
.LBB2_20:
0x55: {  	s24 =	sadd.s32 $0x1, s24  }
0x56: {  	p0 =	sne.s32 s24, $0x7  }
.Ltmp3:
0x57: {  	_ = 	snop;
	(pc) =	sbr.rel @!p0 .LBB2_21-.Ltmp3, $1  }
0x58: {  	_ =	sdelay $0x3  }
.LBB2_2:
0x59: {  	s0 =	sshll.u32 s24, $0x5  }
0x5a: {  	s0 =	sor.u32 s8, s0  }
0x5b: {  	p0 =	sgt.u32 s0, $0xC7  }
.Ltmp4:
0x5c: {  	_ = 	snop;
	(pc) =	sbr.rel @p0 .LBB2_20-.Ltmp4, $1  }
0x5d: {  	_ =	sdelay $0x3  }
0x5e: {  	s1 =	rddreg [dreg:$0x3]  }
0x5f: {  	s26 =	sor.u32 s1, s0  }
0x60: {  	s14 =	rddreg [dreg:$0x0];
	s0 =	sshll.u32 s26, $0x7  }
0x61: {  	v8 =	vor.u32 s26, v0;
	s0 =	sadd.s32 s14, s0  }
0x62: {  	v9 =	vor.u32 s26, v2;
	[tilespmem:s3], [sflag:$0x4] =	stream.linear.gather [hbm4b:s0+s3], $0x400, $0x38;
	[tilespmem:$0x18600] =	vst v63  }
0x63: {  	v12 =	vor.u32 s26, v3;
	_ =	swait.ge [sflag:s17], $0x400  }
0x64: {  	v13 =	vor.u32 s26, v4;
	[sflag:s17] =	ssyncset.done $0x0  }
0x65: {  	[sflag:s17] =	ssyncadd.s32 $0xFFFFFC00  }
0x66: {  	v10 =	vld.idx.msk [tilespmem:v8+s16+$0x0], $0xffff  }
0x67: {  	p0 =	seq.s32 s24, $0x0;
	v11 =	vld.idx.msk [tilespmem:v9+s16+$0x0], $0xffff  }
0x68: {  	s0 =	simm.s32 @!p0 $0x3;
	v9 =	vld.idx.msk [tilespmem:v12+s16+$0x0], $0xffff  }
0x69: {  	v8 =	vld.idx.msk [tilespmem:v13+s16+$0x0], $0xffff;
	[tilespmem:s19], [sflag:$0x1] =	stream.indirect.gather [hbm4b:s6+s18], $0x40, s3, s18, $0xb8  }
0x6a: {  	_ =	swait.ge @!p0 [sflag:s0], $0x10000  }
0x6b: {  	[sflag:s0] =	ssyncset.done @!p0 $0x0  }
0x6c: {  	[sflag:s0] =	ssyncadd.s32 @!p0 $0xFFFF0000  }
0x6d: {  	[tilespmem:s20], [sflag:$0x2] =	stream.indirect.gather [hbm4b:s6+s18], $0x40, s18, s18, $0xb8;
	[tilespmem:$0x18600] =	vst v63  }
0x6e: {  	_ =	swait.ge [sflag:s21], $0x2000  }
0x6f: {  	[sflag:s21] =	ssyncset.done $0x0  }
0x70: {  	s15 =	simm.s32 $0x4500;
	[sflag:s21] =	ssyncadd.s32 $0xFFFFE000  }
0x71: {  	v12 =	vld [tilespmem:s15+$0xC0]  }
0x72: {  	v13 =	vld [tilespmem:s15+$0xFFFFFF40];
	_ =	sdelay $0x1  }
0x73: {  	s4 =	simm.s32 $0x7  }
0x74: {  	s25 =	simm.s32 $0x1;
	v15 =	vadd.s32 s4, v1;
	v14 =	vld [tilespmem:s15+$0xFFFFFF80]  }
0x75: {  	v17 =	vadd.s32 s25, v1;
	v16 =	vld [tilespmem:s15+$0xFFFFFFC0];
	v12 =	vmul.f32 $8.000000000e+00, v12  }
0x76: {  	v18 =	vld [tilespmem:s15+$0x0];
	v13 =	vmul.f32 $8.000000000e+00, v13  }
0x77: {  	s12 =	simm.s32 $0x2;
	v19 =	vld [tilespmem:s15+$0x40];
	v12 =	vadd.f32 v12, v10  }
0x78: {  	s11 =	simm.s32 $0x3;
	v20 =	vadd.s32 s12, v1;
	v21 =	vld [tilespmem:s15+$0x80];
	v13 =	vadd.f32 v13, v10  }
0x79: {  	s2 =	simm.s32 $0x4;
	v23 =	vadd.s32 s11, v1;
	v22 =	vld [tilespmem:s15+$0xFFFFFF00];
	v14 =	vmul.f32 $8.000000000e+00, v14;
	[tilespmem:v15+s22+$0x0] =	vst.idx.msk $0xffff, v12  }
0x7a: {  	s10 =	simm.s32 $0x5;
	v12 =	vmul.f32 $8.000000000e+00, v16;
	v15 =	vadd.s32 s2, v1;
	[tilespmem:v17+s22+$0x0] =	vst.idx.msk $0xffff, v13;
	v13 =	vld [tilespmem:s15+$0xD0]  }
0x7b: {  	s30 =	simm.s32 $0x6;
	v14 =	vadd.f32 v14, v10;
	v16 =	vmul.f32 $8.000000000e+00, v18;
	v17 =	vadd.s32 s10, v1;
	v18 =	vld [tilespmem:s15+$0xFFFFFF50]  }
0x7c: {  	s13 =	simm.s32 $0x0;
	v24 =	vadd.s32 s30, v1;
	v19 =	vmul.f32 $8.000000000e+00, v19;
	v12 =	vadd.f32 v12, v10  }
0x7d: {  	v25 =	vadd.s32 s13, v1;
	[tilespmem:v20+s22+$0x0] =	vst.idx.msk $0xffff, v14;
	v14 =	vadd.f32 v16, v10;
	v16 =	vmul.f32 $8.000000000e+00, v21  }
0x7e: {  	v20 =	vmul.f32 $8.000000000e+00, v22;
	v21 =	vld [tilespmem:s15+$0xFFFFFF90];
	[tilespmem:v23+s22+$0x0] =	vst.idx.msk $0xffff, v12;
	v12 =	vadd.f32 v19, v10;
	v19 =	vadd.s32 s4, v5  }
0x7f: {  	v22 =	vld [tilespmem:s15+$0xFFFFFFD0];
	[tilespmem:v15+s22+$0x0] =	vst.idx.msk $0xffff, v14;
	v14 =	vadd.f32 v16, v10;
	v15 =	vadd.s32 s25, v5;
	v13 =	vmul.f32 $8.000000000e+00, v13  }
0x80: {  	v16 =	vadd.f32 v20, v10;
	v20 =	vld [tilespmem:s15+$0x10];
	[tilespmem:v17+s22+$0x0] =	vst.idx.msk $0xffff, v12;
	v12 =	vmul.f32 $8.000000000e+00, v18  }
0x81: {  	v17 =	vld [tilespmem:s15+$0x50];
	[tilespmem:v24+s22+$0x0] =	vst.idx.msk $0xffff, v14;
	v13 =	vadd.f32 v13, v11  }
0x82: {  	[tilespmem:v25+s22+$0x0] =	vst.idx.msk $0xffff, v16;
	v14 =	vadd.s32 s12, v5;
	v16 =	vld [tilespmem:s15+$0x90];
	v12 =	vadd.f32 v12, v11  }
0x83: {  	v23 =	vadd.s32 s11, v5;
	v21 =	vmul.f32 $8.000000000e+00, v21;
	v18 =	vld [tilespmem:s15+$0xFFFFFF10];
	[tilespmem:v19+s22+$0x0] =	vst.idx.msk $0xffff, v13  }
0x84: {  	v13 =	vmul.f32 $8.000000000e+00, v22;
	v19 =	vadd.s32 s2, v5;
	[tilespmem:v15+s22+$0x0] =	vst.idx.msk $0xffff, v12;
	v12 =	vld [tilespmem:s15+$0xE0]  }
0x85: {  	v15 =	vadd.f32 v21, v11;
	v21 =	vadd.s32 s10, v5;
	v20 =	vmul.f32 $8.000000000e+00, v20;
	v22 =	vld [tilespmem:s15+$0xFFFFFF60]  }
0x86: {  	v24 =	vadd.s32 s30, v5;
	v13 =	vadd.f32 v13, v11;
	v17 =	vmul.f32 $8.000000000e+00, v17  }
0x87: {  	v25 =	vadd.s32 s13, v5;
	[tilespmem:v14+s22+$0x0] =	vst.idx.msk $0xffff, v15;
	v14 =	vadd.f32 v20, v11;
	v15 =	vmul.f32 $8.000000000e+00, v16  }
0x88: {  	v16 =	vmul.f32 $8.000000000e+00, v18;
	v18 =	vld [tilespmem:s15+$0xFFFFFFA0];
	[tilespmem:v23+s22+$0x0] =	vst.idx.msk $0xffff, v13;
	v13 =	vadd.f32 v17, v11;
	v17 =	vadd.s32 s4, v6  }
0x89: {  	v20 =	vld [tilespmem:s15+$0xFFFFFFE0];
	[tilespmem:v19+s22+$0x0] =	vst.idx.msk $0xffff, v14;
	v14 =	vadd.f32 v15, v11;
	v15 =	vadd.s32 s25, v6;
	v12 =	vmul.f32 $8.000000000e+00, v12  }
0x8a: {  	v16 =	vadd.f32 v16, v11;
	v19 =	vld [tilespmem:s15+$0x20];
	[tilespmem:v21+s22+$0x0] =	vst.idx.msk $0xffff, v13;
	v13 =	vmul.f32 $8.000000000e+00, v22  }
0x8b: {  	v21 =	vld [tilespmem:s15+$0x60];
	[tilespmem:v24+s22+$0x0] =	vst.idx.msk $0xffff, v14;
	v12 =	vadd.f32 v12, v9  }
0x8c: {  	[tilespmem:v25+s22+$0x0] =	vst.idx.msk $0xffff, v16;
	v14 =	vadd.s32 s12, v6;
	v16 =	vld [tilespmem:s15+$0xA0];
	v13 =	vadd.f32 v13, v9  }
0x8d: {  	v23 =	vadd.s32 s11, v6;
	v22 =	vld [tilespmem:s15+$0xFFFFFF20];
	v18 =	vmul.f32 $8.000000000e+00, v18;
	[tilespmem:v17+s22+$0x0] =	vst.idx.msk $0xffff, v12  }
0x8e: {  	v12 =	vmul.f32 $8.000000000e+00, v20;
	v17 =	vadd.s32 s2, v6;
	[tilespmem:v15+s22+$0x0] =	vst.idx.msk $0xffff, v13;
	v13 =	vld [tilespmem:s15+$0xF0]  }
0x8f: {  	s28 =	simm.s32 $0x4700;
	v15 =	vadd.f32 v18, v9;
	v18 =	vmul.f32 $8.000000000e+00, v19;
	v19 =	vadd.s32 s10, v6;
	v20 =	vld [tilespmem:s15+$0xFFFFFF70]  }
0x90: {  	v24 =	vadd.s32 s30, v6;
	v25 =	vld [tilespmem:s28+$0xC0];
	v12 =	vadd.f32 v12, v9;
	v21 =	vmul.f32 $8.000000000e+00, v21  }
0x91: {  	v26 =	vadd.s32 s13, v6;
	[tilespmem:v14+s22+$0x0] =	vst.idx.msk $0xffff, v15;
	v14 =	vadd.f32 v18, v9;
	v15 =	vmul.f32 $8.000000000e+00, v16;
	v16 =	vld [tilespmem:s28+$0xFFFFFF40]  }
0x92: {  	v18 =	vmul.f32 $8.000000000e+00, v22;
	v22 =	vadd.s32 s4, v7;
	[tilespmem:v23+s22+$0x0] =	vst.idx.msk $0xffff, v12;
	v12 =	vadd.f32 v21, v9;
	v21 =	vld [tilespmem:s28+$0xFFFFFF80]  }
0x93: {  	s4 =	simm.s32 $0xF;
	[tilespmem:v17+s22+$0x0] =	vst.idx.msk $0xffff, v14;
	v14 =	vadd.f32 v15, v9;
	v15 =	vld [tilespmem:s28+$0xFFFFFFC0];
	v17 =	vadd.s32 s25, v7;
	v13 =	vmul.f32 $8.000000000e+00, v13  }
0x94: {  	s9 =	simm.s32 $0x9;
	v18 =	vadd.f32 v18, v9;
	[tilespmem:v19+s22+$0x0] =	vst.idx.msk $0xffff, v12;
	v12 =	vld [tilespmem:s28+$0x0];
	v19 =	vadd.s32 s4, v1;
	v20 =	vmul.f32 $8.000000000e+00, v20  }
0x95: {  	v23 =	vld [tilespmem:s28+$0x40];
	s25 =	simm.s32 $0xA;
	[tilespmem:v24+s22+$0x0] =	vst.idx.msk $0xffff, v14;
	v14 =	vadd.s32 s9, v1;
	v24 =	vmul.f32 $8.000000000e+00, v25;
	v13 =	vadd.f32 v13, v8  }
0x96: {  	s31 =	simm.s32 $0xB;
	[tilespmem:v26+s22+$0x0] =	vst.idx.msk $0xffff, v18;
	v18 =	vadd.s32 s25, v1;
	v25 =	vld [tilespmem:s28+$0x80];
	v16 =	vmul.f32 $8.000000000e+00, v16;
	v20 =	vadd.f32 v20, v8  }
0x97: {  	v27 =	vadd.s32 s31, v1;
	s0 =	simm.s32 $0xC;
	v26 =	vld [tilespmem:s28+$0xFFFFFF00];
	v21 =	vmul.f32 $8.000000000e+00, v21;
	v24 =	vadd.f32 v24, v10;
	[tilespmem:v22+s22+$0x0] =	vst.idx.msk $0xffff, v13  }
0x98: {  	s29 =	simm.s32 $0xD;
	v13 =	vadd.f32 v16, v10;
	v15 =	vmul.f32 $8.000000000e+00, v15;
	v16 =	vadd.s32 s0, v1;
	v22 =	vld [tilespmem:s15+$0xFFFFFF30];
	[tilespmem:v17+s22+$0x0] =	vst.idx.msk $0xffff, v20  }
0x99: {  	s5 =	simm.s32 $0xE;
	v20 =	vadd.s32 s29, v1;
	v17 =	vadd.f32 v21, v10;
	v12 =	vmul.f32 $8.000000000e+00, v12;
	[tilespmem:v19+s22+$0x0] =	vst.idx.msk $0xffff, v24;
	v19 =	vld [tilespmem:s15+$0xFFFFFFB0]  }
0x9a: {  	s7 =	simm.s32 $0x8;
	[tilespmem:v14+s22+$0x0] =	vst.idx.msk $0xffff, v13;
	v13 =	vadd.f32 v15, v10;
	v14 =	vmul.f32 $8.000000000e+00, v23;
	v15 =	vadd.s32 s5, v1;
	v21 =	vld [tilespmem:s28+$0xD0]  }
0x9b: {  	v23 =	vadd.s32 s7, v1;
	v24 =	vld [tilespmem:s28+$0xFFFFFF50];
	[tilespmem:v18+s22+$0x0] =	vst.idx.msk $0xffff, v17;
	v12 =	vadd.f32 v12, v10;
	v17 =	vmul.f32 $8.000000000e+00, v25  }
0x9c: {  	v18 =	vadd.s32 s13, v7;
	v25 =	vmul.f32 $8.000000000e+00, v26;
	v26 =	vld [tilespmem:s28+$0xFFFFFF90];
	[tilespmem:v27+s22+$0x0] =	vst.idx.msk $0xffff, v13;
	v13 =	vadd.f32 v14, v10  }
0x9d: {  	v14 =	vadd.s32 s12, v7;
	v27 =	vld [tilespmem:s28+$0xFFFFFFD0];
	[tilespmem:v16+s22+$0x0] =	vst.idx.msk $0xffff, v12;
	v12 =	vadd.f32 v17, v10;
	v16 =	vmul.f32 $8.000000000e+00, v22  }
0x9e: {  	v17 =	vadd.f32 v25, v10;
	v22 =	vld [tilespmem:s28+$0x10];
	[tilespmem:v20+s22+$0x0] =	vst.idx.msk $0xffff, v13;
	v13 =	vadd.s32 s4, v5;
	v19 =	vmul.f32 $8.000000000e+00, v19  }
0x9f: {  	v20 =	vadd.s32 s9, v5;
	v25 =	vld [tilespmem:s28+$0x50];
	[tilespmem:v15+s22+$0x0] =	vst.idx.msk $0xffff, v12;
	v12 =	vmul.f32 $8.000000000e+00, v21;
	v15 =	vadd.f32 v16, v8  }
0xa0: {  	[tilespmem:v23+s22+$0x0] =	vst.idx.msk $0xffff, v17;
	v17 =	vadd.s32 s25, v5;
	v16 =	vmul.f32 $8.000000000e+00, v24;
	v21 =	vld [tilespmem:s28+$0x90];
	v19 =	vadd.f32 v19, v8  }
0xa1: {  	v23 =	vld [tilespmem:s28+$0xFFFFFF10];
	v24 =	vmul.f32 $8.000000000e+00, v26;
	v26 =	vadd.s32 s31, v5;
	v12 =	vadd.f32 v12, v11;
	[tilespmem:v18+s22+$0x0] =	vst.idx.msk $0xffff, v15  }
0xa2: {  	v18 =	vadd.s32 s0, v5;
	v15 =	vadd.f32 v16, v11;
	v16 =	vmul.f32 $8.000000000e+00, v27;
	[tilespmem:v14+s22+$0x0] =	vst.idx.msk $0xffff, v19;
	v14 =	vld [tilespmem:s15+$0xFFFFFFF0]  }
0xa3: {  	v19 =	vadd.f32 v24, v11;
	v22 =	vmul.f32 $8.000000000e+00, v22;
	v24 =	vadd.s32 s29, v5;
	[tilespmem:v13+s22+$0x0] =	vst.idx.msk $0xffff, v12;
	v12 =	vld [tilespmem:s15+$0x30]  }
0xa4: {  	[tilespmem:v20+s22+$0x0] =	vst.idx.msk $0xffff, v15;
	v13 =	vadd.f32 v16, v11;
	v15 =	vmul.f32 $8.000000000e+00, v25;
	v16 =	vadd.s32 s5, v5;
	v20 =	vld [tilespmem:s28+$0xE0]  }
0xa5: {  	v25 =	vadd.s32 s7, v5;
	v27 =	vld [tilespmem:s28+$0xFFFFFF60];
	[tilespmem:v17+s22+$0x0] =	vst.idx.msk $0xffff, v19;
	v17 =	vadd.f32 v22, v11;
	v19 =	vmul.f32 $8.000000000e+00, v21  }
0xa6: {  	v21 =	vadd.s32 s11, v7;
	v22 =	vmul.f32 $8.000000000e+00, v23;
	v23 =	vld [tilespmem:s28+$0xFFFFFFA0];
	[tilespmem:v26+s22+$0x0] =	vst.idx.msk $0xffff, v13;
	v13 =	vadd.f32 v15, v11  }
0xa7: {  	v15 =	vld [tilespmem:s28+$0xFFFFFFE0];
	[tilespmem:v18+s22+$0x0] =	vst.idx.msk $0xffff, v17;
	v17 =	vadd.f32 v19, v11;
	v14 =	vmul.f32 $8.000000000e+00, v14;
	v18 =	vadd.s32 s2, v7  }
0xa8: {  	v19 =	vadd.f32 v22, v11;
	v22 =	vld [tilespmem:s28+$0x20];
	[tilespmem:v24+s22+$0x0] =	vst.idx.msk $0xffff, v13;
	v13 =	vadd.s32 s4, v6;
	v12 =	vmul.f32 $8.000000000e+00, v12  }
0xa9: {  	v24 =	vadd.s32 s9, v6;
	v26 =	vld [tilespmem:s28+$0x60];
	[tilespmem:v16+s22+$0x0] =	vst.idx.msk $0xffff, v17;
	v16 =	vmul.f32 $8.000000000e+00, v20;
	v14 =	vadd.f32 v14, v8  }
0xaa: {  	[tilespmem:v25+s22+$0x0] =	vst.idx.msk $0xffff, v19;
	v25 =	vadd.s32 s25, v6;
	v17 =	vmul.f32 $8.000000000e+00, v27;
	v27 =	vld [tilespmem:s28+$0xA0];
	v12 =	vadd.f32 v12, v8  }
0xab: {  	v29 =	vadd.s32 s31, v6;
	v28 =	vld [tilespmem:s28+$0xFFFFFF20];
	v19 =	vmul.f32 $8.000000000e+00, v23;
	v23 =	vadd.f32 v16, v9;
	[tilespmem:v21+s22+$0x0] =	vst.idx.msk $0xffff, v14  }
0xac: {  	v20 =	vadd.s32 s0, v6;
	v21 =	vld [tilespmem:s15+$0x70];
	v14 =	vadd.f32 v17, v9;
	v15 =	vmul.f32 $8.000000000e+00, v15;
	[tilespmem:v18+s22+$0x0] =	vst.idx.msk $0xffff, v12  }
0xad: {  	v16 =	vadd.s32 s29, v6;
	v17 =	vld [tilespmem:s15+$0xB0];
	v30 =	vadd.f32 v19, v9;
	v22 =	vmul.f32 $8.000000000e+00, v22;
	[tilespmem:v13+s22+$0x0] =	vst.idx.msk $0xffff, v23  }
0xae: {  	v18 =	vadd.s32 s5, v6;
	[tilespmem:v24+s22+$0x0] =	vst.idx.msk $0xffff, v14;
	v31 =	vadd.f32 v15, v9;
	v26 =	vmul.f32 $8.000000000e+00, v26;
	v19 =	vld [tilespmem:s28+$0xF0]  }
0xaf: {  	s2 =	simm.s32 $0x4900;
	v12 =	vadd.s32 s7, v6;
	v13 =	vld [tilespmem:s28+$0xFFFFFF70];
	[tilespmem:v25+s22+$0x0] =	vst.idx.msk $0xffff, v30;
	v22 =	vadd.f32 v22, v9;
	v23 =	vmul.f32 $8.000000000e+00, v27  }
0xb0: {  	s1 =	simm.s32 $0x10;
	v14 =	vld [tilespmem:s2+$0xC0];
	v15 =	vadd.s32 s10, v7;
	s10 =	simm.s32 $0x18;
	v24 =	vmul.f32 $8.000000000e+00, v28;
	[tilespmem:v29+s22+$0x0] =	vst.idx.msk $0xffff, v31;
	v25 =	vadd.f32 v26, v9  }
.LBB2_4:
0xb1: {  	p0 =	slt.u32 s10, $0x78;
	v26 =	vld [tilespmem:s2+$0xFFFFFF40];
	[tilespmem:v20+s22+$0x0] =	vst.idx.msk $0xffff, v22;
	v20 =	vadd.f32 v23, v9;
	v21 =	vmul.f32 $8.000000000e+00, v21;
	v22 =	vadd.s32 s30, v7;
	s30 =	smov.u32 s5  }
0xb2: {  	v23 =	vld [tilespmem:s2+$0xFFFFFF80];
	v24 =	vadd.f32 v24, v9;
	[tilespmem:v16+s22+$0x0] =	vst.idx.msk $0xffff, v25;
	v16 =	vadd.s32 s4, v7;
	v17 =	vmul.f32 $8.000000000e+00, v17  }
0xb3: {  	v27 =	vadd.s32 s9, v7;
	s4 =	sadd.s32 $0x7, s1;
	v25 =	vld [tilespmem:s2+$0xFFFFFFC0];
	[tilespmem:v18+s22+$0x0] =	vst.idx.msk $0xffff, v20;
	v18 =	vmul.f32 $8.000000000e+00, v19;
	v19 =	vadd.f32 v21, v8  }
0xb4: {  	s9 =	sadd.s32 $0x1, s1;
	v21 =	vadd.s32 s4, v1;
	v20 =	vld [tilespmem:s2+$0x0];
	[tilespmem:v12+s22+$0x0] =	vst.idx.msk $0xffff, v24;
	v12 =	vmul.f32 $8.000000000e+00, v13;
	v13 =	vadd.f32 v17, v8  }
0xb5: {  	s14 =	sadd.s32 $0x2, s1;
	v17 =	vadd.s32 s9, v1;
	v24 =	vld [tilespmem:s2+$0x40];
	v14 =	vmul.f32 $8.000000000e+00, v14;
	v18 =	vadd.f32 v18, v8;
	[tilespmem:v15+s22+$0x0] =	vst.idx.msk $0xffff, v19  }
0xb6: {  	s12 =	sadd.s32 $0x3, s1;
	v19 =	vadd.s32 s14, v1;
	v15 =	vmul.f32 $8.000000000e+00, v26;
	v26 =	vld [tilespmem:s2+$0x80];
	v12 =	vadd.f32 v12, v8;
	[tilespmem:v22+s22+$0x0] =	vst.idx.msk $0xffff, v13  }
0xb7: {  	s13 =	sadd.s32 $0x4, s1;
	v13 =	vld [tilespmem:s2+$0xFFFFFF00];
	v22 =	vmul.f32 $8.000000000e+00, v23;
	v23 =	vadd.s32 s12, v1;
	v14 =	vadd.f32 v14, v10;
	[tilespmem:v16+s22+$0x0] =	vst.idx.msk $0xffff, v18  }
0xb8: {  	s11 =	sadd.s32 $0x5, s1;
	v18 =	vadd.s32 s13, v1;
	v15 =	vadd.f32 v15, v10;
	v16 =	vmul.f32 $8.000000000e+00, v25;
	v25 =	vld [tilespmem:s28+$0xFFFFFF30];
	[tilespmem:v27+s22+$0x0] =	vst.idx.msk $0xffff, v12  }
0xb9: {  	s5 =	sadd.s32 $0x6, s1;
	v12 =	vadd.f32 v22, v10;
	v20 =	vmul.f32 $8.000000000e+00, v20;
	v22 =	vadd.s32 s11, v1;
	[tilespmem:v21+s22+$0x0] =	vst.idx.msk $0xffff, v14;
	v14 =	vld [tilespmem:s28+$0xFFFFFFB0]  }
0xba: {  	[tilespmem:v17+s22+$0x0] =	vst.idx.msk $0xffff, v15;
	v15 =	vadd.f32 v16, v10;
	v16 =	vmul.f32 $8.000000000e+00, v24;
	v17 =	vadd.s32 s5, v1;
	v21 =	vld [tilespmem:s2+$0xD0]  }
0xbb: {  	v24 =	vadd.s32 s1, v1;
	v27 =	vld [tilespmem:s2+$0xFFFFFF50];
	[tilespmem:v19+s22+$0x0] =	vst.idx.msk $0xffff, v12;
	v12 =	vadd.f32 v20, v10;
	v19 =	vmul.f32 $8.000000000e+00, v26  }
0xbc: {  	v13 =	vmul.f32 $8.000000000e+00, v13;
	v20 =	vld [tilespmem:s2+$0xFFFFFF90];
	[tilespmem:v23+s22+$0x0] =	vst.idx.msk $0xffff, v15;
	v15 =	vadd.f32 v16, v10;
	v16 =	vadd.s32 s7, v7;
	s7 =	smov.u32 s1;
	s1 =	smov.u32 s10  }
0xbd: {  	v23 =	vld [tilespmem:s2+$0xFFFFFFD0];
	[tilespmem:v18+s22+$0x0] =	vst.idx.msk $0xffff, v12;
	v12 =	vadd.f32 v19, v10;
	v18 =	vmul.f32 $8.000000000e+00, v25;
	v19 =	vadd.s32 s25, v7;
	s25 =	smov.u32 s14  }
0xbe: {  	v13 =	vadd.f32 v13, v10;
	v25 =	vld [tilespmem:s2+$0x10];
	[tilespmem:v22+s22+$0x0] =	vst.idx.msk $0xffff, v15;
	v15 =	vadd.s32 s4, v5;
	v14 =	vmul.f32 $8.000000000e+00, v14  }
0xbf: {  	v22 =	vadd.s32 s9, v5;
	v26 =	vld [tilespmem:s2+$0x50];
	[tilespmem:v17+s22+$0x0] =	vst.idx.msk $0xffff, v12;
	v12 =	vmul.f32 $8.000000000e+00, v21;
	v17 =	vadd.f32 v18, v8  }
0xc0: {  	v18 =	vadd.s32 s25, v5;
	[tilespmem:v24+s22+$0x0] =	vst.idx.msk $0xffff, v13;
	v13 =	vmul.f32 $8.000000000e+00, v27;
	v21 =	vld [tilespmem:s2+$0x90];
	v14 =	vadd.f32 v14, v8  }
0xc1: {  	v27 =	vadd.s32 s12, v5;
	v24 =	vld [tilespmem:s2+$0xFFFFFF10];
	v20 =	vmul.f32 $8.000000000e+00, v20;
	v12 =	vadd.f32 v12, v11;
	[tilespmem:v16+s22+$0x0] =	vst.idx.msk $0xffff, v17  }
0xc2: {  	v17 =	vadd.s32 s13, v5;
	v13 =	vadd.f32 v13, v11;
	v16 =	vmul.f32 $8.000000000e+00, v23;
	[tilespmem:v19+s22+$0x0] =	vst.idx.msk $0xffff, v14;
	v14 =	vld [tilespmem:s28+$0xFFFFFFF0]  }
0xc3: {  	v23 =	vadd.s32 s11, v5;
	v19 =	vadd.f32 v20, v11;
	v20 =	vmul.f32 $8.000000000e+00, v25;
	[tilespmem:v15+s22+$0x0] =	vst.idx.msk $0xffff, v12;
	v12 =	vld [tilespmem:s28+$0x30]  }
0xc4: {  	[tilespmem:v22+s22+$0x0] =	vst.idx.msk $0xffff, v13;
	v13 =	vadd.f32 v16, v11;
	v15 =	vmul.f32 $8.000000000e+00, v26;
	v16 =	vadd.s32 s5, v5;
	v22 =	vld [tilespmem:s2+$0xE0]  }
0xc5: {  	v25 =	vadd.s32 s7, v5;
	v26 =	vld [tilespmem:s2+$0xFFFFFF60];
	[tilespmem:v18+s22+$0x0] =	vst.idx.msk $0xffff, v19;
	v18 =	vadd.f32 v20, v11;
	v19 =	vmul.f32 $8.000000000e+00, v21  }
0xc6: {  	v20 =	vmul.f32 $8.000000000e+00, v24;
	v21 =	vld [tilespmem:s2+$0xFFFFFFA0];
	[tilespmem:v27+s22+$0x0] =	vst.idx.msk $0xffff, v13;
	v13 =	vadd.f32 v15, v11;
	v15 =	vadd.s32 s31, v7;
	s31 =	smov.u32 s12  }
0xc7: {  	v24 =	vld [tilespmem:s2+$0xFFFFFFE0];
	[tilespmem:v17+s22+$0x0] =	vst.idx.msk $0xffff, v18;
	v17 =	vadd.f32 v19, v11;
	v14 =	vmul.f32 $8.000000000e+00, v14;
	v18 =	vadd.s32 s0, v7;
	s0 =	smov.u32 s13  }
0xc8: {  	v19 =	vadd.f32 v20, v11;
	v27 =	vld [tilespmem:s2+$0x20];
	[tilespmem:v23+s22+$0x0] =	vst.idx.msk $0xffff, v13;
	v13 =	vadd.s32 s4, v6;
	v12 =	vmul.f32 $8.000000000e+00, v12  }
0xc9: {  	v23 =	vadd.s32 s9, v6;
	v28 =	vld [tilespmem:s2+$0x60];
	[tilespmem:v16+s22+$0x0] =	vst.idx.msk $0xffff, v17;
	v16 =	vmul.f32 $8.000000000e+00, v22;
	v14 =	vadd.f32 v14, v8  }
0xca: {  	v22 =	vadd.s32 s25, v6;
	[tilespmem:v25+s22+$0x0] =	vst.idx.msk $0xffff, v19;
	v17 =	vmul.f32 $8.000000000e+00, v26;
	v25 =	vld [tilespmem:s2+$0xA0];
	v12 =	vadd.f32 v12, v8  }
0xcb: {  	v29 =	vadd.s32 s31, v6;
	v26 =	vld [tilespmem:s2+$0xFFFFFF20];
	v19 =	vmul.f32 $8.000000000e+00, v21;
	v30 =	vadd.f32 v16, v9;
	[tilespmem:v15+s22+$0x0] =	vst.idx.msk $0xffff, v14  }
.Ltmp5:
0xcc: {  	v20 =	vadd.s32 s0, v6;
	v14 =	vadd.f32 v17, v9;
	v15 =	vmul.f32 $8.000000000e+00, v24;
	[tilespmem:v18+s22+$0x0] =	vst.idx.msk $0xffff, v12;
	v21 =	vld [tilespmem:s28+$0x70];
	(pc) =	sbr.rel @p0 .LBB2_4-.Ltmp5, $4  }
0xcd: {  	v16 =	vadd.s32 s11, v6;
	v24 =	vadd.f32 v19, v9;
	v27 =	vmul.f32 $8.000000000e+00, v27;
	[tilespmem:v13+s22+$0x0] =	vst.idx.msk $0xffff, v30;
	v17 =	vld [tilespmem:s28+$0xB0];
	s28 =	smov.u32 s2  }
0xce: {  	v18 =	vadd.s32 s5, v6;
	[tilespmem:v23+s22+$0x0] =	vst.idx.msk $0xffff, v14;
	v15 =	vadd.f32 v15, v9;
	v28 =	vmul.f32 $8.000000000e+00, v28;
	v19 =	vld [tilespmem:s2+$0xF0]  }
0xcf: {  	v12 =	vadd.s32 s7, v6;
	s2 =	sadd.s32 $0x200, s2;
	v13 =	vld [tilespmem:s28+$0xFFFFFF70];
	[tilespmem:v22+s22+$0x0] =	vst.idx.msk $0xffff, v24;
	v22 =	vadd.f32 v27, v9;
	v23 =	vmul.f32 $8.000000000e+00, v25  }
0xd0: {  	s10 =	sadd.s32 $0x8, s10;
	v14 =	vld [tilespmem:s2+$0xC0];
	v24 =	vmul.f32 $8.000000000e+00, v26;
	[tilespmem:v29+s22+$0x0] =	vst.idx.msk $0xffff, v15;
	v25 =	vadd.f32 v28, v9;
	v15 =	vadd.s32 s29, v7;
	s29 =	smov.u32 s11  }
0xd1: {  	_ =	sdelay $0x3  }
0xd2: {  	v26 =	vld [tilespmem:s2+$0xFFFFFF40];
	[tilespmem:v20+s22+$0x0] =	vst.idx.msk $0xffff, v22;
	v20 =	vadd.f32 v23, v9;
	v21 =	vmul.f32 $8.000000000e+00, v21;
	v22 =	vadd.s32 s30, v7  }
0xd3: {  	v23 =	vadd.f32 v24, v9;
	[tilespmem:v16+s22+$0x0] =	vst.idx.msk $0xffff, v25;
	v16 =	vadd.s32 s4, v7;
	v17 =	vmul.f32 $8.000000000e+00, v17;
	v24 =	vld [tilespmem:s2+$0xFFFFFF00]  }
0xd4: {  	s14 =	sadd.s32 $0x7, s1;
	v27 =	vadd.s32 s9, v7;
	v25 =	vld [tilespmem:s2+$0xFFFFFF80];
	[tilespmem:v18+s22+$0x0] =	vst.idx.msk $0xffff, v20;
	v18 =	vmul.f32 $8.000000000e+00, v19;
	v19 =	vadd.f32 v21, v8  }
0xd5: {  	s10 =	sadd.s32 $0x1, s1;
	v20 =	vld [tilespmem:s2+$0xFFFFFFC0];
	v21 =	vadd.s32 s14, v1;
	[tilespmem:v12+s22+$0x0] =	vst.idx.msk $0xffff, v23;
	v12 =	vmul.f32 $8.000000000e+00, v13;
	v13 =	vadd.f32 v17, v8  }
0xd6: {  	v17 =	vld [tilespmem:s2+$0x0];
	v23 =	vadd.s32 s10, v1;
	v14 =	vmul.f32 $8.000000000e+00, v14;
	v18 =	vadd.f32 v18, v8;
	[tilespmem:v15+s22+$0x0] =	vst.idx.msk $0xffff, v19  }
0xd7: {  	s15 =	sadd.s32 $0x2, s1;
	v15 =	vld [tilespmem:s2+$0x40];
	v19 =	vmul.f32 $8.000000000e+00, v26;
	v12 =	vadd.f32 v12, v8;
	[tilespmem:v22+s22+$0x0] =	vst.idx.msk $0xffff, v13;
	v13 =	vadd.s32 s1, v1  }
0xd8: {  	s11 =	sadd.s32 $0x3, s1;
	v22 =	vadd.s32 s15, v1;
	v26 =	vld [tilespmem:s2+$0x80];
	v14 =	vadd.f32 v14, v10;
	[tilespmem:v16+s22+$0x0] =	vst.idx.msk $0xffff, v18;
	v16 =	vmul.f32 $8.000000000e+00, v24  }
0xd9: {  	s12 =	sadd.s32 $0x4, s1;
	v18 =	vmul.f32 $8.000000000e+00, v25;
	v24 =	vadd.s32 s11, v1;
	v25 =	vld [tilespmem:s28+$0xFFFFFF30];
	v19 =	vadd.f32 v19, v10;
	[tilespmem:v27+s22+$0x0] =	vst.idx.msk $0xffff, v12  }
0xda: {  	s13 =	sadd.s32 $0x5, s1;
	v12 =	vmul.f32 $8.000000000e+00, v20;
	v20 =	vadd.s32 s12, v1;
	[tilespmem:v21+s22+$0x0] =	vst.idx.msk $0xffff, v14;
	v14 =	vld [tilespmem:s28+$0xFFFFFFB0];
	v16 =	vadd.f32 v16, v10  }
0xdb: {  	s30 =	sadd.s32 $0x6, s1;
	v18 =	vadd.f32 v18, v10;
	v17 =	vmul.f32 $8.000000000e+00, v17;
	v21 =	vadd.s32 s13, v1;
	[tilespmem:v23+s22+$0x0] =	vst.idx.msk $0xffff, v19;
	v19 =	vld [tilespmem:s2+$0xD0]  }
0xdc: {  	v12 =	vadd.f32 v12, v10;
	v15 =	vmul.f32 $8.000000000e+00, v15;
	v23 =	vadd.s32 s30, v1;
	v27 =	vld [tilespmem:s2+$0xFFFFFF50];
	[tilespmem:v13+s22+$0x0] =	vst.idx.msk $0xffff, v16  }
0xdd: {  	[tilespmem:v22+s22+$0x0] =	vst.idx.msk $0xffff, v18;
	v13 =	vadd.f32 v17, v10;
	v16 =	vmul.f32 $8.000000000e+00, v26;
	v17 =	vadd.s32 s7, v7;
	v18 =	vld [tilespmem:s2+$0xFFFFFF10]  }
0xde: {  	v22 =	vld [tilespmem:s2+$0xFFFFFF90];
	[tilespmem:v24+s22+$0x0] =	vst.idx.msk $0xffff, v12;
	v12 =	vadd.f32 v15, v10;
	v15 =	vmul.f32 $8.000000000e+00, v25;
	v24 =	vadd.s32 s25, v7  }
0xdf: {  	v25 =	vld [tilespmem:s2+$0xFFFFFFD0];
	[tilespmem:v20+s22+$0x0] =	vst.idx.msk $0xffff, v13;
	v13 =	vadd.f32 v16, v10;
	v16 =	vadd.s32 s14, v5;
	v14 =	vmul.f32 $8.000000000e+00, v14  }
0xe0: {  	v20 =	vld [tilespmem:s2+$0x10];
	[tilespmem:v21+s22+$0x0] =	vst.idx.msk $0xffff, v12;
	v12 =	vadd.s32 s10, v5;
	v15 =	vadd.f32 v15, v8;
	v19 =	vmul.f32 $8.000000000e+00, v19  }
0xe1: {  	v21 =	vld [tilespmem:s2+$0x50];
	[tilespmem:v23+s22+$0x0] =	vst.idx.msk $0xffff, v13;
	v23 =	vadd.s32 s1, v5;
	v13 =	vmul.f32 $8.000000000e+00, v27;
	v14 =	vadd.f32 v14, v8  }
0xe2: {  	v26 =	vadd.s32 s15, v5;
	v27 =	vld [tilespmem:s2+$0x90];
	[tilespmem:v17+s22+$0x0] =	vst.idx.msk $0xffff, v15;
	v19 =	vadd.f32 v19, v11;
	v15 =	vmul.f32 $8.000000000e+00, v18  }
0xe3: {  	v17 =	vmul.f32 $8.000000000e+00, v22;
	v18 =	vadd.s32 s11, v5;
	v13 =	vadd.f32 v13, v11;
	[tilespmem:v24+s22+$0x0] =	vst.idx.msk $0xffff, v14;
	v14 =	vld [tilespmem:s28+$0xFFFFFFF0]  }
0xe4: {  	v22 =	vmul.f32 $8.000000000e+00, v25;
	v24 =	vadd.s32 s12, v5;
	[tilespmem:v16+s22+$0x0] =	vst.idx.msk $0xffff, v19;
	v16 =	vld [tilespmem:s28+$0x30];
	v15 =	vadd.f32 v15, v11  }
0xe5: {  	v17 =	vadd.f32 v17, v11;
	v19 =	vmul.f32 $8.000000000e+00, v20;
	v20 =	vadd.s32 s13, v5;
	[tilespmem:v12+s22+$0x0] =	vst.idx.msk $0xffff, v13;
	v12 =	vld [tilespmem:s2+$0xE0]  }
0xe6: {  	v13 =	vadd.f32 v22, v11;
	v21 =	vmul.f32 $8.000000000e+00, v21;
	v22 =	vadd.s32 s30, v5;
	v25 =	vld [tilespmem:s2+$0xFFFFFF60];
	[tilespmem:v23+s22+$0x0] =	vst.idx.msk $0xffff, v15  }
0xe7: {  	[tilespmem:v26+s22+$0x0] =	vst.idx.msk $0xffff, v17;
	v15 =	vadd.f32 v19, v11;
	v17 =	vmul.f32 $8.000000000e+00, v27;
	v19 =	vadd.s32 s31, v7;
	v23 =	vld [tilespmem:s2+$0xFFFFFF20]  }
0xe8: {  	v26 =	vld [tilespmem:s2+$0xFFFFFFA0];
	[tilespmem:v18+s22+$0x0] =	vst.idx.msk $0xffff, v13;
	v13 =	vadd.f32 v21, v11;
	v18 =	vadd.s32 s0, v7;
	v14 =	vmul.f32 $8.000000000e+00, v14  }
0xe9: {  	v21 =	vld [tilespmem:s2+$0xFFFFFFE0];
	[tilespmem:v24+s22+$0x0] =	vst.idx.msk $0xffff, v15;
	v15 =	vadd.f32 v17, v11;
	v17 =	vadd.s32 s14, v6;
	v16 =	vmul.f32 $8.000000000e+00, v16  }
0xea: {  	v24 =	vld [tilespmem:s2+$0x20];
	[tilespmem:v20+s22+$0x0] =	vst.idx.msk $0xffff, v13;
	v13 =	vadd.s32 s10, v6;
	v12 =	vmul.f32 $8.000000000e+00, v12;
	v14 =	vadd.f32 v14, v8  }
0xeb: {  	v20 =	vld [tilespmem:s2+$0x60];
	[tilespmem:v22+s22+$0x0] =	vst.idx.msk $0xffff, v15;
	v22 =	vadd.s32 s1, v6;
	v15 =	vmul.f32 $8.000000000e+00, v25;
	v16 =	vadd.f32 v16, v8  }
0xec: {  	v25 =	vadd.s32 s15, v6;
	v27 =	vld [tilespmem:s2+$0xA0];
	v12 =	vadd.f32 v12, v9;
	[tilespmem:v19+s22+$0x0] =	vst.idx.msk $0xffff, v14;
	v14 =	vmul.f32 $8.000000000e+00, v23  }
0xed: {  	v19 =	vmul.f32 $8.000000000e+00, v26;
	v23 =	vadd.s32 s11, v6;
	v15 =	vadd.f32 v15, v9;
	[tilespmem:v18+s22+$0x0] =	vst.idx.msk $0xffff, v16;
	v16 =	vld [tilespmem:s28+$0x70]  }
0xee: {  	v18 =	vmul.f32 $8.000000000e+00, v21;
	v21 =	vadd.s32 s12, v6;
	[tilespmem:v17+s22+$0x0] =	vst.idx.msk $0xffff, v12;
	v12 =	vld [tilespmem:s28+$0xB0];
	v14 =	vadd.f32 v14, v9  }
0xef: {  	v17 =	vadd.f32 v19, v9;
	v19 =	vmul.f32 $8.000000000e+00, v24;
	v24 =	vadd.s32 s13, v6;
	[tilespmem:v13+s22+$0x0] =	vst.idx.msk $0xffff, v15;
	v13 =	vld [tilespmem:s2+$0xF0]  }
0xf0: {  	v15 =	vadd.f32 v18, v9;
	v18 =	vmul.f32 $8.000000000e+00, v20;
	v20 =	vadd.s32 s30, v6;
	v26 =	vld [tilespmem:s2+$0xFFFFFF70];
	[tilespmem:v22+s22+$0x0] =	vst.idx.msk $0xffff, v14  }
0xf1: {  	[tilespmem:v25+s22+$0x0] =	vst.idx.msk $0xffff, v17;
	v14 =	vadd.f32 v19, v9;
	v17 =	vmul.f32 $8.000000000e+00, v27;
	v19 =	vadd.s32 s29, v7;
	v22 =	vld [tilespmem:s2+$0xFFFFFF30]  }
0xf2: {  	[tilespmem:v23+s22+$0x0] =	vst.idx.msk $0xffff, v15;
	v15 =	vadd.f32 v18, v9;
	v18 =	vadd.s32 s5, v7;
	v23 =	vld [tilespmem:s2+$0xFFFFFFB0];
	v16 =	vmul.f32 $8.000000000e+00, v16  }
0xf3: {  	[tilespmem:v21+s22+$0x0] =	vst.idx.msk $0xffff, v14;
	v14 =	vadd.f32 v17, v9;
	v17 =	vadd.s32 s14, v7;
	v21 =	vld [tilespmem:s2+$0xFFFFFFF0];
	v12 =	vmul.f32 $8.000000000e+00, v12  }
0xf4: {  	[tilespmem:v24+s22+$0x0] =	vst.idx.msk $0xffff, v15;
	v15 =	vadd.s32 s10, v7;
	v24 =	vld [tilespmem:s2+$0x30];
	v13 =	vmul.f32 $8.000000000e+00, v13;
	v16 =	vadd.f32 v16, v8  }
0xf5: {  	[tilespmem:v20+s22+$0x0] =	vst.idx.msk $0xffff, v14;
	v20 =	vadd.s32 s1, v7;
	v25 =	vld [tilespmem:s2+$0x70];
	v14 =	vmul.f32 $8.000000000e+00, v26;
	v12 =	vadd.f32 v12, v8  }
0xf6: {  	v13 =	vadd.f32 v13, v8;
	[tilespmem:v19+s22+$0x0] =	vst.idx.msk $0xffff, v16;
	v16 =	vmul.f32 $8.000000000e+00, v22;
	v19 =	vadd.s32 s15, v7;
	v22 =	vld [tilespmem:s2+$0xB0]  }
0xf7: {  	v14 =	vadd.f32 v14, v8;
	[tilespmem:v18+s22+$0x0] =	vst.idx.msk $0xffff, v12;
	v12 =	vmul.f32 $8.000000000e+00, v23;
	v18 =	vadd.s32 s11, v7  }
0xf8: {  	[tilespmem:v17+s22+$0x0] =	vst.idx.msk $0xffff, v13;
	v13 =	vadd.f32 v16, v8;
	v16 =	vmul.f32 $8.000000000e+00, v21;
	v17 =	vadd.s32 s12, v7  }
0xf9: {  	[tilespmem:v15+s22+$0x0] =	vst.idx.msk $0xffff, v14;
	v12 =	vadd.f32 v12, v8;
	v14 =	vmul.f32 $8.000000000e+00, v24;
	v15 =	vadd.s32 s13, v7  }
0xfa: {  	[tilespmem:v20+s22+$0x0] =	vst.idx.msk $0xffff, v13;
	v13 =	vadd.f32 v16, v8;
	v16 =	vmul.f32 $8.000000000e+00, v25;
	v20 =	vadd.s32 s30, v7  }
0xfb: {  	[tilespmem:v19+s22+$0x0] =	vst.idx.msk $0xffff, v12;
	v12 =	vadd.f32 v14, v8;
	v14 =	vmul.f32 $8.000000000e+00, v22  }
0xfc: {  	[tilespmem:v18+s22+$0x0] =	vst.idx.msk $0xffff, v13;
	v13 =	vadd.f32 v16, v8  }
0xfd: {  	[tilespmem:v17+s22+$0x0] =	vst.idx.msk $0xffff, v12;
	v12 =	vadd.f32 v14, v8  }
0xfe: {  	[tilespmem:v15+s22+$0x0] =	vst.idx.msk $0xffff, v13  }
0xff: {  	s5 =	simm.s32 $0x100;
	[tilespmem:v20+s22+$0x0] =	vst.idx.msk $0xffff, v12  }
0x100: {  	[tilespmem:s19], [sflag:$0x1] =	stream.indirect.gather [hbm4b:s6+s18], $0x40, s5, s18, $0xb8;
	[tilespmem:$0x18600] =	vst v63  }
0x101: {  	_ =	swait.ge [sflag:s23], $0x2000  }
0x102: {  	[sflag:s23] =	ssyncset.done $0x0  }
0x103: {  	s31 =	simm.s32 $0x65F0;
	[sflag:s23] =	ssyncadd.s32 $0xFFFFE000  }
0x104: {  	v12 =	vld [tilespmem:s31+$0xFFFFFFD0]  }
0x105: {  	v13 =	vld [tilespmem:s31+$0xFFFFFE10];
	_ =	sdelay $0x1  }
0x106: {  	s7 =	simm.s32 $0x87  }
0x107: {  	s9 =	simm.s32 $0x80;
	v15 =	vadd.s32 s7, v1;
	v14 =	vld [tilespmem:s31+$0xFFFFFE50]  }
0x108: {  	v17 =	vadd.s32 s9, v1;
	v16 =	vld [tilespmem:s31+$0xFFFFFE90];
	v12 =	vmul.f32 $8.000000000e+00, v12  }
0x109: {  	v18 =	vld [tilespmem:s31+$0xFFFFFED0];
	v13 =	vmul.f32 $8.000000000e+00, v13  }
0x10a: {  	s10 =	simm.s32 $0x81;
	v19 =	vld [tilespmem:s31+$0xFFFFFF10];
	v12 =	vadd.f32 v12, v10  }
0x10b: {  	s11 =	simm.s32 $0x82;
	v20 =	vadd.s32 s10, v1;
	v21 =	vld [tilespmem:s31+$0xFFFFFF50];
	v13 =	vadd.f32 v13, v10  }
0x10c: {  	s14 =	simm.s32 $0x83;
	v22 =	vadd.s32 s11, v1;
	v23 =	vld [tilespmem:s31+$0xFFFFFF90];
	v14 =	vmul.f32 $8.000000000e+00, v14;
	[tilespmem:v15+s22+$0x0] =	vst.idx.msk $0xffff, v12  }
0x10d: {  	s15 =	simm.s32 $0x84;
	v12 =	vmul.f32 $8.000000000e+00, v16;
	v15 =	vadd.s32 s14, v1;
	[tilespmem:v17+s22+$0x0] =	vst.idx.msk $0xffff, v13;
	v13 =	vld [tilespmem:s31+$0xFFFFFFE0]  }
0x10e: {  	s0 =	simm.s32 $0x85;
	v14 =	vadd.f32 v14, v10;
	v16 =	vmul.f32 $8.000000000e+00, v18;
	v17 =	vadd.s32 s15, v1;
	v18 =	vld [tilespmem:s31+$0xFFFFFE20]  }
0x10f: {  	s28 =	simm.s32 $0x86;
	v24 =	vadd.s32 s0, v1;
	v19 =	vmul.f32 $8.000000000e+00, v19;
	v12 =	vadd.f32 v12, v10  }
0x110: {  	[tilespmem:v20+s22+$0x0] =	vst.idx.msk $0xffff, v14;
	v20 =	vadd.s32 s28, v1;
	v14 =	vadd.f32 v16, v10;
	v16 =	vmul.f32 $8.000000000e+00, v21  }
0x111: {  	v21 =	vld [tilespmem:s31+$0xFFFFFE60];
	[tilespmem:v22+s22+$0x0] =	vst.idx.msk $0xffff, v12;
	v12 =	vadd.f32 v19, v10;
	v19 =	vmul.f32 $8.000000000e+00, v23;
	v22 =	vadd.s32 s7, v5  }
0x112: {  	v23 =	vld [tilespmem:s31+$0xFFFFFEA0];
	[tilespmem:v15+s22+$0x0] =	vst.idx.msk $0xffff, v14;
	v14 =	vadd.f32 v16, v10;
	v15 =	vadd.s32 s9, v5;
	v13 =	vmul.f32 $8.000000000e+00, v13  }
0x113: {  	v16 =	vld [tilespmem:s31+$0xFFFFFEE0];
	[tilespmem:v17+s22+$0x0] =	vst.idx.msk $0xffff, v12;
	v12 =	vadd.f32 v19, v10;
	v17 =	vmul.f32 $8.000000000e+00, v18  }
0x114: {  	v18 =	vld [tilespmem:s31+$0xFFFFFF20];
	[tilespmem:v24+s22+$0x0] =	vst.idx.msk $0xffff, v14;
	v13 =	vadd.f32 v13, v11  }
0x115: {  	v14 =	vadd.s32 s10, v5;
	v19 =	vld [tilespmem:s31+$0xFFFFFF60];
	[tilespmem:v20+s22+$0x0] =	vst.idx.msk $0xffff, v12;
	v12 =	vadd.f32 v17, v11  }
0x116: {  	v17 =	vmul.f32 $8.000000000e+00, v21;
	v20 =	vadd.s32 s11, v5;
	v21 =	vld [tilespmem:s31+$0xFFFFFFA0];
	[tilespmem:v22+s22+$0x0] =	vst.idx.msk $0xffff, v13  }
0x117: {  	v13 =	vmul.f32 $8.000000000e+00, v23;
	v22 =	vadd.s32 s14, v5;
	[tilespmem:v15+s22+$0x0] =	vst.idx.msk $0xffff, v12;
	v12 =	vld [tilespmem:s31+$0xFFFFFFF0]  }
0x118: {  	v15 =	vadd.f32 v17, v11;
	v17 =	vadd.s32 s15, v5;
	v16 =	vmul.f32 $8.000000000e+00, v16;
	v23 =	vld [tilespmem:s31+$0xFFFFFE30]  }
0x119: {  	v24 =	vadd.s32 s0, v5;
	v13 =	vadd.f32 v13, v11;
	v18 =	vmul.f32 $8.000000000e+00, v18  }
0x11a: {  	[tilespmem:v14+s22+$0x0] =	vst.idx.msk $0xffff, v15;
	v14 =	vadd.f32 v16, v11;
	v15 =	vmul.f32 $8.000000000e+00, v19;
	v16 =	vadd.s32 s28, v5  }
0x11b: {  	v19 =	vld [tilespmem:s31+$0xFFFFFE70];
	[tilespmem:v20+s22+$0x0] =	vst.idx.msk $0xffff, v13;
	v13 =	vadd.f32 v18, v11;
	v18 =	vmul.f32 $8.000000000e+00, v21;
	v20 =	vadd.s32 s7, v6  }
0x11c: {  	v21 =	vld [tilespmem:s31+$0xFFFFFEB0];
	[tilespmem:v22+s22+$0x0] =	vst.idx.msk $0xffff, v14;
	v14 =	vadd.f32 v15, v11;
	v15 =	vadd.s32 s9, v6;
	v12 =	vmul.f32 $8.000000000e+00, v12  }
0x11d: {  	v22 =	vld [tilespmem:s31+$0xFFFFFEF0];
	[tilespmem:v17+s22+$0x0] =	vst.idx.msk $0xffff, v13;
	v13 =	vadd.f32 v18, v11;
	v17 =	vmul.f32 $8.000000000e+00, v23  }
0x11e: {  	v18 =	vld [tilespmem:s31+$0xFFFFFF30];
	[tilespmem:v24+s22+$0x0] =	vst.idx.msk $0xffff, v14;
	v12 =	vadd.f32 v12, v9  }
0x11f: {  	v14 =	vadd.s32 s10, v6;
	v23 =	vld [tilespmem:s31+$0xFFFFFF70];
	[tilespmem:v16+s22+$0x0] =	vst.idx.msk $0xffff, v13;
	v13 =	vadd.f32 v17, v9  }
0x120: {  	v16 =	vmul.f32 $8.000000000e+00, v19;
	v17 =	vadd.s32 s11, v6;
	v19 =	vld [tilespmem:s31+$0xFFFFFFB0];
	[tilespmem:v20+s22+$0x0] =	vst.idx.msk $0xffff, v12  }
0x121: {  	v12 =	vmul.f32 $8.000000000e+00, v21;
	v20 =	vadd.s32 s14, v6;
	[tilespmem:v15+s22+$0x0] =	vst.idx.msk $0xffff, v13;
	v13 =	vld [tilespmem:s31+$0x0]  }
0x122: {  	s5 =	simm.s32 $0x67F0;
	v15 =	vadd.f32 v16, v9;
	v21 =	vadd.s32 s15, v6;
	v16 =	vmul.f32 $8.000000000e+00, v22;
	v22 =	vld [tilespmem:s31+$0xFFFFFE40]  }
0x123: {  	v25 =	vld [tilespmem:s5+$0xFFFFFFD0];
	v24 =	vadd.s32 s0, v6;
	v12 =	vadd.f32 v12, v9;
	v18 =	vmul.f32 $8.000000000e+00, v18  }
0x124: {  	[tilespmem:v14+s22+$0x0] =	vst.idx.msk $0xffff, v15;
	v14 =	vadd.f32 v16, v9;
	v15 =	vmul.f32 $8.000000000e+00, v23;
	v16 =	vadd.s32 s28, v6;
	v23 =	vld [tilespmem:s5+$0xFFFFFE10]  }
0x125: {  	[tilespmem:v17+s22+$0x0] =	vst.idx.msk $0xffff, v12;
	v12 =	vadd.f32 v18, v9;
	v17 =	vmul.f32 $8.000000000e+00, v19;
	v18 =	vld [tilespmem:s5+$0xFFFFFE50];
	v19 =	vadd.s32 s7, v7  }
0x126: {  	s4 =	simm.s32 $0x8F;
	[tilespmem:v20+s22+$0x0] =	vst.idx.msk $0xffff, v14;
	v14 =	vadd.f32 v15, v9;
	v15 =	vld [tilespmem:s5+$0xFFFFFE90];
	v20 =	vadd.s32 s9, v7;
	v13 =	vmul.f32 $8.000000000e+00, v13  }
0x127: {  	s25 =	simm.s32 $0x88;
	[tilespmem:v21+s22+$0x0] =	vst.idx.msk $0xffff, v12;
	v12 =	vadd.f32 v17, v9;
	v17 =	vld [tilespmem:s5+$0xFFFFFED0];
	v21 =	vadd.s32 s4, v1;
	v22 =	vmul.f32 $8.000000000e+00, v22  }
0x128: {  	s1 =	simm.s32 $0x89;
	v25 =	vmul.f32 $8.000000000e+00, v25;
	[tilespmem:v24+s22+$0x0] =	vst.idx.msk $0xffff, v14;
	v14 =	vadd.s32 s25, v1;
	v24 =	vld [tilespmem:s5+$0xFFFFFF10];
	v13 =	vadd.f32 v13, v8  }
0x129: {  	s2 =	simm.s32 $0x8A;
	[tilespmem:v16+s22+$0x0] =	vst.idx.msk $0xffff, v12;
	v12 =	vmul.f32 $8.000000000e+00, v23;
	v16 =	vadd.s32 s1, v1;
	v23 =	vld [tilespmem:s5+$0xFFFFFF50];
	v22 =	vadd.f32 v22, v8  }
0x12a: {  	v26 =	vadd.s32 s2, v1;
	v27 =	vld [tilespmem:s5+$0xFFFFFF90];
	v25 =	vadd.f32 v25, v10;
	s7 =	simm.s32 $0x8B;
	v18 =	vmul.f32 $8.000000000e+00, v18;
	[tilespmem:v19+s22+$0x0] =	vst.idx.msk $0xffff, v13  }
0x12b: {  	s9 =	simm.s32 $0x8C;
	v12 =	vadd.f32 v12, v10;
	v13 =	vmul.f32 $8.000000000e+00, v15;
	v15 =	vadd.s32 s7, v1;
	[tilespmem:v20+s22+$0x0] =	vst.idx.msk $0xffff, v22;
	v19 =	vld [tilespmem:s31+$0xFFFFFE80]  }
0x12c: {  	s29 =	simm.s32 $0x8D;
	v20 =	vadd.s32 s9, v1;
	v18 =	vadd.f32 v18, v10;
	v17 =	vmul.f32 $8.000000000e+00, v17;
	[tilespmem:v21+s22+$0x0] =	vst.idx.msk $0xffff, v25;
	v21 =	vld [tilespmem:s31+$0xFFFFFEC0]  }
0x12d: {  	s30 =	simm.s32 $0x8E;
	[tilespmem:v14+s22+$0x0] =	vst.idx.msk $0xffff, v12;
	v12 =	vadd.f32 v13, v10;
	v13 =	vmul.f32 $8.000000000e+00, v24;
	v14 =	vadd.s32 s29, v1;
	v22 =	vld [tilespmem:s5+$0xFFFFFFE0]  }
0x12e: {  	v24 =	vld [tilespmem:s5+$0xFFFFFE20];
	[tilespmem:v16+s22+$0x0] =	vst.idx.msk $0xffff, v18;
	v16 =	vadd.f32 v17, v10;
	v17 =	vmul.f32 $8.000000000e+00, v23;
	v18 =	vadd.s32 s30, v1  }
0x12f: {  	v25 =	vadd.s32 s10, v7;
	v23 =	vld [tilespmem:s5+$0xFFFFFE60];
	[tilespmem:v26+s22+$0x0] =	vst.idx.msk $0xffff, v12;
	v12 =	vadd.f32 v13, v10;
	v13 =	vmul.f32 $8.000000000e+00, v27  }
0x130: {  	v26 =	vld [tilespmem:s5+$0xFFFFFEA0];
	[tilespmem:v15+s22+$0x0] =	vst.idx.msk $0xffff, v16;
	v15 =	vadd.f32 v17, v10;
	v16 =	vmul.f32 $8.000000000e+00, v19;
	v17 =	vadd.s32 s11, v7  }
0x131: {  	v19 =	vld [tilespmem:s5+$0xFFFFFEE0];
	[tilespmem:v20+s22+$0x0] =	vst.idx.msk $0xffff, v12;
	v12 =	vadd.f32 v13, v10;
	v13 =	vadd.s32 s4, v5;
	v20 =	vmul.f32 $8.000000000e+00, v21  }
0x132: {  	v21 =	vadd.s32 s25, v5;
	v27 =	vld [tilespmem:s5+$0xFFFFFF20];
	[tilespmem:v14+s22+$0x0] =	vst.idx.msk $0xffff, v15;
	v14 =	vmul.f32 $8.000000000e+00, v22;
	v15 =	vadd.f32 v16, v8  }
0x133: {  	v22 =	vadd.s32 s1, v5;
	v16 =	vmul.f32 $8.000000000e+00, v24;
	v24 =	vld [tilespmem:s5+$0xFFFFFF60];
	[tilespmem:v18+s22+$0x0] =	vst.idx.msk $0xffff, v12;
	v12 =	vadd.f32 v20, v8  }
0x134: {  	v20 =	vadd.s32 s2, v5;
	v18 =	vmul.f32 $8.000000000e+00, v23;
	v23 =	vld [tilespmem:s5+$0xFFFFFFA0];
	v14 =	vadd.f32 v14, v11;
	[tilespmem:v25+s22+$0x0] =	vst.idx.msk $0xffff, v15  }
0x135: {  	v25 =	vadd.s32 s7, v5;
	v15 =	vadd.f32 v16, v11;
	v16 =	vmul.f32 $8.000000000e+00, v26;
	[tilespmem:v17+s22+$0x0] =	vst.idx.msk $0xffff, v12;
	v12 =	vld [tilespmem:s31+$0xFFFFFF00]  }
0x136: {  	v17 =	vadd.f32 v18, v11;
	v18 =	vmul.f32 $8.000000000e+00, v19;
	v19 =	vadd.s32 s9, v5;
	[tilespmem:v13+s22+$0x0] =	vst.idx.msk $0xffff, v14;
	v13 =	vld [tilespmem:s31+$0xFFFFFF40]  }
0x137: {  	[tilespmem:v21+s22+$0x0] =	vst.idx.msk $0xffff, v15;
	v14 =	vadd.f32 v16, v11;
	v15 =	vmul.f32 $8.000000000e+00, v27;
	v16 =	vadd.s32 s29, v5;
	v21 =	vld [tilespmem:s5+$0xFFFFFFF0]  }
0x138: {  	v26 =	vld [tilespmem:s5+$0xFFFFFE30];
	[tilespmem:v22+s22+$0x0] =	vst.idx.msk $0xffff, v17;
	v17 =	vadd.f32 v18, v11;
	v18 =	vmul.f32 $8.000000000e+00, v24;
	v22 =	vadd.s32 s30, v5  }
0x139: {  	v24 =	vld [tilespmem:s5+$0xFFFFFE70];
	[tilespmem:v20+s22+$0x0] =	vst.idx.msk $0xffff, v14;
	v14 =	vadd.f32 v15, v11;
	v15 =	vmul.f32 $8.000000000e+00, v23;
	v20 =	vadd.s32 s14, v7  }
0x13a: {  	v23 =	vld [tilespmem:s5+$0xFFFFFEB0];
	[tilespmem:v25+s22+$0x0] =	vst.idx.msk $0xffff, v17;
	v17 =	vadd.f32 v18, v11;
	v12 =	vmul.f32 $8.000000000e+00, v12;
	v25 =	vadd.s32 s15, v7  }
0x13b: {  	v27 =	vld [tilespmem:s5+$0xFFFFFEF0];
	[tilespmem:v19+s22+$0x0] =	vst.idx.msk $0xffff, v14;
	v14 =	vadd.f32 v15, v11;
	v15 =	vadd.s32 s4, v6;
	v13 =	vmul.f32 $8.000000000e+00, v13  }
0x13c: {  	v28 =	vadd.s32 s25, v6;
	v29 =	vld [tilespmem:s5+$0xFFFFFF30];
	[tilespmem:v16+s22+$0x0] =	vst.idx.msk $0xffff, v17;
	v16 =	vmul.f32 $8.000000000e+00, v21;
	v12 =	vadd.f32 v12, v8  }
0x13d: {  	v18 =	vmul.f32 $8.000000000e+00, v26;
	v26 =	vadd.s32 s1, v6;
	v30 =	vld [tilespmem:s5+$0xFFFFFF70];
	[tilespmem:v22+s22+$0x0] =	vst.idx.msk $0xffff, v14;
	v13 =	vadd.f32 v13, v8  }
0x13e: {  	v21 =	vadd.s32 s2, v6;
	v14 =	vmul.f32 $8.000000000e+00, v24;
	v17 =	vld [tilespmem:s5+$0xFFFFFFB0];
	v16 =	vadd.f32 v16, v9;
	[tilespmem:v20+s22+$0x0] =	vst.idx.msk $0xffff, v12  }
0x13f: {  	v19 =	vld [tilespmem:s31+$0xFFFFFF80];
	v12 =	vadd.f32 v18, v9;
	v20 =	vmul.f32 $8.000000000e+00, v23;
	v18 =	vadd.s32 s7, v6;
	[tilespmem:v25+s22+$0x0] =	vst.idx.msk $0xffff, v13  }
0x140: {  	v13 =	vld [tilespmem:s31+$0xFFFFFFC0];
	v22 =	vadd.f32 v14, v9;
	v23 =	vmul.f32 $8.000000000e+00, v27;
	v14 =	vadd.s32 s9, v6;
	[tilespmem:v15+s22+$0x0] =	vst.idx.msk $0xffff, v16  }
0x141: {  	v15 =	vadd.s32 s29, v6;
	[tilespmem:v28+s22+$0x0] =	vst.idx.msk $0xffff, v12;
	v24 =	vadd.f32 v20, v9;
	v25 =	vmul.f32 $8.000000000e+00, v29;
	v16 =	vld [tilespmem:s5+$0x0]  }
0x142: {  	s10 =	simm.s32 $0x8;
	s11 =	simm.s32 $0x69F0;
	v20 =	vadd.s32 s30, v6;
	v12 =	vld [tilespmem:s5+$0xFFFFFE40];
	[tilespmem:v26+s22+$0x0] =	vst.idx.msk $0xffff, v22;
	v22 =	vadd.f32 v23, v9;
	v23 =	vmul.f32 $8.000000000e+00, v30  }
.LBB2_6:
0x143: {  	v26 =	vld [tilespmem:s11+$0xFFFFFFD0];
	[tilespmem:v21+s22+$0x0] =	vst.idx.msk $0xffff, v24;
	v21 =	vadd.f32 v25, v9;
	v17 =	vmul.f32 $8.000000000e+00, v17;
	v24 =	vadd.s32 s0, v7;
	s31 =	smov.u32 s10;
	s10 =	sadd.s32 $0x8, s10;
	s0 =	smov.u32 s29  }
0x144: {  	v25 =	vld [tilespmem:s11+$0xFFFFFE10];
	p0 =	slt.u32 s10, $0x78;
	[tilespmem:v18+s22+$0x0] =	vst.idx.msk $0xffff, v22;
	v18 =	vadd.f32 v23, v9;
	v19 =	vmul.f32 $8.000000000e+00, v19;
	v22 =	vadd.s32 s28, v7;
	s28 =	smov.u32 s30  }
0x145: {  	v23 =	vld [tilespmem:s11+$0xFFFFFE50];
	[tilespmem:v14+s22+$0x0] =	vst.idx.msk $0xffff, v21;
	v14 =	vadd.f32 v17, v9;
	v17 =	vadd.s32 s4, v7;
	v13 =	vmul.f32 $8.000000000e+00, v13  }
0x146: {  	v27 =	vadd.s32 s25, v7;
	s4 =	sadd.s32 $0x8F, s31;
	v21 =	vld [tilespmem:s11+$0xFFFFFE90];
	[tilespmem:v15+s22+$0x0] =	vst.idx.msk $0xffff, v18;
	v15 =	vmul.f32 $8.000000000e+00, v16;
	v16 =	vadd.f32 v19, v8  }
0x147: {  	s25 =	sadd.s32 $0x88, s31;
	v19 =	vadd.s32 s4, v1;
	v18 =	vld [tilespmem:s11+$0xFFFFFED0];
	v12 =	vmul.f32 $8.000000000e+00, v12;
	[tilespmem:v20+s22+$0x0] =	vst.idx.msk $0xffff, v14;
	v13 =	vadd.f32 v13, v8  }
0x148: {  	s14 =	sadd.s32 $0x89, s31;
	v14 =	vadd.s32 s25, v1;
	v20 =	vld [tilespmem:s11+$0xFFFFFF10];
	v26 =	vmul.f32 $8.000000000e+00, v26;
	v15 =	vadd.f32 v15, v8;
	[tilespmem:v24+s22+$0x0] =	vst.idx.msk $0xffff, v16  }
0x149: {  	s15 =	sadd.s32 $0x8A, s31;
	v24 =	vadd.s32 s14, v1;
	v16 =	vmul.f32 $8.000000000e+00, v25;
	v25 =	vld [tilespmem:s11+$0xFFFFFF50];
	v12 =	vadd.f32 v12, v8;
	[tilespmem:v22+s22+$0x0] =	vst.idx.msk $0xffff, v13  }
0x14a: {  	s12 =	sadd.s32 $0x8B, s31;
	v22 =	vadd.s32 s15, v1;
	v13 =	vmul.f32 $8.000000000e+00, v23;
	v23 =	vld [tilespmem:s11+$0xFFFFFF90];
	v26 =	vadd.f32 v26, v10;
	[tilespmem:v17+s22+$0x0] =	vst.idx.msk $0xffff, v15  }
0x14b: {  	s13 =	sadd.s32 $0x8C, s31;
	v17 =	vadd.s32 s12, v1;
	v15 =	vadd.f32 v16, v10;
	v16 =	vmul.f32 $8.000000000e+00, v21;
	[tilespmem:v27+s22+$0x0] =	vst.idx.msk $0xffff, v12;
	v12 =	vld [tilespmem:s5+$0xFFFFFE80]  }
0x14c: {  	s29 =	sadd.s32 $0x8D, s31;
	v21 =	vadd.s32 s13, v1;
	v13 =	vadd.f32 v13, v10;
	v18 =	vmul.f32 $8.000000000e+00, v18;
	[tilespmem:v19+s22+$0x0] =	vst.idx.msk $0xffff, v26;
	v19 =	vld [tilespmem:s5+$0xFFFFFEC0]  }
0x14d: {  	s30 =	sadd.s32 $0x8E, s31;
	[tilespmem:v14+s22+$0x0] =	vst.idx.msk $0xffff, v15;
	v14 =	vadd.f32 v16, v10;
	v15 =	vmul.f32 $8.000000000e+00, v20;
	v16 =	vadd.s32 s29, v1;
	v20 =	vld [tilespmem:s11+$0xFFFFFFE0]  }
0x14e: {  	v26 =	vld [tilespmem:s11+$0xFFFFFE20];
	[tilespmem:v24+s22+$0x0] =	vst.idx.msk $0xffff, v13;
	v13 =	vadd.f32 v18, v10;
	v18 =	vmul.f32 $8.000000000e+00, v25;
	v24 =	vadd.s32 s30, v1  }
0x14f: {  	v25 =	vld [tilespmem:s11+$0xFFFFFE60];
	[tilespmem:v22+s22+$0x0] =	vst.idx.msk $0xffff, v14;
	v14 =	vadd.f32 v15, v10;
	v15 =	vmul.f32 $8.000000000e+00, v23;
	v22 =	vadd.s32 s1, v7;
	s1 =	smov.u32 s14  }
0x150: {  	v23 =	vld [tilespmem:s11+$0xFFFFFEA0];
	[tilespmem:v17+s22+$0x0] =	vst.idx.msk $0xffff, v13;
	v13 =	vadd.f32 v18, v10;
	v12 =	vmul.f32 $8.000000000e+00, v12;
	v17 =	vadd.s32 s2, v7;
	s2 =	smov.u32 s15  }
0x151: {  	v18 =	vld [tilespmem:s11+$0xFFFFFEE0];
	[tilespmem:v21+s22+$0x0] =	vst.idx.msk $0xffff, v14;
	v14 =	vadd.f32 v15, v10;
	v15 =	vadd.s32 s4, v5;
	v19 =	vmul.f32 $8.000000000e+00, v19  }
0x152: {  	v21 =	vadd.s32 s25, v5;
	v27 =	vld [tilespmem:s11+$0xFFFFFF20];
	[tilespmem:v16+s22+$0x0] =	vst.idx.msk $0xffff, v13;
	v13 =	vmul.f32 $8.000000000e+00, v20;
	v12 =	vadd.f32 v12, v8  }
0x153: {  	v20 =	vadd.s32 s1, v5;
	v16 =	vmul.f32 $8.000000000e+00, v26;
	v26 =	vld [tilespmem:s11+$0xFFFFFF60];
	[tilespmem:v24+s22+$0x0] =	vst.idx.msk $0xffff, v14;
	v14 =	vadd.f32 v19, v8  }
0x154: {  	v24 =	vadd.s32 s2, v5;
	v19 =	vmul.f32 $8.000000000e+00, v25;
	v25 =	vld [tilespmem:s11+$0xFFFFFFA0];
	v13 =	vadd.f32 v13, v11;
	[tilespmem:v22+s22+$0x0] =	vst.idx.msk $0xffff, v12  }
0x155: {  	v22 =	vadd.s32 s12, v5;
	v12 =	vadd.f32 v16, v11;
	v16 =	vmul.f32 $8.000000000e+00, v23;
	[tilespmem:v17+s22+$0x0] =	vst.idx.msk $0xffff, v14;
	v14 =	vld [tilespmem:s5+$0xFFFFFF00]  }
0x156: {  	v17 =	vadd.f32 v19, v11;
	v18 =	vmul.f32 $8.000000000e+00, v18;
	v19 =	vadd.s32 s13, v5;
	[tilespmem:v15+s22+$0x0] =	vst.idx.msk $0xffff, v13;
	v13 =	vld [tilespmem:s5+$0xFFFFFF40]  }
0x157: {  	[tilespmem:v21+s22+$0x0] =	vst.idx.msk $0xffff, v12;
	v12 =	vadd.f32 v16, v11;
	v15 =	vmul.f32 $8.000000000e+00, v27;
	v16 =	vadd.s32 s29, v5;
	v21 =	vld [tilespmem:s11+$0xFFFFFFF0]  }
0x158: {  	v23 =	vld [tilespmem:s11+$0xFFFFFE30];
	[tilespmem:v20+s22+$0x0] =	vst.idx.msk $0xffff, v17;
	v17 =	vadd.f32 v18, v11;
	v18 =	vmul.f32 $8.000000000e+00, v26;
	v20 =	vadd.s32 s30, v5  }
0x159: {  	v26 =	vld [tilespmem:s11+$0xFFFFFE70];
	[tilespmem:v24+s22+$0x0] =	vst.idx.msk $0xffff, v12;
	v12 =	vadd.f32 v15, v11;
	v15 =	vmul.f32 $8.000000000e+00, v25;
	v24 =	vadd.s32 s7, v7;
	s7 =	smov.u32 s12  }
0x15a: {  	v25 =	vld [tilespmem:s11+$0xFFFFFEB0];
	[tilespmem:v22+s22+$0x0] =	vst.idx.msk $0xffff, v17;
	v17 =	vadd.f32 v18, v11;
	v14 =	vmul.f32 $8.000000000e+00, v14;
	v22 =	vadd.s32 s9, v7;
	s9 =	smov.u32 s13  }
0x15b: {  	v27 =	vld [tilespmem:s11+$0xFFFFFEF0];
	[tilespmem:v19+s22+$0x0] =	vst.idx.msk $0xffff, v12;
	v12 =	vadd.f32 v15, v11;
	v15 =	vadd.s32 s4, v6;
	v13 =	vmul.f32 $8.000000000e+00, v13  }
0x15c: {  	v28 =	vadd.s32 s25, v6;
	v29 =	vld [tilespmem:s11+$0xFFFFFF30];
	[tilespmem:v16+s22+$0x0] =	vst.idx.msk $0xffff, v17;
	v16 =	vmul.f32 $8.000000000e+00, v21;
	v14 =	vadd.f32 v14, v8  }
0x15d: {  	v18 =	vmul.f32 $8.000000000e+00, v23;
	v23 =	vadd.s32 s1, v6;
	v30 =	vld [tilespmem:s11+$0xFFFFFF70];
	[tilespmem:v20+s22+$0x0] =	vst.idx.msk $0xffff, v12;
	v12 =	vadd.f32 v13, v8  }
.Ltmp6:
0x15e: {  	v21 =	vadd.s32 s2, v6;
	v13 =	vmul.f32 $8.000000000e+00, v26;
	v17 =	vld [tilespmem:s11+$0xFFFFFFB0];
	v16 =	vadd.f32 v16, v9;
	[tilespmem:v24+s22+$0x0] =	vst.idx.msk $0xffff, v14;
	(pc) =	sbr.rel @p0 .LBB2_6-.Ltmp6, $4  }
0x15f: {  	v20 =	vadd.f32 v18, v9;
	v24 =	vmul.f32 $8.000000000e+00, v25;
	v18 =	vadd.s32 s7, v6;
	[tilespmem:v22+s22+$0x0] =	vst.idx.msk $0xffff, v12;
	v19 =	vld [tilespmem:s5+$0xFFFFFF80]  }
0x160: {  	v14 =	vadd.s32 s9, v6;
	v22 =	vadd.f32 v13, v9;
	v26 =	vmul.f32 $8.000000000e+00, v27;
	[tilespmem:v15+s22+$0x0] =	vst.idx.msk $0xffff, v16;
	v13 =	vld [tilespmem:s5+$0xFFFFFFC0];
	s5 =	smov.u32 s11  }
0x161: {  	v15 =	vadd.s32 s29, v6;
	[tilespmem:v28+s22+$0x0] =	vst.idx.msk $0xffff, v20;
	v24 =	vadd.f32 v24, v9;
	v25 =	vmul.f32 $8.000000000e+00, v29;
	v16 =	vld [tilespmem:s11+$0x0]  }
0x162: {  	v20 =	vadd.s32 s30, v6;
	s11 =	sadd.s32 $0x200, s11;
	v12 =	vld [tilespmem:s5+$0xFFFFFE40];
	[tilespmem:v23+s22+$0x0] =	vst.idx.msk $0xffff, v22;
	v22 =	vadd.f32 v26, v9;
	v23 =	vmul.f32 $8.000000000e+00, v30  }
0x163: {  	_ =	sdelay $0x3  }
0x164: {  	[tilespmem:v21+s22+$0x0] =	vst.idx.msk $0xffff, v24;
	v21 =	vadd.f32 v25, v9;
	v17 =	vmul.f32 $8.000000000e+00, v17;
	v24 =	vadd.s32 s0, v7;
	v25 =	vld [tilespmem:s5+$0xFFFFFE80]  }
0x165: {  	[tilespmem:v18+s22+$0x0] =	vst.idx.msk $0xffff, v22;
	v18 =	vadd.f32 v23, v9;
	v19 =	vmul.f32 $8.000000000e+00, v19;
	v22 =	vadd.s32 s28, v7;
	v23 =	vld [tilespmem:s5+$0xFFFFFEC0]  }
0x166: {  	[tilespmem:v14+s22+$0x0] =	vst.idx.msk $0xffff, v21;
	v14 =	vadd.f32 v17, v9;
	v17 =	vadd.s32 s4, v7;
	v13 =	vmul.f32 $8.000000000e+00, v13;
	v21 =	vld [tilespmem:s5+$0xFFFFFF00]  }
0x167: {  	v26 =	vadd.s32 s25, v7;
	[tilespmem:v15+s22+$0x0] =	vst.idx.msk $0xffff, v18;
	v15 =	vmul.f32 $8.000000000e+00, v16;
	v16 =	vadd.f32 v19, v8;
	v18 =	vld [tilespmem:s5+$0xFFFFFF40]  }
0x168: {  	v12 =	vmul.f32 $8.000000000e+00, v12;
	[tilespmem:v20+s22+$0x0] =	vst.idx.msk $0xffff, v14;
	v13 =	vadd.f32 v13, v8;
	v14 =	vadd.s32 s1, v7;
	v19 =	vld [tilespmem:s5+$0xFFFFFF80]  }
0x169: {  	v20 =	vadd.s32 s2, v7;
	v15 =	vadd.f32 v15, v8;
	[tilespmem:v24+s22+$0x0] =	vst.idx.msk $0xffff, v16;
	v16 =	vmul.f32 $8.000000000e+00, v25;
	v24 =	vld [tilespmem:s5+$0xFFFFFFC0]  }
0x16a: {  	v12 =	vadd.f32 v12, v8;
	[tilespmem:v22+s22+$0x0] =	vst.idx.msk $0xffff, v13;
	v13 =	vmul.f32 $8.000000000e+00, v23;
	v22 =	vadd.s32 s7, v7  }
0x16b: {  	[tilespmem:v17+s22+$0x0] =	vst.idx.msk $0xffff, v15;
	v15 =	vadd.f32 v16, v8;
	v16 =	vmul.f32 $8.000000000e+00, v21;
	v17 =	vadd.s32 s9, v7  }
0x16c: {  	[tilespmem:v26+s22+$0x0] =	vst.idx.msk $0xffff, v12;
	v12 =	vadd.f32 v13, v8;
	v13 =	vmul.f32 $8.000000000e+00, v18;
	v18 =	vadd.s32 s29, v7  }
0x16d: {  	[tilespmem:v14+s22+$0x0] =	vst.idx.msk $0xffff, v15;
	v14 =	vadd.f32 v16, v8;
	v15 =	vmul.f32 $8.000000000e+00, v19;
	v16 =	vadd.s32 s30, v7  }
0x16e: {  	[tilespmem:v20+s22+$0x0] =	vst.idx.msk $0xffff, v12;
	v12 =	vadd.f32 v13, v8;
	v13 =	vmul.f32 $8.000000000e+00, v24  }
0x16f: {  	[tilespmem:v22+s22+$0x0] =	vst.idx.msk $0xffff, v14;
	v14 =	vadd.f32 v15, v8  }
0x170: {  	[tilespmem:v17+s22+$0x0] =	vst.idx.msk $0xffff, v12;
	v12 =	vadd.f32 v13, v8  }
0x171: {  	[tilespmem:v18+s22+$0x0] =	vst.idx.msk $0xffff, v14  }
0x172: {  	s14 =	simm.s32 $0x180;
	[tilespmem:v16+s22+$0x0] =	vst.idx.msk $0xffff, v12  }
0x173: {  	[tilespmem:s20], [sflag:$0x2] =	stream.indirect.gather [hbm4b:s6+s18], $0x40, s14, s18, $0xb8;
	[tilespmem:$0x18600] =	vst v63  }
0x174: {  	_ =	swait.ge [sflag:s21], $0x2000  }
0x175: {  	[sflag:s21] =	ssyncset.done $0x0  }
0x176: {  	s31 =	simm.s32 $0x4500;
	[sflag:s21] =	ssyncadd.s32 $0xFFFFE000  }
0x177: {  	v12 =	vld [tilespmem:s31+$0xC0]  }
0x178: {  	v13 =	vld [tilespmem:s31+$0xFFFFFF00];
	_ =	sdelay $0x1  }
0x179: {  	s15 =	simm.s32 $0x107  }
0x17a: {  	s25 =	simm.s32 $0x100;
	v15 =	vadd.s32 s15, v1;
	v14 =	vld [tilespmem:s31+$0xFFFFFF40]  }
0x17b: {  	v17 =	vadd.s32 s25, v1;
	v16 =	vld [tilespmem:s31+$0xFFFFFF80];
	v12 =	vmul.f32 $8.000000000e+00, v12  }
0x17c: {  	v18 =	vld [tilespmem:s31+$0xFFFFFFC0];
	v13 =	vmul.f32 $8.000000000e+00, v13  }
0x17d: {  	s13 =	simm.s32 $0x101;
	v19 =	vld [tilespmem:s31+$0x0];
	v12 =	vadd.f32 v12, v10  }
0x17e: {  	s12 =	simm.s32 $0x102;
	v20 =	vadd.s32 s13, v1;
	v21 =	vld [tilespmem:s31+$0x40];
	v13 =	vadd.f32 v13, v10  }
0x17f: {  	s10 =	simm.s32 $0x103;
	v22 =	vadd.s32 s12, v1;
	v23 =	vld [tilespmem:s31+$0x80];
	v14 =	vmul.f32 $8.000000000e+00, v14;
	[tilespmem:v15+s22+$0x0] =	vst.idx.msk $0xffff, v12  }
0x180: {  	s11 =	simm.s32 $0x104;
	v12 =	vmul.f32 $8.000000000e+00, v16;
	v15 =	vadd.s32 s10, v1;
	[tilespmem:v17+s22+$0x0] =	vst.idx.msk $0xffff, v13;
	v13 =	vld [tilespmem:s31+$0xD0]  }
0x181: {  	s0 =	simm.s32 $0x105;
	v14 =	vadd.f32 v14, v10;
	v16 =	vmul.f32 $8.000000000e+00, v18;
	v17 =	vadd.s32 s11, v1;
	v18 =	vld [tilespmem:s31+$0xFFFFFF10]  }
0x182: {  	s28 =	simm.s32 $0x106;
	v24 =	vadd.s32 s0, v1;
	v19 =	vmul.f32 $8.000000000e+00, v19;
	v12 =	vadd.f32 v12, v10  }
0x183: {  	[tilespmem:v20+s22+$0x0] =	vst.idx.msk $0xffff, v14;
	v20 =	vadd.s32 s28, v1;
	v14 =	vadd.f32 v16, v10;
	v16 =	vmul.f32 $8.000000000e+00, v21  }
0x184: {  	v21 =	vld [tilespmem:s31+$0xFFFFFF50];
	[tilespmem:v22+s22+$0x0] =	vst.idx.msk $0xffff, v12;
	v12 =	vadd.f32 v19, v10;
	v19 =	vmul.f32 $8.000000000e+00, v23;
	v22 =	vadd.s32 s15, v5  }
0x185: {  	v23 =	vld [tilespmem:s31+$0xFFFFFF90];
	[tilespmem:v15+s22+$0x0] =	vst.idx.msk $0xffff, v14;
	v14 =	vadd.f32 v16, v10;
	v15 =	vadd.s32 s25, v5;
	v13 =	vmul.f32 $8.000000000e+00, v13  }
0x186: {  	v16 =	vld [tilespmem:s31+$0xFFFFFFD0];
	[tilespmem:v17+s22+$0x0] =	vst.idx.msk $0xffff, v12;
	v12 =	vadd.f32 v19, v10;
	v17 =	vmul.f32 $8.000000000e+00, v18  }
0x187: {  	v18 =	vld [tilespmem:s31+$0x10];
	[tilespmem:v24+s22+$0x0] =	vst.idx.msk $0xffff, v14;
	v13 =	vadd.f32 v13, v11  }
0x188: {  	v14 =	vadd.s32 s13, v5;
	v19 =	vld [tilespmem:s31+$0x50];
	[tilespmem:v20+s22+$0x0] =	vst.idx.msk $0xffff, v12;
	v12 =	vadd.f32 v17, v11  }
0x189: {  	v17 =	vmul.f32 $8.000000000e+00, v21;
	v20 =	vadd.s32 s12, v5;
	v21 =	vld [tilespmem:s31+$0x90];
	[tilespmem:v22+s22+$0x0] =	vst.idx.msk $0xffff, v13  }
0x18a: {  	v13 =	vmul.f32 $8.000000000e+00, v23;
	v22 =	vadd.s32 s10, v5;
	[tilespmem:v15+s22+$0x0] =	vst.idx.msk $0xffff, v12;
	v12 =	vld [tilespmem:s31+$0xE0]  }
0x18b: {  	v15 =	vadd.f32 v17, v11;
	v17 =	vadd.s32 s11, v5;
	v16 =	vmul.f32 $8.000000000e+00, v16;
	v23 =	vld [tilespmem:s31+$0xFFFFFF20]  }
0x18c: {  	v24 =	vadd.s32 s0, v5;
	v13 =	vadd.f32 v13, v11;
	v18 =	vmul.f32 $8.000000000e+00, v18  }
0x18d: {  	[tilespmem:v14+s22+$0x0] =	vst.idx.msk $0xffff, v15;
	v14 =	vadd.f32 v16, v11;
	v15 =	vmul.f32 $8.000000000e+00, v19;
	v16 =	vadd.s32 s28, v5  }
0x18e: {  	v19 =	vld [tilespmem:s31+$0xFFFFFF60];
	[tilespmem:v20+s22+$0x0] =	vst.idx.msk $0xffff, v13;
	v13 =	vadd.f32 v18, v11;
	v18 =	vmul.f32 $8.000000000e+00, v21;
	v20 =	vadd.s32 s15, v6  }
0x18f: {  	v21 =	vld [tilespmem:s31+$0xFFFFFFA0];
	[tilespmem:v22+s22+$0x0] =	vst.idx.msk $0xffff, v14;
	v14 =	vadd.f32 v15, v11;
	v15 =	vadd.s32 s25, v6;
	v12 =	vmul.f32 $8.000000000e+00, v12  }
0x190: {  	v22 =	vld [tilespmem:s31+$0xFFFFFFE0];
	[tilespmem:v17+s22+$0x0] =	vst.idx.msk $0xffff, v13;
	v13 =	vadd.f32 v18, v11;
	v17 =	vmul.f32 $8.000000000e+00, v23  }
0x191: {  	v18 =	vld [tilespmem:s31+$0x20];
	[tilespmem:v24+s22+$0x0] =	vst.idx.msk $0xffff, v14;
	v12 =	vadd.f32 v12, v9  }
0x192: {  	v14 =	vadd.s32 s13, v6;
	v23 =	vld [tilespmem:s31+$0x60];
	[tilespmem:v16+s22+$0x0] =	vst.idx.msk $0xffff, v13;
	v13 =	vadd.f32 v17, v9  }
0x193: {  	v16 =	vmul.f32 $8.000000000e+00, v19;
	v17 =	vadd.s32 s12, v6;
	v19 =	vld [tilespmem:s31+$0xA0];
	[tilespmem:v20+s22+$0x0] =	vst.idx.msk $0xffff, v12  }
0x194: {  	v12 =	vmul.f32 $8.000000000e+00, v21;
	v20 =	vadd.s32 s10, v6;
	[tilespmem:v15+s22+$0x0] =	vst.idx.msk $0xffff, v13;
	v13 =	vld [tilespmem:s31+$0xF0]  }
0x195: {  	s5 =	simm.s32 $0x4700;
	v15 =	vadd.f32 v16, v9;
	v21 =	vadd.s32 s11, v6;
	v16 =	vmul.f32 $8.000000000e+00, v22;
	v22 =	vld [tilespmem:s31+$0xFFFFFF30]  }
0x196: {  	v25 =	vld [tilespmem:s5+$0xC0];
	v24 =	vadd.s32 s0, v6;
	v12 =	vadd.f32 v12, v9;
	v18 =	vmul.f32 $8.000000000e+00, v18  }
0x197: {  	[tilespmem:v14+s22+$0x0] =	vst.idx.msk $0xffff, v15;
	v14 =	vadd.f32 v16, v9;
	v15 =	vmul.f32 $8.000000000e+00, v23;
	v16 =	vadd.s32 s28, v6;
	v23 =	vld [tilespmem:s5+$0xFFFFFF00]  }
0x198: {  	[tilespmem:v17+s22+$0x0] =	vst.idx.msk $0xffff, v12;
	v12 =	vadd.f32 v18, v9;
	v17 =	vmul.f32 $8.000000000e+00, v19;
	v18 =	vld [tilespmem:s5+$0xFFFFFF40];
	v19 =	vadd.s32 s15, v7  }
0x199: {  	s4 =	simm.s32 $0x10F;
	[tilespmem:v20+s22+$0x0] =	vst.idx.msk $0xffff, v14;
	v14 =	vadd.f32 v15, v9;
	v15 =	vld [tilespmem:s5+$0xFFFFFF80];
	v20 =	vadd.s32 s25, v7;
	v13 =	vmul.f32 $8.000000000e+00, v13  }
0x19a: {  	s25 =	simm.s32 $0x108;
	[tilespmem:v21+s22+$0x0] =	vst.idx.msk $0xffff, v12;
	v12 =	vadd.f32 v17, v9;
	v17 =	vld [tilespmem:s5+$0xFFFFFFC0];
	v21 =	vadd.s32 s4, v1;
	v22 =	vmul.f32 $8.000000000e+00, v22  }
0x19b: {  	s1 =	simm.s32 $0x109;
	v25 =	vmul.f32 $8.000000000e+00, v25;
	[tilespmem:v24+s22+$0x0] =	vst.idx.msk $0xffff, v14;
	v14 =	vadd.s32 s25, v1;
	v24 =	vld [tilespmem:s5+$0x0];
	v13 =	vadd.f32 v13, v8  }
0x19c: {  	s2 =	simm.s32 $0x10A;
	[tilespmem:v16+s22+$0x0] =	vst.idx.msk $0xffff, v12;
	v12 =	vmul.f32 $8.000000000e+00, v23;
	v16 =	vadd.s32 s1, v1;
	v23 =	vld [tilespmem:s5+$0x40];
	v22 =	vadd.f32 v22, v8  }
0x19d: {  	s7 =	simm.s32 $0x10B;
	v26 =	vadd.s32 s2, v1;
	v27 =	vld [tilespmem:s5+$0x80];
	v25 =	vadd.f32 v25, v10;
	v18 =	vmul.f32 $8.000000000e+00, v18;
	[tilespmem:v19+s22+$0x0] =	vst.idx.msk $0xffff, v13  }
0x19e: {  	s9 =	simm.s32 $0x10C;
	v12 =	vadd.f32 v12, v10;
	v13 =	vmul.f32 $8.000000000e+00, v15;
	v15 =	vadd.s32 s7, v1;
	[tilespmem:v20+s22+$0x0] =	vst.idx.msk $0xffff, v22;
	v19 =	vld [tilespmem:s31+$0xFFFFFF70]  }
0x19f: {  	s29 =	simm.s32 $0x10D;
	v20 =	vadd.s32 s9, v1;
	v18 =	vadd.f32 v18, v10;
	v17 =	vmul.f32 $8.000000000e+00, v17;
	[tilespmem:v21+s22+$0x0] =	vst.idx.msk $0xffff, v25;
	v21 =	vld [tilespmem:s31+$0xFFFFFFB0]  }
0x1a0: {  	s30 =	simm.s32 $0x10E;
	[tilespmem:v14+s22+$0x0] =	vst.idx.msk $0xffff, v12;
	v12 =	vadd.f32 v13, v10;
	v13 =	vmul.f32 $8.000000000e+00, v24;
	v14 =	vadd.s32 s29, v1;
	v22 =	vld [tilespmem:s5+$0xD0]  }
0x1a1: {  	v24 =	vld [tilespmem:s5+$0xFFFFFF10];
	[tilespmem:v16+s22+$0x0] =	vst.idx.msk $0xffff, v18;
	v16 =	vadd.f32 v17, v10;
	v17 =	vmul.f32 $8.000000000e+00, v23;
	v18 =	vadd.s32 s30, v1  }
0x1a2: {  	v25 =	vadd.s32 s13, v7;
	v23 =	vld [tilespmem:s5+$0xFFFFFF50];
	[tilespmem:v26+s22+$0x0] =	vst.idx.msk $0xffff, v12;
	v12 =	vadd.f32 v13, v10;
	v13 =	vmul.f32 $8.000000000e+00, v27  }
0x1a3: {  	v26 =	vld [tilespmem:s5+$0xFFFFFF90];
	[tilespmem:v15+s22+$0x0] =	vst.idx.msk $0xffff, v16;
	v15 =	vadd.f32 v17, v10;
	v16 =	vmul.f32 $8.000000000e+00, v19;
	v17 =	vadd.s32 s12, v7  }
0x1a4: {  	v19 =	vld [tilespmem:s5+$0xFFFFFFD0];
	[tilespmem:v20+s22+$0x0] =	vst.idx.msk $0xffff, v12;
	v12 =	vadd.f32 v13, v10;
	v13 =	vadd.s32 s4, v5;
	v20 =	vmul.f32 $8.000000000e+00, v21  }
0x1a5: {  	v21 =	vadd.s32 s25, v5;
	v27 =	vld [tilespmem:s5+$0x10];
	[tilespmem:v14+s22+$0x0] =	vst.idx.msk $0xffff, v15;
	v14 =	vmul.f32 $8.000000000e+00, v22;
	v15 =	vadd.f32 v16, v8  }
0x1a6: {  	v22 =	vadd.s32 s1, v5;
	v16 =	vmul.f32 $8.000000000e+00, v24;
	v24 =	vld [tilespmem:s5+$0x50];
	[tilespmem:v18+s22+$0x0] =	vst.idx.msk $0xffff, v12;
	v12 =	vadd.f32 v20, v8  }
0x1a7: {  	v20 =	vadd.s32 s2, v5;
	v18 =	vmul.f32 $8.000000000e+00, v23;
	v23 =	vld [tilespmem:s5+$0x90];
	v14 =	vadd.f32 v14, v11;
	[tilespmem:v25+s22+$0x0] =	vst.idx.msk $0xffff, v15  }
0x1a8: {  	v25 =	vadd.s32 s7, v5;
	v15 =	vadd.f32 v16, v11;
	v16 =	vmul.f32 $8.000000000e+00, v26;
	[tilespmem:v17+s22+$0x0] =	vst.idx.msk $0xffff, v12;
	v12 =	vld [tilespmem:s31+$0xFFFFFFF0]  }
0x1a9: {  	v17 =	vadd.f32 v18, v11;
	v18 =	vmul.f32 $8.000000000e+00, v19;
	v19 =	vadd.s32 s9, v5;
	[tilespmem:v13+s22+$0x0] =	vst.idx.msk $0xffff, v14;
	v13 =	vld [tilespmem:s31+$0x30]  }
0x1aa: {  	[tilespmem:v21+s22+$0x0] =	vst.idx.msk $0xffff, v15;
	v14 =	vadd.f32 v16, v11;
	v15 =	vmul.f32 $8.000000000e+00, v27;
	v16 =	vadd.s32 s29, v5;
	v21 =	vld [tilespmem:s5+$0xE0]  }
0x1ab: {  	v26 =	vld [tilespmem:s5+$0xFFFFFF20];
	[tilespmem:v22+s22+$0x0] =	vst.idx.msk $0xffff, v17;
	v17 =	vadd.f32 v18, v11;
	v18 =	vmul.f32 $8.000000000e+00, v24;
	v22 =	vadd.s32 s30, v5  }
0x1ac: {  	v24 =	vld [tilespmem:s5+$0xFFFFFF60];
	[tilespmem:v20+s22+$0x0] =	vst.idx.msk $0xffff, v14;
	v14 =	vadd.f32 v15, v11;
	v15 =	vmul.f32 $8.000000000e+00, v23;
	v20 =	vadd.s32 s10, v7  }
0x1ad: {  	v23 =	vld [tilespmem:s5+$0xFFFFFFA0];
	[tilespmem:v25+s22+$0x0] =	vst.idx.msk $0xffff, v17;
	v17 =	vadd.f32 v18, v11;
	v12 =	vmul.f32 $8.000000000e+00, v12;
	v25 =	vadd.s32 s11, v7  }
0x1ae: {  	v27 =	vld [tilespmem:s5+$0xFFFFFFE0];
	[tilespmem:v19+s22+$0x0] =	vst.idx.msk $0xffff, v14;
	v14 =	vadd.f32 v15, v11;
	v15 =	vadd.s32 s4, v6;
	v13 =	vmul.f32 $8.000000000e+00, v13  }
0x1af: {  	v28 =	vadd.s32 s25, v6;
	v29 =	vld [tilespmem:s5+$0x20];
	[tilespmem:v16+s22+$0x0] =	vst.idx.msk $0xffff, v17;
	v16 =	vmul.f32 $8.000000000e+00, v21;
	v12 =	vadd.f32 v12, v8  }
0x1b0: {  	v18 =	vmul.f32 $8.000000000e+00, v26;
	v26 =	vadd.s32 s1, v6;
	v30 =	vld [tilespmem:s5+$0x60];
	[tilespmem:v22+s22+$0x0] =	vst.idx.msk $0xffff, v14;
	v13 =	vadd.f32 v13, v8  }
0x1b1: {  	v21 =	vadd.s32 s2, v6;
	v14 =	vmul.f32 $8.000000000e+00, v24;
	v17 =	vld [tilespmem:s5+$0xA0];
	v16 =	vadd.f32 v16, v9;
	[tilespmem:v20+s22+$0x0] =	vst.idx.msk $0xffff, v12  }
0x1b2: {  	v19 =	vld [tilespmem:s31+$0x70];
	v12 =	vadd.f32 v18, v9;
	v20 =	vmul.f32 $8.000000000e+00, v23;
	v18 =	vadd.s32 s7, v6;
	[tilespmem:v25+s22+$0x0] =	vst.idx.msk $0xffff, v13  }
0x1b3: {  	v13 =	vld [tilespmem:s31+$0xB0];
	v22 =	vadd.f32 v14, v9;
	v23 =	vmul.f32 $8.000000000e+00, v27;
	v14 =	vadd.s32 s9, v6;
	[tilespmem:v15+s22+$0x0] =	vst.idx.msk $0xffff, v16  }
0x1b4: {  	v15 =	vadd.s32 s29, v6;
	[tilespmem:v28+s22+$0x0] =	vst.idx.msk $0xffff, v12;
	v24 =	vadd.f32 v20, v9;
	v25 =	vmul.f32 $8.000000000e+00, v29;
	v16 =	vld [tilespmem:s5+$0xF0]  }
0x1b5: {  	s10 =	simm.s32 $0x8;
	s11 =	simm.s32 $0x4900;
	v20 =	vadd.s32 s30, v6;
	v12 =	vld [tilespmem:s5+$0xFFFFFF30];
	[tilespmem:v26+s22+$0x0] =	vst.idx.msk $0xffff, v22;
	v22 =	vadd.f32 v23, v9;
	v23 =	vmul.f32 $8.000000000e+00, v30  }
.LBB2_8:
0x1b6: {  	v26 =	vld [tilespmem:s11+$0xC0];
	[tilespmem:v21+s22+$0x0] =	vst.idx.msk $0xffff, v24;
	v21 =	vadd.f32 v25, v9;
	v17 =	vmul.f32 $8.000000000e+00, v17;
	v24 =	vadd.s32 s0, v7;
	s31 =	smov.u32 s10;
	s10 =	sadd.s32 $0x8, s10;
	s0 =	smov.u32 s29  }
0x1b7: {  	v25 =	vld [tilespmem:s11+$0xFFFFFF00];
	p0 =	slt.u32 s10, $0x78;
	[tilespmem:v18+s22+$0x0] =	vst.idx.msk $0xffff, v22;
	v18 =	vadd.f32 v23, v9;
	v19 =	vmul.f32 $8.000000000e+00, v19;
	v22 =	vadd.s32 s28, v7;
	s28 =	smov.u32 s30  }
0x1b8: {  	v23 =	vld [tilespmem:s11+$0xFFFFFF40];
	[tilespmem:v14+s22+$0x0] =	vst.idx.msk $0xffff, v21;
	v14 =	vadd.f32 v17, v9;
	v17 =	vadd.s32 s4, v7;
	v13 =	vmul.f32 $8.000000000e+00, v13  }
0x1b9: {  	v27 =	vadd.s32 s25, v7;
	s4 =	sadd.s32 $0x10F, s31;
	v21 =	vld [tilespmem:s11+$0xFFFFFF80];
	[tilespmem:v15+s22+$0x0] =	vst.idx.msk $0xffff, v18;
	v15 =	vmul.f32 $8.000000000e+00, v16;
	v16 =	vadd.f32 v19, v8  }
0x1ba: {  	s25 =	sadd.s32 $0x108, s31;
	v19 =	vadd.s32 s4, v1;
	v18 =	vld [tilespmem:s11+$0xFFFFFFC0];
	v12 =	vmul.f32 $8.000000000e+00, v12;
	[tilespmem:v20+s22+$0x0] =	vst.idx.msk $0xffff, v14;
	v13 =	vadd.f32 v13, v8  }
0x1bb: {  	s14 =	sadd.s32 $0x109, s31;
	v14 =	vadd.s32 s25, v1;
	v20 =	vld [tilespmem:s11+$0x0];
	v26 =	vmul.f32 $8.000000000e+00, v26;
	v15 =	vadd.f32 v15, v8;
	[tilespmem:v24+s22+$0x0] =	vst.idx.msk $0xffff, v16  }
0x1bc: {  	s15 =	sadd.s32 $0x10A, s31;
	v24 =	vadd.s32 s14, v1;
	v16 =	vmul.f32 $8.000000000e+00, v25;
	v25 =	vld [tilespmem:s11+$0x40];
	v12 =	vadd.f32 v12, v8;
	[tilespmem:v22+s22+$0x0] =	vst.idx.msk $0xffff, v13  }
0x1bd: {  	s12 =	sadd.s32 $0x10B, s31;
	v22 =	vadd.s32 s15, v1;
	v13 =	vmul.f32 $8.000000000e+00, v23;
	v23 =	vld [tilespmem:s11+$0x80];
	v26 =	vadd.f32 v26, v10;
	[tilespmem:v17+s22+$0x0] =	vst.idx.msk $0xffff, v15  }
0x1be: {  	s13 =	sadd.s32 $0x10C, s31;
	v17 =	vadd.s32 s12, v1;
	v15 =	vadd.f32 v16, v10;
	v16 =	vmul.f32 $8.000000000e+00, v21;
	[tilespmem:v27+s22+$0x0] =	vst.idx.msk $0xffff, v12;
	v12 =	vld [tilespmem:s5+$0xFFFFFF70]  }
0x1bf: {  	s29 =	sadd.s32 $0x10D, s31;
	v21 =	vadd.s32 s13, v1;
	v13 =	vadd.f32 v13, v10;
	v18 =	vmul.f32 $8.000000000e+00, v18;
	[tilespmem:v19+s22+$0x0] =	vst.idx.msk $0xffff, v26;
	v19 =	vld [tilespmem:s5+$0xFFFFFFB0]  }
0x1c0: {  	s30 =	sadd.s32 $0x10E, s31;
	[tilespmem:v14+s22+$0x0] =	vst.idx.msk $0xffff, v15;
	v14 =	vadd.f32 v16, v10;
	v15 =	vmul.f32 $8.000000000e+00, v20;
	v16 =	vadd.s32 s29, v1;
	v20 =	vld [tilespmem:s11+$0xD0]  }
0x1c1: {  	v26 =	vld [tilespmem:s11+$0xFFFFFF10];
	[tilespmem:v24+s22+$0x0] =	vst.idx.msk $0xffff, v13;
	v13 =	vadd.f32 v18, v10;
	v18 =	vmul.f32 $8.000000000e+00, v25;
	v24 =	vadd.s32 s30, v1  }
0x1c2: {  	v25 =	vld [tilespmem:s11+$0xFFFFFF50];
	[tilespmem:v22+s22+$0x0] =	vst.idx.msk $0xffff, v14;
	v14 =	vadd.f32 v15, v10;
	v15 =	vmul.f32 $8.000000000e+00, v23;
	v22 =	vadd.s32 s1, v7;
	s1 =	smov.u32 s14  }
0x1c3: {  	v23 =	vld [tilespmem:s11+$0xFFFFFF90];
	[tilespmem:v17+s22+$0x0] =	vst.idx.msk $0xffff, v13;
	v13 =	vadd.f32 v18, v10;
	v12 =	vmul.f32 $8.000000000e+00, v12;
	v17 =	vadd.s32 s2, v7;
	s2 =	smov.u32 s15  }
0x1c4: {  	v18 =	vld [tilespmem:s11+$0xFFFFFFD0];
	[tilespmem:v21+s22+$0x0] =	vst.idx.msk $0xffff, v14;
	v14 =	vadd.f32 v15, v10;
	v15 =	vadd.s32 s4, v5;
	v19 =	vmul.f32 $8.000000000e+00, v19  }
0x1c5: {  	v21 =	vadd.s32 s25, v5;
	v27 =	vld [tilespmem:s11+$0x10];
	[tilespmem:v16+s22+$0x0] =	vst.idx.msk $0xffff, v13;
	v13 =	vmul.f32 $8.000000000e+00, v20;
	v12 =	vadd.f32 v12, v8  }
0x1c6: {  	v20 =	vadd.s32 s1, v5;
	v16 =	vmul.f32 $8.000000000e+00, v26;
	v26 =	vld [tilespmem:s11+$0x50];
	[tilespmem:v24+s22+$0x0] =	vst.idx.msk $0xffff, v14;
	v14 =	vadd.f32 v19, v8  }
0x1c7: {  	v24 =	vadd.s32 s2, v5;
	v19 =	vmul.f32 $8.000000000e+00, v25;
	v25 =	vld [tilespmem:s11+$0x90];
	v13 =	vadd.f32 v13, v11;
	[tilespmem:v22+s22+$0x0] =	vst.idx.msk $0xffff, v12  }
0x1c8: {  	v22 =	vadd.s32 s12, v5;
	v12 =	vadd.f32 v16, v11;
	v16 =	vmul.f32 $8.000000000e+00, v23;
	[tilespmem:v17+s22+$0x0] =	vst.idx.msk $0xffff, v14;
	v14 =	vld [tilespmem:s5+$0xFFFFFFF0]  }
0x1c9: {  	v17 =	vadd.f32 v19, v11;
	v18 =	vmul.f32 $8.000000000e+00, v18;
	v19 =	vadd.s32 s13, v5;
	[tilespmem:v15+s22+$0x0] =	vst.idx.msk $0xffff, v13;
	v13 =	vld [tilespmem:s5+$0x30]  }
0x1ca: {  	[tilespmem:v21+s22+$0x0] =	vst.idx.msk $0xffff, v12;
	v12 =	vadd.f32 v16, v11;
	v15 =	vmul.f32 $8.000000000e+00, v27;
	v16 =	vadd.s32 s29, v5;
	v21 =	vld [tilespmem:s11+$0xE0]  }
0x1cb: {  	v23 =	vld [tilespmem:s11+$0xFFFFFF20];
	[tilespmem:v20+s22+$0x0] =	vst.idx.msk $0xffff, v17;
	v17 =	vadd.f32 v18, v11;
	v18 =	vmul.f32 $8.000000000e+00, v26;
	v20 =	vadd.s32 s30, v5  }
0x1cc: {  	v26 =	vld [tilespmem:s11+$0xFFFFFF60];
	[tilespmem:v24+s22+$0x0] =	vst.idx.msk $0xffff, v12;
	v12 =	vadd.f32 v15, v11;
	v15 =	vmul.f32 $8.000000000e+00, v25;
	v24 =	vadd.s32 s7, v7;
	s7 =	smov.u32 s12  }
0x1cd: {  	v25 =	vld [tilespmem:s11+$0xFFFFFFA0];
	[tilespmem:v22+s22+$0x0] =	vst.idx.msk $0xffff, v17;
	v17 =	vadd.f32 v18, v11;
	v14 =	vmul.f32 $8.000000000e+00, v14;
	v22 =	vadd.s32 s9, v7;
	s9 =	smov.u32 s13  }
0x1ce: {  	v27 =	vld [tilespmem:s11+$0xFFFFFFE0];
	[tilespmem:v19+s22+$0x0] =	vst.idx.msk $0xffff, v12;
	v12 =	vadd.f32 v15, v11;
	v15 =	vadd.s32 s4, v6;
	v13 =	vmul.f32 $8.000000000e+00, v13  }
0x1cf: {  	v28 =	vadd.s32 s25, v6;
	v29 =	vld [tilespmem:s11+$0x20];
	[tilespmem:v16+s22+$0x0] =	vst.idx.msk $0xffff, v17;
	v16 =	vmul.f32 $8.000000000e+00, v21;
	v14 =	vadd.f32 v14, v8  }
0x1d0: {  	v18 =	vmul.f32 $8.000000000e+00, v23;
	v23 =	vadd.s32 s1, v6;
	v30 =	vld [tilespmem:s11+$0x60];
	[tilespmem:v20+s22+$0x0] =	vst.idx.msk $0xffff, v12;
	v12 =	vadd.f32 v13, v8  }
.Ltmp7:
0x1d1: {  	v21 =	vadd.s32 s2, v6;
	v13 =	vmul.f32 $8.000000000e+00, v26;
	v17 =	vld [tilespmem:s11+$0xA0];
	v16 =	vadd.f32 v16, v9;
	[tilespmem:v24+s22+$0x0] =	vst.idx.msk $0xffff, v14;
	(pc) =	sbr.rel @p0 .LBB2_8-.Ltmp7, $4  }
0x1d2: {  	v20 =	vadd.f32 v18, v9;
	v24 =	vmul.f32 $8.000000000e+00, v25;
	v18 =	vadd.s32 s7, v6;
	[tilespmem:v22+s22+$0x0] =	vst.idx.msk $0xffff, v12;
	v19 =	vld [tilespmem:s5+$0x70]  }
0x1d3: {  	v14 =	vadd.s32 s9, v6;
	v22 =	vadd.f32 v13, v9;
	v26 =	vmul.f32 $8.000000000e+00, v27;
	[tilespmem:v15+s22+$0x0] =	vst.idx.msk $0xffff, v16;
	v13 =	vld [tilespmem:s5+$0xB0];
	s5 =	smov.u32 s11  }
0x1d4: {  	v15 =	vadd.s32 s29, v6;
	[tilespmem:v28+s22+$0x0] =	vst.idx.msk $0xffff, v20;
	v24 =	vadd.f32 v24, v9;
	v25 =	vmul.f32 $8.000000000e+00, v29;
	v16 =	vld [tilespmem:s11+$0xF0]  }
0x1d5: {  	v20 =	vadd.s32 s30, v6;
	s11 =	sadd.s32 $0x200, s11;
	v12 =	vld [tilespmem:s5+$0xFFFFFF30];
	[tilespmem:v23+s22+$0x0] =	vst.idx.msk $0xffff, v22;
	v22 =	vadd.f32 v26, v9;
	v23 =	vmul.f32 $8.000000000e+00, v30  }
0x1d6: {  	_ =	sdelay $0x3  }
0x1d7: {  	[tilespmem:v21+s22+$0x0] =	vst.idx.msk $0xffff, v24;
	v21 =	vadd.f32 v25, v9;
	v17 =	vmul.f32 $8.000000000e+00, v17;
	v24 =	vadd.s32 s0, v7;
	v25 =	vld [tilespmem:s5+$0xFFFFFF70]  }
0x1d8: {  	[tilespmem:v18+s22+$0x0] =	vst.idx.msk $0xffff, v22;
	v18 =	vadd.f32 v23, v9;
	v19 =	vmul.f32 $8.000000000e+00, v19;
	v22 =	vadd.s32 s28, v7;
	v23 =	vld [tilespmem:s5+$0xFFFFFFB0]  }
0x1d9: {  	[tilespmem:v14+s22+$0x0] =	vst.idx.msk $0xffff, v21;
	v14 =	vadd.f32 v17, v9;
	v17 =	vadd.s32 s4, v7;
	v13 =	vmul.f32 $8.000000000e+00, v13;
	v21 =	vld [tilespmem:s5+$0xFFFFFFF0]  }
0x1da: {  	v26 =	vadd.s32 s25, v7;
	[tilespmem:v15+s22+$0x0] =	vst.idx.msk $0xffff, v18;
	v15 =	vmul.f32 $8.000000000e+00, v16;
	v16 =	vadd.f32 v19, v8;
	v18 =	vld [tilespmem:s5+$0x30]  }
0x1db: {  	v12 =	vmul.f32 $8.000000000e+00, v12;
	[tilespmem:v20+s22+$0x0] =	vst.idx.msk $0xffff, v14;
	v13 =	vadd.f32 v13, v8;
	v14 =	vadd.s32 s1, v7;
	v19 =	vld [tilespmem:s5+$0x70]  }
0x1dc: {  	v20 =	vadd.s32 s2, v7;
	v15 =	vadd.f32 v15, v8;
	[tilespmem:v24+s22+$0x0] =	vst.idx.msk $0xffff, v16;
	v16 =	vmul.f32 $8.000000000e+00, v25;
	v24 =	vld [tilespmem:s5+$0xB0]  }
0x1dd: {  	v12 =	vadd.f32 v12, v8;
	[tilespmem:v22+s22+$0x0] =	vst.idx.msk $0xffff, v13;
	v13 =	vmul.f32 $8.000000000e+00, v23;
	v22 =	vadd.s32 s7, v7  }
0x1de: {  	[tilespmem:v17+s22+$0x0] =	vst.idx.msk $0xffff, v15;
	v15 =	vadd.f32 v16, v8;
	v16 =	vmul.f32 $8.000000000e+00, v21;
	v17 =	vadd.s32 s9, v7  }
0x1df: {  	[tilespmem:v26+s22+$0x0] =	vst.idx.msk $0xffff, v12;
	v12 =	vadd.f32 v13, v8;
	v13 =	vmul.f32 $8.000000000e+00, v18;
	v18 =	vadd.s32 s29, v7  }
0x1e0: {  	[tilespmem:v14+s22+$0x0] =	vst.idx.msk $0xffff, v15;
	v14 =	vadd.f32 v16, v8;
	v15 =	vmul.f32 $8.000000000e+00, v19;
	v16 =	vadd.s32 s30, v7  }
0x1e1: {  	[tilespmem:v20+s22+$0x0] =	vst.idx.msk $0xffff, v12;
	v12 =	vadd.f32 v13, v8;
	v13 =	vmul.f32 $8.000000000e+00, v24  }
0x1e2: {  	[tilespmem:v22+s22+$0x0] =	vst.idx.msk $0xffff, v14;
	v14 =	vadd.f32 v15, v8  }
0x1e3: {  	[tilespmem:v17+s22+$0x0] =	vst.idx.msk $0xffff, v12;
	v12 =	vadd.f32 v13, v8  }
0x1e4: {  	[tilespmem:v18+s22+$0x0] =	vst.idx.msk $0xffff, v14  }
0x1e5: {  	s14 =	simm.s32 $0x200;
	[tilespmem:v16+s22+$0x0] =	vst.idx.msk $0xffff, v12  }
0x1e6: {  	[tilespmem:s19], [sflag:$0x1] =	stream.indirect.gather [hbm4b:s6+s18], $0x40, s14, s18, $0xb8;
	[tilespmem:$0x18600] =	vst v63  }
0x1e7: {  	_ =	swait.ge [sflag:s23], $0x2000  }
0x1e8: {  	[sflag:s23] =	ssyncset.done $0x0  }
0x1e9: {  	s31 =	simm.s32 $0x65F0;
	[sflag:s23] =	ssyncadd.s32 $0xFFFFE000  }
0x1ea: {  	v12 =	vld [tilespmem:s31+$0xFFFFFFD0]  }
0x1eb: {  	v13 =	vld [tilespmem:s31+$0xFFFFFE10];
	_ =	sdelay $0x1  }
0x1ec: {  	s15 =	simm.s32 $0x187  }
0x1ed: {  	s25 =	simm.s32 $0x180;
	v15 =	vadd.s32 s15, v1;
	v14 =	vld [tilespmem:s31+$0xFFFFFE50]  }
0x1ee: {  	v17 =	vadd.s32 s25, v1;
	v16 =	vld [tilespmem:s31+$0xFFFFFE90];
	v12 =	vmul.f32 $8.000000000e+00, v12  }
0x1ef: {  	v18 =	vld [tilespmem:s31+$0xFFFFFED0];
	v13 =	vmul.f32 $8.000000000e+00, v13  }
0x1f0: {  	s13 =	simm.s32 $0x181;
	v19 =	vld [tilespmem:s31+$0xFFFFFF10];
	v12 =	vadd.f32 v12, v10  }
0x1f1: {  	s12 =	simm.s32 $0x182;
	v20 =	vadd.s32 s13, v1;
	v21 =	vld [tilespmem:s31+$0xFFFFFF50];
	v13 =	vadd.f32 v13, v10  }
0x1f2: {  	s10 =	simm.s32 $0x183;
	v22 =	vadd.s32 s12, v1;
	v23 =	vld [tilespmem:s31+$0xFFFFFF90];
	v14 =	vmul.f32 $8.000000000e+00, v14;
	[tilespmem:v15+s22+$0x0] =	vst.idx.msk $0xffff, v12  }
0x1f3: {  	s11 =	simm.s32 $0x184;
	v12 =	vmul.f32 $8.000000000e+00, v16;
	v15 =	vadd.s32 s10, v1;
	[tilespmem:v17+s22+$0x0] =	vst.idx.msk $0xffff, v13;
	v13 =	vld [tilespmem:s31+$0xFFFFFFE0]  }
0x1f4: {  	s0 =	simm.s32 $0x185;
	v14 =	vadd.f32 v14, v10;
	v16 =	vmul.f32 $8.000000000e+00, v18;
	v17 =	vadd.s32 s11, v1;
	v18 =	vld [tilespmem:s31+$0xFFFFFE20]  }
0x1f5: {  	s28 =	simm.s32 $0x186;
	v24 =	vadd.s32 s0, v1;
	v19 =	vmul.f32 $8.000000000e+00, v19;
	v12 =	vadd.f32 v12, v10  }
0x1f6: {  	[tilespmem:v20+s22+$0x0] =	vst.idx.msk $0xffff, v14;
	v20 =	vadd.s32 s28, v1;
	v14 =	vadd.f32 v16, v10;
	v16 =	vmul.f32 $8.000000000e+00, v21  }
0x1f7: {  	v21 =	vld [tilespmem:s31+$0xFFFFFE60];
	[tilespmem:v22+s22+$0x0] =	vst.idx.msk $0xffff, v12;
	v12 =	vadd.f32 v19, v10;
	v19 =	vmul.f32 $8.000000000e+00, v23;
	v22 =	vadd.s32 s15, v5  }
0x1f8: {  	v23 =	vld [tilespmem:s31+$0xFFFFFEA0];
	[tilespmem:v15+s22+$0x0] =	vst.idx.msk $0xffff, v14;
	v14 =	vadd.f32 v16, v10;
	v15 =	vadd.s32 s25, v5;
	v13 =	vmul.f32 $8.000000000e+00, v13  }
0x1f9: {  	v16 =	vld [tilespmem:s31+$0xFFFFFEE0];
	[tilespmem:v17+s22+$0x0] =	vst.idx.msk $0xffff, v12;
	v12 =	vadd.f32 v19, v10;
	v17 =	vmul.f32 $8.000000000e+00, v18  }
0x1fa: {  	v18 =	vld [tilespmem:s31+$0xFFFFFF20];
	[tilespmem:v24+s22+$0x0] =	vst.idx.msk $0xffff, v14;
	v13 =	vadd.f32 v13, v11  }
0x1fb: {  	v14 =	vadd.s32 s13, v5;
	v19 =	vld [tilespmem:s31+$0xFFFFFF60];
	[tilespmem:v20+s22+$0x0] =	vst.idx.msk $0xffff, v12;
	v12 =	vadd.f32 v17, v11  }
0x1fc: {  	v17 =	vmul.f32 $8.000000000e+00, v21;
	v20 =	vadd.s32 s12, v5;
	v21 =	vld [tilespmem:s31+$0xFFFFFFA0];
	[tilespmem:v22+s22+$0x0] =	vst.idx.msk $0xffff, v13  }
0x1fd: {  	v13 =	vmul.f32 $8.000000000e+00, v23;
	v22 =	vadd.s32 s10, v5;
	[tilespmem:v15+s22+$0x0] =	vst.idx.msk $0xffff, v12;
	v12 =	vld [tilespmem:s31+$0xFFFFFFF0]  }
0x1fe: {  	v15 =	vadd.f32 v17, v11;
	v17 =	vadd.s32 s11, v5;
	v16 =	vmul.f32 $8.000000000e+00, v16;
	v23 =	vld [tilespmem:s31+$0xFFFFFE30]  }
0x1ff: {  	v24 =	vadd.s32 s0, v5;
	v13 =	vadd.f32 v13, v11;
	v18 =	vmul.f32 $8.000000000e+00, v18  }
0x200: {  	[tilespmem:v14+s22+$0x0] =	vst.idx.msk $0xffff, v15;
	v14 =	vadd.f32 v16, v11;
	v15 =	vmul.f32 $8.000000000e+00, v19;
	v16 =	vadd.s32 s28, v5  }
0x201: {  	v19 =	vld [tilespmem:s31+$0xFFFFFE70];
	[tilespmem:v20+s22+$0x0] =	vst.idx.msk $0xffff, v13;
	v13 =	vadd.f32 v18, v11;
	v18 =	vmul.f32 $8.000000000e+00, v21;
	v20 =	vadd.s32 s15, v6  }
0x202: {  	v21 =	vld [tilespmem:s31+$0xFFFFFEB0];
	[tilespmem:v22+s22+$0x0] =	vst.idx.msk $0xffff, v14;
	v14 =	vadd.f32 v15, v11;
	v15 =	vadd.s32 s25, v6;
	v12 =	vmul.f32 $8.000000000e+00, v12  }
0x203: {  	v22 =	vld [tilespmem:s31+$0xFFFFFEF0];
	[tilespmem:v17+s22+$0x0] =	vst.idx.msk $0xffff, v13;
	v13 =	vadd.f32 v18, v11;
	v17 =	vmul.f32 $8.000000000e+00, v23  }
0x204: {  	v18 =	vld [tilespmem:s31+$0xFFFFFF30];
	[tilespmem:v24+s22+$0x0] =	vst.idx.msk $0xffff, v14;
	v12 =	vadd.f32 v12, v9  }
0x205: {  	v14 =	vadd.s32 s13, v6;
	v23 =	vld [tilespmem:s31+$0xFFFFFF70];
	[tilespmem:v16+s22+$0x0] =	vst.idx.msk $0xffff, v13;
	v13 =	vadd.f32 v17, v9  }
0x206: {  	v16 =	vmul.f32 $8.000000000e+00, v19;
	v17 =	vadd.s32 s12, v6;
	v19 =	vld [tilespmem:s31+$0xFFFFFFB0];
	[tilespmem:v20+s22+$0x0] =	vst.idx.msk $0xffff, v12  }
0x207: {  	v12 =	vmul.f32 $8.000000000e+00, v21;
	v20 =	vadd.s32 s10, v6;
	[tilespmem:v15+s22+$0x0] =	vst.idx.msk $0xffff, v13;
	v13 =	vld [tilespmem:s31+$0x0]  }
0x208: {  	s5 =	simm.s32 $0x67F0;
	v15 =	vadd.f32 v16, v9;
	v21 =	vadd.s32 s11, v6;
	v16 =	vmul.f32 $8.000000000e+00, v22;
	v22 =	vld [tilespmem:s31+$0xFFFFFE40]  }
0x209: {  	v25 =	vld [tilespmem:s5+$0xFFFFFFD0];
	v24 =	vadd.s32 s0, v6;
	v12 =	vadd.f32 v12, v9;
	v18 =	vmul.f32 $8.000000000e+00, v18  }
0x20a: {  	[tilespmem:v14+s22+$0x0] =	vst.idx.msk $0xffff, v15;
	v14 =	vadd.f32 v16, v9;
	v15 =	vmul.f32 $8.000000000e+00, v23;
	v16 =	vadd.s32 s28, v6;
	v23 =	vld [tilespmem:s5+$0xFFFFFE10]  }
0x20b: {  	[tilespmem:v17+s22+$0x0] =	vst.idx.msk $0xffff, v12;
	v12 =	vadd.f32 v18, v9;
	v17 =	vmul.f32 $8.000000000e+00, v19;
	v18 =	vld [tilespmem:s5+$0xFFFFFE50];
	v19 =	vadd.s32 s15, v7  }
0x20c: {  	s4 =	simm.s32 $0x18F;
	[tilespmem:v20+s22+$0x0] =	vst.idx.msk $0xffff, v14;
	v14 =	vadd.f32 v15, v9;
	v15 =	vld [tilespmem:s5+$0xFFFFFE90];
	v20 =	vadd.s32 s25, v7;
	v13 =	vmul.f32 $8.000000000e+00, v13  }
0x20d: {  	s25 =	simm.s32 $0x188;
	[tilespmem:v21+s22+$0x0] =	vst.idx.msk $0xffff, v12;
	v12 =	vadd.f32 v17, v9;
	v17 =	vld [tilespmem:s5+$0xFFFFFED0];
	v21 =	vadd.s32 s4, v1;
	v22 =	vmul.f32 $8.000000000e+00, v22  }
0x20e: {  	s1 =	simm.s32 $0x189;
	v25 =	vmul.f32 $8.000000000e+00, v25;
	[tilespmem:v24+s22+$0x0] =	vst.idx.msk $0xffff, v14;
	v14 =	vadd.s32 s25, v1;
	v24 =	vld [tilespmem:s5+$0xFFFFFF10];
	v13 =	vadd.f32 v13, v8  }
0x20f: {  	s2 =	simm.s32 $0x18A;
	[tilespmem:v16+s22+$0x0] =	vst.idx.msk $0xffff, v12;
	v12 =	vmul.f32 $8.000000000e+00, v23;
	v16 =	vadd.s32 s1, v1;
	v23 =	vld [tilespmem:s5+$0xFFFFFF50];
	v22 =	vadd.f32 v22, v8  }
0x210: {  	s7 =	simm.s32 $0x18B;
	v26 =	vadd.s32 s2, v1;
	v27 =	vld [tilespmem:s5+$0xFFFFFF90];
	v25 =	vadd.f32 v25, v10;
	v18 =	vmul.f32 $8.000000000e+00, v18;
	[tilespmem:v19+s22+$0x0] =	vst.idx.msk $0xffff, v13  }
0x211: {  	s9 =	simm.s32 $0x18C;
	v12 =	vadd.f32 v12, v10;
	v13 =	vmul.f32 $8.000000000e+00, v15;
	v15 =	vadd.s32 s7, v1;
	[tilespmem:v20+s22+$0x0] =	vst.idx.msk $0xffff, v22;
	v19 =	vld [tilespmem:s31+$0xFFFFFE80]  }
0x212: {  	s29 =	simm.s32 $0x18D;
	v20 =	vadd.s32 s9, v1;
	v18 =	vadd.f32 v18, v10;
	v17 =	vmul.f32 $8.000000000e+00, v17;
	[tilespmem:v21+s22+$0x0] =	vst.idx.msk $0xffff, v25;
	v21 =	vld [tilespmem:s31+$0xFFFFFEC0]  }
0x213: {  	s30 =	simm.s32 $0x18E;
	[tilespmem:v14+s22+$0x0] =	vst.idx.msk $0xffff, v12;
	v12 =	vadd.f32 v13, v10;
	v13 =	vmul.f32 $8.000000000e+00, v24;
	v14 =	vadd.s32 s29, v1;
	v22 =	vld [tilespmem:s5+$0xFFFFFFE0]  }
0x214: {  	v24 =	vld [tilespmem:s5+$0xFFFFFE20];
	[tilespmem:v16+s22+$0x0] =	vst.idx.msk $0xffff, v18;
	v16 =	vadd.f32 v17, v10;
	v17 =	vmul.f32 $8.000000000e+00, v23;
	v18 =	vadd.s32 s30, v1  }
0x215: {  	v25 =	vadd.s32 s13, v7;
	v23 =	vld [tilespmem:s5+$0xFFFFFE60];
	[tilespmem:v26+s22+$0x0] =	vst.idx.msk $0xffff, v12;
	v12 =	vadd.f32 v13, v10;
	v13 =	vmul.f32 $8.000000000e+00, v27  }
0x216: {  	v26 =	vld [tilespmem:s5+$0xFFFFFEA0];
	[tilespmem:v15+s22+$0x0] =	vst.idx.msk $0xffff, v16;
	v15 =	vadd.f32 v17, v10;
	v16 =	vmul.f32 $8.000000000e+00, v19;
	v17 =	vadd.s32 s12, v7  }
0x217: {  	v19 =	vld [tilespmem:s5+$0xFFFFFEE0];
	[tilespmem:v20+s22+$0x0] =	vst.idx.msk $0xffff, v12;
	v12 =	vadd.f32 v13, v10;
	v13 =	vadd.s32 s4, v5;
	v20 =	vmul.f32 $8.000000000e+00, v21  }
0x218: {  	v21 =	vadd.s32 s25, v5;
	v27 =	vld [tilespmem:s5+$0xFFFFFF20];
	[tilespmem:v14+s22+$0x0] =	vst.idx.msk $0xffff, v15;
	v14 =	vmul.f32 $8.000000000e+00, v22;
	v15 =	vadd.f32 v16, v8  }
0x219: {  	v22 =	vadd.s32 s1, v5;
	v16 =	vmul.f32 $8.000000000e+00, v24;
	v24 =	vld [tilespmem:s5+$0xFFFFFF60];
	[tilespmem:v18+s22+$0x0] =	vst.idx.msk $0xffff, v12;
	v12 =	vadd.f32 v20, v8  }
0x21a: {  	v20 =	vadd.s32 s2, v5;
	v18 =	vmul.f32 $8.000000000e+00, v23;
	v23 =	vld [tilespmem:s5+$0xFFFFFFA0];
	v14 =	vadd.f32 v14, v11;
	[tilespmem:v25+s22+$0x0] =	vst.idx.msk $0xffff, v15  }
0x21b: {  	v25 =	vadd.s32 s7, v5;
	v15 =	vadd.f32 v16, v11;
	v16 =	vmul.f32 $8.000000000e+00, v26;
	[tilespmem:v17+s22+$0x0] =	vst.idx.msk $0xffff, v12;
	v12 =	vld [tilespmem:s31+$0xFFFFFF00]  }
0x21c: {  	v17 =	vadd.f32 v18, v11;
	v18 =	vmul.f32 $8.000000000e+00, v19;
	v19 =	vadd.s32 s9, v5;
	[tilespmem:v13+s22+$0x0] =	vst.idx.msk $0xffff, v14;
	v13 =	vld [tilespmem:s31+$0xFFFFFF40]  }
0x21d: {  	[tilespmem:v21+s22+$0x0] =	vst.idx.msk $0xffff, v15;
	v14 =	vadd.f32 v16, v11;
	v15 =	vmul.f32 $8.000000000e+00, v27;
	v16 =	vadd.s32 s29, v5;
	v21 =	vld [tilespmem:s5+$0xFFFFFFF0]  }
0x21e: {  	v26 =	vld [tilespmem:s5+$0xFFFFFE30];
	[tilespmem:v22+s22+$0x0] =	vst.idx.msk $0xffff, v17;
	v17 =	vadd.f32 v18, v11;
	v18 =	vmul.f32 $8.000000000e+00, v24;
	v22 =	vadd.s32 s30, v5  }
0x21f: {  	v24 =	vld [tilespmem:s5+$0xFFFFFE70];
	[tilespmem:v20+s22+$0x0] =	vst.idx.msk $0xffff, v14;
	v14 =	vadd.f32 v15, v11;
	v15 =	vmul.f32 $8.000000000e+00, v23;
	v20 =	vadd.s32 s10, v7  }
0x220: {  	v23 =	vld [tilespmem:s5+$0xFFFFFEB0];
	[tilespmem:v25+s22+$0x0] =	vst.idx.msk $0xffff, v17;
	v17 =	vadd.f32 v18, v11;
	v12 =	vmul.f32 $8.000000000e+00, v12;
	v25 =	vadd.s32 s11, v7  }
0x221: {  	v27 =	vld [tilespmem:s5+$0xFFFFFEF0];
	[tilespmem:v19+s22+$0x0] =	vst.idx.msk $0xffff, v14;
	v14 =	vadd.f32 v15, v11;
	v15 =	vadd.s32 s4, v6;
	v13 =	vmul.f32 $8.000000000e+00, v13  }
0x222: {  	v28 =	vadd.s32 s25, v6;
	v29 =	vld [tilespmem:s5+$0xFFFFFF30];
	[tilespmem:v16+s22+$0x0] =	vst.idx.msk $0xffff, v17;
	v16 =	vmul.f32 $8.000000000e+00, v21;
	v12 =	vadd.f32 v12, v8  }
0x223: {  	v18 =	vmul.f32 $8.000000000e+00, v26;
	v26 =	vadd.s32 s1, v6;
	v30 =	vld [tilespmem:s5+$0xFFFFFF70];
	[tilespmem:v22+s22+$0x0] =	vst.idx.msk $0xffff, v14;
	v13 =	vadd.f32 v13, v8  }
0x224: {  	v21 =	vadd.s32 s2, v6;
	v14 =	vmul.f32 $8.000000000e+00, v24;
	v17 =	vld [tilespmem:s5+$0xFFFFFFB0];
	v16 =	vadd.f32 v16, v9;
	[tilespmem:v20+s22+$0x0] =	vst.idx.msk $0xffff, v12  }
0x225: {  	v19 =	vld [tilespmem:s31+$0xFFFFFF80];
	v12 =	vadd.f32 v18, v9;
	v20 =	vmul.f32 $8.000000000e+00, v23;
	v18 =	vadd.s32 s7, v6;
	[tilespmem:v25+s22+$0x0] =	vst.idx.msk $0xffff, v13  }
0x226: {  	v13 =	vld [tilespmem:s31+$0xFFFFFFC0];
	v22 =	vadd.f32 v14, v9;
	v23 =	vmul.f32 $8.000000000e+00, v27;
	v14 =	vadd.s32 s9, v6;
	[tilespmem:v15+s22+$0x0] =	vst.idx.msk $0xffff, v16  }
0x227: {  	v15 =	vadd.s32 s29, v6;
	[tilespmem:v28+s22+$0x0] =	vst.idx.msk $0xffff, v12;
	v24 =	vadd.f32 v20, v9;
	v25 =	vmul.f32 $8.000000000e+00, v29;
	v16 =	vld [tilespmem:s5+$0x0]  }
0x228: {  	s10 =	simm.s32 $0x8;
	s11 =	simm.s32 $0x69F0;
	v20 =	vadd.s32 s30, v6;
	v12 =	vld [tilespmem:s5+$0xFFFFFE40];
	[tilespmem:v26+s22+$0x0] =	vst.idx.msk $0xffff, v22;
	v22 =	vadd.f32 v23, v9;
	v23 =	vmul.f32 $8.000000000e+00, v30  }
.LBB2_10:
0x229: {  	v26 =	vld [tilespmem:s11+$0xFFFFFFD0];
	[tilespmem:v21+s22+$0x0] =	vst.idx.msk $0xffff, v24;
	v21 =	vadd.f32 v25, v9;
	v17 =	vmul.f32 $8.000000000e+00, v17;
	v24 =	vadd.s32 s0, v7;
	s31 =	smov.u32 s10;
	s10 =	sadd.s32 $0x8, s10;
	s0 =	smov.u32 s29  }
0x22a: {  	v25 =	vld [tilespmem:s11+$0xFFFFFE10];
	p0 =	slt.u32 s10, $0x78;
	[tilespmem:v18+s22+$0x0] =	vst.idx.msk $0xffff, v22;
	v18 =	vadd.f32 v23, v9;
	v19 =	vmul.f32 $8.000000000e+00, v19;
	v22 =	vadd.s32 s28, v7;
	s28 =	smov.u32 s30  }
0x22b: {  	v23 =	vld [tilespmem:s11+$0xFFFFFE50];
	[tilespmem:v14+s22+$0x0] =	vst.idx.msk $0xffff, v21;
	v14 =	vadd.f32 v17, v9;
	v17 =	vadd.s32 s4, v7;
	v13 =	vmul.f32 $8.000000000e+00, v13  }
0x22c: {  	v27 =	vadd.s32 s25, v7;
	s4 =	sadd.s32 $0x18F, s31;
	v21 =	vld [tilespmem:s11+$0xFFFFFE90];
	[tilespmem:v15+s22+$0x0] =	vst.idx.msk $0xffff, v18;
	v15 =	vmul.f32 $8.000000000e+00, v16;
	v16 =	vadd.f32 v19, v8  }
0x22d: {  	s25 =	sadd.s32 $0x188, s31;
	v19 =	vadd.s32 s4, v1;
	v18 =	vld [tilespmem:s11+$0xFFFFFED0];
	v12 =	vmul.f32 $8.000000000e+00, v12;
	[tilespmem:v20+s22+$0x0] =	vst.idx.msk $0xffff, v14;
	v13 =	vadd.f32 v13, v8  }
0x22e: {  	s14 =	sadd.s32 $0x189, s31;
	v14 =	vadd.s32 s25, v1;
	v20 =	vld [tilespmem:s11+$0xFFFFFF10];
	v26 =	vmul.f32 $8.000000000e+00, v26;
	v15 =	vadd.f32 v15, v8;
	[tilespmem:v24+s22+$0x0] =	vst.idx.msk $0xffff, v16  }
0x22f: {  	s15 =	sadd.s32 $0x18A, s31;
	v24 =	vadd.s32 s14, v1;
	v16 =	vmul.f32 $8.000000000e+00, v25;
	v25 =	vld [tilespmem:s11+$0xFFFFFF50];
	v12 =	vadd.f32 v12, v8;
	[tilespmem:v22+s22+$0x0] =	vst.idx.msk $0xffff, v13  }
0x230: {  	s12 =	sadd.s32 $0x18B, s31;
	v22 =	vadd.s32 s15, v1;
	v13 =	vmul.f32 $8.000000000e+00, v23;
	v23 =	vld [tilespmem:s11+$0xFFFFFF90];
	v26 =	vadd.f32 v26, v10;
	[tilespmem:v17+s22+$0x0] =	vst.idx.msk $0xffff, v15  }
0x231: {  	s13 =	sadd.s32 $0x18C, s31;
	v17 =	vadd.s32 s12, v1;
	v15 =	vadd.f32 v16, v10;
	v16 =	vmul.f32 $8.000000000e+00, v21;
	[tilespmem:v27+s22+$0x0] =	vst.idx.msk $0xffff, v12;
	v12 =	vld [tilespmem:s5+$0xFFFFFE80]  }
0x232: {  	s29 =	sadd.s32 $0x18D, s31;
	v21 =	vadd.s32 s13, v1;
	v13 =	vadd.f32 v13, v10;
	v18 =	vmul.f32 $8.000000000e+00, v18;
	[tilespmem:v19+s22+$0x0] =	vst.idx.msk $0xffff, v26;
	v19 =	vld [tilespmem:s5+$0xFFFFFEC0]  }
0x233: {  	s30 =	sadd.s32 $0x18E, s31;
	[tilespmem:v14+s22+$0x0] =	vst.idx.msk $0xffff, v15;
	v14 =	vadd.f32 v16, v10;
	v15 =	vmul.f32 $8.000000000e+00, v20;
	v16 =	vadd.s32 s29, v1;
	v20 =	vld [tilespmem:s11+$0xFFFFFFE0]  }
0x234: {  	v26 =	vld [tilespmem:s11+$0xFFFFFE20];
	[tilespmem:v24+s22+$0x0] =	vst.idx.msk $0xffff, v13;
	v13 =	vadd.f32 v18, v10;
	v18 =	vmul.f32 $8.000000000e+00, v25;
	v24 =	vadd.s32 s30, v1  }
0x235: {  	v25 =	vld [tilespmem:s11+$0xFFFFFE60];
	[tilespmem:v22+s22+$0x0] =	vst.idx.msk $0xffff, v14;
	v14 =	vadd.f32 v15, v10;
	v15 =	vmul.f32 $8.000000000e+00, v23;
	v22 =	vadd.s32 s1, v7;
	s1 =	smov.u32 s14  }
0x236: {  	v23 =	vld [tilespmem:s11+$0xFFFFFEA0];
	[tilespmem:v17+s22+$0x0] =	vst.idx.msk $0xffff, v13;
	v13 =	vadd.f32 v18, v10;
	v12 =	vmul.f32 $8.000000000e+00, v12;
	v17 =	vadd.s32 s2, v7;
	s2 =	smov.u32 s15  }
0x237: {  	v18 =	vld [tilespmem:s11+$0xFFFFFEE0];
	[tilespmem:v21+s22+$0x0] =	vst.idx.msk $0xffff, v14;
	v14 =	vadd.f32 v15, v10;
	v15 =	vadd.s32 s4, v5;
	v19 =	vmul.f32 $8.000000000e+00, v19  }
0x238: {  	v21 =	vadd.s32 s25, v5;
	v27 =	vld [tilespmem:s11+$0xFFFFFF20];
	[tilespmem:v16+s22+$0x0] =	vst.idx.msk $0xffff, v13;
	v13 =	vmul.f32 $8.000000000e+00, v20;
	v12 =	vadd.f32 v12, v8  }
0x239: {  	v20 =	vadd.s32 s1, v5;
	v16 =	vmul.f32 $8.000000000e+00, v26;
	v26 =	vld [tilespmem:s11+$0xFFFFFF60];
	[tilespmem:v24+s22+$0x0] =	vst.idx.msk $0xffff, v14;
	v14 =	vadd.f32 v19, v8  }
0x23a: {  	v24 =	vadd.s32 s2, v5;
	v19 =	vmul.f32 $8.000000000e+00, v25;
	v25 =	vld [tilespmem:s11+$0xFFFFFFA0];
	v13 =	vadd.f32 v13, v11;
	[tilespmem:v22+s22+$0x0] =	vst.idx.msk $0xffff, v12  }
0x23b: {  	v22 =	vadd.s32 s12, v5;
	v12 =	vadd.f32 v16, v11;
	v16 =	vmul.f32 $8.000000000e+00, v23;
	[tilespmem:v17+s22+$0x0] =	vst.idx.msk $0xffff, v14;
	v14 =	vld [tilespmem:s5+$0xFFFFFF00]  }
0x23c: {  	v17 =	vadd.f32 v19, v11;
	v18 =	vmul.f32 $8.000000000e+00, v18;
	v19 =	vadd.s32 s13, v5;
	[tilespmem:v15+s22+$0x0] =	vst.idx.msk $0xffff, v13;
	v13 =	vld [tilespmem:s5+$0xFFFFFF40]  }
0x23d: {  	[tilespmem:v21+s22+$0x0] =	vst.idx.msk $0xffff, v12;
	v12 =	vadd.f32 v16, v11;
	v15 =	vmul.f32 $8.000000000e+00, v27;
	v16 =	vadd.s32 s29, v5;
	v21 =	vld [tilespmem:s11+$0xFFFFFFF0]  }
0x23e: {  	v23 =	vld [tilespmem:s11+$0xFFFFFE30];
	[tilespmem:v20+s22+$0x0] =	vst.idx.msk $0xffff, v17;
	v17 =	vadd.f32 v18, v11;
	v18 =	vmul.f32 $8.000000000e+00, v26;
	v20 =	vadd.s32 s30, v5  }
0x23f: {  	v26 =	vld [tilespmem:s11+$0xFFFFFE70];
	[tilespmem:v24+s22+$0x0] =	vst.idx.msk $0xffff, v12;
	v12 =	vadd.f32 v15, v11;
	v15 =	vmul.f32 $8.000000000e+00, v25;
	v24 =	vadd.s32 s7, v7;
	s7 =	smov.u32 s12  }
0x240: {  	v25 =	vld [tilespmem:s11+$0xFFFFFEB0];
	[tilespmem:v22+s22+$0x0] =	vst.idx.msk $0xffff, v17;
	v17 =	vadd.f32 v18, v11;
	v14 =	vmul.f32 $8.000000000e+00, v14;
	v22 =	vadd.s32 s9, v7;
	s9 =	smov.u32 s13  }
0x241: {  	v27 =	vld [tilespmem:s11+$0xFFFFFEF0];
	[tilespmem:v19+s22+$0x0] =	vst.idx.msk $0xffff, v12;
	v12 =	vadd.f32 v15, v11;
	v15 =	vadd.s32 s4, v6;
	v13 =	vmul.f32 $8.000000000e+00, v13  }
0x242: {  	v28 =	vadd.s32 s25, v6;
	v29 =	vld [tilespmem:s11+$0xFFFFFF30];
	[tilespmem:v16+s22+$0x0] =	vst.idx.msk $0xffff, v17;
	v16 =	vmul.f32 $8.000000000e+00, v21;
	v14 =	vadd.f32 v14, v8  }
0x243: {  	v18 =	vmul.f32 $8.000000000e+00, v23;
	v23 =	vadd.s32 s1, v6;
	v30 =	vld [tilespmem:s11+$0xFFFFFF70];
	[tilespmem:v20+s22+$0x0] =	vst.idx.msk $0xffff, v12;
	v12 =	vadd.f32 v13, v8  }
.Ltmp8:
0x244: {  	v21 =	vadd.s32 s2, v6;
	v13 =	vmul.f32 $8.000000000e+00, v26;
	v17 =	vld [tilespmem:s11+$0xFFFFFFB0];
	v16 =	vadd.f32 v16, v9;
	[tilespmem:v24+s22+$0x0] =	vst.idx.msk $0xffff, v14;
	(pc) =	sbr.rel @p0 .LBB2_10-.Ltmp8, $4  }
0x245: {  	v20 =	vadd.f32 v18, v9;
	v24 =	vmul.f32 $8.000000000e+00, v25;
	v18 =	vadd.s32 s7, v6;
	[tilespmem:v22+s22+$0x0] =	vst.idx.msk $0xffff, v12;
	v19 =	vld [tilespmem:s5+$0xFFFFFF80]  }
0x246: {  	v14 =	vadd.s32 s9, v6;
	v22 =	vadd.f32 v13, v9;
	v26 =	vmul.f32 $8.000000000e+00, v27;
	[tilespmem:v15+s22+$0x0] =	vst.idx.msk $0xffff, v16;
	v13 =	vld [tilespmem:s5+$0xFFFFFFC0];
	s5 =	smov.u32 s11  }
0x247: {  	v15 =	vadd.s32 s29, v6;
	[tilespmem:v28+s22+$0x0] =	vst.idx.msk $0xffff, v20;
	v24 =	vadd.f32 v24, v9;
	v25 =	vmul.f32 $8.000000000e+00, v29;
	v16 =	vld [tilespmem:s11+$0x0]  }
0x248: {  	v20 =	vadd.s32 s30, v6;
	s11 =	sadd.s32 $0x200, s11;
	v12 =	vld [tilespmem:s5+$0xFFFFFE40];
	[tilespmem:v23+s22+$0x0] =	vst.idx.msk $0xffff, v22;
	v22 =	vadd.f32 v26, v9;
	v23 =	vmul.f32 $8.000000000e+00, v30  }
0x249: {  	_ =	sdelay $0x3  }
0x24a: {  	[tilespmem:v21+s22+$0x0] =	vst.idx.msk $0xffff, v24;
	v21 =	vadd.f32 v25, v9;
	v17 =	vmul.f32 $8.000000000e+00, v17;
	v24 =	vadd.s32 s0, v7;
	v25 =	vld [tilespmem:s5+$0xFFFFFE80]  }
0x24b: {  	[tilespmem:v18+s22+$0x0] =	vst.idx.msk $0xffff, v22;
	v18 =	vadd.f32 v23, v9;
	v19 =	vmul.f32 $8.000000000e+00, v19;
	v22 =	vadd.s32 s28, v7;
	v23 =	vld [tilespmem:s5+$0xFFFFFEC0]  }
0x24c: {  	[tilespmem:v14+s22+$0x0] =	vst.idx.msk $0xffff, v21;
	v14 =	vadd.f32 v17, v9;
	v17 =	vadd.s32 s4, v7;
	v13 =	vmul.f32 $8.000000000e+00, v13;
	v21 =	vld [tilespmem:s5+$0xFFFFFF00]  }
0x24d: {  	v26 =	vadd.s32 s25, v7;
	[tilespmem:v15+s22+$0x0] =	vst.idx.msk $0xffff, v18;
	v15 =	vmul.f32 $8.000000000e+00, v16;
	v16 =	vadd.f32 v19, v8;
	v18 =	vld [tilespmem:s5+$0xFFFFFF40]  }
0x24e: {  	v12 =	vmul.f32 $8.000000000e+00, v12;
	[tilespmem:v20+s22+$0x0] =	vst.idx.msk $0xffff, v14;
	v13 =	vadd.f32 v13, v8;
	v14 =	vadd.s32 s1, v7;
	v19 =	vld [tilespmem:s5+$0xFFFFFF80]  }
0x24f: {  	v20 =	vadd.s32 s2, v7;
	v15 =	vadd.f32 v15, v8;
	[tilespmem:v24+s22+$0x0] =	vst.idx.msk $0xffff, v16;
	v16 =	vmul.f32 $8.000000000e+00, v25;
	v24 =	vld [tilespmem:s5+$0xFFFFFFC0]  }
0x250: {  	v12 =	vadd.f32 v12, v8;
	[tilespmem:v22+s22+$0x0] =	vst.idx.msk $0xffff, v13;
	v13 =	vmul.f32 $8.000000000e+00, v23;
	v22 =	vadd.s32 s7, v7  }
0x251: {  	[tilespmem:v17+s22+$0x0] =	vst.idx.msk $0xffff, v15;
	v15 =	vadd.f32 v16, v8;
	v16 =	vmul.f32 $8.000000000e+00, v21;
	v17 =	vadd.s32 s9, v7  }
0x252: {  	[tilespmem:v26+s22+$0x0] =	vst.idx.msk $0xffff, v12;
	v12 =	vadd.f32 v13, v8;
	v13 =	vmul.f32 $8.000000000e+00, v18;
	v18 =	vadd.s32 s29, v7  }
0x253: {  	[tilespmem:v14+s22+$0x0] =	vst.idx.msk $0xffff, v15;
	v14 =	vadd.f32 v16, v8;
	v15 =	vmul.f32 $8.000000000e+00, v19;
	v16 =	vadd.s32 s30, v7  }
0x254: {  	[tilespmem:v20+s22+$0x0] =	vst.idx.msk $0xffff, v12;
	v12 =	vadd.f32 v13, v8;
	v13 =	vmul.f32 $8.000000000e+00, v24  }
0x255: {  	[tilespmem:v22+s22+$0x0] =	vst.idx.msk $0xffff, v14;
	v14 =	vadd.f32 v15, v8  }
0x256: {  	[tilespmem:v17+s22+$0x0] =	vst.idx.msk $0xffff, v12;
	v12 =	vadd.f32 v13, v8  }
0x257: {  	[tilespmem:v18+s22+$0x0] =	vst.idx.msk $0xffff, v14  }
0x258: {  	s14 =	simm.s32 $0x280;
	[tilespmem:v16+s22+$0x0] =	vst.idx.msk $0xffff, v12  }
0x259: {  	[tilespmem:s20], [sflag:$0x2] =	stream.indirect.gather [hbm4b:s6+s18], $0x40, s14, s18, $0xb8;
	[tilespmem:$0x18600] =	vst v63  }
0x25a: {  	_ =	swait.ge [sflag:s21], $0x2000  }
0x25b: {  	[sflag:s21] =	ssyncset.done $0x0  }
0x25c: {  	s31 =	simm.s32 $0x4500;
	[sflag:s21] =	ssyncadd.s32 $0xFFFFE000  }
0x25d: {  	v12 =	vld [tilespmem:s31+$0xC0]  }
0x25e: {  	v13 =	vld [tilespmem:s31+$0xFFFFFF00];
	_ =	sdelay $0x1  }
0x25f: {  	s15 =	simm.s32 $0x207  }
0x260: {  	s25 =	simm.s32 $0x200;
	v15 =	vadd.s32 s15, v1;
	v14 =	vld [tilespmem:s31+$0xFFFFFF40]  }
0x261: {  	v17 =	vadd.s32 s25, v1;
	v16 =	vld [tilespmem:s31+$0xFFFFFF80];
	v12 =	vmul.f32 $8.000000000e+00, v12  }
0x262: {  	v18 =	vld [tilespmem:s31+$0xFFFFFFC0];
	v13 =	vmul.f32 $8.000000000e+00, v13  }
0x263: {  	s13 =	simm.s32 $0x201;
	v19 =	vld [tilespmem:s31+$0x0];
	v12 =	vadd.f32 v12, v10  }
0x264: {  	s12 =	simm.s32 $0x202;
	v20 =	vadd.s32 s13, v1;
	v21 =	vld [tilespmem:s31+$0x40];
	v13 =	vadd.f32 v13, v10  }
0x265: {  	s10 =	simm.s32 $0x203;
	v22 =	vadd.s32 s12, v1;
	v23 =	vld [tilespmem:s31+$0x80];
	v14 =	vmul.f32 $8.000000000e+00, v14;
	[tilespmem:v15+s22+$0x0] =	vst.idx.msk $0xffff, v12  }
0x266: {  	s11 =	simm.s32 $0x204;
	v12 =	vmul.f32 $8.000000000e+00, v16;
	v15 =	vadd.s32 s10, v1;
	[tilespmem:v17+s22+$0x0] =	vst.idx.msk $0xffff, v13;
	v13 =	vld [tilespmem:s31+$0xD0]  }
0x267: {  	s0 =	simm.s32 $0x205;
	v14 =	vadd.f32 v14, v10;
	v16 =	vmul.f32 $8.000000000e+00, v18;
	v17 =	vadd.s32 s11, v1;
	v18 =	vld [tilespmem:s31+$0xFFFFFF10]  }
0x268: {  	s28 =	simm.s32 $0x206;
	v24 =	vadd.s32 s0, v1;
	v19 =	vmul.f32 $8.000000000e+00, v19;
	v12 =	vadd.f32 v12, v10  }
0x269: {  	[tilespmem:v20+s22+$0x0] =	vst.idx.msk $0xffff, v14;
	v20 =	vadd.s32 s28, v1;
	v14 =	vadd.f32 v16, v10;
	v16 =	vmul.f32 $8.000000000e+00, v21  }
0x26a: {  	v21 =	vld [tilespmem:s31+$0xFFFFFF50];
	[tilespmem:v22+s22+$0x0] =	vst.idx.msk $0xffff, v12;
	v12 =	vadd.f32 v19, v10;
	v19 =	vmul.f32 $8.000000000e+00, v23;
	v22 =	vadd.s32 s15, v5  }
0x26b: {  	v23 =	vld [tilespmem:s31+$0xFFFFFF90];
	[tilespmem:v15+s22+$0x0] =	vst.idx.msk $0xffff, v14;
	v14 =	vadd.f32 v16, v10;
	v15 =	vadd.s32 s25, v5;
	v13 =	vmul.f32 $8.000000000e+00, v13  }
0x26c: {  	v16 =	vld [tilespmem:s31+$0xFFFFFFD0];
	[tilespmem:v17+s22+$0x0] =	vst.idx.msk $0xffff, v12;
	v12 =	vadd.f32 v19, v10;
	v17 =	vmul.f32 $8.000000000e+00, v18  }
0x26d: {  	v18 =	vld [tilespmem:s31+$0x10];
	[tilespmem:v24+s22+$0x0] =	vst.idx.msk $0xffff, v14;
	v13 =	vadd.f32 v13, v11  }
0x26e: {  	v14 =	vadd.s32 s13, v5;
	v19 =	vld [tilespmem:s31+$0x50];
	[tilespmem:v20+s22+$0x0] =	vst.idx.msk $0xffff, v12;
	v12 =	vadd.f32 v17, v11  }
0x26f: {  	v17 =	vmul.f32 $8.000000000e+00, v21;
	v20 =	vadd.s32 s12, v5;
	v21 =	vld [tilespmem:s31+$0x90];
	[tilespmem:v22+s22+$0x0] =	vst.idx.msk $0xffff, v13  }
0x270: {  	v13 =	vmul.f32 $8.000000000e+00, v23;
	v22 =	vadd.s32 s10, v5;
	[tilespmem:v15+s22+$0x0] =	vst.idx.msk $0xffff, v12;
	v12 =	vld [tilespmem:s31+$0xE0]  }
0x271: {  	v15 =	vadd.f32 v17, v11;
	v17 =	vadd.s32 s11, v5;
	v16 =	vmul.f32 $8.000000000e+00, v16;
	v23 =	vld [tilespmem:s31+$0xFFFFFF20]  }
0x272: {  	v24 =	vadd.s32 s0, v5;
	v13 =	vadd.f32 v13, v11;
	v18 =	vmul.f32 $8.000000000e+00, v18  }
0x273: {  	[tilespmem:v14+s22+$0x0] =	vst.idx.msk $0xffff, v15;
	v14 =	vadd.f32 v16, v11;
	v15 =	vmul.f32 $8.000000000e+00, v19;
	v16 =	vadd.s32 s28, v5  }
0x274: {  	v19 =	vld [tilespmem:s31+$0xFFFFFF60];
	[tilespmem:v20+s22+$0x0] =	vst.idx.msk $0xffff, v13;
	v13 =	vadd.f32 v18, v11;
	v18 =	vmul.f32 $8.000000000e+00, v21;
	v20 =	vadd.s32 s15, v6  }
0x275: {  	v21 =	vld [tilespmem:s31+$0xFFFFFFA0];
	[tilespmem:v22+s22+$0x0] =	vst.idx.msk $0xffff, v14;
	v14 =	vadd.f32 v15, v11;
	v15 =	vadd.s32 s25, v6;
	v12 =	vmul.f32 $8.000000000e+00, v12  }
0x276: {  	v22 =	vld [tilespmem:s31+$0xFFFFFFE0];
	[tilespmem:v17+s22+$0x0] =	vst.idx.msk $0xffff, v13;
	v13 =	vadd.f32 v18, v11;
	v17 =	vmul.f32 $8.000000000e+00, v23  }
0x277: {  	v18 =	vld [tilespmem:s31+$0x20];
	[tilespmem:v24+s22+$0x0] =	vst.idx.msk $0xffff, v14;
	v12 =	vadd.f32 v12, v9  }
0x278: {  	v14 =	vadd.s32 s13, v6;
	v23 =	vld [tilespmem:s31+$0x60];
	[tilespmem:v16+s22+$0x0] =	vst.idx.msk $0xffff, v13;
	v13 =	vadd.f32 v17, v9  }
0x279: {  	v16 =	vmul.f32 $8.000000000e+00, v19;
	v17 =	vadd.s32 s12, v6;
	v19 =	vld [tilespmem:s31+$0xA0];
	[tilespmem:v20+s22+$0x0] =	vst.idx.msk $0xffff, v12  }
0x27a: {  	v12 =	vmul.f32 $8.000000000e+00, v21;
	v20 =	vadd.s32 s10, v6;
	[tilespmem:v15+s22+$0x0] =	vst.idx.msk $0xffff, v13;
	v13 =	vld [tilespmem:s31+$0xF0]  }
0x27b: {  	s5 =	simm.s32 $0x4700;
	v15 =	vadd.f32 v16, v9;
	v21 =	vadd.s32 s11, v6;
	v16 =	vmul.f32 $8.000000000e+00, v22;
	v22 =	vld [tilespmem:s31+$0xFFFFFF30]  }
0x27c: {  	v25 =	vld [tilespmem:s5+$0xC0];
	v24 =	vadd.s32 s0, v6;
	v12 =	vadd.f32 v12, v9;
	v18 =	vmul.f32 $8.000000000e+00, v18  }
0x27d: {  	[tilespmem:v14+s22+$0x0] =	vst.idx.msk $0xffff, v15;
	v14 =	vadd.f32 v16, v9;
	v15 =	vmul.f32 $8.000000000e+00, v23;
	v16 =	vadd.s32 s28, v6;
	v23 =	vld [tilespmem:s5+$0xFFFFFF00]  }
0x27e: {  	[tilespmem:v17+s22+$0x0] =	vst.idx.msk $0xffff, v12;
	v12 =	vadd.f32 v18, v9;
	v17 =	vmul.f32 $8.000000000e+00, v19;
	v18 =	vld [tilespmem:s5+$0xFFFFFF40];
	v19 =	vadd.s32 s15, v7  }
0x27f: {  	s4 =	simm.s32 $0x20F;
	[tilespmem:v20+s22+$0x0] =	vst.idx.msk $0xffff, v14;
	v14 =	vadd.f32 v15, v9;
	v15 =	vld [tilespmem:s5+$0xFFFFFF80];
	v20 =	vadd.s32 s25, v7;
	v13 =	vmul.f32 $8.000000000e+00, v13  }
0x280: {  	s25 =	simm.s32 $0x208;
	[tilespmem:v21+s22+$0x0] =	vst.idx.msk $0xffff, v12;
	v12 =	vadd.f32 v17, v9;
	v17 =	vld [tilespmem:s5+$0xFFFFFFC0];
	v21 =	vadd.s32 s4, v1;
	v22 =	vmul.f32 $8.000000000e+00, v22  }
0x281: {  	s1 =	simm.s32 $0x209;
	v25 =	vmul.f32 $8.000000000e+00, v25;
	[tilespmem:v24+s22+$0x0] =	vst.idx.msk $0xffff, v14;
	v14 =	vadd.s32 s25, v1;
	v24 =	vld [tilespmem:s5+$0x0];
	v13 =	vadd.f32 v13, v8  }
0x282: {  	s2 =	simm.s32 $0x20A;
	[tilespmem:v16+s22+$0x0] =	vst.idx.msk $0xffff, v12;
	v12 =	vmul.f32 $8.000000000e+00, v23;
	v16 =	vadd.s32 s1, v1;
	v23 =	vld [tilespmem:s5+$0x40];
	v22 =	vadd.f32 v22, v8  }
0x283: {  	s7 =	simm.s32 $0x20B;
	v26 =	vadd.s32 s2, v1;
	v27 =	vld [tilespmem:s5+$0x80];
	v25 =	vadd.f32 v25, v10;
	v18 =	vmul.f32 $8.000000000e+00, v18;
	[tilespmem:v19+s22+$0x0] =	vst.idx.msk $0xffff, v13  }
0x284: {  	s9 =	simm.s32 $0x20C;
	v12 =	vadd.f32 v12, v10;
	v13 =	vmul.f32 $8.000000000e+00, v15;
	v15 =	vadd.s32 s7, v1;
	[tilespmem:v20+s22+$0x0] =	vst.idx.msk $0xffff, v22;
	v19 =	vld [tilespmem:s31+$0xFFFFFF70]  }
0x285: {  	s29 =	simm.s32 $0x20D;
	v20 =	vadd.s32 s9, v1;
	v18 =	vadd.f32 v18, v10;
	v17 =	vmul.f32 $8.000000000e+00, v17;
	[tilespmem:v21+s22+$0x0] =	vst.idx.msk $0xffff, v25;
	v21 =	vld [tilespmem:s31+$0xFFFFFFB0]  }
0x286: {  	s30 =	simm.s32 $0x20E;
	[tilespmem:v14+s22+$0x0] =	vst.idx.msk $0xffff, v12;
	v12 =	vadd.f32 v13, v10;
	v13 =	vmul.f32 $8.000000000e+00, v24;
	v14 =	vadd.s32 s29, v1;
	v22 =	vld [tilespmem:s5+$0xD0]  }
0x287: {  	v24 =	vld [tilespmem:s5+$0xFFFFFF10];
	[tilespmem:v16+s22+$0x0] =	vst.idx.msk $0xffff, v18;
	v16 =	vadd.f32 v17, v10;
	v17 =	vmul.f32 $8.000000000e+00, v23;
	v18 =	vadd.s32 s30, v1  }
0x288: {  	v25 =	vadd.s32 s13, v7;
	v23 =	vld [tilespmem:s5+$0xFFFFFF50];
	[tilespmem:v26+s22+$0x0] =	vst.idx.msk $0xffff, v12;
	v12 =	vadd.f32 v13, v10;
	v13 =	vmul.f32 $8.000000000e+00, v27  }
0x289: {  	v26 =	vld [tilespmem:s5+$0xFFFFFF90];
	[tilespmem:v15+s22+$0x0] =	vst.idx.msk $0xffff, v16;
	v15 =	vadd.f32 v17, v10;
	v16 =	vmul.f32 $8.000000000e+00, v19;
	v17 =	vadd.s32 s12, v7  }
0x28a: {  	v19 =	vld [tilespmem:s5+$0xFFFFFFD0];
	[tilespmem:v20+s22+$0x0] =	vst.idx.msk $0xffff, v12;
	v12 =	vadd.f32 v13, v10;
	v13 =	vadd.s32 s4, v5;
	v20 =	vmul.f32 $8.000000000e+00, v21  }
0x28b: {  	v21 =	vadd.s32 s25, v5;
	v27 =	vld [tilespmem:s5+$0x10];
	[tilespmem:v14+s22+$0x0] =	vst.idx.msk $0xffff, v15;
	v14 =	vmul.f32 $8.000000000e+00, v22;
	v15 =	vadd.f32 v16, v8  }
0x28c: {  	v22 =	vadd.s32 s1, v5;
	v16 =	vmul.f32 $8.000000000e+00, v24;
	v24 =	vld [tilespmem:s5+$0x50];
	[tilespmem:v18+s22+$0x0] =	vst.idx.msk $0xffff, v12;
	v12 =	vadd.f32 v20, v8  }
0x28d: {  	v20 =	vadd.s32 s2, v5;
	v18 =	vmul.f32 $8.000000000e+00, v23;
	v23 =	vld [tilespmem:s5+$0x90];
	v14 =	vadd.f32 v14, v11;
	[tilespmem:v25+s22+$0x0] =	vst.idx.msk $0xffff, v15  }
0x28e: {  	v25 =	vadd.s32 s7, v5;
	v15 =	vadd.f32 v16, v11;
	v16 =	vmul.f32 $8.000000000e+00, v26;
	[tilespmem:v17+s22+$0x0] =	vst.idx.msk $0xffff, v12;
	v12 =	vld [tilespmem:s31+$0xFFFFFFF0]  }
0x28f: {  	v17 =	vadd.f32 v18, v11;
	v18 =	vmul.f32 $8.000000000e+00, v19;
	v19 =	vadd.s32 s9, v5;
	[tilespmem:v13+s22+$0x0] =	vst.idx.msk $0xffff, v14;
	v13 =	vld [tilespmem:s31+$0x30]  }
0x290: {  	[tilespmem:v21+s22+$0x0] =	vst.idx.msk $0xffff, v15;
	v14 =	vadd.f32 v16, v11;
	v15 =	vmul.f32 $8.000000000e+00, v27;
	v16 =	vadd.s32 s29, v5;
	v21 =	vld [tilespmem:s5+$0xE0]  }
0x291: {  	v26 =	vld [tilespmem:s5+$0xFFFFFF20];
	[tilespmem:v22+s22+$0x0] =	vst.idx.msk $0xffff, v17;
	v17 =	vadd.f32 v18, v11;
	v18 =	vmul.f32 $8.000000000e+00, v24;
	v22 =	vadd.s32 s30, v5  }
0x292: {  	v24 =	vld [tilespmem:s5+$0xFFFFFF60];
	[tilespmem:v20+s22+$0x0] =	vst.idx.msk $0xffff, v14;
	v14 =	vadd.f32 v15, v11;
	v15 =	vmul.f32 $8.000000000e+00, v23;
	v20 =	vadd.s32 s10, v7  }
0x293: {  	v23 =	vld [tilespmem:s5+$0xFFFFFFA0];
	[tilespmem:v25+s22+$0x0] =	vst.idx.msk $0xffff, v17;
	v17 =	vadd.f32 v18, v11;
	v12 =	vmul.f32 $8.000000000e+00, v12;
	v25 =	vadd.s32 s11, v7  }
0x294: {  	v27 =	vld [tilespmem:s5+$0xFFFFFFE0];
	[tilespmem:v19+s22+$0x0] =	vst.idx.msk $0xffff, v14;
	v14 =	vadd.f32 v15, v11;
	v15 =	vadd.s32 s4, v6;
	v13 =	vmul.f32 $8.000000000e+00, v13  }
0x295: {  	v28 =	vadd.s32 s25, v6;
	v29 =	vld [tilespmem:s5+$0x20];
	[tilespmem:v16+s22+$0x0] =	vst.idx.msk $0xffff, v17;
	v16 =	vmul.f32 $8.000000000e+00, v21;
	v12 =	vadd.f32 v12, v8  }
0x296: {  	v18 =	vmul.f32 $8.000000000e+00, v26;
	v26 =	vadd.s32 s1, v6;
	v30 =	vld [tilespmem:s5+$0x60];
	[tilespmem:v22+s22+$0x0] =	vst.idx.msk $0xffff, v14;
	v13 =	vadd.f32 v13, v8  }
0x297: {  	v21 =	vadd.s32 s2, v6;
	v14 =	vmul.f32 $8.000000000e+00, v24;
	v17 =	vld [tilespmem:s5+$0xA0];
	v16 =	vadd.f32 v16, v9;
	[tilespmem:v20+s22+$0x0] =	vst.idx.msk $0xffff, v12  }
0x298: {  	v19 =	vld [tilespmem:s31+$0x70];
	v12 =	vadd.f32 v18, v9;
	v20 =	vmul.f32 $8.000000000e+00, v23;
	v18 =	vadd.s32 s7, v6;
	[tilespmem:v25+s22+$0x0] =	vst.idx.msk $0xffff, v13  }
0x299: {  	v13 =	vld [tilespmem:s31+$0xB0];
	v22 =	vadd.f32 v14, v9;
	v23 =	vmul.f32 $8.000000000e+00, v27;
	v14 =	vadd.s32 s9, v6;
	[tilespmem:v15+s22+$0x0] =	vst.idx.msk $0xffff, v16  }
0x29a: {  	v15 =	vadd.s32 s29, v6;
	[tilespmem:v28+s22+$0x0] =	vst.idx.msk $0xffff, v12;
	v24 =	vadd.f32 v20, v9;
	v25 =	vmul.f32 $8.000000000e+00, v29;
	v16 =	vld [tilespmem:s5+$0xF0]  }
0x29b: {  	s10 =	simm.s32 $0x8;
	s11 =	simm.s32 $0x4900;
	v20 =	vadd.s32 s30, v6;
	v12 =	vld [tilespmem:s5+$0xFFFFFF30];
	[tilespmem:v26+s22+$0x0] =	vst.idx.msk $0xffff, v22;
	v22 =	vadd.f32 v23, v9;
	v23 =	vmul.f32 $8.000000000e+00, v30  }
.LBB2_12:
0x29c: {  	v26 =	vld [tilespmem:s11+$0xC0];
	[tilespmem:v21+s22+$0x0] =	vst.idx.msk $0xffff, v24;
	v21 =	vadd.f32 v25, v9;
	v17 =	vmul.f32 $8.000000000e+00, v17;
	v24 =	vadd.s32 s0, v7;
	s31 =	smov.u32 s10;
	s10 =	sadd.s32 $0x8, s10;
	s0 =	smov.u32 s29  }
0x29d: {  	v25 =	vld [tilespmem:s11+$0xFFFFFF00];
	p0 =	slt.u32 s10, $0x78;
	[tilespmem:v18+s22+$0x0] =	vst.idx.msk $0xffff, v22;
	v18 =	vadd.f32 v23, v9;
	v19 =	vmul.f32 $8.000000000e+00, v19;
	v22 =	vadd.s32 s28, v7;
	s28 =	smov.u32 s30  }
0x29e: {  	v23 =	vld [tilespmem:s11+$0xFFFFFF40];
	[tilespmem:v14+s22+$0x0] =	vst.idx.msk $0xffff, v21;
	v14 =	vadd.f32 v17, v9;
	v17 =	vadd.s32 s4, v7;
	v13 =	vmul.f32 $8.000000000e+00, v13  }
0x29f: {  	v27 =	vadd.s32 s25, v7;
	s4 =	sadd.s32 $0x20F, s31;
	v21 =	vld [tilespmem:s11+$0xFFFFFF80];
	[tilespmem:v15+s22+$0x0] =	vst.idx.msk $0xffff, v18;
	v15 =	vmul.f32 $8.000000000e+00, v16;
	v16 =	vadd.f32 v19, v8  }
0x2a0: {  	s25 =	sadd.s32 $0x208, s31;
	v19 =	vadd.s32 s4, v1;
	v18 =	vld [tilespmem:s11+$0xFFFFFFC0];
	v12 =	vmul.f32 $8.000000000e+00, v12;
	[tilespmem:v20+s22+$0x0] =	vst.idx.msk $0xffff, v14;
	v13 =	vadd.f32 v13, v8  }
0x2a1: {  	s14 =	sadd.s32 $0x209, s31;
	v14 =	vadd.s32 s25, v1;
	v20 =	vld [tilespmem:s11+$0x0];
	v26 =	vmul.f32 $8.000000000e+00, v26;
	v15 =	vadd.f32 v15, v8;
	[tilespmem:v24+s22+$0x0] =	vst.idx.msk $0xffff, v16  }
0x2a2: {  	s15 =	sadd.s32 $0x20A, s31;
	v24 =	vadd.s32 s14, v1;
	v16 =	vmul.f32 $8.000000000e+00, v25;
	v25 =	vld [tilespmem:s11+$0x40];
	v12 =	vadd.f32 v12, v8;
	[tilespmem:v22+s22+$0x0] =	vst.idx.msk $0xffff, v13  }
0x2a3: {  	s12 =	sadd.s32 $0x20B, s31;
	v22 =	vadd.s32 s15, v1;
	v13 =	vmul.f32 $8.000000000e+00, v23;
	v23 =	vld [tilespmem:s11+$0x80];
	v26 =	vadd.f32 v26, v10;
	[tilespmem:v17+s22+$0x0] =	vst.idx.msk $0xffff, v15  }
0x2a4: {  	s13 =	sadd.s32 $0x20C, s31;
	v17 =	vadd.s32 s12, v1;
	v15 =	vadd.f32 v16, v10;
	v16 =	vmul.f32 $8.000000000e+00, v21;
	[tilespmem:v27+s22+$0x0] =	vst.idx.msk $0xffff, v12;
	v12 =	vld [tilespmem:s5+$0xFFFFFF70]  }
0x2a5: {  	s29 =	sadd.s32 $0x20D, s31;
	v21 =	vadd.s32 s13, v1;
	v13 =	vadd.f32 v13, v10;
	v18 =	vmul.f32 $8.000000000e+00, v18;
	[tilespmem:v19+s22+$0x0] =	vst.idx.msk $0xffff, v26;
	v19 =	vld [tilespmem:s5+$0xFFFFFFB0]  }
0x2a6: {  	s30 =	sadd.s32 $0x20E, s31;
	[tilespmem:v14+s22+$0x0] =	vst.idx.msk $0xffff, v15;
	v14 =	vadd.f32 v16, v10;
	v15 =	vmul.f32 $8.000000000e+00, v20;
	v16 =	vadd.s32 s29, v1;
	v20 =	vld [tilespmem:s11+$0xD0]  }
0x2a7: {  	v26 =	vld [tilespmem:s11+$0xFFFFFF10];
	[tilespmem:v24+s22+$0x0] =	vst.idx.msk $0xffff, v13;
	v13 =	vadd.f32 v18, v10;
	v18 =	vmul.f32 $8.000000000e+00, v25;
	v24 =	vadd.s32 s30, v1  }
0x2a8: {  	v25 =	vld [tilespmem:s11+$0xFFFFFF50];
	[tilespmem:v22+s22+$0x0] =	vst.idx.msk $0xffff, v14;
	v14 =	vadd.f32 v15, v10;
	v15 =	vmul.f32 $8.000000000e+00, v23;
	v22 =	vadd.s32 s1, v7;
	s1 =	smov.u32 s14  }
0x2a9: {  	v23 =	vld [tilespmem:s11+$0xFFFFFF90];
	[tilespmem:v17+s22+$0x0] =	vst.idx.msk $0xffff, v13;
	v13 =	vadd.f32 v18, v10;
	v12 =	vmul.f32 $8.000000000e+00, v12;
	v17 =	vadd.s32 s2, v7;
	s2 =	smov.u32 s15  }
0x2aa: {  	v18 =	vld [tilespmem:s11+$0xFFFFFFD0];
	[tilespmem:v21+s22+$0x0] =	vst.idx.msk $0xffff, v14;
	v14 =	vadd.f32 v15, v10;
	v15 =	vadd.s32 s4, v5;
	v19 =	vmul.f32 $8.000000000e+00, v19  }
0x2ab: {  	v21 =	vadd.s32 s25, v5;
	v27 =	vld [tilespmem:s11+$0x10];
	[tilespmem:v16+s22+$0x0] =	vst.idx.msk $0xffff, v13;
	v13 =	vmul.f32 $8.000000000e+00, v20;
	v12 =	vadd.f32 v12, v8  }
0x2ac: {  	v20 =	vadd.s32 s1, v5;
	v16 =	vmul.f32 $8.000000000e+00, v26;
	v26 =	vld [tilespmem:s11+$0x50];
	[tilespmem:v24+s22+$0x0] =	vst.idx.msk $0xffff, v14;
	v14 =	vadd.f32 v19, v8  }
0x2ad: {  	v24 =	vadd.s32 s2, v5;
	v19 =	vmul.f32 $8.000000000e+00, v25;
	v25 =	vld [tilespmem:s11+$0x90];
	v13 =	vadd.f32 v13, v11;
	[tilespmem:v22+s22+$0x0] =	vst.idx.msk $0xffff, v12  }
0x2ae: {  	v22 =	vadd.s32 s12, v5;
	v12 =	vadd.f32 v16, v11;
	v16 =	vmul.f32 $8.000000000e+00, v23;
	[tilespmem:v17+s22+$0x0] =	vst.idx.msk $0xffff, v14;
	v14 =	vld [tilespmem:s5+$0xFFFFFFF0]  }
0x2af: {  	v17 =	vadd.f32 v19, v11;
	v18 =	vmul.f32 $8.000000000e+00, v18;
	v19 =	vadd.s32 s13, v5;
	[tilespmem:v15+s22+$0x0] =	vst.idx.msk $0xffff, v13;
	v13 =	vld [tilespmem:s5+$0x30]  }
0x2b0: {  	[tilespmem:v21+s22+$0x0] =	vst.idx.msk $0xffff, v12;
	v12 =	vadd.f32 v16, v11;
	v15 =	vmul.f32 $8.000000000e+00, v27;
	v16 =	vadd.s32 s29, v5;
	v21 =	vld [tilespmem:s11+$0xE0]  }
0x2b1: {  	v23 =	vld [tilespmem:s11+$0xFFFFFF20];
	[tilespmem:v20+s22+$0x0] =	vst.idx.msk $0xffff, v17;
	v17 =	vadd.f32 v18, v11;
	v18 =	vmul.f32 $8.000000000e+00, v26;
	v20 =	vadd.s32 s30, v5  }
0x2b2: {  	v26 =	vld [tilespmem:s11+$0xFFFFFF60];
	[tilespmem:v24+s22+$0x0] =	vst.idx.msk $0xffff, v12;
	v12 =	vadd.f32 v15, v11;
	v15 =	vmul.f32 $8.000000000e+00, v25;
	v24 =	vadd.s32 s7, v7;
	s7 =	smov.u32 s12  }
0x2b3: {  	v25 =	vld [tilespmem:s11+$0xFFFFFFA0];
	[tilespmem:v22+s22+$0x0] =	vst.idx.msk $0xffff, v17;
	v17 =	vadd.f32 v18, v11;
	v14 =	vmul.f32 $8.000000000e+00, v14;
	v22 =	vadd.s32 s9, v7;
	s9 =	smov.u32 s13  }
0x2b4: {  	v27 =	vld [tilespmem:s11+$0xFFFFFFE0];
	[tilespmem:v19+s22+$0x0] =	vst.idx.msk $0xffff, v12;
	v12 =	vadd.f32 v15, v11;
	v15 =	vadd.s32 s4, v6;
	v13 =	vmul.f32 $8.000000000e+00, v13  }
0x2b5: {  	v28 =	vadd.s32 s25, v6;
	v29 =	vld [tilespmem:s11+$0x20];
	[tilespmem:v16+s22+$0x0] =	vst.idx.msk $0xffff, v17;
	v16 =	vmul.f32 $8.000000000e+00, v21;
	v14 =	vadd.f32 v14, v8  }
0x2b6: {  	v18 =	vmul.f32 $8.000000000e+00, v23;
	v23 =	vadd.s32 s1, v6;
	v30 =	vld [tilespmem:s11+$0x60];
	[tilespmem:v20+s22+$0x0] =	vst.idx.msk $0xffff, v12;
	v12 =	vadd.f32 v13, v8  }
.Ltmp9:
0x2b7: {  	v21 =	vadd.s32 s2, v6;
	v13 =	vmul.f32 $8.000000000e+00, v26;
	v17 =	vld [tilespmem:s11+$0xA0];
	v16 =	vadd.f32 v16, v9;
	[tilespmem:v24+s22+$0x0] =	vst.idx.msk $0xffff, v14;
	(pc) =	sbr.rel @p0 .LBB2_12-.Ltmp9, $4  }
0x2b8: {  	v20 =	vadd.f32 v18, v9;
	v24 =	vmul.f32 $8.000000000e+00, v25;
	v18 =	vadd.s32 s7, v6;
	[tilespmem:v22+s22+$0x0] =	vst.idx.msk $0xffff, v12;
	v19 =	vld [tilespmem:s5+$0x70]  }
0x2b9: {  	v14 =	vadd.s32 s9, v6;
	v22 =	vadd.f32 v13, v9;
	v26 =	vmul.f32 $8.000000000e+00, v27;
	[tilespmem:v15+s22+$0x0] =	vst.idx.msk $0xffff, v16;
	v13 =	vld [tilespmem:s5+$0xB0];
	s5 =	smov.u32 s11  }
0x2ba: {  	v15 =	vadd.s32 s29, v6;
	[tilespmem:v28+s22+$0x0] =	vst.idx.msk $0xffff, v20;
	v24 =	vadd.f32 v24, v9;
	v25 =	vmul.f32 $8.000000000e+00, v29;
	v16 =	vld [tilespmem:s11+$0xF0]  }
0x2bb: {  	v20 =	vadd.s32 s30, v6;
	s11 =	sadd.s32 $0x200, s11;
	v12 =	vld [tilespmem:s5+$0xFFFFFF30];
	[tilespmem:v23+s22+$0x0] =	vst.idx.msk $0xffff, v22;
	v22 =	vadd.f32 v26, v9;
	v23 =	vmul.f32 $8.000000000e+00, v30  }
0x2bc: {  	_ =	sdelay $0x3  }
0x2bd: {  	[tilespmem:v21+s22+$0x0] =	vst.idx.msk $0xffff, v24;
	v21 =	vadd.f32 v25, v9;
	v17 =	vmul.f32 $8.000000000e+00, v17;
	v24 =	vadd.s32 s0, v7;
	v25 =	vld [tilespmem:s5+$0xFFFFFF70]  }
0x2be: {  	[tilespmem:v18+s22+$0x0] =	vst.idx.msk $0xffff, v22;
	v18 =	vadd.f32 v23, v9;
	v19 =	vmul.f32 $8.000000000e+00, v19;
	v22 =	vadd.s32 s28, v7;
	v23 =	vld [tilespmem:s5+$0xFFFFFFB0]  }
0x2bf: {  	[tilespmem:v14+s22+$0x0] =	vst.idx.msk $0xffff, v21;
	v14 =	vadd.f32 v17, v9;
	v17 =	vadd.s32 s4, v7;
	v13 =	vmul.f32 $8.000000000e+00, v13;
	v21 =	vld [tilespmem:s5+$0xFFFFFFF0]  }
0x2c0: {  	v26 =	vadd.s32 s25, v7;
	[tilespmem:v15+s22+$0x0] =	vst.idx.msk $0xffff, v18;
	v15 =	vmul.f32 $8.000000000e+00, v16;
	v16 =	vadd.f32 v19, v8;
	v18 =	vld [tilespmem:s5+$0x30]  }
0x2c1: {  	v12 =	vmul.f32 $8.000000000e+00, v12;
	[tilespmem:v20+s22+$0x0] =	vst.idx.msk $0xffff, v14;
	v13 =	vadd.f32 v13, v8;
	v14 =	vadd.s32 s1, v7;
	v19 =	vld [tilespmem:s5+$0x70]  }
0x2c2: {  	v20 =	vadd.s32 s2, v7;
	v15 =	vadd.f32 v15, v8;
	[tilespmem:v24+s22+$0x0] =	vst.idx.msk $0xffff, v16;
	v16 =	vmul.f32 $8.000000000e+00, v25;
	v24 =	vld [tilespmem:s5+$0xB0]  }
0x2c3: {  	v12 =	vadd.f32 v12, v8;
	[tilespmem:v22+s22+$0x0] =	vst.idx.msk $0xffff, v13;
	v13 =	vmul.f32 $8.000000000e+00, v23;
	v22 =	vadd.s32 s7, v7  }
0x2c4: {  	[tilespmem:v17+s22+$0x0] =	vst.idx.msk $0xffff, v15;
	v15 =	vadd.f32 v16, v8;
	v16 =	vmul.f32 $8.000000000e+00, v21;
	v17 =	vadd.s32 s9, v7  }
0x2c5: {  	[tilespmem:v26+s22+$0x0] =	vst.idx.msk $0xffff, v12;
	v12 =	vadd.f32 v13, v8;
	v13 =	vmul.f32 $8.000000000e+00, v18;
	v18 =	vadd.s32 s29, v7  }
0x2c6: {  	[tilespmem:v14+s22+$0x0] =	vst.idx.msk $0xffff, v15;
	v14 =	vadd.f32 v16, v8;
	v15 =	vmul.f32 $8.000000000e+00, v19;
	v16 =	vadd.s32 s30, v7  }
0x2c7: {  	[tilespmem:v20+s22+$0x0] =	vst.idx.msk $0xffff, v12;
	v12 =	vadd.f32 v13, v8;
	v13 =	vmul.f32 $8.000000000e+00, v24  }
0x2c8: {  	[tilespmem:v22+s22+$0x0] =	vst.idx.msk $0xffff, v14;
	v14 =	vadd.f32 v15, v8  }
0x2c9: {  	[tilespmem:v17+s22+$0x0] =	vst.idx.msk $0xffff, v12;
	v12 =	vadd.f32 v13, v8  }
0x2ca: {  	[tilespmem:v18+s22+$0x0] =	vst.idx.msk $0xffff, v14  }
0x2cb: {  	s14 =	simm.s32 $0x300;
	[tilespmem:v16+s22+$0x0] =	vst.idx.msk $0xffff, v12  }
0x2cc: {  	[tilespmem:s19], [sflag:$0x1] =	stream.indirect.gather [hbm4b:s6+s18], $0x40, s14, s18, $0xb8;
	[tilespmem:$0x18600] =	vst v63  }
0x2cd: {  	_ =	swait.ge [sflag:s23], $0x2000  }
0x2ce: {  	[sflag:s23] =	ssyncset.done $0x0  }
0x2cf: {  	s31 =	simm.s32 $0x65F0;
	[sflag:s23] =	ssyncadd.s32 $0xFFFFE000  }
0x2d0: {  	v12 =	vld [tilespmem:s31+$0xFFFFFFD0]  }
0x2d1: {  	v13 =	vld [tilespmem:s31+$0xFFFFFE10];
	_ =	sdelay $0x1  }
0x2d2: {  	s15 =	simm.s32 $0x287  }
0x2d3: {  	s25 =	simm.s32 $0x280;
	v15 =	vadd.s32 s15, v1;
	v14 =	vld [tilespmem:s31+$0xFFFFFE50]  }
0x2d4: {  	v17 =	vadd.s32 s25, v1;
	v16 =	vld [tilespmem:s31+$0xFFFFFE90];
	v12 =	vmul.f32 $8.000000000e+00, v12  }
0x2d5: {  	v18 =	vld [tilespmem:s31+$0xFFFFFED0];
	v13 =	vmul.f32 $8.000000000e+00, v13  }
0x2d6: {  	s13 =	simm.s32 $0x281;
	v19 =	vld [tilespmem:s31+$0xFFFFFF10];
	v12 =	vadd.f32 v12, v10  }
0x2d7: {  	s12 =	simm.s32 $0x282;
	v20 =	vadd.s32 s13, v1;
	v21 =	vld [tilespmem:s31+$0xFFFFFF50];
	v13 =	vadd.f32 v13, v10  }
0x2d8: {  	s10 =	simm.s32 $0x283;
	v22 =	vadd.s32 s12, v1;
	v23 =	vld [tilespmem:s31+$0xFFFFFF90];
	v14 =	vmul.f32 $8.000000000e+00, v14;
	[tilespmem:v15+s22+$0x0] =	vst.idx.msk $0xffff, v12  }
0x2d9: {  	s11 =	simm.s32 $0x284;
	v12 =	vmul.f32 $8.000000000e+00, v16;
	v15 =	vadd.s32 s10, v1;
	[tilespmem:v17+s22+$0x0] =	vst.idx.msk $0xffff, v13;
	v13 =	vld [tilespmem:s31+$0xFFFFFFE0]  }
0x2da: {  	s0 =	simm.s32 $0x285;
	v14 =	vadd.f32 v14, v10;
	v16 =	vmul.f32 $8.000000000e+00, v18;
	v17 =	vadd.s32 s11, v1;
	v18 =	vld [tilespmem:s31+$0xFFFFFE20]  }
0x2db: {  	s28 =	simm.s32 $0x286;
	v24 =	vadd.s32 s0, v1;
	v19 =	vmul.f32 $8.000000000e+00, v19;
	v12 =	vadd.f32 v12, v10  }
0x2dc: {  	[tilespmem:v20+s22+$0x0] =	vst.idx.msk $0xffff, v14;
	v20 =	vadd.s32 s28, v1;
	v14 =	vadd.f32 v16, v10;
	v16 =	vmul.f32 $8.000000000e+00, v21  }
0x2dd: {  	v21 =	vld [tilespmem:s31+$0xFFFFFE60];
	[tilespmem:v22+s22+$0x0] =	vst.idx.msk $0xffff, v12;
	v12 =	vadd.f32 v19, v10;
	v19 =	vmul.f32 $8.000000000e+00, v23;
	v22 =	vadd.s32 s15, v5  }
0x2de: {  	v23 =	vld [tilespmem:s31+$0xFFFFFEA0];
	[tilespmem:v15+s22+$0x0] =	vst.idx.msk $0xffff, v14;
	v14 =	vadd.f32 v16, v10;
	v15 =	vadd.s32 s25, v5;
	v13 =	vmul.f32 $8.000000000e+00, v13  }
0x2df: {  	v16 =	vld [tilespmem:s31+$0xFFFFFEE0];
	[tilespmem:v17+s22+$0x0] =	vst.idx.msk $0xffff, v12;
	v12 =	vadd.f32 v19, v10;
	v17 =	vmul.f32 $8.000000000e+00, v18  }
0x2e0: {  	v18 =	vld [tilespmem:s31+$0xFFFFFF20];
	[tilespmem:v24+s22+$0x0] =	vst.idx.msk $0xffff, v14;
	v13 =	vadd.f32 v13, v11  }
0x2e1: {  	v14 =	vadd.s32 s13, v5;
	v19 =	vld [tilespmem:s31+$0xFFFFFF60];
	[tilespmem:v20+s22+$0x0] =	vst.idx.msk $0xffff, v12;
	v12 =	vadd.f32 v17, v11  }
0x2e2: {  	v17 =	vmul.f32 $8.000000000e+00, v21;
	v20 =	vadd.s32 s12, v5;
	v21 =	vld [tilespmem:s31+$0xFFFFFFA0];
	[tilespmem:v22+s22+$0x0] =	vst.idx.msk $0xffff, v13  }
0x2e3: {  	v13 =	vmul.f32 $8.000000000e+00, v23;
	v22 =	vadd.s32 s10, v5;
	[tilespmem:v15+s22+$0x0] =	vst.idx.msk $0xffff, v12;
	v12 =	vld [tilespmem:s31+$0xFFFFFFF0]  }
0x2e4: {  	v15 =	vadd.f32 v17, v11;
	v17 =	vadd.s32 s11, v5;
	v16 =	vmul.f32 $8.000000000e+00, v16;
	v23 =	vld [tilespmem:s31+$0xFFFFFE30]  }
0x2e5: {  	v24 =	vadd.s32 s0, v5;
	v13 =	vadd.f32 v13, v11;
	v18 =	vmul.f32 $8.000000000e+00, v18  }
0x2e6: {  	[tilespmem:v14+s22+$0x0] =	vst.idx.msk $0xffff, v15;
	v14 =	vadd.f32 v16, v11;
	v15 =	vmul.f32 $8.000000000e+00, v19;
	v16 =	vadd.s32 s28, v5  }
0x2e7: {  	v19 =	vld [tilespmem:s31+$0xFFFFFE70];
	[tilespmem:v20+s22+$0x0] =	vst.idx.msk $0xffff, v13;
	v13 =	vadd.f32 v18, v11;
	v18 =	vmul.f32 $8.000000000e+00, v21;
	v20 =	vadd.s32 s15, v6  }
0x2e8: {  	v21 =	vld [tilespmem:s31+$0xFFFFFEB0];
	[tilespmem:v22+s22+$0x0] =	vst.idx.msk $0xffff, v14;
	v14 =	vadd.f32 v15, v11;
	v15 =	vadd.s32 s25, v6;
	v12 =	vmul.f32 $8.000000000e+00, v12  }
0x2e9: {  	v22 =	vld [tilespmem:s31+$0xFFFFFEF0];
	[tilespmem:v17+s22+$0x0] =	vst.idx.msk $0xffff, v13;
	v13 =	vadd.f32 v18, v11;
	v17 =	vmul.f32 $8.000000000e+00, v23  }
0x2ea: {  	v18 =	vld [tilespmem:s31+$0xFFFFFF30];
	[tilespmem:v24+s22+$0x0] =	vst.idx.msk $0xffff, v14;
	v12 =	vadd.f32 v12, v9  }
0x2eb: {  	v14 =	vadd.s32 s13, v6;
	v23 =	vld [tilespmem:s31+$0xFFFFFF70];
	[tilespmem:v16+s22+$0x0] =	vst.idx.msk $0xffff, v13;
	v13 =	vadd.f32 v17, v9  }
0x2ec: {  	v16 =	vmul.f32 $8.000000000e+00, v19;
	v17 =	vadd.s32 s12, v6;
	v19 =	vld [tilespmem:s31+$0xFFFFFFB0];
	[tilespmem:v20+s22+$0x0] =	vst.idx.msk $0xffff, v12  }
0x2ed: {  	v12 =	vmul.f32 $8.000000000e+00, v21;
	v20 =	vadd.s32 s10, v6;
	[tilespmem:v15+s22+$0x0] =	vst.idx.msk $0xffff, v13;
	v13 =	vld [tilespmem:s31+$0x0]  }
0x2ee: {  	s5 =	simm.s32 $0x67F0;
	v15 =	vadd.f32 v16, v9;
	v21 =	vadd.s32 s11, v6;
	v16 =	vmul.f32 $8.000000000e+00, v22;
	v22 =	vld [tilespmem:s31+$0xFFFFFE40]  }
0x2ef: {  	v25 =	vld [tilespmem:s5+$0xFFFFFFD0];
	v24 =	vadd.s32 s0, v6;
	v12 =	vadd.f32 v12, v9;
	v18 =	vmul.f32 $8.000000000e+00, v18  }
0x2f0: {  	[tilespmem:v14+s22+$0x0] =	vst.idx.msk $0xffff, v15;
	v14 =	vadd.f32 v16, v9;
	v15 =	vmul.f32 $8.000000000e+00, v23;
	v16 =	vadd.s32 s28, v6;
	v23 =	vld [tilespmem:s5+$0xFFFFFE10]  }
0x2f1: {  	[tilespmem:v17+s22+$0x0] =	vst.idx.msk $0xffff, v12;
	v12 =	vadd.f32 v18, v9;
	v17 =	vmul.f32 $8.000000000e+00, v19;
	v18 =	vld [tilespmem:s5+$0xFFFFFE50];
	v19 =	vadd.s32 s15, v7  }
0x2f2: {  	s4 =	simm.s32 $0x28F;
	[tilespmem:v20+s22+$0x0] =	vst.idx.msk $0xffff, v14;
	v14 =	vadd.f32 v15, v9;
	v15 =	vld [tilespmem:s5+$0xFFFFFE90];
	v20 =	vadd.s32 s25, v7;
	v13 =	vmul.f32 $8.000000000e+00, v13  }
0x2f3: {  	s25 =	simm.s32 $0x288;
	[tilespmem:v21+s22+$0x0] =	vst.idx.msk $0xffff, v12;
	v12 =	vadd.f32 v17, v9;
	v17 =	vld [tilespmem:s5+$0xFFFFFED0];
	v21 =	vadd.s32 s4, v1;
	v22 =	vmul.f32 $8.000000000e+00, v22  }
0x2f4: {  	s1 =	simm.s32 $0x289;
	v25 =	vmul.f32 $8.000000000e+00, v25;
	[tilespmem:v24+s22+$0x0] =	vst.idx.msk $0xffff, v14;
	v14 =	vadd.s32 s25, v1;
	v24 =	vld [tilespmem:s5+$0xFFFFFF10];
	v13 =	vadd.f32 v13, v8  }
0x2f5: {  	s2 =	simm.s32 $0x28A;
	[tilespmem:v16+s22+$0x0] =	vst.idx.msk $0xffff, v12;
	v12 =	vmul.f32 $8.000000000e+00, v23;
	v16 =	vadd.s32 s1, v1;
	v23 =	vld [tilespmem:s5+$0xFFFFFF50];
	v22 =	vadd.f32 v22, v8  }
0x2f6: {  	s7 =	simm.s32 $0x28B;
	v26 =	vadd.s32 s2, v1;
	v27 =	vld [tilespmem:s5+$0xFFFFFF90];
	v25 =	vadd.f32 v25, v10;
	v18 =	vmul.f32 $8.000000000e+00, v18;
	[tilespmem:v19+s22+$0x0] =	vst.idx.msk $0xffff, v13  }
0x2f7: {  	s9 =	simm.s32 $0x28C;
	v12 =	vadd.f32 v12, v10;
	v13 =	vmul.f32 $8.000000000e+00, v15;
	v15 =	vadd.s32 s7, v1;
	[tilespmem:v20+s22+$0x0] =	vst.idx.msk $0xffff, v22;
	v19 =	vld [tilespmem:s31+$0xFFFFFE80]  }
0x2f8: {  	s29 =	simm.s32 $0x28D;
	v20 =	vadd.s32 s9, v1;
	v18 =	vadd.f32 v18, v10;
	v17 =	vmul.f32 $8.000000000e+00, v17;
	[tilespmem:v21+s22+$0x0] =	vst.idx.msk $0xffff, v25;
	v21 =	vld [tilespmem:s31+$0xFFFFFEC0]  }
0x2f9: {  	s30 =	simm.s32 $0x28E;
	[tilespmem:v14+s22+$0x0] =	vst.idx.msk $0xffff, v12;
	v12 =	vadd.f32 v13, v10;
	v13 =	vmul.f32 $8.000000000e+00, v24;
	v14 =	vadd.s32 s29, v1;
	v22 =	vld [tilespmem:s5+$0xFFFFFFE0]  }
0x2fa: {  	v24 =	vld [tilespmem:s5+$0xFFFFFE20];
	[tilespmem:v16+s22+$0x0] =	vst.idx.msk $0xffff, v18;
	v16 =	vadd.f32 v17, v10;
	v17 =	vmul.f32 $8.000000000e+00, v23;
	v18 =	vadd.s32 s30, v1  }
0x2fb: {  	v25 =	vadd.s32 s13, v7;
	v23 =	vld [tilespmem:s5+$0xFFFFFE60];
	[tilespmem:v26+s22+$0x0] =	vst.idx.msk $0xffff, v12;
	v12 =	vadd.f32 v13, v10;
	v13 =	vmul.f32 $8.000000000e+00, v27  }
0x2fc: {  	v26 =	vld [tilespmem:s5+$0xFFFFFEA0];
	[tilespmem:v15+s22+$0x0] =	vst.idx.msk $0xffff, v16;
	v15 =	vadd.f32 v17, v10;
	v16 =	vmul.f32 $8.000000000e+00, v19;
	v17 =	vadd.s32 s12, v7  }
0x2fd: {  	v19 =	vld [tilespmem:s5+$0xFFFFFEE0];
	[tilespmem:v20+s22+$0x0] =	vst.idx.msk $0xffff, v12;
	v12 =	vadd.f32 v13, v10;
	v13 =	vadd.s32 s4, v5;
	v20 =	vmul.f32 $8.000000000e+00, v21  }
0x2fe: {  	v21 =	vadd.s32 s25, v5;
	v27 =	vld [tilespmem:s5+$0xFFFFFF20];
	[tilespmem:v14+s22+$0x0] =	vst.idx.msk $0xffff, v15;
	v14 =	vmul.f32 $8.000000000e+00, v22;
	v15 =	vadd.f32 v16, v8  }
0x2ff: {  	v22 =	vadd.s32 s1, v5;
	v16 =	vmul.f32 $8.000000000e+00, v24;
	v24 =	vld [tilespmem:s5+$0xFFFFFF60];
	[tilespmem:v18+s22+$0x0] =	vst.idx.msk $0xffff, v12;
	v12 =	vadd.f32 v20, v8  }
0x300: {  	v20 =	vadd.s32 s2, v5;
	v18 =	vmul.f32 $8.000000000e+00, v23;
	v23 =	vld [tilespmem:s5+$0xFFFFFFA0];
	v14 =	vadd.f32 v14, v11;
	[tilespmem:v25+s22+$0x0] =	vst.idx.msk $0xffff, v15  }
0x301: {  	v25 =	vadd.s32 s7, v5;
	v15 =	vadd.f32 v16, v11;
	v16 =	vmul.f32 $8.000000000e+00, v26;
	[tilespmem:v17+s22+$0x0] =	vst.idx.msk $0xffff, v12;
	v12 =	vld [tilespmem:s31+$0xFFFFFF00]  }
0x302: {  	v17 =	vadd.f32 v18, v11;
	v18 =	vmul.f32 $8.000000000e+00, v19;
	v19 =	vadd.s32 s9, v5;
	[tilespmem:v13+s22+$0x0] =	vst.idx.msk $0xffff, v14;
	v13 =	vld [tilespmem:s31+$0xFFFFFF40]  }
0x303: {  	[tilespmem:v21+s22+$0x0] =	vst.idx.msk $0xffff, v15;
	v14 =	vadd.f32 v16, v11;
	v15 =	vmul.f32 $8.000000000e+00, v27;
	v16 =	vadd.s32 s29, v5;
	v21 =	vld [tilespmem:s5+$0xFFFFFFF0]  }
0x304: {  	v26 =	vld [tilespmem:s5+$0xFFFFFE30];
	[tilespmem:v22+s22+$0x0] =	vst.idx.msk $0xffff, v17;
	v17 =	vadd.f32 v18, v11;
	v18 =	vmul.f32 $8.000000000e+00, v24;
	v22 =	vadd.s32 s30, v5  }
0x305: {  	v24 =	vld [tilespmem:s5+$0xFFFFFE70];
	[tilespmem:v20+s22+$0x0] =	vst.idx.msk $0xffff, v14;
	v14 =	vadd.f32 v15, v11;
	v15 =	vmul.f32 $8.000000000e+00, v23;
	v20 =	vadd.s32 s10, v7  }
0x306: {  	v23 =	vld [tilespmem:s5+$0xFFFFFEB0];
	[tilespmem:v25+s22+$0x0] =	vst.idx.msk $0xffff, v17;
	v17 =	vadd.f32 v18, v11;
	v12 =	vmul.f32 $8.000000000e+00, v12;
	v25 =	vadd.s32 s11, v7  }
0x307: {  	v27 =	vld [tilespmem:s5+$0xFFFFFEF0];
	[tilespmem:v19+s22+$0x0] =	vst.idx.msk $0xffff, v14;
	v14 =	vadd.f32 v15, v11;
	v15 =	vadd.s32 s4, v6;
	v13 =	vmul.f32 $8.000000000e+00, v13  }
0x308: {  	v28 =	vadd.s32 s25, v6;
	v29 =	vld [tilespmem:s5+$0xFFFFFF30];
	[tilespmem:v16+s22+$0x0] =	vst.idx.msk $0xffff, v17;
	v16 =	vmul.f32 $8.000000000e+00, v21;
	v12 =	vadd.f32 v12, v8  }
0x309: {  	v18 =	vmul.f32 $8.000000000e+00, v26;
	v26 =	vadd.s32 s1, v6;
	v30 =	vld [tilespmem:s5+$0xFFFFFF70];
	[tilespmem:v22+s22+$0x0] =	vst.idx.msk $0xffff, v14;
	v13 =	vadd.f32 v13, v8  }
0x30a: {  	v21 =	vadd.s32 s2, v6;
	v14 =	vmul.f32 $8.000000000e+00, v24;
	v17 =	vld [tilespmem:s5+$0xFFFFFFB0];
	v16 =	vadd.f32 v16, v9;
	[tilespmem:v20+s22+$0x0] =	vst.idx.msk $0xffff, v12  }
0x30b: {  	v19 =	vld [tilespmem:s31+$0xFFFFFF80];
	v12 =	vadd.f32 v18, v9;
	v20 =	vmul.f32 $8.000000000e+00, v23;
	v18 =	vadd.s32 s7, v6;
	[tilespmem:v25+s22+$0x0] =	vst.idx.msk $0xffff, v13  }
0x30c: {  	v13 =	vld [tilespmem:s31+$0xFFFFFFC0];
	v22 =	vadd.f32 v14, v9;
	v23 =	vmul.f32 $8.000000000e+00, v27;
	v14 =	vadd.s32 s9, v6;
	[tilespmem:v15+s22+$0x0] =	vst.idx.msk $0xffff, v16  }
0x30d: {  	v15 =	vadd.s32 s29, v6;
	[tilespmem:v28+s22+$0x0] =	vst.idx.msk $0xffff, v12;
	v24 =	vadd.f32 v20, v9;
	v25 =	vmul.f32 $8.000000000e+00, v29;
	v16 =	vld [tilespmem:s5+$0x0]  }
0x30e: {  	s10 =	simm.s32 $0x8;
	s11 =	simm.s32 $0x69F0;
	v20 =	vadd.s32 s30, v6;
	v12 =	vld [tilespmem:s5+$0xFFFFFE40];
	[tilespmem:v26+s22+$0x0] =	vst.idx.msk $0xffff, v22;
	v22 =	vadd.f32 v23, v9;
	v23 =	vmul.f32 $8.000000000e+00, v30  }
.LBB2_14:
0x30f: {  	v26 =	vld [tilespmem:s11+$0xFFFFFFD0];
	[tilespmem:v21+s22+$0x0] =	vst.idx.msk $0xffff, v24;
	v21 =	vadd.f32 v25, v9;
	v17 =	vmul.f32 $8.000000000e+00, v17;
	v24 =	vadd.s32 s0, v7;
	s31 =	smov.u32 s10;
	s10 =	sadd.s32 $0x8, s10;
	s0 =	smov.u32 s29  }
0x310: {  	v25 =	vld [tilespmem:s11+$0xFFFFFE10];
	p0 =	slt.u32 s10, $0x78;
	[tilespmem:v18+s22+$0x0] =	vst.idx.msk $0xffff, v22;
	v18 =	vadd.f32 v23, v9;
	v19 =	vmul.f32 $8.000000000e+00, v19;
	v22 =	vadd.s32 s28, v7;
	s28 =	smov.u32 s30  }
0x311: {  	v23 =	vld [tilespmem:s11+$0xFFFFFE50];
	[tilespmem:v14+s22+$0x0] =	vst.idx.msk $0xffff, v21;
	v14 =	vadd.f32 v17, v9;
	v17 =	vadd.s32 s4, v7;
	v13 =	vmul.f32 $8.000000000e+00, v13  }
0x312: {  	v27 =	vadd.s32 s25, v7;
	s4 =	sadd.s32 $0x28F, s31;
	v21 =	vld [tilespmem:s11+$0xFFFFFE90];
	[tilespmem:v15+s22+$0x0] =	vst.idx.msk $0xffff, v18;
	v15 =	vmul.f32 $8.000000000e+00, v16;
	v16 =	vadd.f32 v19, v8  }
0x313: {  	s25 =	sadd.s32 $0x288, s31;
	v19 =	vadd.s32 s4, v1;
	v18 =	vld [tilespmem:s11+$0xFFFFFED0];
	v12 =	vmul.f32 $8.000000000e+00, v12;
	[tilespmem:v20+s22+$0x0] =	vst.idx.msk $0xffff, v14;
	v13 =	vadd.f32 v13, v8  }
0x314: {  	s14 =	sadd.s32 $0x289, s31;
	v14 =	vadd.s32 s25, v1;
	v20 =	vld [tilespmem:s11+$0xFFFFFF10];
	v26 =	vmul.f32 $8.000000000e+00, v26;
	v15 =	vadd.f32 v15, v8;
	[tilespmem:v24+s22+$0x0] =	vst.idx.msk $0xffff, v16  }
0x315: {  	s15 =	sadd.s32 $0x28A, s31;
	v24 =	vadd.s32 s14, v1;
	v16 =	vmul.f32 $8.000000000e+00, v25;
	v25 =	vld [tilespmem:s11+$0xFFFFFF50];
	v12 =	vadd.f32 v12, v8;
	[tilespmem:v22+s22+$0x0] =	vst.idx.msk $0xffff, v13  }
0x316: {  	s12 =	sadd.s32 $0x28B, s31;
	v22 =	vadd.s32 s15, v1;
	v13 =	vmul.f32 $8.000000000e+00, v23;
	v23 =	vld [tilespmem:s11+$0xFFFFFF90];
	v26 =	vadd.f32 v26, v10;
	[tilespmem:v17+s22+$0x0] =	vst.idx.msk $0xffff, v15  }
0x317: {  	s13 =	sadd.s32 $0x28C, s31;
	v17 =	vadd.s32 s12, v1;
	v15 =	vadd.f32 v16, v10;
	v16 =	vmul.f32 $8.000000000e+00, v21;
	[tilespmem:v27+s22+$0x0] =	vst.idx.msk $0xffff, v12;
	v12 =	vld [tilespmem:s5+$0xFFFFFE80]  }
0x318: {  	s29 =	sadd.s32 $0x28D, s31;
	v21 =	vadd.s32 s13, v1;
	v13 =	vadd.f32 v13, v10;
	v18 =	vmul.f32 $8.000000000e+00, v18;
	[tilespmem:v19+s22+$0x0] =	vst.idx.msk $0xffff, v26;
	v19 =	vld [tilespmem:s5+$0xFFFFFEC0]  }
0x319: {  	s30 =	sadd.s32 $0x28E, s31;
	[tilespmem:v14+s22+$0x0] =	vst.idx.msk $0xffff, v15;
	v14 =	vadd.f32 v16, v10;
	v15 =	vmul.f32 $8.000000000e+00, v20;
	v16 =	vadd.s32 s29, v1;
	v20 =	vld [tilespmem:s11+$0xFFFFFFE0]  }
0x31a: {  	v26 =	vld [tilespmem:s11+$0xFFFFFE20];
	[tilespmem:v24+s22+$0x0] =	vst.idx.msk $0xffff, v13;
	v13 =	vadd.f32 v18, v10;
	v18 =	vmul.f32 $8.000000000e+00, v25;
	v24 =	vadd.s32 s30, v1  }
0x31b: {  	v25 =	vld [tilespmem:s11+$0xFFFFFE60];
	[tilespmem:v22+s22+$0x0] =	vst.idx.msk $0xffff, v14;
	v14 =	vadd.f32 v15, v10;
	v15 =	vmul.f32 $8.000000000e+00, v23;
	v22 =	vadd.s32 s1, v7;
	s1 =	smov.u32 s14  }
0x31c: {  	v23 =	vld [tilespmem:s11+$0xFFFFFEA0];
	[tilespmem:v17+s22+$0x0] =	vst.idx.msk $0xffff, v13;
	v13 =	vadd.f32 v18, v10;
	v12 =	vmul.f32 $8.000000000e+00, v12;
	v17 =	vadd.s32 s2, v7;
	s2 =	smov.u32 s15  }
0x31d: {  	v18 =	vld [tilespmem:s11+$0xFFFFFEE0];
	[tilespmem:v21+s22+$0x0] =	vst.idx.msk $0xffff, v14;
	v14 =	vadd.f32 v15, v10;
	v15 =	vadd.s32 s4, v5;
	v19 =	vmul.f32 $8.000000000e+00, v19  }
0x31e: {  	v21 =	vadd.s32 s25, v5;
	v27 =	vld [tilespmem:s11+$0xFFFFFF20];
	[tilespmem:v16+s22+$0x0] =	vst.idx.msk $0xffff, v13;
	v13 =	vmul.f32 $8.000000000e+00, v20;
	v12 =	vadd.f32 v12, v8  }
0x31f: {  	v20 =	vadd.s32 s1, v5;
	v16 =	vmul.f32 $8.000000000e+00, v26;
	v26 =	vld [tilespmem:s11+$0xFFFFFF60];
	[tilespmem:v24+s22+$0x0] =	vst.idx.msk $0xffff, v14;
	v14 =	vadd.f32 v19, v8  }
0x320: {  	v24 =	vadd.s32 s2, v5;
	v19 =	vmul.f32 $8.000000000e+00, v25;
	v25 =	vld [tilespmem:s11+$0xFFFFFFA0];
	v13 =	vadd.f32 v13, v11;
	[tilespmem:v22+s22+$0x0] =	vst.idx.msk $0xffff, v12  }
0x321: {  	v22 =	vadd.s32 s12, v5;
	v12 =	vadd.f32 v16, v11;
	v16 =	vmul.f32 $8.000000000e+00, v23;
	[tilespmem:v17+s22+$0x0] =	vst.idx.msk $0xffff, v14;
	v14 =	vld [tilespmem:s5+$0xFFFFFF00]  }
0x322: {  	v17 =	vadd.f32 v19, v11;
	v18 =	vmul.f32 $8.000000000e+00, v18;
	v19 =	vadd.s32 s13, v5;
	[tilespmem:v15+s22+$0x0] =	vst.idx.msk $0xffff, v13;
	v13 =	vld [tilespmem:s5+$0xFFFFFF40]  }
0x323: {  	[tilespmem:v21+s22+$0x0] =	vst.idx.msk $0xffff, v12;
	v12 =	vadd.f32 v16, v11;
	v15 =	vmul.f32 $8.000000000e+00, v27;
	v16 =	vadd.s32 s29, v5;
	v21 =	vld [tilespmem:s11+$0xFFFFFFF0]  }
0x324: {  	v23 =	vld [tilespmem:s11+$0xFFFFFE30];
	[tilespmem:v20+s22+$0x0] =	vst.idx.msk $0xffff, v17;
	v17 =	vadd.f32 v18, v11;
	v18 =	vmul.f32 $8.000000000e+00, v26;
	v20 =	vadd.s32 s30, v5  }
0x325: {  	v26 =	vld [tilespmem:s11+$0xFFFFFE70];
	[tilespmem:v24+s22+$0x0] =	vst.idx.msk $0xffff, v12;
	v12 =	vadd.f32 v15, v11;
	v15 =	vmul.f32 $8.000000000e+00, v25;
	v24 =	vadd.s32 s7, v7;
	s7 =	smov.u32 s12  }
0x326: {  	v25 =	vld [tilespmem:s11+$0xFFFFFEB0];
	[tilespmem:v22+s22+$0x0] =	vst.idx.msk $0xffff, v17;
	v17 =	vadd.f32 v18, v11;
	v14 =	vmul.f32 $8.000000000e+00, v14;
	v22 =	vadd.s32 s9, v7;
	s9 =	smov.u32 s13  }
0x327: {  	v27 =	vld [tilespmem:s11+$0xFFFFFEF0];
	[tilespmem:v19+s22+$0x0] =	vst.idx.msk $0xffff, v12;
	v12 =	vadd.f32 v15, v11;
	v15 =	vadd.s32 s4, v6;
	v13 =	vmul.f32 $8.000000000e+00, v13  }
0x328: {  	v28 =	vadd.s32 s25, v6;
	v29 =	vld [tilespmem:s11+$0xFFFFFF30];
	[tilespmem:v16+s22+$0x0] =	vst.idx.msk $0xffff, v17;
	v16 =	vmul.f32 $8.000000000e+00, v21;
	v14 =	vadd.f32 v14, v8  }
0x329: {  	v18 =	vmul.f32 $8.000000000e+00, v23;
	v23 =	vadd.s32 s1, v6;
	v30 =	vld [tilespmem:s11+$0xFFFFFF70];
	[tilespmem:v20+s22+$0x0] =	vst.idx.msk $0xffff, v12;
	v12 =	vadd.f32 v13, v8  }
.Ltmp10:
0x32a: {  	v21 =	vadd.s32 s2, v6;
	v13 =	vmul.f32 $8.000000000e+00, v26;
	v17 =	vld [tilespmem:s11+$0xFFFFFFB0];
	v16 =	vadd.f32 v16, v9;
	[tilespmem:v24+s22+$0x0] =	vst.idx.msk $0xffff, v14;
	(pc) =	sbr.rel @p0 .LBB2_14-.Ltmp10, $4  }
0x32b: {  	v20 =	vadd.f32 v18, v9;
	v24 =	vmul.f32 $8.000000000e+00, v25;
	v18 =	vadd.s32 s7, v6;
	[tilespmem:v22+s22+$0x0] =	vst.idx.msk $0xffff, v12;
	v19 =	vld [tilespmem:s5+$0xFFFFFF80]  }
0x32c: {  	v14 =	vadd.s32 s9, v6;
	v22 =	vadd.f32 v13, v9;
	v26 =	vmul.f32 $8.000000000e+00, v27;
	[tilespmem:v15+s22+$0x0] =	vst.idx.msk $0xffff, v16;
	v13 =	vld [tilespmem:s5+$0xFFFFFFC0];
	s5 =	smov.u32 s11  }
0x32d: {  	v15 =	vadd.s32 s29, v6;
	[tilespmem:v28+s22+$0x0] =	vst.idx.msk $0xffff, v20;
	v24 =	vadd.f32 v24, v9;
	v25 =	vmul.f32 $8.000000000e+00, v29;
	v16 =	vld [tilespmem:s11+$0x0]  }
0x32e: {  	v20 =	vadd.s32 s30, v6;
	s11 =	sadd.s32 $0x200, s11;
	v12 =	vld [tilespmem:s5+$0xFFFFFE40];
	[tilespmem:v23+s22+$0x0] =	vst.idx.msk $0xffff, v22;
	v22 =	vadd.f32 v26, v9;
	v23 =	vmul.f32 $8.000000000e+00, v30  }
0x32f: {  	_ =	sdelay $0x3  }
0x330: {  	[tilespmem:v21+s22+$0x0] =	vst.idx.msk $0xffff, v24;
	v21 =	vadd.f32 v25, v9;
	v17 =	vmul.f32 $8.000000000e+00, v17;
	v24 =	vadd.s32 s0, v7;
	v25 =	vld [tilespmem:s5+$0xFFFFFE80]  }
0x331: {  	[tilespmem:v18+s22+$0x0] =	vst.idx.msk $0xffff, v22;
	v18 =	vadd.f32 v23, v9;
	v19 =	vmul.f32 $8.000000000e+00, v19;
	v22 =	vadd.s32 s28, v7;
	v23 =	vld [tilespmem:s5+$0xFFFFFEC0]  }
0x332: {  	[tilespmem:v14+s22+$0x0] =	vst.idx.msk $0xffff, v21;
	v14 =	vadd.f32 v17, v9;
	v17 =	vadd.s32 s4, v7;
	v13 =	vmul.f32 $8.000000000e+00, v13;
	v21 =	vld [tilespmem:s5+$0xFFFFFF00]  }
0x333: {  	v26 =	vadd.s32 s25, v7;
	[tilespmem:v15+s22+$0x0] =	vst.idx.msk $0xffff, v18;
	v15 =	vmul.f32 $8.000000000e+00, v16;
	v16 =	vadd.f32 v19, v8;
	v18 =	vld [tilespmem:s5+$0xFFFFFF40]  }
0x334: {  	v12 =	vmul.f32 $8.000000000e+00, v12;
	[tilespmem:v20+s22+$0x0] =	vst.idx.msk $0xffff, v14;
	v13 =	vadd.f32 v13, v8;
	v14 =	vadd.s32 s1, v7;
	v19 =	vld [tilespmem:s5+$0xFFFFFF80]  }
0x335: {  	v20 =	vadd.s32 s2, v7;
	v15 =	vadd.f32 v15, v8;
	[tilespmem:v24+s22+$0x0] =	vst.idx.msk $0xffff, v16;
	v16 =	vmul.f32 $8.000000000e+00, v25;
	v24 =	vld [tilespmem:s5+$0xFFFFFFC0]  }
0x336: {  	v12 =	vadd.f32 v12, v8;
	[tilespmem:v22+s22+$0x0] =	vst.idx.msk $0xffff, v13;
	v13 =	vmul.f32 $8.000000000e+00, v23;
	v22 =	vadd.s32 s7, v7  }
0x337: {  	[tilespmem:v17+s22+$0x0] =	vst.idx.msk $0xffff, v15;
	v15 =	vadd.f32 v16, v8;
	v16 =	vmul.f32 $8.000000000e+00, v21;
	v17 =	vadd.s32 s9, v7  }
0x338: {  	[tilespmem:v26+s22+$0x0] =	vst.idx.msk $0xffff, v12;
	v12 =	vadd.f32 v13, v8;
	v13 =	vmul.f32 $8.000000000e+00, v18;
	v18 =	vadd.s32 s29, v7  }
0x339: {  	[tilespmem:v14+s22+$0x0] =	vst.idx.msk $0xffff, v15;
	v14 =	vadd.f32 v16, v8;
	v15 =	vmul.f32 $8.000000000e+00, v19;
	v16 =	vadd.s32 s30, v7  }
0x33a: {  	[tilespmem:v20+s22+$0x0] =	vst.idx.msk $0xffff, v12;
	v12 =	vadd.f32 v13, v8;
	v13 =	vmul.f32 $8.000000000e+00, v24  }
0x33b: {  	[tilespmem:v22+s22+$0x0] =	vst.idx.msk $0xffff, v14;
	v14 =	vadd.f32 v15, v8  }
0x33c: {  	[tilespmem:v17+s22+$0x0] =	vst.idx.msk $0xffff, v12;
	v12 =	vadd.f32 v13, v8  }
0x33d: {  	[tilespmem:v18+s22+$0x0] =	vst.idx.msk $0xffff, v14  }
0x33e: {  	s14 =	simm.s32 $0x380;
	[tilespmem:v16+s22+$0x0] =	vst.idx.msk $0xffff, v12  }
0x33f: {  	[tilespmem:s20], [sflag:$0x2] =	stream.indirect.gather [hbm4b:s6+s18], $0x40, s14, s18, $0xb8;
	[tilespmem:$0x18600] =	vst v63  }
0x340: {  	_ =	swait.ge [sflag:s21], $0x2000  }
0x341: {  	[sflag:s21] =	ssyncset.done $0x0  }
0x342: {  	s31 =	simm.s32 $0x4500;
	[sflag:s21] =	ssyncadd.s32 $0xFFFFE000  }
0x343: {  	v12 =	vld [tilespmem:s31+$0xC0]  }
0x344: {  	v13 =	vld [tilespmem:s31+$0xFFFFFF00];
	_ =	sdelay $0x1  }
0x345: {  	s15 =	simm.s32 $0x307  }
0x346: {  	s25 =	simm.s32 $0x300;
	v15 =	vadd.s32 s15, v1;
	v14 =	vld [tilespmem:s31+$0xFFFFFF40]  }
0x347: {  	v17 =	vadd.s32 s25, v1;
	v16 =	vld [tilespmem:s31+$0xFFFFFF80];
	v12 =	vmul.f32 $8.000000000e+00, v12  }
0x348: {  	v18 =	vld [tilespmem:s31+$0xFFFFFFC0];
	v13 =	vmul.f32 $8.000000000e+00, v13  }
0x349: {  	s13 =	simm.s32 $0x301;
	v19 =	vld [tilespmem:s31+$0x0];
	v12 =	vadd.f32 v12, v10  }
0x34a: {  	s12 =	simm.s32 $0x302;
	v20 =	vadd.s32 s13, v1;
	v21 =	vld [tilespmem:s31+$0x40];
	v13 =	vadd.f32 v13, v10  }
0x34b: {  	s10 =	simm.s32 $0x303;
	v22 =	vadd.s32 s12, v1;
	v23 =	vld [tilespmem:s31+$0x80];
	v14 =	vmul.f32 $8.000000000e+00, v14;
	[tilespmem:v15+s22+$0x0] =	vst.idx.msk $0xffff, v12  }
0x34c: {  	s11 =	simm.s32 $0x304;
	v12 =	vmul.f32 $8.000000000e+00, v16;
	v15 =	vadd.s32 s10, v1;
	[tilespmem:v17+s22+$0x0] =	vst.idx.msk $0xffff, v13;
	v13 =	vld [tilespmem:s31+$0xD0]  }
0x34d: {  	s0 =	simm.s32 $0x305;
	v14 =	vadd.f32 v14, v10;
	v16 =	vmul.f32 $8.000000000e+00, v18;
	v17 =	vadd.s32 s11, v1;
	v18 =	vld [tilespmem:s31+$0xFFFFFF10]  }
0x34e: {  	s28 =	simm.s32 $0x306;
	v24 =	vadd.s32 s0, v1;
	v19 =	vmul.f32 $8.000000000e+00, v19;
	v12 =	vadd.f32 v12, v10  }
0x34f: {  	[tilespmem:v20+s22+$0x0] =	vst.idx.msk $0xffff, v14;
	v20 =	vadd.s32 s28, v1;
	v14 =	vadd.f32 v16, v10;
	v16 =	vmul.f32 $8.000000000e+00, v21  }
0x350: {  	v21 =	vld [tilespmem:s31+$0xFFFFFF50];
	[tilespmem:v22+s22+$0x0] =	vst.idx.msk $0xffff, v12;
	v12 =	vadd.f32 v19, v10;
	v19 =	vmul.f32 $8.000000000e+00, v23;
	v22 =	vadd.s32 s15, v5  }
0x351: {  	v23 =	vld [tilespmem:s31+$0xFFFFFF90];
	[tilespmem:v15+s22+$0x0] =	vst.idx.msk $0xffff, v14;
	v14 =	vadd.f32 v16, v10;
	v15 =	vadd.s32 s25, v5;
	v13 =	vmul.f32 $8.000000000e+00, v13  }
0x352: {  	v16 =	vld [tilespmem:s31+$0xFFFFFFD0];
	[tilespmem:v17+s22+$0x0] =	vst.idx.msk $0xffff, v12;
	v12 =	vadd.f32 v19, v10;
	v17 =	vmul.f32 $8.000000000e+00, v18  }
0x353: {  	v18 =	vld [tilespmem:s31+$0x10];
	[tilespmem:v24+s22+$0x0] =	vst.idx.msk $0xffff, v14;
	v13 =	vadd.f32 v13, v11  }
0x354: {  	v14 =	vadd.s32 s13, v5;
	v19 =	vld [tilespmem:s31+$0x50];
	[tilespmem:v20+s22+$0x0] =	vst.idx.msk $0xffff, v12;
	v12 =	vadd.f32 v17, v11  }
0x355: {  	v17 =	vmul.f32 $8.000000000e+00, v21;
	v20 =	vadd.s32 s12, v5;
	v21 =	vld [tilespmem:s31+$0x90];
	[tilespmem:v22+s22+$0x0] =	vst.idx.msk $0xffff, v13  }
0x356: {  	v13 =	vmul.f32 $8.000000000e+00, v23;
	v22 =	vadd.s32 s10, v5;
	[tilespmem:v15+s22+$0x0] =	vst.idx.msk $0xffff, v12;
	v12 =	vld [tilespmem:s31+$0xE0]  }
0x357: {  	v15 =	vadd.f32 v17, v11;
	v17 =	vadd.s32 s11, v5;
	v16 =	vmul.f32 $8.000000000e+00, v16;
	v23 =	vld [tilespmem:s31+$0xFFFFFF20]  }
0x358: {  	v24 =	vadd.s32 s0, v5;
	v13 =	vadd.f32 v13, v11;
	v18 =	vmul.f32 $8.000000000e+00, v18  }
0x359: {  	[tilespmem:v14+s22+$0x0] =	vst.idx.msk $0xffff, v15;
	v14 =	vadd.f32 v16, v11;
	v15 =	vmul.f32 $8.000000000e+00, v19;
	v16 =	vadd.s32 s28, v5  }
0x35a: {  	v19 =	vld [tilespmem:s31+$0xFFFFFF60];
	[tilespmem:v20+s22+$0x0] =	vst.idx.msk $0xffff, v13;
	v13 =	vadd.f32 v18, v11;
	v18 =	vmul.f32 $8.000000000e+00, v21;
	v20 =	vadd.s32 s15, v6  }
0x35b: {  	v21 =	vld [tilespmem:s31+$0xFFFFFFA0];
	[tilespmem:v22+s22+$0x0] =	vst.idx.msk $0xffff, v14;
	v14 =	vadd.f32 v15, v11;
	v15 =	vadd.s32 s25, v6;
	v12 =	vmul.f32 $8.000000000e+00, v12  }
0x35c: {  	v22 =	vld [tilespmem:s31+$0xFFFFFFE0];
	[tilespmem:v17+s22+$0x0] =	vst.idx.msk $0xffff, v13;
	v13 =	vadd.f32 v18, v11;
	v17 =	vmul.f32 $8.000000000e+00, v23  }
0x35d: {  	v18 =	vld [tilespmem:s31+$0x20];
	[tilespmem:v24+s22+$0x0] =	vst.idx.msk $0xffff, v14;
	v12 =	vadd.f32 v12, v9  }
0x35e: {  	v14 =	vadd.s32 s13, v6;
	v23 =	vld [tilespmem:s31+$0x60];
	[tilespmem:v16+s22+$0x0] =	vst.idx.msk $0xffff, v13;
	v13 =	vadd.f32 v17, v9  }
0x35f: {  	v16 =	vmul.f32 $8.000000000e+00, v19;
	v17 =	vadd.s32 s12, v6;
	v19 =	vld [tilespmem:s31+$0xA0];
	[tilespmem:v20+s22+$0x0] =	vst.idx.msk $0xffff, v12  }
0x360: {  	v12 =	vmul.f32 $8.000000000e+00, v21;
	v20 =	vadd.s32 s10, v6;
	[tilespmem:v15+s22+$0x0] =	vst.idx.msk $0xffff, v13;
	v13 =	vld [tilespmem:s31+$0xF0]  }
0x361: {  	s5 =	simm.s32 $0x4700;
	v15 =	vadd.f32 v16, v9;
	v21 =	vadd.s32 s11, v6;
	v16 =	vmul.f32 $8.000000000e+00, v22;
	v22 =	vld [tilespmem:s31+$0xFFFFFF30]  }
0x362: {  	v25 =	vld [tilespmem:s5+$0xC0];
	v24 =	vadd.s32 s0, v6;
	v12 =	vadd.f32 v12, v9;
	v18 =	vmul.f32 $8.000000000e+00, v18  }
0x363: {  	[tilespmem:v14+s22+$0x0] =	vst.idx.msk $0xffff, v15;
	v14 =	vadd.f32 v16, v9;
	v15 =	vmul.f32 $8.000000000e+00, v23;
	v16 =	vadd.s32 s28, v6;
	v23 =	vld [tilespmem:s5+$0xFFFFFF00]  }
0x364: {  	[tilespmem:v17+s22+$0x0] =	vst.idx.msk $0xffff, v12;
	v12 =	vadd.f32 v18, v9;
	v17 =	vmul.f32 $8.000000000e+00, v19;
	v18 =	vld [tilespmem:s5+$0xFFFFFF40];
	v19 =	vadd.s32 s15, v7  }
0x365: {  	s4 =	simm.s32 $0x30F;
	[tilespmem:v20+s22+$0x0] =	vst.idx.msk $0xffff, v14;
	v14 =	vadd.f32 v15, v9;
	v15 =	vld [tilespmem:s5+$0xFFFFFF80];
	v20 =	vadd.s32 s25, v7;
	v13 =	vmul.f32 $8.000000000e+00, v13  }
0x366: {  	s25 =	simm.s32 $0x308;
	[tilespmem:v21+s22+$0x0] =	vst.idx.msk $0xffff, v12;
	v12 =	vadd.f32 v17, v9;
	v17 =	vld [tilespmem:s5+$0xFFFFFFC0];
	v21 =	vadd.s32 s4, v1;
	v22 =	vmul.f32 $8.000000000e+00, v22  }
0x367: {  	s1 =	simm.s32 $0x309;
	v25 =	vmul.f32 $8.000000000e+00, v25;
	[tilespmem:v24+s22+$0x0] =	vst.idx.msk $0xffff, v14;
	v14 =	vadd.s32 s25, v1;
	v24 =	vld [tilespmem:s5+$0x0];
	v13 =	vadd.f32 v13, v8  }
0x368: {  	s2 =	simm.s32 $0x30A;
	[tilespmem:v16+s22+$0x0] =	vst.idx.msk $0xffff, v12;
	v12 =	vmul.f32 $8.000000000e+00, v23;
	v16 =	vadd.s32 s1, v1;
	v23 =	vld [tilespmem:s5+$0x40];
	v22 =	vadd.f32 v22, v8  }
0x369: {  	s7 =	simm.s32 $0x30B;
	v26 =	vadd.s32 s2, v1;
	v27 =	vld [tilespmem:s5+$0x80];
	v25 =	vadd.f32 v25, v10;
	v18 =	vmul.f32 $8.000000000e+00, v18;
	[tilespmem:v19+s22+$0x0] =	vst.idx.msk $0xffff, v13  }
0x36a: {  	s9 =	simm.s32 $0x30C;
	v12 =	vadd.f32 v12, v10;
	v13 =	vmul.f32 $8.000000000e+00, v15;
	v15 =	vadd.s32 s7, v1;
	[tilespmem:v20+s22+$0x0] =	vst.idx.msk $0xffff, v22;
	v19 =	vld [tilespmem:s31+$0xFFFFFF70]  }
0x36b: {  	s29 =	simm.s32 $0x30D;
	v20 =	vadd.s32 s9, v1;
	v18 =	vadd.f32 v18, v10;
	v17 =	vmul.f32 $8.000000000e+00, v17;
	[tilespmem:v21+s22+$0x0] =	vst.idx.msk $0xffff, v25;
	v21 =	vld [tilespmem:s31+$0xFFFFFFB0]  }
0x36c: {  	s30 =	simm.s32 $0x30E;
	[tilespmem:v14+s22+$0x0] =	vst.idx.msk $0xffff, v12;
	v12 =	vadd.f32 v13, v10;
	v13 =	vmul.f32 $8.000000000e+00, v24;
	v14 =	vadd.s32 s29, v1;
	v22 =	vld [tilespmem:s5+$0xD0]  }
0x36d: {  	v24 =	vld [tilespmem:s5+$0xFFFFFF10];
	[tilespmem:v16+s22+$0x0] =	vst.idx.msk $0xffff, v18;
	v16 =	vadd.f32 v17, v10;
	v17 =	vmul.f32 $8.000000000e+00, v23;
	v18 =	vadd.s32 s30, v1  }
0x36e: {  	v25 =	vadd.s32 s13, v7;
	v23 =	vld [tilespmem:s5+$0xFFFFFF50];
	[tilespmem:v26+s22+$0x0] =	vst.idx.msk $0xffff, v12;
	v12 =	vadd.f32 v13, v10;
	v13 =	vmul.f32 $8.000000000e+00, v27  }
0x36f: {  	v26 =	vld [tilespmem:s5+$0xFFFFFF90];
	[tilespmem:v15+s22+$0x0] =	vst.idx.msk $0xffff, v16;
	v15 =	vadd.f32 v17, v10;
	v16 =	vmul.f32 $8.000000000e+00, v19;
	v17 =	vadd.s32 s12, v7  }
0x370: {  	v19 =	vld [tilespmem:s5+$0xFFFFFFD0];
	[tilespmem:v20+s22+$0x0] =	vst.idx.msk $0xffff, v12;
	v12 =	vadd.f32 v13, v10;
	v13 =	vadd.s32 s4, v5;
	v20 =	vmul.f32 $8.000000000e+00, v21  }
0x371: {  	v21 =	vadd.s32 s25, v5;
	v27 =	vld [tilespmem:s5+$0x10];
	[tilespmem:v14+s22+$0x0] =	vst.idx.msk $0xffff, v15;
	v14 =	vmul.f32 $8.000000000e+00, v22;
	v15 =	vadd.f32 v16, v8  }
0x372: {  	v22 =	vadd.s32 s1, v5;
	v16 =	vmul.f32 $8.000000000e+00, v24;
	v24 =	vld [tilespmem:s5+$0x50];
	[tilespmem:v18+s22+$0x0] =	vst.idx.msk $0xffff, v12;
	v12 =	vadd.f32 v20, v8  }
0x373: {  	v20 =	vadd.s32 s2, v5;
	v18 =	vmul.f32 $8.000000000e+00, v23;
	v23 =	vld [tilespmem:s5+$0x90];
	v14 =	vadd.f32 v14, v11;
	[tilespmem:v25+s22+$0x0] =	vst.idx.msk $0xffff, v15  }
0x374: {  	v25 =	vadd.s32 s7, v5;
	v15 =	vadd.f32 v16, v11;
	v16 =	vmul.f32 $8.000000000e+00, v26;
	[tilespmem:v17+s22+$0x0] =	vst.idx.msk $0xffff, v12;
	v12 =	vld [tilespmem:s31+$0xFFFFFFF0]  }
0x375: {  	v17 =	vadd.f32 v18, v11;
	v18 =	vmul.f32 $8.000000000e+00, v19;
	v19 =	vadd.s32 s9, v5;
	[tilespmem:v13+s22+$0x0] =	vst.idx.msk $0xffff, v14;
	v13 =	vld [tilespmem:s31+$0x30]  }
0x376: {  	[tilespmem:v21+s22+$0x0] =	vst.idx.msk $0xffff, v15;
	v14 =	vadd.f32 v16, v11;
	v15 =	vmul.f32 $8.000000000e+00, v27;
	v16 =	vadd.s32 s29, v5;
	v21 =	vld [tilespmem:s5+$0xE0]  }
0x377: {  	v26 =	vld [tilespmem:s5+$0xFFFFFF20];
	[tilespmem:v22+s22+$0x0] =	vst.idx.msk $0xffff, v17;
	v17 =	vadd.f32 v18, v11;
	v18 =	vmul.f32 $8.000000000e+00, v24;
	v22 =	vadd.s32 s30, v5  }
0x378: {  	v24 =	vld [tilespmem:s5+$0xFFFFFF60];
	[tilespmem:v20+s22+$0x0] =	vst.idx.msk $0xffff, v14;
	v14 =	vadd.f32 v15, v11;
	v15 =	vmul.f32 $8.000000000e+00, v23;
	v20 =	vadd.s32 s10, v7  }
0x379: {  	v23 =	vld [tilespmem:s5+$0xFFFFFFA0];
	[tilespmem:v25+s22+$0x0] =	vst.idx.msk $0xffff, v17;
	v17 =	vadd.f32 v18, v11;
	v12 =	vmul.f32 $8.000000000e+00, v12;
	v25 =	vadd.s32 s11, v7  }
0x37a: {  	v27 =	vld [tilespmem:s5+$0xFFFFFFE0];
	[tilespmem:v19+s22+$0x0] =	vst.idx.msk $0xffff, v14;
	v14 =	vadd.f32 v15, v11;
	v15 =	vadd.s32 s4, v6;
	v13 =	vmul.f32 $8.000000000e+00, v13  }
0x37b: {  	v28 =	vadd.s32 s25, v6;
	v29 =	vld [tilespmem:s5+$0x20];
	[tilespmem:v16+s22+$0x0] =	vst.idx.msk $0xffff, v17;
	v16 =	vmul.f32 $8.000000000e+00, v21;
	v12 =	vadd.f32 v12, v8  }
0x37c: {  	v18 =	vmul.f32 $8.000000000e+00, v26;
	v26 =	vadd.s32 s1, v6;
	v30 =	vld [tilespmem:s5+$0x60];
	[tilespmem:v22+s22+$0x0] =	vst.idx.msk $0xffff, v14;
	v13 =	vadd.f32 v13, v8  }
0x37d: {  	v21 =	vadd.s32 s2, v6;
	v14 =	vmul.f32 $8.000000000e+00, v24;
	v17 =	vld [tilespmem:s5+$0xA0];
	v16 =	vadd.f32 v16, v9;
	[tilespmem:v20+s22+$0x0] =	vst.idx.msk $0xffff, v12  }
0x37e: {  	v19 =	vld [tilespmem:s31+$0x70];
	v12 =	vadd.f32 v18, v9;
	v20 =	vmul.f32 $8.000000000e+00, v23;
	v18 =	vadd.s32 s7, v6;
	[tilespmem:v25+s22+$0x0] =	vst.idx.msk $0xffff, v13  }
0x37f: {  	v13 =	vld [tilespmem:s31+$0xB0];
	v22 =	vadd.f32 v14, v9;
	v23 =	vmul.f32 $8.000000000e+00, v27;
	v14 =	vadd.s32 s9, v6;
	[tilespmem:v15+s22+$0x0] =	vst.idx.msk $0xffff, v16  }
0x380: {  	v15 =	vadd.s32 s29, v6;
	[tilespmem:v28+s22+$0x0] =	vst.idx.msk $0xffff, v12;
	v24 =	vadd.f32 v20, v9;
	v25 =	vmul.f32 $8.000000000e+00, v29;
	v16 =	vld [tilespmem:s5+$0xF0]  }
0x381: {  	s10 =	simm.s32 $0x8;
	s11 =	simm.s32 $0x4900;
	v20 =	vadd.s32 s30, v6;
	v12 =	vld [tilespmem:s5+$0xFFFFFF30];
	[tilespmem:v26+s22+$0x0] =	vst.idx.msk $0xffff, v22;
	v22 =	vadd.f32 v23, v9;
	v23 =	vmul.f32 $8.000000000e+00, v30  }
.LBB2_16:
0x382: {  	v26 =	vld [tilespmem:s11+$0xC0];
	[tilespmem:v21+s22+$0x0] =	vst.idx.msk $0xffff, v24;
	v21 =	vadd.f32 v25, v9;
	v17 =	vmul.f32 $8.000000000e+00, v17;
	v24 =	vadd.s32 s0, v7;
	s31 =	smov.u32 s10;
	s10 =	sadd.s32 $0x8, s10;
	s0 =	smov.u32 s29  }
0x383: {  	v25 =	vld [tilespmem:s11+$0xFFFFFF00];
	p0 =	slt.u32 s10, $0x78;
	[tilespmem:v18+s22+$0x0] =	vst.idx.msk $0xffff, v22;
	v18 =	vadd.f32 v23, v9;
	v19 =	vmul.f32 $8.000000000e+00, v19;
	v22 =	vadd.s32 s28, v7;
	s28 =	smov.u32 s30  }
0x384: {  	v23 =	vld [tilespmem:s11+$0xFFFFFF40];
	[tilespmem:v14+s22+$0x0] =	vst.idx.msk $0xffff, v21;
	v14 =	vadd.f32 v17, v9;
	v17 =	vadd.s32 s4, v7;
	v13 =	vmul.f32 $8.000000000e+00, v13  }
0x385: {  	v27 =	vadd.s32 s25, v7;
	s4 =	sadd.s32 $0x30F, s31;
	v21 =	vld [tilespmem:s11+$0xFFFFFF80];
	[tilespmem:v15+s22+$0x0] =	vst.idx.msk $0xffff, v18;
	v15 =	vmul.f32 $8.000000000e+00, v16;
	v16 =	vadd.f32 v19, v8  }
0x386: {  	s25 =	sadd.s32 $0x308, s31;
	v19 =	vadd.s32 s4, v1;
	v18 =	vld [tilespmem:s11+$0xFFFFFFC0];
	v12 =	vmul.f32 $8.000000000e+00, v12;
	[tilespmem:v20+s22+$0x0] =	vst.idx.msk $0xffff, v14;
	v13 =	vadd.f32 v13, v8  }
0x387: {  	s14 =	sadd.s32 $0x309, s31;
	v14 =	vadd.s32 s25, v1;
	v20 =	vld [tilespmem:s11+$0x0];
	v26 =	vmul.f32 $8.000000000e+00, v26;
	v15 =	vadd.f32 v15, v8;
	[tilespmem:v24+s22+$0x0] =	vst.idx.msk $0xffff, v16  }
0x388: {  	s15 =	sadd.s32 $0x30A, s31;
	v24 =	vadd.s32 s14, v1;
	v16 =	vmul.f32 $8.000000000e+00, v25;
	v25 =	vld [tilespmem:s11+$0x40];
	v12 =	vadd.f32 v12, v8;
	[tilespmem:v22+s22+$0x0] =	vst.idx.msk $0xffff, v13  }
0x389: {  	s12 =	sadd.s32 $0x30B, s31;
	v22 =	vadd.s32 s15, v1;
	v13 =	vmul.f32 $8.000000000e+00, v23;
	v23 =	vld [tilespmem:s11+$0x80];
	v26 =	vadd.f32 v26, v10;
	[tilespmem:v17+s22+$0x0] =	vst.idx.msk $0xffff, v15  }
0x38a: {  	s13 =	sadd.s32 $0x30C, s31;
	v17 =	vadd.s32 s12, v1;
	v15 =	vadd.f32 v16, v10;
	v16 =	vmul.f32 $8.000000000e+00, v21;
	[tilespmem:v27+s22+$0x0] =	vst.idx.msk $0xffff, v12;
	v12 =	vld [tilespmem:s5+$0xFFFFFF70]  }
0x38b: {  	s29 =	sadd.s32 $0x30D, s31;
	v21 =	vadd.s32 s13, v1;
	v13 =	vadd.f32 v13, v10;
	v18 =	vmul.f32 $8.000000000e+00, v18;
	[tilespmem:v19+s22+$0x0] =	vst.idx.msk $0xffff, v26;
	v19 =	vld [tilespmem:s5+$0xFFFFFFB0]  }
0x38c: {  	s30 =	sadd.s32 $0x30E, s31;
	[tilespmem:v14+s22+$0x0] =	vst.idx.msk $0xffff, v15;
	v14 =	vadd.f32 v16, v10;
	v15 =	vmul.f32 $8.000000000e+00, v20;
	v16 =	vadd.s32 s29, v1;
	v20 =	vld [tilespmem:s11+$0xD0]  }
0x38d: {  	v26 =	vld [tilespmem:s11+$0xFFFFFF10];
	[tilespmem:v24+s22+$0x0] =	vst.idx.msk $0xffff, v13;
	v13 =	vadd.f32 v18, v10;
	v18 =	vmul.f32 $8.000000000e+00, v25;
	v24 =	vadd.s32 s30, v1  }
0x38e: {  	v25 =	vld [tilespmem:s11+$0xFFFFFF50];
	[tilespmem:v22+s22+$0x0] =	vst.idx.msk $0xffff, v14;
	v14 =	vadd.f32 v15, v10;
	v15 =	vmul.f32 $8.000000000e+00, v23;
	v22 =	vadd.s32 s1, v7;
	s1 =	smov.u32 s14  }
0x38f: {  	v23 =	vld [tilespmem:s11+$0xFFFFFF90];
	[tilespmem:v17+s22+$0x0] =	vst.idx.msk $0xffff, v13;
	v13 =	vadd.f32 v18, v10;
	v12 =	vmul.f32 $8.000000000e+00, v12;
	v17 =	vadd.s32 s2, v7;
	s2 =	smov.u32 s15  }
0x390: {  	v18 =	vld [tilespmem:s11+$0xFFFFFFD0];
	[tilespmem:v21+s22+$0x0] =	vst.idx.msk $0xffff, v14;
	v14 =	vadd.f32 v15, v10;
	v15 =	vadd.s32 s4, v5;
	v19 =	vmul.f32 $8.000000000e+00, v19  }
0x391: {  	v21 =	vadd.s32 s25, v5;
	v27 =	vld [tilespmem:s11+$0x10];
	[tilespmem:v16+s22+$0x0] =	vst.idx.msk $0xffff, v13;
	v13 =	vmul.f32 $8.000000000e+00, v20;
	v12 =	vadd.f32 v12, v8  }
0x392: {  	v20 =	vadd.s32 s1, v5;
	v16 =	vmul.f32 $8.000000000e+00, v26;
	v26 =	vld [tilespmem:s11+$0x50];
	[tilespmem:v24+s22+$0x0] =	vst.idx.msk $0xffff, v14;
	v14 =	vadd.f32 v19, v8  }
0x393: {  	v24 =	vadd.s32 s2, v5;
	v19 =	vmul.f32 $8.000000000e+00, v25;
	v25 =	vld [tilespmem:s11+$0x90];
	v13 =	vadd.f32 v13, v11;
	[tilespmem:v22+s22+$0x0] =	vst.idx.msk $0xffff, v12  }
0x394: {  	v22 =	vadd.s32 s12, v5;
	v12 =	vadd.f32 v16, v11;
	v16 =	vmul.f32 $8.000000000e+00, v23;
	[tilespmem:v17+s22+$0x0] =	vst.idx.msk $0xffff, v14;
	v14 =	vld [tilespmem:s5+$0xFFFFFFF0]  }
0x395: {  	v17 =	vadd.f32 v19, v11;
	v18 =	vmul.f32 $8.000000000e+00, v18;
	v19 =	vadd.s32 s13, v5;
	[tilespmem:v15+s22+$0x0] =	vst.idx.msk $0xffff, v13;
	v13 =	vld [tilespmem:s5+$0x30]  }
0x396: {  	[tilespmem:v21+s22+$0x0] =	vst.idx.msk $0xffff, v12;
	v12 =	vadd.f32 v16, v11;
	v15 =	vmul.f32 $8.000000000e+00, v27;
	v16 =	vadd.s32 s29, v5;
	v21 =	vld [tilespmem:s11+$0xE0]  }
0x397: {  	v23 =	vld [tilespmem:s11+$0xFFFFFF20];
	[tilespmem:v20+s22+$0x0] =	vst.idx.msk $0xffff, v17;
	v17 =	vadd.f32 v18, v11;
	v18 =	vmul.f32 $8.000000000e+00, v26;
	v20 =	vadd.s32 s30, v5  }
0x398: {  	v26 =	vld [tilespmem:s11+$0xFFFFFF60];
	[tilespmem:v24+s22+$0x0] =	vst.idx.msk $0xffff, v12;
	v12 =	vadd.f32 v15, v11;
	v15 =	vmul.f32 $8.000000000e+00, v25;
	v24 =	vadd.s32 s7, v7;
	s7 =	smov.u32 s12  }
0x399: {  	v25 =	vld [tilespmem:s11+$0xFFFFFFA0];
	[tilespmem:v22+s22+$0x0] =	vst.idx.msk $0xffff, v17;
	v17 =	vadd.f32 v18, v11;
	v14 =	vmul.f32 $8.000000000e+00, v14;
	v22 =	vadd.s32 s9, v7;
	s9 =	smov.u32 s13  }
0x39a: {  	v27 =	vld [tilespmem:s11+$0xFFFFFFE0];
	[tilespmem:v19+s22+$0x0] =	vst.idx.msk $0xffff, v12;
	v12 =	vadd.f32 v15, v11;
	v15 =	vadd.s32 s4, v6;
	v13 =	vmul.f32 $8.000000000e+00, v13  }
0x39b: {  	v28 =	vadd.s32 s25, v6;
	v29 =	vld [tilespmem:s11+$0x20];
	[tilespmem:v16+s22+$0x0] =	vst.idx.msk $0xffff, v17;
	v16 =	vmul.f32 $8.000000000e+00, v21;
	v14 =	vadd.f32 v14, v8  }
0x39c: {  	v18 =	vmul.f32 $8.000000000e+00, v23;
	v23 =	vadd.s32 s1, v6;
	v30 =	vld [tilespmem:s11+$0x60];
	[tilespmem:v20+s22+$0x0] =	vst.idx.msk $0xffff, v12;
	v12 =	vadd.f32 v13, v8  }
.Ltmp11:
0x39d: {  	v21 =	vadd.s32 s2, v6;
	v13 =	vmul.f32 $8.000000000e+00, v26;
	v17 =	vld [tilespmem:s11+$0xA0];
	v16 =	vadd.f32 v16, v9;
	[tilespmem:v24+s22+$0x0] =	vst.idx.msk $0xffff, v14;
	(pc) =	sbr.rel @p0 .LBB2_16-.Ltmp11, $4  }
0x39e: {  	v20 =	vadd.f32 v18, v9;
	v24 =	vmul.f32 $8.000000000e+00, v25;
	v18 =	vadd.s32 s7, v6;
	[tilespmem:v22+s22+$0x0] =	vst.idx.msk $0xffff, v12;
	v19 =	vld [tilespmem:s5+$0x70]  }
0x39f: {  	v14 =	vadd.s32 s9, v6;
	v22 =	vadd.f32 v13, v9;
	v26 =	vmul.f32 $8.000000000e+00, v27;
	[tilespmem:v15+s22+$0x0] =	vst.idx.msk $0xffff, v16;
	v13 =	vld [tilespmem:s5+$0xB0];
	s5 =	smov.u32 s11  }
0x3a0: {  	v15 =	vadd.s32 s29, v6;
	[tilespmem:v28+s22+$0x0] =	vst.idx.msk $0xffff, v20;
	v24 =	vadd.f32 v24, v9;
	v25 =	vmul.f32 $8.000000000e+00, v29;
	v16 =	vld [tilespmem:s11+$0xF0]  }
0x3a1: {  	v20 =	vadd.s32 s30, v6;
	s11 =	sadd.s32 $0x200, s11;
	v12 =	vld [tilespmem:s5+$0xFFFFFF30];
	[tilespmem:v23+s22+$0x0] =	vst.idx.msk $0xffff, v22;
	v22 =	vadd.f32 v26, v9;
	v23 =	vmul.f32 $8.000000000e+00, v30  }
0x3a2: {  	_ =	sdelay $0x3  }
0x3a3: {  	[tilespmem:v21+s22+$0x0] =	vst.idx.msk $0xffff, v24;
	v21 =	vadd.f32 v25, v9;
	v17 =	vmul.f32 $8.000000000e+00, v17;
	v24 =	vadd.s32 s0, v7;
	v25 =	vld [tilespmem:s5+$0xFFFFFF70]  }
0x3a4: {  	[tilespmem:v18+s22+$0x0] =	vst.idx.msk $0xffff, v22;
	v18 =	vadd.f32 v23, v9;
	v19 =	vmul.f32 $8.000000000e+00, v19;
	v22 =	vadd.s32 s28, v7;
	v23 =	vld [tilespmem:s5+$0xFFFFFFB0]  }
0x3a5: {  	[tilespmem:v14+s22+$0x0] =	vst.idx.msk $0xffff, v21;
	v14 =	vadd.f32 v17, v9;
	v17 =	vadd.s32 s4, v7;
	v13 =	vmul.f32 $8.000000000e+00, v13;
	v21 =	vld [tilespmem:s5+$0xFFFFFFF0]  }
0x3a6: {  	v26 =	vadd.s32 s25, v7;
	[tilespmem:v15+s22+$0x0] =	vst.idx.msk $0xffff, v18;
	v15 =	vmul.f32 $8.000000000e+00, v16;
	v16 =	vadd.f32 v19, v8;
	v18 =	vld [tilespmem:s5+$0x30]  }
0x3a7: {  	v12 =	vmul.f32 $8.000000000e+00, v12;
	[tilespmem:v20+s22+$0x0] =	vst.idx.msk $0xffff, v14;
	v13 =	vadd.f32 v13, v8;
	v14 =	vadd.s32 s1, v7;
	v19 =	vld [tilespmem:s5+$0x70]  }
0x3a8: {  	v20 =	vadd.s32 s2, v7;
	v15 =	vadd.f32 v15, v8;
	[tilespmem:v24+s22+$0x0] =	vst.idx.msk $0xffff, v16;
	v16 =	vmul.f32 $8.000000000e+00, v25;
	v24 =	vld [tilespmem:s5+$0xB0]  }
0x3a9: {  	v12 =	vadd.f32 v12, v8;
	[tilespmem:v22+s22+$0x0] =	vst.idx.msk $0xffff, v13;
	v13 =	vmul.f32 $8.000000000e+00, v23;
	v22 =	vadd.s32 s7, v7  }
0x3aa: {  	[tilespmem:v17+s22+$0x0] =	vst.idx.msk $0xffff, v15;
	v15 =	vadd.f32 v16, v8;
	v16 =	vmul.f32 $8.000000000e+00, v21;
	v17 =	vadd.s32 s9, v7  }
0x3ab: {  	[tilespmem:v26+s22+$0x0] =	vst.idx.msk $0xffff, v12;
	v12 =	vadd.f32 v13, v8;
	v13 =	vmul.f32 $8.000000000e+00, v18;
	v18 =	vadd.s32 s29, v7  }
0x3ac: {  	[tilespmem:v14+s22+$0x0] =	vst.idx.msk $0xffff, v15;
	v14 =	vadd.f32 v16, v8;
	v15 =	vmul.f32 $8.000000000e+00, v19;
	v16 =	vadd.s32 s30, v7  }
0x3ad: {  	[tilespmem:v20+s22+$0x0] =	vst.idx.msk $0xffff, v12;
	v12 =	vadd.f32 v13, v8;
	v13 =	vmul.f32 $8.000000000e+00, v24  }
0x3ae: {  	[tilespmem:v22+s22+$0x0] =	vst.idx.msk $0xffff, v14;
	v14 =	vadd.f32 v15, v8  }
0x3af: {  	[tilespmem:v17+s22+$0x0] =	vst.idx.msk $0xffff, v12;
	v12 =	vadd.f32 v13, v8  }
0x3b0: {  	[tilespmem:v18+s22+$0x0] =	vst.idx.msk $0xffff, v14  }
0x3b1: {  	[tilespmem:v16+s22+$0x0] =	vst.idx.msk $0xffff, v12  }
0x3b2: {  	_ =	swait.ge [sflag:s23], $0x2000  }
0x3b3: {  	[sflag:s23] =	ssyncset.done $0x0  }
0x3b4: {  	s31 =	simm.s32 $0x65F0;
	[sflag:s23] =	ssyncadd.s32 $0xFFFFE000  }
0x3b5: {  	v12 =	vld [tilespmem:s31+$0xFFFFFFD0]  }
0x3b6: {  	v13 =	vld [tilespmem:s31+$0xFFFFFE10];
	_ =	sdelay $0x1  }
0x3b7: {  	s15 =	simm.s32 $0x387  }
0x3b8: {  	s25 =	simm.s32 $0x380;
	v15 =	vadd.s32 s15, v1;
	v14 =	vld [tilespmem:s31+$0xFFFFFE50]  }
0x3b9: {  	v17 =	vadd.s32 s25, v1;
	v16 =	vld [tilespmem:s31+$0xFFFFFE90];
	v12 =	vmul.f32 $8.000000000e+00, v12  }
0x3ba: {  	v18 =	vld [tilespmem:s31+$0xFFFFFED0];
	v13 =	vmul.f32 $8.000000000e+00, v13  }
0x3bb: {  	s13 =	simm.s32 $0x381;
	v19 =	vld [tilespmem:s31+$0xFFFFFF10];
	v12 =	vadd.f32 v12, v10  }
0x3bc: {  	s12 =	simm.s32 $0x382;
	v20 =	vadd.s32 s13, v1;
	v21 =	vld [tilespmem:s31+$0xFFFFFF50];
	v13 =	vadd.f32 v13, v10  }
0x3bd: {  	s10 =	simm.s32 $0x383;
	v22 =	vadd.s32 s12, v1;
	v23 =	vld [tilespmem:s31+$0xFFFFFF90];
	v14 =	vmul.f32 $8.000000000e+00, v14;
	[tilespmem:v15+s22+$0x0] =	vst.idx.msk $0xffff, v12  }
0x3be: {  	s11 =	simm.s32 $0x384;
	v12 =	vmul.f32 $8.000000000e+00, v16;
	v15 =	vadd.s32 s10, v1;
	[tilespmem:v17+s22+$0x0] =	vst.idx.msk $0xffff, v13;
	v13 =	vld [tilespmem:s31+$0xFFFFFFE0]  }
0x3bf: {  	s28 =	simm.s32 $0x385;
	v14 =	vadd.f32 v14, v10;
	v16 =	vmul.f32 $8.000000000e+00, v18;
	v17 =	vadd.s32 s11, v1;
	v18 =	vld [tilespmem:s31+$0xFFFFFE20]  }
0x3c0: {  	s0 =	simm.s32 $0x386;
	v24 =	vadd.s32 s28, v1;
	v19 =	vmul.f32 $8.000000000e+00, v19;
	v12 =	vadd.f32 v12, v10  }
0x3c1: {  	[tilespmem:v20+s22+$0x0] =	vst.idx.msk $0xffff, v14;
	v20 =	vadd.s32 s0, v1;
	v14 =	vadd.f32 v16, v10;
	v16 =	vmul.f32 $8.000000000e+00, v21  }
0x3c2: {  	v21 =	vld [tilespmem:s31+$0xFFFFFE60];
	[tilespmem:v22+s22+$0x0] =	vst.idx.msk $0xffff, v12;
	v12 =	vadd.f32 v19, v10;
	v19 =	vmul.f32 $8.000000000e+00, v23;
	v22 =	vadd.s32 s15, v5  }
0x3c3: {  	v23 =	vld [tilespmem:s31+$0xFFFFFEA0];
	[tilespmem:v15+s22+$0x0] =	vst.idx.msk $0xffff, v14;
	v14 =	vadd.f32 v16, v10;
	v15 =	vadd.s32 s25, v5;
	v13 =	vmul.f32 $8.000000000e+00, v13  }
0x3c4: {  	v16 =	vld [tilespmem:s31+$0xFFFFFEE0];
	[tilespmem:v17+s22+$0x0] =	vst.idx.msk $0xffff, v12;
	v12 =	vadd.f32 v19, v10;
	v17 =	vmul.f32 $8.000000000e+00, v18  }
0x3c5: {  	v18 =	vld [tilespmem:s31+$0xFFFFFF20];
	[tilespmem:v24+s22+$0x0] =	vst.idx.msk $0xffff, v14;
	v13 =	vadd.f32 v13, v11  }
0x3c6: {  	v14 =	vadd.s32 s13, v5;
	v19 =	vld [tilespmem:s31+$0xFFFFFF60];
	[tilespmem:v20+s22+$0x0] =	vst.idx.msk $0xffff, v12;
	v12 =	vadd.f32 v17, v11  }
0x3c7: {  	v17 =	vmul.f32 $8.000000000e+00, v21;
	v20 =	vadd.s32 s12, v5;
	v21 =	vld [tilespmem:s31+$0xFFFFFFA0];
	[tilespmem:v22+s22+$0x0] =	vst.idx.msk $0xffff, v13  }
0x3c8: {  	v13 =	vmul.f32 $8.000000000e+00, v23;
	v22 =	vadd.s32 s10, v5;
	[tilespmem:v15+s22+$0x0] =	vst.idx.msk $0xffff, v12;
	v12 =	vld [tilespmem:s31+$0xFFFFFFF0]  }
0x3c9: {  	v15 =	vadd.f32 v17, v11;
	v17 =	vadd.s32 s11, v5;
	v16 =	vmul.f32 $8.000000000e+00, v16;
	v23 =	vld [tilespmem:s31+$0xFFFFFE30]  }
0x3ca: {  	v24 =	vadd.s32 s28, v5;
	v13 =	vadd.f32 v13, v11;
	v18 =	vmul.f32 $8.000000000e+00, v18  }
0x3cb: {  	[tilespmem:v14+s22+$0x0] =	vst.idx.msk $0xffff, v15;
	v14 =	vadd.f32 v16, v11;
	v15 =	vmul.f32 $8.000000000e+00, v19;
	v16 =	vadd.s32 s0, v5  }
0x3cc: {  	v19 =	vld [tilespmem:s31+$0xFFFFFE70];
	[tilespmem:v20+s22+$0x0] =	vst.idx.msk $0xffff, v13;
	v13 =	vadd.f32 v18, v11;
	v18 =	vmul.f32 $8.000000000e+00, v21;
	v20 =	vadd.s32 s15, v6  }
0x3cd: {  	v21 =	vld [tilespmem:s31+$0xFFFFFEB0];
	[tilespmem:v22+s22+$0x0] =	vst.idx.msk $0xffff, v14;
	v14 =	vadd.f32 v15, v11;
	v15 =	vadd.s32 s25, v6;
	v12 =	vmul.f32 $8.000000000e+00, v12  }
0x3ce: {  	v22 =	vld [tilespmem:s31+$0xFFFFFEF0];
	[tilespmem:v17+s22+$0x0] =	vst.idx.msk $0xffff, v13;
	v13 =	vadd.f32 v18, v11;
	v17 =	vmul.f32 $8.000000000e+00, v23  }
0x3cf: {  	v18 =	vld [tilespmem:s31+$0xFFFFFF30];
	[tilespmem:v24+s22+$0x0] =	vst.idx.msk $0xffff, v14;
	v12 =	vadd.f32 v12, v9  }
0x3d0: {  	v14 =	vadd.s32 s13, v6;
	v23 =	vld [tilespmem:s31+$0xFFFFFF70];
	[tilespmem:v16+s22+$0x0] =	vst.idx.msk $0xffff, v13;
	v13 =	vadd.f32 v17, v9  }
0x3d1: {  	v16 =	vmul.f32 $8.000000000e+00, v19;
	v17 =	vadd.s32 s12, v6;
	v19 =	vld [tilespmem:s31+$0xFFFFFFB0];
	[tilespmem:v20+s22+$0x0] =	vst.idx.msk $0xffff, v12  }
0x3d2: {  	v12 =	vmul.f32 $8.000000000e+00, v21;
	v20 =	vadd.s32 s10, v6;
	[tilespmem:v15+s22+$0x0] =	vst.idx.msk $0xffff, v13;
	v13 =	vld [tilespmem:s31+$0x0]  }
0x3d3: {  	s2 =	simm.s32 $0x67F0;
	v15 =	vadd.f32 v16, v9;
	v21 =	vadd.s32 s11, v6;
	v16 =	vmul.f32 $8.000000000e+00, v22;
	v22 =	vld [tilespmem:s31+$0xFFFFFE40]  }
0x3d4: {  	v25 =	vld [tilespmem:s2+$0xFFFFFFD0];
	v24 =	vadd.s32 s28, v6;
	v12 =	vadd.f32 v12, v9;
	v18 =	vmul.f32 $8.000000000e+00, v18  }
0x3d5: {  	[tilespmem:v14+s22+$0x0] =	vst.idx.msk $0xffff, v15;
	v14 =	vadd.f32 v16, v9;
	v15 =	vmul.f32 $8.000000000e+00, v23;
	v16 =	vadd.s32 s0, v6;
	v23 =	vld [tilespmem:s2+$0xFFFFFE10]  }
0x3d6: {  	[tilespmem:v17+s22+$0x0] =	vst.idx.msk $0xffff, v12;
	v12 =	vadd.f32 v18, v9;
	v17 =	vmul.f32 $8.000000000e+00, v19;
	v18 =	vld [tilespmem:s2+$0xFFFFFE50];
	v19 =	vadd.s32 s15, v7  }
0x3d7: {  	s7 =	simm.s32 $0x38F;
	[tilespmem:v20+s22+$0x0] =	vst.idx.msk $0xffff, v14;
	v14 =	vadd.f32 v15, v9;
	v15 =	vld [tilespmem:s2+$0xFFFFFE90];
	v20 =	vadd.s32 s25, v7;
	v13 =	vmul.f32 $8.000000000e+00, v13  }
0x3d8: {  	s9 =	simm.s32 $0x388;
	[tilespmem:v21+s22+$0x0] =	vst.idx.msk $0xffff, v12;
	v12 =	vadd.f32 v17, v9;
	v17 =	vld [tilespmem:s2+$0xFFFFFED0];
	v21 =	vadd.s32 s7, v1;
	v22 =	vmul.f32 $8.000000000e+00, v22  }
0x3d9: {  	s1 =	simm.s32 $0x389;
	v25 =	vmul.f32 $8.000000000e+00, v25;
	[tilespmem:v24+s22+$0x0] =	vst.idx.msk $0xffff, v14;
	v14 =	vadd.s32 s9, v1;
	v24 =	vld [tilespmem:s2+$0xFFFFFF10];
	v13 =	vadd.f32 v13, v8  }
0x3da: {  	s4 =	simm.s32 $0x38A;
	[tilespmem:v16+s22+$0x0] =	vst.idx.msk $0xffff, v12;
	v12 =	vmul.f32 $8.000000000e+00, v23;
	v16 =	vadd.s32 s1, v1;
	v23 =	vld [tilespmem:s2+$0xFFFFFF50];
	v22 =	vadd.f32 v22, v8  }
0x3db: {  	s5 =	simm.s32 $0x38B;
	v26 =	vadd.s32 s4, v1;
	v27 =	vld [tilespmem:s2+$0xFFFFFF90];
	v25 =	vadd.f32 v25, v10;
	v18 =	vmul.f32 $8.000000000e+00, v18;
	[tilespmem:v19+s22+$0x0] =	vst.idx.msk $0xffff, v13  }
0x3dc: {  	s25 =	simm.s32 $0x38C;
	v12 =	vadd.f32 v12, v10;
	v13 =	vmul.f32 $8.000000000e+00, v15;
	v15 =	vadd.s32 s5, v1;
	[tilespmem:v20+s22+$0x0] =	vst.idx.msk $0xffff, v22;
	v19 =	vld [tilespmem:s31+$0xFFFFFE80]  }
0x3dd: {  	s29 =	simm.s32 $0x38D;
	v20 =	vadd.s32 s25, v1;
	v18 =	vadd.f32 v18, v10;
	v17 =	vmul.f32 $8.000000000e+00, v17;
	[tilespmem:v21+s22+$0x0] =	vst.idx.msk $0xffff, v25;
	v21 =	vld [tilespmem:s31+$0xFFFFFEC0]  }
0x3de: {  	s30 =	simm.s32 $0x38E;
	[tilespmem:v14+s22+$0x0] =	vst.idx.msk $0xffff, v12;
	v12 =	vadd.f32 v13, v10;
	v13 =	vmul.f32 $8.000000000e+00, v24;
	v14 =	vadd.s32 s29, v1;
	v22 =	vld [tilespmem:s2+$0xFFFFFFE0]  }
0x3df: {  	v24 =	vld [tilespmem:s2+$0xFFFFFE20];
	[tilespmem:v16+s22+$0x0] =	vst.idx.msk $0xffff, v18;
	v16 =	vadd.f32 v17, v10;
	v17 =	vmul.f32 $8.000000000e+00, v23;
	v18 =	vadd.s32 s30, v1  }
0x3e0: {  	v25 =	vadd.s32 s13, v7;
	v23 =	vld [tilespmem:s2+$0xFFFFFE60];
	[tilespmem:v26+s22+$0x0] =	vst.idx.msk $0xffff, v12;
	v12 =	vadd.f32 v13, v10;
	v13 =	vmul.f32 $8.000000000e+00, v27  }
0x3e1: {  	v26 =	vld [tilespmem:s2+$0xFFFFFEA0];
	[tilespmem:v15+s22+$0x0] =	vst.idx.msk $0xffff, v16;
	v15 =	vadd.f32 v17, v10;
	v16 =	vmul.f32 $8.000000000e+00, v19;
	v17 =	vadd.s32 s12, v7  }
0x3e2: {  	v19 =	vld [tilespmem:s2+$0xFFFFFEE0];
	[tilespmem:v20+s22+$0x0] =	vst.idx.msk $0xffff, v12;
	v12 =	vadd.f32 v13, v10;
	v13 =	vadd.s32 s7, v5;
	v20 =	vmul.f32 $8.000000000e+00, v21  }
0x3e3: {  	v21 =	vadd.s32 s9, v5;
	v27 =	vld [tilespmem:s2+$0xFFFFFF20];
	[tilespmem:v14+s22+$0x0] =	vst.idx.msk $0xffff, v15;
	v14 =	vmul.f32 $8.000000000e+00, v22;
	v15 =	vadd.f32 v16, v8  }
0x3e4: {  	v22 =	vadd.s32 s1, v5;
	v16 =	vmul.f32 $8.000000000e+00, v24;
	v24 =	vld [tilespmem:s2+$0xFFFFFF60];
	[tilespmem:v18+s22+$0x0] =	vst.idx.msk $0xffff, v12;
	v12 =	vadd.f32 v20, v8  }
0x3e5: {  	v20 =	vadd.s32 s4, v5;
	v18 =	vmul.f32 $8.000000000e+00, v23;
	v23 =	vld [tilespmem:s2+$0xFFFFFFA0];
	v14 =	vadd.f32 v14, v11;
	[tilespmem:v25+s22+$0x0] =	vst.idx.msk $0xffff, v15  }
0x3e6: {  	v25 =	vadd.s32 s5, v5;
	v15 =	vadd.f32 v16, v11;
	v16 =	vmul.f32 $8.000000000e+00, v26;
	[tilespmem:v17+s22+$0x0] =	vst.idx.msk $0xffff, v12;
	v12 =	vld [tilespmem:s31+$0xFFFFFF00]  }
0x3e7: {  	v17 =	vadd.f32 v18, v11;
	v18 =	vmul.f32 $8.000000000e+00, v19;
	v19 =	vadd.s32 s25, v5;
	[tilespmem:v13+s22+$0x0] =	vst.idx.msk $0xffff, v14;
	v13 =	vld [tilespmem:s31+$0xFFFFFF40]  }
0x3e8: {  	[tilespmem:v21+s22+$0x0] =	vst.idx.msk $0xffff, v15;
	v14 =	vadd.f32 v16, v11;
	v15 =	vmul.f32 $8.000000000e+00, v27;
	v16 =	vadd.s32 s29, v5;
	v21 =	vld [tilespmem:s2+$0xFFFFFFF0]  }
0x3e9: {  	v26 =	vld [tilespmem:s2+$0xFFFFFE30];
	[tilespmem:v22+s22+$0x0] =	vst.idx.msk $0xffff, v17;
	v17 =	vadd.f32 v18, v11;
	v18 =	vmul.f32 $8.000000000e+00, v24;
	v22 =	vadd.s32 s30, v5  }
0x3ea: {  	v24 =	vld [tilespmem:s2+$0xFFFFFE70];
	[tilespmem:v20+s22+$0x0] =	vst.idx.msk $0xffff, v14;
	v14 =	vadd.f32 v15, v11;
	v15 =	vmul.f32 $8.000000000e+00, v23;
	v20 =	vadd.s32 s10, v7  }
0x3eb: {  	v23 =	vld [tilespmem:s2+$0xFFFFFEB0];
	[tilespmem:v25+s22+$0x0] =	vst.idx.msk $0xffff, v17;
	v17 =	vadd.f32 v18, v11;
	v12 =	vmul.f32 $8.000000000e+00, v12;
	v18 =	vadd.s32 s11, v7  }
0x3ec: {  	v25 =	vld [tilespmem:s2+$0xFFFFFEF0];
	[tilespmem:v19+s22+$0x0] =	vst.idx.msk $0xffff, v14;
	v14 =	vadd.f32 v15, v11;
	v19 =	vadd.s32 s7, v6;
	v13 =	vmul.f32 $8.000000000e+00, v13  }
0x3ed: {  	v27 =	vadd.s32 s9, v6;
	v28 =	vld [tilespmem:s2+$0xFFFFFF30];
	[tilespmem:v16+s22+$0x0] =	vst.idx.msk $0xffff, v17;
	v16 =	vmul.f32 $8.000000000e+00, v21;
	v12 =	vadd.f32 v12, v8  }
0x3ee: {  	v17 =	vmul.f32 $8.000000000e+00, v26;
	v26 =	vadd.s32 s1, v6;
	v29 =	vld [tilespmem:s2+$0xFFFFFF70];
	[tilespmem:v22+s22+$0x0] =	vst.idx.msk $0xffff, v14;
	v13 =	vadd.f32 v13, v8  }
0x3ef: {  	v21 =	vadd.s32 s4, v6;
	v14 =	vmul.f32 $8.000000000e+00, v24;
	v15 =	vld [tilespmem:s2+$0xFFFFFFB0];
	v22 =	vadd.f32 v16, v9;
	[tilespmem:v20+s22+$0x0] =	vst.idx.msk $0xffff, v12  }
0x3f0: {  	v16 =	vadd.s32 s5, v6;
	v12 =	vadd.f32 v17, v9;
	v20 =	vmul.f32 $8.000000000e+00, v23;
	[tilespmem:v18+s22+$0x0] =	vst.idx.msk $0xffff, v13;
	v17 =	vld [tilespmem:s31+$0xFFFFFF80]  }
0x3f1: {  	v13 =	vld [tilespmem:s31+$0xFFFFFFC0];
	v23 =	vadd.f32 v14, v9;
	v30 =	vmul.f32 $8.000000000e+00, v25;
	v14 =	vadd.s32 s25, v6;
	[tilespmem:v19+s22+$0x0] =	vst.idx.msk $0xffff, v22  }
0x3f2: {  	v18 =	vadd.s32 s29, v6;
	[tilespmem:v27+s22+$0x0] =	vst.idx.msk $0xffff, v12;
	v24 =	vadd.f32 v20, v9;
	v25 =	vmul.f32 $8.000000000e+00, v28;
	v19 =	vld [tilespmem:s2+$0x0]  }
0x3f3: {  	s10 =	simm.s32 $0x8;
	s11 =	simm.s32 $0x69F0;
	v20 =	vadd.s32 s30, v6;
	v12 =	vld [tilespmem:s2+$0xFFFFFE40];
	[tilespmem:v26+s22+$0x0] =	vst.idx.msk $0xffff, v23;
	v22 =	vadd.f32 v30, v9;
	v23 =	vmul.f32 $8.000000000e+00, v29  }
.LBB2_18:
0x3f4: {  	v26 =	vld [tilespmem:s11+$0xFFFFFFD0];
	[tilespmem:v21+s22+$0x0] =	vst.idx.msk $0xffff, v24;
	v21 =	vadd.f32 v25, v9;
	v15 =	vmul.f32 $8.000000000e+00, v15;
	v24 =	vadd.s32 s28, v7;
	s31 =	smov.u32 s10;
	s10 =	sadd.s32 $0x8, s10;
	s28 =	smov.u32 s29  }
0x3f5: {  	v25 =	vld [tilespmem:s11+$0xFFFFFE10];
	p0 =	slt.u32 s10, $0x78;
	[tilespmem:v16+s22+$0x0] =	vst.idx.msk $0xffff, v22;
	v16 =	vadd.f32 v23, v9;
	v17 =	vmul.f32 $8.000000000e+00, v17;
	v22 =	vadd.s32 s0, v7;
	s0 =	smov.u32 s30  }
0x3f6: {  	v23 =	vld [tilespmem:s11+$0xFFFFFE50];
	[tilespmem:v14+s22+$0x0] =	vst.idx.msk $0xffff, v21;
	v14 =	vadd.f32 v15, v9;
	v15 =	vadd.s32 s7, v7;
	v13 =	vmul.f32 $8.000000000e+00, v13  }
0x3f7: {  	v27 =	vadd.s32 s9, v7;
	s7 =	sadd.s32 $0x38F, s31;
	v21 =	vld [tilespmem:s11+$0xFFFFFE90];
	[tilespmem:v18+s22+$0x0] =	vst.idx.msk $0xffff, v16;
	v16 =	vmul.f32 $8.000000000e+00, v19;
	v17 =	vadd.f32 v17, v8  }
0x3f8: {  	s9 =	sadd.s32 $0x388, s31;
	v19 =	vadd.s32 s7, v1;
	v18 =	vld [tilespmem:s11+$0xFFFFFED0];
	v12 =	vmul.f32 $8.000000000e+00, v12;
	[tilespmem:v20+s22+$0x0] =	vst.idx.msk $0xffff, v14;
	v13 =	vadd.f32 v13, v8  }
0x3f9: {  	s14 =	sadd.s32 $0x389, s31;
	v14 =	vadd.s32 s9, v1;
	v20 =	vld [tilespmem:s11+$0xFFFFFF10];
	v26 =	vmul.f32 $8.000000000e+00, v26;
	v16 =	vadd.f32 v16, v8;
	[tilespmem:v24+s22+$0x0] =	vst.idx.msk $0xffff, v17  }
0x3fa: {  	s15 =	sadd.s32 $0x38A, s31;
	v24 =	vadd.s32 s14, v1;
	v17 =	vmul.f32 $8.000000000e+00, v25;
	v25 =	vld [tilespmem:s11+$0xFFFFFF50];
	v12 =	vadd.f32 v12, v8;
	[tilespmem:v22+s22+$0x0] =	vst.idx.msk $0xffff, v13  }
0x3fb: {  	s12 =	sadd.s32 $0x38B, s31;
	v22 =	vadd.s32 s15, v1;
	v13 =	vmul.f32 $8.000000000e+00, v23;
	v23 =	vld [tilespmem:s11+$0xFFFFFF90];
	v26 =	vadd.f32 v26, v10;
	[tilespmem:v15+s22+$0x0] =	vst.idx.msk $0xffff, v16  }
0x3fc: {  	s13 =	sadd.s32 $0x38C, s31;
	v15 =	vadd.f32 v17, v10;
	v16 =	vmul.f32 $8.000000000e+00, v21;
	v17 =	vadd.s32 s12, v1;
	[tilespmem:v27+s22+$0x0] =	vst.idx.msk $0xffff, v12;
	v12 =	vld [tilespmem:s2+$0xFFFFFE80]  }
0x3fd: {  	s29 =	sadd.s32 $0x38D, s31;
	v21 =	vadd.s32 s13, v1;
	v13 =	vadd.f32 v13, v10;
	v18 =	vmul.f32 $8.000000000e+00, v18;
	[tilespmem:v19+s22+$0x0] =	vst.idx.msk $0xffff, v26;
	v19 =	vld [tilespmem:s2+$0xFFFFFEC0]  }
0x3fe: {  	s30 =	sadd.s32 $0x38E, s31;
	[tilespmem:v14+s22+$0x0] =	vst.idx.msk $0xffff, v15;
	v14 =	vadd.f32 v16, v10;
	v15 =	vmul.f32 $8.000000000e+00, v20;
	v16 =	vadd.s32 s29, v1;
	v20 =	vld [tilespmem:s11+$0xFFFFFFE0]  }
0x3ff: {  	v26 =	vld [tilespmem:s11+$0xFFFFFE20];
	[tilespmem:v24+s22+$0x0] =	vst.idx.msk $0xffff, v13;
	v13 =	vadd.f32 v18, v10;
	v18 =	vmul.f32 $8.000000000e+00, v25;
	v24 =	vadd.s32 s30, v1  }
0x400: {  	v25 =	vld [tilespmem:s11+$0xFFFFFE60];
	[tilespmem:v22+s22+$0x0] =	vst.idx.msk $0xffff, v14;
	v14 =	vadd.f32 v15, v10;
	v15 =	vmul.f32 $8.000000000e+00, v23;
	v22 =	vadd.s32 s1, v7;
	s1 =	smov.u32 s14  }
0x401: {  	v23 =	vld [tilespmem:s11+$0xFFFFFEA0];
	[tilespmem:v17+s22+$0x0] =	vst.idx.msk $0xffff, v13;
	v13 =	vadd.f32 v18, v10;
	v12 =	vmul.f32 $8.000000000e+00, v12;
	v17 =	vadd.s32 s4, v7;
	s4 =	smov.u32 s15  }
0x402: {  	v18 =	vld [tilespmem:s11+$0xFFFFFEE0];
	[tilespmem:v21+s22+$0x0] =	vst.idx.msk $0xffff, v14;
	v14 =	vadd.f32 v15, v10;
	v15 =	vadd.s32 s7, v5;
	v19 =	vmul.f32 $8.000000000e+00, v19  }
0x403: {  	v21 =	vadd.s32 s9, v5;
	v27 =	vld [tilespmem:s11+$0xFFFFFF20];
	[tilespmem:v16+s22+$0x0] =	vst.idx.msk $0xffff, v13;
	v13 =	vmul.f32 $8.000000000e+00, v20;
	v12 =	vadd.f32 v12, v8  }
0x404: {  	v20 =	vadd.s32 s1, v5;
	v16 =	vmul.f32 $8.000000000e+00, v26;
	v26 =	vld [tilespmem:s11+$0xFFFFFF60];
	[tilespmem:v24+s22+$0x0] =	vst.idx.msk $0xffff, v14;
	v14 =	vadd.f32 v19, v8  }
0x405: {  	v24 =	vadd.s32 s4, v5;
	v19 =	vmul.f32 $8.000000000e+00, v25;
	v25 =	vld [tilespmem:s11+$0xFFFFFFA0];
	v13 =	vadd.f32 v13, v11;
	[tilespmem:v22+s22+$0x0] =	vst.idx.msk $0xffff, v12  }
0x406: {  	v22 =	vadd.s32 s12, v5;
	v12 =	vadd.f32 v16, v11;
	v16 =	vmul.f32 $8.000000000e+00, v23;
	[tilespmem:v17+s22+$0x0] =	vst.idx.msk $0xffff, v14;
	v14 =	vld [tilespmem:s2+$0xFFFFFF00]  }
0x407: {  	v17 =	vadd.f32 v19, v11;
	v18 =	vmul.f32 $8.000000000e+00, v18;
	v19 =	vadd.s32 s13, v5;
	[tilespmem:v15+s22+$0x0] =	vst.idx.msk $0xffff, v13;
	v13 =	vld [tilespmem:s2+$0xFFFFFF40]  }
0x408: {  	[tilespmem:v21+s22+$0x0] =	vst.idx.msk $0xffff, v12;
	v12 =	vadd.f32 v16, v11;
	v15 =	vmul.f32 $8.000000000e+00, v27;
	v16 =	vadd.s32 s29, v5;
	v21 =	vld [tilespmem:s11+$0xFFFFFFF0]  }
0x409: {  	v23 =	vld [tilespmem:s11+$0xFFFFFE30];
	[tilespmem:v20+s22+$0x0] =	vst.idx.msk $0xffff, v17;
	v17 =	vadd.f32 v18, v11;
	v18 =	vmul.f32 $8.000000000e+00, v26;
	v20 =	vadd.s32 s30, v5  }
0x40a: {  	v26 =	vld [tilespmem:s11+$0xFFFFFE70];
	[tilespmem:v24+s22+$0x0] =	vst.idx.msk $0xffff, v12;
	v12 =	vadd.f32 v15, v11;
	v15 =	vmul.f32 $8.000000000e+00, v25;
	v24 =	vadd.s32 s5, v7;
	s5 =	smov.u32 s12  }
0x40b: {  	v25 =	vld [tilespmem:s11+$0xFFFFFEB0];
	[tilespmem:v22+s22+$0x0] =	vst.idx.msk $0xffff, v17;
	v17 =	vadd.f32 v18, v11;
	v14 =	vmul.f32 $8.000000000e+00, v14;
	v18 =	vadd.s32 s25, v7;
	s25 =	smov.u32 s13  }
0x40c: {  	v22 =	vld [tilespmem:s11+$0xFFFFFEF0];
	[tilespmem:v19+s22+$0x0] =	vst.idx.msk $0xffff, v12;
	v12 =	vadd.f32 v15, v11;
	v19 =	vadd.s32 s7, v6;
	v13 =	vmul.f32 $8.000000000e+00, v13  }
0x40d: {  	v27 =	vadd.s32 s9, v6;
	v28 =	vld [tilespmem:s11+$0xFFFFFF30];
	[tilespmem:v16+s22+$0x0] =	vst.idx.msk $0xffff, v17;
	v16 =	vmul.f32 $8.000000000e+00, v21;
	v14 =	vadd.f32 v14, v8  }
0x40e: {  	v17 =	vmul.f32 $8.000000000e+00, v23;
	v23 =	vadd.s32 s1, v6;
	v29 =	vld [tilespmem:s11+$0xFFFFFF70];
	[tilespmem:v20+s22+$0x0] =	vst.idx.msk $0xffff, v12;
	v12 =	vadd.f32 v13, v8  }
.Ltmp12:
0x40f: {  	v21 =	vadd.s32 s4, v6;
	v13 =	vmul.f32 $8.000000000e+00, v26;
	v15 =	vld [tilespmem:s11+$0xFFFFFFB0];
	v20 =	vadd.f32 v16, v9;
	[tilespmem:v24+s22+$0x0] =	vst.idx.msk $0xffff, v14;
	(pc) =	sbr.rel @p0 .LBB2_18-.Ltmp12, $4  }
0x410: {  	v16 =	vadd.s32 s5, v6;
	v24 =	vadd.f32 v17, v9;
	v25 =	vmul.f32 $8.000000000e+00, v25;
	[tilespmem:v18+s22+$0x0] =	vst.idx.msk $0xffff, v12;
	v17 =	vld [tilespmem:s2+$0xFFFFFF80]  }
0x411: {  	v14 =	vadd.s32 s25, v6;
	v26 =	vadd.f32 v13, v9;
	v22 =	vmul.f32 $8.000000000e+00, v22;
	[tilespmem:v19+s22+$0x0] =	vst.idx.msk $0xffff, v20;
	v13 =	vld [tilespmem:s2+$0xFFFFFFC0];
	s2 =	smov.u32 s11  }
0x412: {  	v18 =	vadd.s32 s29, v6;
	[tilespmem:v27+s22+$0x0] =	vst.idx.msk $0xffff, v24;
	v24 =	vadd.f32 v25, v9;
	v25 =	vmul.f32 $8.000000000e+00, v28;
	v19 =	vld [tilespmem:s11+$0x0]  }
0x413: {  	v20 =	vadd.s32 s30, v6;
	s11 =	sadd.s32 $0x200, s11;
	v12 =	vld [tilespmem:s2+$0xFFFFFE40];
	[tilespmem:v23+s22+$0x0] =	vst.idx.msk $0xffff, v26;
	v22 =	vadd.f32 v22, v9;
	v23 =	vmul.f32 $8.000000000e+00, v29  }
0x414: {  	_ =	sdelay $0x3  }
0x415: {  	v10 =	vadd.s32 s28, v7;
	[tilespmem:v21+s22+$0x0] =	vst.idx.msk $0xffff, v24;
	v11 =	vadd.f32 v25, v9;
	v15 =	vmul.f32 $8.000000000e+00, v15;
	v35 =	vld [tilespmem:s2+$0xFFFFFE80]  }
0x416: {  	v36 =	vadd.s32 s0, v7;
	[tilespmem:v16+s22+$0x0] =	vst.idx.msk $0xffff, v22;
	v37 =	vadd.f32 v23, v9;
	v17 =	vmul.f32 $8.000000000e+00, v17;
	v38 =	vld [tilespmem:s2+$0xFFFFFEC0]  }
0x417: {  	v39 =	vadd.s32 s7, v7;
	[tilespmem:v14+s22+$0x0] =	vst.idx.msk $0xffff, v11;
	v40 =	vadd.f32 v15, v9;
	v41 =	vmul.f32 $8.000000000e+00, v13;
	v42 =	vld [tilespmem:s2+$0xFFFFFF00]  }
0x418: {  	v43 =	vadd.s32 s9, v7;
	[tilespmem:v18+s22+$0x0] =	vst.idx.msk $0xffff, v37;
	v44 =	vmul.f32 $8.000000000e+00, v19;
	v45 =	vadd.f32 v17, v8;
	v46 =	vld [tilespmem:s2+$0xFFFFFF40]  }
0x419: {  	v47 =	vadd.s32 s1, v7;
	v12 =	vmul.f32 $8.000000000e+00, v12;
	[tilespmem:v20+s22+$0x0] =	vst.idx.msk $0xffff, v40;
	v48 =	vadd.f32 v41, v8;
	v49 =	vld [tilespmem:s2+$0xFFFFFF80]  }
0x41a: {  	v50 =	vadd.s32 s4, v7;
	v20 =	vld [tilespmem:s2+$0xFFFFFFC0];
	[tilespmem:v10+s22+$0x0] =	vst.idx.msk $0xffff, v45;
	v51 =	vadd.f32 v44, v8;
	v52 =	vmul.f32 $8.000000000e+00, v35  }
0x41b: {  	v53 =	vadd.s32 s5, v7;
	v12 =	vadd.f32 v12, v8;
	[tilespmem:v36+s22+$0x0] =	vst.idx.msk $0xffff, v48;
	v54 =	vmul.f32 $8.000000000e+00, v38  }
0x41c: {  	v55 =	vadd.s32 s25, v7;
	[tilespmem:v39+s22+$0x0] =	vst.idx.msk $0xffff, v51;
	v56 =	vadd.f32 v52, v8;
	v13 =	vmul.f32 $8.000000000e+00, v42  }
0x41d: {  	v57 =	vadd.s32 s29, v7;
	[tilespmem:v43+s22+$0x0] =	vst.idx.msk $0xffff, v12;
	v9 =	vadd.f32 v54, v8;
	v58 =	vmul.f32 $8.000000000e+00, v46  }
0x41e: {  	v60 =	vadd.s32 s30, v7;
	[tilespmem:v47+s22+$0x0] =	vst.idx.msk $0xffff, v56;
	v59 =	vadd.f32 v13, v8;
	v11 =	vmul.f32 $8.000000000e+00, v49  }
0x41f: {  	[tilespmem:v50+s22+$0x0] =	vst.idx.msk $0xffff, v9;
	v61 =	vadd.f32 v58, v8;
	v62 =	vmul.f32 $8.000000000e+00, v20  }
0x420: {  	[tilespmem:v53+s22+$0x0] =	vst.idx.msk $0xffff, v59;
	v63 =	vadd.f32 v11, v8  }
0x421: {  	[tilespmem:v55+s22+$0x0] =	vst.idx.msk $0xffff, v61;
	v8 =	vadd.f32 v62, v8  }
0x422: {  	[tilespmem:v57+s22+$0x0] =	vst.idx.msk $0xffff, v63  }
0x423: {  	[tilespmem:v60+s22+$0x0] =	vst.idx.msk $0xffff, v8  }
0x424: {  	s5 =	rddreg [dreg:$0x4]  }
0x425: {  	s0 =	sshll.u32 s26, $0xD;
	s7 =	rddreg [dreg:$0x5]  }
0x426: {  	s10 =	rddreg [dreg:$0x6];
	s1 =	sadd.s32 s5, s0  }
0x427: {  	[hbm4b:s1+s3] =	stream.linear.scatter [tilespmem:s22], [sflag:$0x3], $0x400, $0x38;
	[tilespmem:$0x18600] =	vst v63  }
0x428: {  	s9 =	simm.s32 $0x8808;
	s12 =	rddreg [dreg:$0x7];
	s1 =	sadd.s32 s0, s7  }
0x429: {  	[hbm4b:s1+s3] =	stream.linear.scatter [tilespmem:s9], [sflag:$0x3], $0x400, $0x38;
	[tilespmem:$0x18600] =	vst v63  }
0x42a: {  	s11 =	simm.s32 $0x8C10;
	s14 =	rddreg [dreg:$0x8];
	s1 =	sadd.s32 s0, s10  }
0x42b: {  	[hbm4b:s1+s3] =	stream.linear.scatter [tilespmem:s11], [sflag:$0x3], $0x400, $0x38;
	[tilespmem:$0x18600] =	vst v63  }
0x42c: {  	s13 =	simm.s32 $0x9018;
	s25 =	rddreg [dreg:$0x9];
	s1 =	sadd.s32 s0, s12  }
0x42d: {  	[hbm4b:s1+s3] =	stream.linear.scatter [tilespmem:s13], [sflag:$0x3], $0x400, $0x38;
	[tilespmem:$0x18600] =	vst v63  }
0x42e: {  	s15 =	simm.s32 $0x9420;
	s28 =	rddreg [dreg:$0xa];
	s1 =	sadd.s32 s0, s14  }
0x42f: {  	[hbm4b:s1+s3] =	stream.linear.scatter [tilespmem:s15], [sflag:$0x3], $0x400, $0x38;
	[tilespmem:$0x18600] =	vst v63  }
0x430: {  	s26 =	simm.s32 $0x9828;
	s30 =	rddreg [dreg:$0xb];
	s1 =	sadd.s32 s0, s25  }
0x431: {  	[hbm4b:s1+s3] =	stream.linear.scatter [tilespmem:s26], [sflag:$0x3], $0x400, $0x38;
	[tilespmem:$0x18600] =	vst v63  }
0x432: {  	s29 =	simm.s32 $0x9C30;
	s4 =	rddreg [dreg:$0xc];
	s1 =	sadd.s32 s0, s28  }
0x433: {  	[hbm4b:s1+s3] =	stream.linear.scatter [tilespmem:s29], [sflag:$0x3], $0x400, $0x38;
	[tilespmem:$0x18600] =	vst v63  }
0x434: {  	s31 =	simm.s32 $0xA038;
	s7 =	rddreg [dreg:$0xd];
	s1 =	sadd.s32 s0, s30  }
0x435: {  	[hbm4b:s1+s3] =	stream.linear.scatter [tilespmem:s31], [sflag:$0x3], $0x400, $0x38;
	[tilespmem:$0x18600] =	vst v63  }
0x436: {  	s5 =	simm.s32 $0xA440;
	s10 =	rddreg [dreg:$0xe];
	s1 =	sadd.s32 s0, s4  }
0x437: {  	[hbm4b:s1+s3] =	stream.linear.scatter [tilespmem:s5], [sflag:$0x3], $0x400, $0x38;
	[tilespmem:$0x18600] =	vst v63  }
0x438: {  	s9 =	simm.s32 $0xA848;
	s12 =	rddreg [dreg:$0xf];
	s1 =	sadd.s32 s0, s7  }
0x439: {  	[hbm4b:s1+s3] =	stream.linear.scatter [tilespmem:s9], [sflag:$0x3], $0x400, $0x38;
	[tilespmem:$0x18600] =	vst v63  }
0x43a: {  	s11 =	simm.s32 $0xAC50;
	s14 =	rddreg [dreg:$0x10];
	s1 =	sadd.s32 s0, s10  }
0x43b: {  	[hbm4b:s1+s3] =	stream.linear.scatter [tilespmem:s11], [sflag:$0x3], $0x400, $0x38;
	[tilespmem:$0x18600] =	vst v63  }
0x43c: {  	s13 =	simm.s32 $0xB058;
	s25 =	rddreg [dreg:$0x11];
	s1 =	sadd.s32 s0, s12  }
0x43d: {  	[hbm4b:s1+s3] =	stream.linear.scatter [tilespmem:s13], [sflag:$0x3], $0x400, $0x38;
	[tilespmem:$0x18600] =	vst v63  }
0x43e: {  	s15 =	simm.s32 $0xB460;
	s28 =	rddreg [dreg:$0x12];
	s1 =	sadd.s32 s0, s14  }
0x43f: {  	[hbm4b:s1+s3] =	stream.linear.scatter [tilespmem:s15], [sflag:$0x3], $0x400, $0x38;
	[tilespmem:$0x18600] =	vst v63  }
0x440: {  	s26 =	simm.s32 $0xB868;
	s30 =	rddreg [dreg:$0x13];
	s1 =	sadd.s32 s0, s25  }
0x441: {  	[hbm4b:s1+s3] =	stream.linear.scatter [tilespmem:s26], [sflag:$0x3], $0x400, $0x38;
	[tilespmem:$0x18600] =	vst v63  }
0x442: {  	s29 =	simm.s32 $0xBC70;
	s4 =	rddreg [dreg:$0x14];
	s1 =	sadd.s32 s0, s28  }
0x443: {  	[hbm4b:s1+s3] =	stream.linear.scatter [tilespmem:s29], [sflag:$0x3], $0x400, $0x38;
	[tilespmem:$0x18600] =	vst v63  }
0x444: {  	s31 =	simm.s32 $0xC078;
	s7 =	rddreg [dreg:$0x16];
	s1 =	sadd.s32 s0, s30  }
0x445: {  	[hbm4b:s1+s3] =	stream.linear.scatter [tilespmem:s31], [sflag:$0x3], $0x400, $0x38;
	[tilespmem:$0x18600] =	vst v63  }
0x446: {  	s5 =	simm.s32 $0xC480;
	s10 =	rddreg [dreg:$0x17];
	s1 =	sadd.s32 s0, s4  }
0x447: {  	[hbm4b:s1+s3] =	stream.linear.scatter [tilespmem:s5], [sflag:$0x3], $0x400, $0x38;
	[tilespmem:$0x18600] =	vst v63  }
0x448: {  	s9 =	simm.s32 $0xC888;
	s12 =	rddreg [dreg:$0x18];
	s1 =	sadd.s32 s0, s7  }
0x449: {  	[hbm4b:s1+s3] =	stream.linear.scatter [tilespmem:s9], [sflag:$0x3], $0x400, $0x38;
	[tilespmem:$0x18600] =	vst v63  }
0x44a: {  	s11 =	simm.s32 $0xCC90;
	s14 =	rddreg [dreg:$0x19];
	s1 =	sadd.s32 s0, s10  }
0x44b: {  	[hbm4b:s1+s3] =	stream.linear.scatter [tilespmem:s11], [sflag:$0x3], $0x400, $0x38;
	[tilespmem:$0x18600] =	vst v63  }
0x44c: {  	s13 =	simm.s32 $0xD098;
	s25 =	rddreg [dreg:$0x1a];
	s1 =	sadd.s32 s0, s12  }
0x44d: {  	[hbm4b:s1+s3] =	stream.linear.scatter [tilespmem:s13], [sflag:$0x3], $0x400, $0x38;
	[tilespmem:$0x18600] =	vst v63  }
0x44e: {  	s15 =	simm.s32 $0xD4A0;
	s28 =	rddreg [dreg:$0x1b];
	s1 =	sadd.s32 s0, s14  }
0x44f: {  	[hbm4b:s1+s3] =	stream.linear.scatter [tilespmem:s15], [sflag:$0x3], $0x400, $0x38;
	[tilespmem:$0x18600] =	vst v63  }
0x450: {  	s26 =	simm.s32 $0xD8A8;
	s30 =	rddreg [dreg:$0x1c];
	s1 =	sadd.s32 s0, s25  }
0x451: {  	[hbm4b:s1+s3] =	stream.linear.scatter [tilespmem:s26], [sflag:$0x3], $0x400, $0x38;
	[tilespmem:$0x18600] =	vst v63  }
0x452: {  	s29 =	simm.s32 $0xDCB0;
	s4 =	rddreg [dreg:$0x1d];
	s1 =	sadd.s32 s0, s28  }
0x453: {  	[hbm4b:s1+s3] =	stream.linear.scatter [tilespmem:s29], [sflag:$0x3], $0x400, $0x38;
	[tilespmem:$0x18600] =	vst v63  }
0x454: {  	s31 =	simm.s32 $0xE0B8;
	s7 =	rddreg [dreg:$0x1e];
	s1 =	sadd.s32 s0, s30  }
0x455: {  	[hbm4b:s1+s3] =	stream.linear.scatter [tilespmem:s31], [sflag:$0x3], $0x400, $0x38;
	[tilespmem:$0x18600] =	vst v63  }
0x456: {  	s5 =	simm.s32 $0xE4C0;
	s10 =	rddreg [dreg:$0x1f];
	s1 =	sadd.s32 s0, s4  }
0x457: {  	[hbm4b:s1+s3] =	stream.linear.scatter [tilespmem:s5], [sflag:$0x3], $0x400, $0x38;
	[tilespmem:$0x18600] =	vst v63  }
0x458: {  	s9 =	simm.s32 $0xE8C8;
	s12 =	sld [smem:$0x7D9];
	s1 =	sadd.s32 s0, s7  }
0x459: {  	[hbm4b:s1+s3] =	stream.linear.scatter [tilespmem:s9], [sflag:$0x3], $0x400, $0x38;
	[tilespmem:$0x18600] =	vst v63  }
0x45a: {  	s11 =	simm.s32 $0xECD0;
	s14 =	sld [smem:$0x7DA];
	s1 =	sadd.s32 s0, s10  }
0x45b: {  	[hbm4b:s1+s3] =	stream.linear.scatter [tilespmem:s11], [sflag:$0x3], $0x400, $0x38;
	[tilespmem:$0x18600] =	vst v63  }
0x45c: {  	s13 =	simm.s32 $0xF0D8;
	s25 =	sld [smem:$0x7DB];
	s1 =	sadd.s32 s0, s12  }
0x45d: {  	[hbm4b:s1+s3] =	stream.linear.scatter [tilespmem:s13], [sflag:$0x3], $0x400, $0x38;
	[tilespmem:$0x18600] =	vst v63  }
0x45e: {  	s15 =	simm.s32 $0xF4E0;
	s28 =	sld [smem:$0x7DC];
	s1 =	sadd.s32 s0, s14  }
0x45f: {  	[hbm4b:s1+s3] =	stream.linear.scatter [tilespmem:s15], [sflag:$0x3], $0x400, $0x38;
	[tilespmem:$0x18600] =	vst v63  }
0x460: {  	s26 =	simm.s32 $0xF8E8;
	s30 =	sld [smem:$0x7DD];
	s1 =	sadd.s32 s0, s25  }
0x461: {  	[hbm4b:s1+s3] =	stream.linear.scatter [tilespmem:s26], [sflag:$0x3], $0x400, $0x38;
	[tilespmem:$0x18600] =	vst v63  }
0x462: {  	s29 =	simm.s32 $0xFCF0;
	s4 =	sld [smem:$0x7DE];
	s1 =	sadd.s32 s0, s28  }
0x463: {  	[hbm4b:s1+s3] =	stream.linear.scatter [tilespmem:s29], [sflag:$0x3], $0x400, $0x38;
	[tilespmem:$0x18600] =	vst v63  }
0x464: {  	s31 =	simm.s32 $0x100F8;
	s7 =	sld [smem:$0x7DF];
	s1 =	sadd.s32 s0, s30  }
0x465: {  	[hbm4b:s1+s3] =	stream.linear.scatter [tilespmem:s31], [sflag:$0x3], $0x400, $0x38;
	[tilespmem:$0x18600] =	vst v63  }
0x466: {  	s5 =	simm.s32 $0x10500;
	s10 =	sld [smem:$0x7E0];
	s1 =	sadd.s32 s0, s4  }
0x467: {  	[hbm4b:s1+s3] =	stream.linear.scatter [tilespmem:s5], [sflag:$0x3], $0x400, $0x38;
	[tilespmem:$0x18600] =	vst v63  }
0x468: {  	s9 =	simm.s32 $0x10908;
	s12 =	sld [smem:$0x7E1];
	s1 =	sadd.s32 s0, s7  }
0x469: {  	[hbm4b:s1+s3] =	stream.linear.scatter [tilespmem:s9], [sflag:$0x3], $0x400, $0x38;
	[tilespmem:$0x18600] =	vst v63  }
0x46a: {  	s11 =	simm.s32 $0x10D10;
	s14 =	sld [smem:$0x7E2];
	s1 =	sadd.s32 s0, s10  }
0x46b: {  	[hbm4b:s1+s3] =	stream.linear.scatter [tilespmem:s11], [sflag:$0x3], $0x400, $0x38;
	[tilespmem:$0x18600] =	vst v63  }
0x46c: {  	s13 =	simm.s32 $0x11118;
	s25 =	sld [smem:$0x7E3];
	s1 =	sadd.s32 s0, s12  }
0x46d: {  	[hbm4b:s1+s3] =	stream.linear.scatter [tilespmem:s13], [sflag:$0x3], $0x400, $0x38;
	[tilespmem:$0x18600] =	vst v63  }
0x46e: {  	s15 =	simm.s32 $0x11520;
	s28 =	sld [smem:$0x7E4];
	s1 =	sadd.s32 s0, s14  }
0x46f: {  	[hbm4b:s1+s3] =	stream.linear.scatter [tilespmem:s15], [sflag:$0x3], $0x400, $0x38;
	[tilespmem:$0x18600] =	vst v63  }
0x470: {  	s26 =	simm.s32 $0x11928;
	s30 =	sld [smem:$0x7E5];
	s1 =	sadd.s32 s0, s25  }
0x471: {  	[hbm4b:s1+s3] =	stream.linear.scatter [tilespmem:s26], [sflag:$0x3], $0x400, $0x38;
	[tilespmem:$0x18600] =	vst v63  }
0x472: {  	s29 =	simm.s32 $0x11D30;
	s4 =	sld [smem:$0x7E6];
	s1 =	sadd.s32 s0, s28  }
0x473: {  	[hbm4b:s1+s3] =	stream.linear.scatter [tilespmem:s29], [sflag:$0x3], $0x400, $0x38;
	[tilespmem:$0x18600] =	vst v63  }
0x474: {  	s31 =	simm.s32 $0x12138;
	s7 =	sld [smem:$0x7E7];
	s1 =	sadd.s32 s0, s30  }
0x475: {  	[hbm4b:s1+s3] =	stream.linear.scatter [tilespmem:s31], [sflag:$0x3], $0x400, $0x38;
	[tilespmem:$0x18600] =	vst v63  }
0x476: {  	s5 =	simm.s32 $0x12540;
	s10 =	sld [smem:$0x7E8];
	s1 =	sadd.s32 s0, s4  }
0x477: {  	[hbm4b:s1+s3] =	stream.linear.scatter [tilespmem:s5], [sflag:$0x3], $0x400, $0x38;
	[tilespmem:$0x18600] =	vst v63  }
0x478: {  	s9 =	simm.s32 $0x12948;
	s12 =	sld [smem:$0x7E9];
	s1 =	sadd.s32 s0, s7  }
0x479: {  	[hbm4b:s1+s3] =	stream.linear.scatter [tilespmem:s9], [sflag:$0x3], $0x400, $0x38;
	[tilespmem:$0x18600] =	vst v63  }
0x47a: {  	s11 =	simm.s32 $0x12D50;
	s14 =	sld [smem:$0x7EA];
	s1 =	sadd.s32 s0, s10  }
0x47b: {  	[hbm4b:s1+s3] =	stream.linear.scatter [tilespmem:s11], [sflag:$0x3], $0x400, $0x38;
	[tilespmem:$0x18600] =	vst v63  }
0x47c: {  	s13 =	simm.s32 $0x13158;
	s25 =	sld [smem:$0x7EB];
	s1 =	sadd.s32 s0, s12  }
0x47d: {  	[hbm4b:s1+s3] =	stream.linear.scatter [tilespmem:s13], [sflag:$0x3], $0x400, $0x38;
	[tilespmem:$0x18600] =	vst v63  }
0x47e: {  	s15 =	simm.s32 $0x13560;
	s28 =	sld [smem:$0x7EC];
	s1 =	sadd.s32 s0, s14  }
0x47f: {  	[hbm4b:s1+s3] =	stream.linear.scatter [tilespmem:s15], [sflag:$0x3], $0x400, $0x38;
	[tilespmem:$0x18600] =	vst v63  }
0x480: {  	s26 =	simm.s32 $0x13968;
	s30 =	sld [smem:$0x7ED];
	s1 =	sadd.s32 s0, s25  }
0x481: {  	[hbm4b:s1+s3] =	stream.linear.scatter [tilespmem:s26], [sflag:$0x3], $0x400, $0x38;
	[tilespmem:$0x18600] =	vst v63  }
0x482: {  	s29 =	simm.s32 $0x13D70;
	s4 =	sld [smem:$0x7EE];
	s1 =	sadd.s32 s0, s28  }
0x483: {  	[hbm4b:s1+s3] =	stream.linear.scatter [tilespmem:s29], [sflag:$0x3], $0x400, $0x38;
	[tilespmem:$0x18600] =	vst v63  }
0x484: {  	s31 =	simm.s32 $0x14178;
	s7 =	sld [smem:$0x7EF];
	s1 =	sadd.s32 s0, s30  }
0x485: {  	[hbm4b:s1+s3] =	stream.linear.scatter [tilespmem:s31], [sflag:$0x3], $0x400, $0x38;
	[tilespmem:$0x18600] =	vst v63  }
0x486: {  	s5 =	simm.s32 $0x14580;
	s10 =	sld [smem:$0x7F0];
	s1 =	sadd.s32 s0, s4  }
0x487: {  	[hbm4b:s1+s3] =	stream.linear.scatter [tilespmem:s5], [sflag:$0x3], $0x400, $0x38;
	[tilespmem:$0x18600] =	vst v63  }
0x488: {  	s9 =	simm.s32 $0x14988;
	s12 =	sld [smem:$0x7F1];
	s1 =	sadd.s32 s0, s7  }
0x489: {  	[hbm4b:s1+s3] =	stream.linear.scatter [tilespmem:s9], [sflag:$0x3], $0x400, $0x38;
	[tilespmem:$0x18600] =	vst v63  }
0x48a: {  	s11 =	simm.s32 $0x14D90;
	s14 =	sld [smem:$0x7F2];
	s1 =	sadd.s32 s0, s10  }
0x48b: {  	[hbm4b:s1+s3] =	stream.linear.scatter [tilespmem:s11], [sflag:$0x3], $0x400, $0x38;
	[tilespmem:$0x18600] =	vst v63  }
0x48c: {  	s13 =	simm.s32 $0x15198;
	s25 =	sld [smem:$0x7F3];
	s1 =	sadd.s32 s0, s12  }
0x48d: {  	[hbm4b:s1+s3] =	stream.linear.scatter [tilespmem:s13], [sflag:$0x3], $0x400, $0x38;
	[tilespmem:$0x18600] =	vst v63  }
0x48e: {  	s15 =	simm.s32 $0x155A0;
	s28 =	sld [smem:$0x7F4];
	s1 =	sadd.s32 s0, s14  }
0x48f: {  	[hbm4b:s1+s3] =	stream.linear.scatter [tilespmem:s15], [sflag:$0x3], $0x400, $0x38;
	[tilespmem:$0x18600] =	vst v63  }
0x490: {  	s26 =	simm.s32 $0x159A8;
	s30 =	sld [smem:$0x7F5];
	s1 =	sadd.s32 s0, s25  }
0x491: {  	[hbm4b:s1+s3] =	stream.linear.scatter [tilespmem:s26], [sflag:$0x3], $0x400, $0x38;
	[tilespmem:$0x18600] =	vst v63  }
0x492: {  	s29 =	simm.s32 $0x15DB0;
	s4 =	sld [smem:$0x7F6];
	s1 =	sadd.s32 s0, s28  }
0x493: {  	[hbm4b:s1+s3] =	stream.linear.scatter [tilespmem:s29], [sflag:$0x3], $0x400, $0x38;
	[tilespmem:$0x18600] =	vst v63  }
0x494: {  	s31 =	simm.s32 $0x161B8;
	s7 =	sld [smem:$0x7F7];
	s1 =	sadd.s32 s0, s30  }
0x495: {  	[hbm4b:s1+s3] =	stream.linear.scatter [tilespmem:s31], [sflag:$0x3], $0x400, $0x38;
	[tilespmem:$0x18600] =	vst v63  }
0x496: {  	s5 =	simm.s32 $0x165C0;
	s10 =	sld [smem:$0x7F8];
	s1 =	sadd.s32 s0, s4  }
0x497: {  	[hbm4b:s1+s3] =	stream.linear.scatter [tilespmem:s5], [sflag:$0x3], $0x400, $0x38;
	[tilespmem:$0x18600] =	vst v63  }
0x498: {  	s9 =	simm.s32 $0x169C8;
	s12 =	sld [smem:$0x7F9];
	s1 =	sadd.s32 s0, s7  }
0x499: {  	[hbm4b:s1+s3] =	stream.linear.scatter [tilespmem:s9], [sflag:$0x3], $0x400, $0x38;
	[tilespmem:$0x18600] =	vst v63  }
0x49a: {  	s11 =	simm.s32 $0x16DD0;
	s14 =	sld [smem:$0x7FA];
	s1 =	sadd.s32 s0, s10  }
0x49b: {  	[hbm4b:s1+s3] =	stream.linear.scatter [tilespmem:s11], [sflag:$0x3], $0x400, $0x38;
	[tilespmem:$0x18600] =	vst v63  }
0x49c: {  	s13 =	simm.s32 $0x171D8;
	s25 =	sld [smem:$0x7FB];
	s1 =	sadd.s32 s0, s12  }
0x49d: {  	[hbm4b:s1+s3] =	stream.linear.scatter [tilespmem:s13], [sflag:$0x3], $0x400, $0x38;
	[tilespmem:$0x18600] =	vst v63  }
0x49e: {  	s15 =	simm.s32 $0x175E0;
	s1 =	sadd.s32 s0, s14  }
0x49f: {  	[hbm4b:s1+s3] =	stream.linear.scatter [tilespmem:s15], [sflag:$0x3], $0x400, $0x38;
	[tilespmem:$0x18600] =	vst v63  }
0x4a0: {  	s26 =	simm.s32 $0x179E8;
	s28 =	sld [smem:$0x7FC];
	s1 =	sadd.s32 s0, s25  }
0x4a1: {  	[hbm4b:s1+s3] =	stream.linear.scatter [tilespmem:s26], [sflag:$0x3], $0x400, $0x38;
	[tilespmem:$0x18600] =	vst v63  }
.Ltmp13:
0x4a2: {  	s30 =	sld [smem:$0x7FD];
	(pc) =	sbr.rel .LBB2_20-.Ltmp13, $4  }
0x4a3: {  	s29 =	simm.s32 $0x17DF0;
	s1 =	sadd.s32 s0, s28  }
0x4a4: {  	[hbm4b:s1+s3] =	stream.linear.scatter [tilespmem:s29], [sflag:$0x3], $0x400, $0x38;
	[tilespmem:$0x18600] =	vst v63  }
0x4a5: {  	s31 =	simm.s32 $0x181F8;
	s0 =	sadd.s32 s0, s30  }
0x4a6: {  	[hbm4b:s0+s3] =	stream.linear.scatter [tilespmem:s31], [sflag:$0x3], $0x400, $0x38;
	[tilespmem:$0x18600] =	vst v63  }
.LBB2_22:
0x4a7: {  	_ =	sfence.sel $0x180000  }
0x4a8: {  	[bflag:$0x0] =	sbarrier.arrive $0xFFFF  }
0x4a9: {  	_ =	strace $0x90000047  }
0x4aa: {  	s0 =	stileid.u32;
	[bflag:$0x2] =	sbarrier.arrive $0xFFFF  }
0x4ab: {  	p0 =	sne.s32 s0, $0x0;
	s0 =	rddreg [dreg:$0x2]  }
0x4ac: {  	s0 =	sadd.s32 @!p0 $0x100000, s0  }
0x4ad: {  	[sflag:s0] =	ssyncadd.tile.s32 @!p0 $0x1;
	_ =	shalt  }
.Lfunc_end2:
_tile_overlayer_lowered:
.L_overlay_start_2:
0x4ae: {  	(tag) =	ssettag $0x2  }
0x4af: {  	s0 =	rddreg [dreg:$0x0];
	s2 =	stileid.u32  }
0x4b0: {  	s1 =	rddreg [dreg:$0x1];
	p0 =	sne.s32 s2, $0x0  }
0x4b1: {  	s3 =	rddreg [dreg:$0x2];
	[bflag:$0x3] =	sbarrier.arrive $0xFFFF;
	s2 =	simm.s32 @!p0 $0x1C04  }
0x4b2: {  	[timem:s3], [sflag:s2] =	dma.local @!p0 [hbm:s0], s1  }
0x4b3: {  	s0 =	simm.s32 @!p0 $0x4  }
0x4b4: {  	_ =	swait.ge @!p0 [sflag:s0], s1  }
0x4b5: {  	s1 =	ssub.s32 @!p0 $0x0, s1;
	[sflag:s0] =	ssyncset.done @!p0 $0x0  }
0x4b6: {  	[sflag:s0] =	ssyncadd.s32 @!p0 s1  }
0x4b7: {  	[bflag:$0x3] =	sbarrier.arrive $0xFFFF  }
0x4b8: {  	_ =	shalt  }

</sc_bundles>
